<compile_context>
chip_gen: v7x
topology: tpu7x:2x2x1
jax: 0.10.2.dev20260603
libtpu: 0.0.44.dev20260713+nightly
codegen_flags: <defaults>
</compile_context>

<pallas_src>
import jax
import jax.numpy as jnp
from jax import lax
from jax.experimental import pallas as pl
from jax.experimental.pallas import tpu as pltpu
from jax.experimental.pallas import tpu_sc as plsc

N = 10000
D = 128
E = 320000
W = 80
WPS = 2
SLOT = W * WPS
NG = E // SLOT
NC = 2
NS = 16
NWK = NC * NS
TRIPS = (NG + NWK - 1) // NWK
RPT = 624
TAIL = N - NS * RPT


UNROLL = 4
OUTER = (TRIPS + UNROLL - 1) // UNROLL


def _sc_hop_body(h_hbm, si_hbm, ni_hbm, z2_hbm, s_out, c_out0, c_out1,
                 si_v0, si_v1, si_v2, si_v3, ni_v0, ni_v1, ni_v2, ni_v3,
                 rows_v0, rows_v1, ones_v, cbuf_v, S_sh, cnt_sh,
                 isem0, isem1, isem2, isem3, gsem0, gsem1, gsem2, gsem3,
                 ssem0, ssem1):
    c = lax.axis_index("c")
    s = lax.axis_index("s")
    wid = s * NC + c
    si_v = [si_v0, si_v1, si_v2, si_v3]
    ni_v = [ni_v0, ni_v1, ni_v2, ni_v3]
    rows_v = [rows_v0, rows_v1]
    isem = [isem0, isem1, isem2, isem3]
    gsem = [[gsem0, gsem1], [gsem2, gsem3]]
    ssem = [ssem0, ssem1]

    for i in range(W // 16):
        ones_v[pl.ds(i * 16, 16)] = jnp.full((16,), 1.0, jnp.float32)
    for i in range(RPT // 16):
        cbuf_v[pl.ds(i * 16, 16)] = jnp.zeros((16,), jnp.float32)

    pltpu.sync_copy(z2_hbm.at[pl.ds(s * RPT, RPT)], S_sh.at[pl.ds(s * RPT, RPT)])
    pltpu.sync_copy(cbuf_v, cnt_sh.at[pl.ds(s * RPT, RPT)])

    @pl.when(s == 0)
    def _():
        pltpu.sync_copy(z2_hbm.at[pl.ds(NS * RPT, TAIL)],
                        S_sh.at[pl.ds(NS * RPT, TAIL)])
        pltpu.sync_copy(cbuf_v.at[pl.ds(0, TAIL)],
                        cnt_sh.at[pl.ds(NS * RPT, TAIL)])

    def issue_idx(g, slot):
        for r in range(WPS):
            off = g * SLOT + r * W
            pltpu.async_copy(si_hbm.at[pl.ds(off, W)], si_v[slot].at[r],
                             isem[slot])
            pltpu.async_copy(ni_hbm.at[pl.ds(off, W)], ni_v[slot].at[r],
                             isem[slot])

    def wait_idx(g, slot):
        for r in range(WPS):
            off = g * SLOT + r * W
            pltpu.make_async_copy(si_hbm.at[pl.ds(off, W)], si_v[slot].at[r],
                                  isem[slot]).wait()
            pltpu.make_async_copy(ni_hbm.at[pl.ds(off, W)], ni_v[slot].at[r],
                                  isem[slot]).wait()

    def wait_scatter(b2):
        for r in range(WPS):
            pltpu.make_async_copy(rows_v[b2].at[pl.ds(r * W, W)],
                                  S_sh.at[ni_v[0].at[r]], ssem[b2]).wait()
            pltpu.make_async_copy(ones_v, cnt_sh.at[ni_v[0].at[r]],
                                  ssem[b2]).wait()

    issue_idx(wid, 0)
    issue_idx(wid + NWK, 1)

    plsc.subcore_barrier()

    def outer(i, carry):
        for j in range(UNROLL):
            b2 = j % 2
            k = i * UNROLL + j
            g = wid + k * NWK

            @pl.when(g < NG)
            def _(j=j, b2=b2, k=k, g=g):
                wait_idx(g, j)

                @pl.when(k >= 2)
                def _():
                    wait_scatter(b2)

                for r in range(WPS):
                    pltpu.async_copy(h_hbm.at[si_v[j].at[r]],
                                     rows_v[b2].at[pl.ds(r * W, W)],
                                     gsem[b2][r])

                g2 = g + 2 * NWK

                @pl.when(g2 < NG)
                def _():
                    issue_idx(g2, (j + 2) % UNROLL)

                for r in range(WPS):
                    pltpu.make_async_copy(h_hbm.at[si_v[j].at[r]],
                                          rows_v[b2].at[pl.ds(r * W, W)],
                                          gsem[b2][r]).wait()
                    pltpu.async_copy(rows_v[b2].at[pl.ds(r * W, W)],
                                     S_sh.at[ni_v[j].at[r]], ssem[b2],
                                     add=True)
                    pltpu.async_copy(ones_v, cnt_sh.at[ni_v[j].at[r]],
                                     ssem[b2], add=True)

        return carry

    lax.fori_loop(0, OUTER, outer, 0)

    wait_scatter(0)
    wait_scatter(1)

    plsc.subcore_barrier()

    pltpu.sync_copy(S_sh.at[pl.ds(s * RPT, RPT)], s_out.at[c, pl.ds(s * RPT, RPT)])
    pltpu.sync_copy(cnt_sh.at[pl.ds(s * RPT, RPT)], cbuf_v)

    @pl.when(c == 0)
    def _():
        pltpu.sync_copy(cbuf_v, c_out0.at[pl.ds(s * RPT, RPT)])

    @pl.when(c == 1)
    def _():
        pltpu.sync_copy(cbuf_v, c_out1.at[pl.ds(s * RPT, RPT)])

    @pl.when(s == 0)
    def _():
        pltpu.sync_copy(S_sh.at[pl.ds(NS * RPT, TAIL)],
                        s_out.at[c, pl.ds(NS * RPT, TAIL)])

        pltpu.sync_copy(cnt_sh.at[pl.ds(NS * RPT, TAIL)],
                        cbuf_v.at[pl.ds(0, TAIL)])

        @pl.when(c == 0)
        def _():
            pltpu.sync_copy(cbuf_v.at[pl.ds(0, TAIL)],
                            c_out0.at[pl.ds(NS * RPT, TAIL)])

        @pl.when(c == 1)
        def _():
            pltpu.sync_copy(cbuf_v.at[pl.ds(0, TAIL)],
                            c_out1.at[pl.ds(NS * RPT, TAIL)])


_sc_hop = pl.kernel(
    _sc_hop_body,
    out_type=[
        jax.ShapeDtypeStruct((NC, N, D), jnp.float32),
        jax.ShapeDtypeStruct((N,), jnp.float32),
        jax.ShapeDtypeStruct((N,), jnp.float32),
    ],
    mesh=plsc.VectorSubcoreMesh(core_axis_name="c", subcore_axis_name="s",
                                num_cores=NC, num_subcores=NS),
    scratch_types=(
        [pltpu.VMEM((WPS, W), jnp.int32)] * 8
        + [pltpu.VMEM((SLOT, D), jnp.float32)] * 2
        + [
            pltpu.VMEM((W,), jnp.float32),
            pltpu.VMEM((RPT,), jnp.float32),
            pltpu.VMEM_SHARED((N, D), jnp.float32),
            pltpu.VMEM_SHARED((N,), jnp.float32),
        ]
        + [pltpu.SemaphoreType.DMA] * 10
    ),
)


R = 2000


def _hop_update(sp_ref, c0_ref, c1_ref, x_ref, par_ref, off):
    a1 = par_ref[off + 0]
    b2 = par_ref[off + 1]
    a3 = par_ref[off + 2]
    S = sp_ref[0] + sp_ref[1]
    cnt = c0_ref[...] + c1_ref[...]
    xb = x_ref[...]
    summed = a1 * S + cnt * xb
    h = jnp.where(cnt > 0.0, summed, xb)
    return a3 * (h + 1.0 + b2 * xb)


def _combine_body(sp_ref, c0_ref, c1_ref, x_ref, par_ref, o_ref):
    o_ref[...] = _hop_update(sp_ref, c0_ref, c1_ref, x_ref, par_ref, 0)


def _final_body(sp_ref, c0_ref, c1_ref, x_ref, h1_ref, par_ref, w_ref, b_ref,
                o_ref):
    h2 = _hop_update(sp_ref, c0_ref, c1_ref, x_ref, par_ref, 0)
    ae = par_ref[3]
    acc = ae * x_ref[...] + h1_ref[...] + h2
    o_ref[...] = jnp.dot(acc, w_ref[...],
                         preferred_element_type=jnp.float32) + b_ref[...]


_combine = pl.pallas_call(
    _combine_body,
    grid=(N // R,),
    in_specs=[
        pl.BlockSpec((NC, R, D), lambda i: (0, i, 0)),
        pl.BlockSpec((R, 1), lambda i: (i, 0)),
        pl.BlockSpec((R, 1), lambda i: (i, 0)),
        pl.BlockSpec((R, D), lambda i: (i, 0)),
        pl.BlockSpec(memory_space=pltpu.SMEM),
    ],
    out_specs=pl.BlockSpec((R, D), lambda i: (i, 0)),
    out_shape=jax.ShapeDtypeStruct((N, D), jnp.float32),
)

_final = pl.pallas_call(
    _final_body,
    grid=(N // R,),
    in_specs=[
        pl.BlockSpec((NC, R, D), lambda i: (0, i, 0)),
        pl.BlockSpec((R, 1), lambda i: (i, 0)),
        pl.BlockSpec((R, 1), lambda i: (i, 0)),
        pl.BlockSpec((R, D), lambda i: (i, 0)),
        pl.BlockSpec((R, D), lambda i: (i, 0)),
        pl.BlockSpec(memory_space=pltpu.SMEM),
        pl.BlockSpec((D, D), lambda i: (0, 0)),
        pl.BlockSpec((1, D), lambda i: (0, 0)),
    ],
    out_specs=pl.BlockSpec((R, D), lambda i: (i, 0)),
    out_shape=jax.ShapeDtypeStruct((N, D), jnp.float32),
)


def kernel(x, edge_index, agg_scatter_index_0, agg_node_index_0,
           agg_scatter_index_1, agg_node_index_1,
           eps, beta1, beta2, beta3, W_head, b_head):
    del edge_index
    z2 = jnp.zeros((N, D), jnp.float32)

    sp0, cp0a, cp0b = _sc_hop(x, agg_scatter_index_0, agg_node_index_0, z2)
    par0 = jnp.stack([1.0 + beta1[0], beta2[0], 1.0 + beta3[0],
                      jnp.float32(0.0)])
    h1 = _combine(sp0, cp0a[:, None], cp0b[:, None], x, par0)

    sp1, cp1a, cp1b = _sc_hop(h1, agg_scatter_index_1, agg_node_index_1, z2)
    par1 = jnp.stack([1.0 + beta1[1], beta2[1], 1.0 + beta3[1], 1.0 + eps[0]])
    return _final(sp1, cp1a[:, None], cp1b[:, None], x, h1, par1,
                  W_head, b_head[None, :])

# --- scband reference (transcript-rebuilt; emitter-appended) ---
"""Pipeline reference for scband-local-wlgnn-90245852823902 (READ-ONLY COPY).

The authoritative reference and input builder live on the scoring server;
editing this copy changes nothing except your own understanding.
"""

import jax, jax.numpy as jnp
import numpy as np

N = 10000
E = 320000
D = 128
DOUT = 128
HOPS = 2


def setup_inputs(seed: int = 0) -> dict:
    key = jax.random.key(seed)
    ks = jax.random.split(key, 10)
    x = jax.random.normal(ks[0], (N, D), dtype=jnp.float32)
    edge_index = jax.random.randint(ks[1], (2, E), 0, N, dtype=jnp.int32)
    agg_scatter_index_0 = jax.random.randint(ks[2], (E,), 0, N, dtype=jnp.int32)
    agg_node_index_0 = jax.random.randint(ks[3], (E,), 0, N, dtype=jnp.int32)
    agg_scatter_index_1 = jax.random.randint(ks[4], (E,), 0, N, dtype=jnp.int32)
    agg_node_index_1 = jax.random.randint(ks[5], (E,), 0, N, dtype=jnp.int32)
    # learned parameters (mirroring nn.Parameter init in the torch module)
    eps = jnp.ones((1,), jnp.float32) * 0.1
    beta1 = jnp.zeros((HOPS,), jnp.float32)  # beta1 ParameterList init at 0.0
    beta2 = jnp.zeros((HOPS,), jnp.float32)
    beta3 = jnp.zeros((HOPS,), jnp.float32)
    # post_mp GNNHead modeled as a node-level linear head
    W_head = jax.random.normal(ks[6], (D, DOUT), jnp.float32) / np.sqrt(D)
    b_head = jnp.zeros((DOUT,), jnp.float32)
    return {
        "x": x,
        "edge_index": edge_index,
        "agg_scatter_index_0": agg_scatter_index_0,
        "agg_node_index_0": agg_node_index_0,
        "agg_scatter_index_1": agg_scatter_index_1,
        "agg_node_index_1": agg_node_index_1,
        "eps": eps,
        "beta1": beta1,
        "beta2": beta2,
        "beta3": beta3,
        "W_head": W_head,
        "b_head": b_head,
    }


def _scatter_reduce_sum_noself(x, idx, vals):
    # torch scatter_reduce(dim=0, reduce='sum', include_self=False):
    # rows receiving at least one scatter get the sum of scattered values ONLY;
    # rows receiving nothing keep their original x values.
    summed = jnp.zeros_like(x).at[idx].add(vals)
    counts = jnp.zeros((x.shape[0],), jnp.float32).at[idx].add(1.0)
    return jnp.where((counts > 0.0)[:, None], summed, x)


def reference(x, edge_index, agg_scatter_index_0, agg_node_index_0,
              agg_scatter_index_1, agg_node_index_1,
              eps, beta1, beta2, beta3, W_head, b_head):
    # cfg assumed: hops=2 (bfs walk), layers_mp=1, pool='sum', hop_pool='sum',
    # dropout=0.0 (eval mode), layers_pre_mp=0, no FeatureEncoder.
    scatter_idx = [agg_scatter_index_0, agg_scatter_index_1]
    node_idx = [agg_node_index_0, agg_node_index_1]
    out = (1.0 + eps) * x
    h = x
    for hop in range(HOPS):
        # h_v = (1+beta1)*h[agg_scatter_index] + x[agg_node_index]   (gathers)
        h_v = (1.0 + beta1[hop]) * jnp.take(h, scatter_idx[hop], axis=0) \
              + jnp.take(x, node_idx[hop], axis=0)
        # h = x.scatter_reduce(0, agg_node_index, h_v, 'sum', include_self=False)
        h = _scatter_reduce_sum_noself(x, node_idx[hop], h_v)
        # note faithful parenthesization: h + (1 + beta2*x)
        h = h + (1.0 + beta2[hop] * x)
        h = (1.0 + beta3[hop]) * h
        # hop_pool == 'sum'; dropout p=0.0 in eval -> identity
        out = out + h
    x_final = out
    # post_mp head (node-level linear)
    return x_final @ W_head + b_head

if __name__ == "__main__":
    import jax
    _d = setup_inputs()
    print(jax.jit(kernel)(*tuple(_d.values())))

</pallas_src>

<mosaic_0001>
#map = affine_map<(d0, d1) -> (0, 0)>
#map1 = affine_map<(d0, d1) -> (0)>
#map2 = affine_map<(d0, d1) -> (0, 0, 0)>
module attributes {stable_mosaic.version = 14 : i64} {
  func.func @_sc_hop_body(%arg0: i32, %arg1: i32, %arg2: memref<10000x128xf32, #tpu.memory_space<hbm>>, %arg3: memref<320000xi32, #tpu.memory_space<hbm>>, %arg4: memref<320000xi32, #tpu.memory_space<hbm>>, %arg5: memref<10000x128xf32, #tpu.memory_space<hbm>>, %arg6: memref<2x10000x128xf32, #tpu.memory_space<hbm>>, %arg7: memref<10000xf32, #tpu.memory_space<hbm>>, %arg8: memref<10000xf32, #tpu.memory_space<hbm>>, %arg9: memref<2x80xi32, #tpu.memory_space<vmem>>, %arg10: memref<2x80xi32, #tpu.memory_space<vmem>>, %arg11: memref<2x80xi32, #tpu.memory_space<vmem>>, %arg12: memref<2x80xi32, #tpu.memory_space<vmem>>, %arg13: memref<2x80xi32, #tpu.memory_space<vmem>>, %arg14: memref<2x80xi32, #tpu.memory_space<vmem>>, %arg15: memref<2x80xi32, #tpu.memory_space<vmem>>, %arg16: memref<2x80xi32, #tpu.memory_space<vmem>>, %arg17: memref<160x128xf32, #tpu.memory_space<vmem>>, %arg18: memref<160x128xf32, #tpu.memory_space<vmem>>, %arg19: memref<80xf32, #tpu.memory_space<vmem>>, %arg20: memref<624xf32, #tpu.memory_space<vmem>>, %arg21: memref<10000x128xf32, #tpu.memory_space<vmem_shared>>, %arg22: memref<10000xf32, #tpu.memory_space<vmem_shared>>, %arg23: memref<!tpu.dma_semaphore, #tpu.memory_space<semaphore_mem>>, %arg24: memref<!tpu.dma_semaphore, #tpu.memory_space<semaphore_mem>>, %arg25: memref<!tpu.dma_semaphore, #tpu.memory_space<semaphore_mem>>, %arg26: memref<!tpu.dma_semaphore, #tpu.memory_space<semaphore_mem>>, %arg27: memref<!tpu.dma_semaphore, #tpu.memory_space<semaphore_mem>>, %arg28: memref<!tpu.dma_semaphore, #tpu.memory_space<semaphore_mem>>, %arg29: memref<!tpu.dma_semaphore, #tpu.memory_space<semaphore_mem>>, %arg30: memref<!tpu.dma_semaphore, #tpu.memory_space<semaphore_mem>>, %arg31: memref<!tpu.dma_semaphore, #tpu.memory_space<semaphore_mem>>, %arg32: memref<!tpu.dma_semaphore, #tpu.memory_space<semaphore_mem>>) attributes {dimension_semantics = [#tpu.dimension_semantics<core_parallel>, #tpu.dimension_semantics<subcore_parallel>], iteration_bounds = array<i64: 2, 16>, scalar_prefetch = 0 : i64, scratch_operands = 24 : i64, tpu.core_type = #tpu.core_type<sc_vector_subcore>, window_params = [{transform_indices = #map}, {transform_indices = #map1}, {transform_indices = #map1}, {transform_indices = #map}, {transform_indices = #map2}, {transform_indices = #map1}, {transform_indices = #map1}]} {
    %mul3A = arith.constant 2 : i32
    %mul3A_0 = arith.muli %arg1, %mul3A : i32
    %add3A = arith.addi %mul3A_0, %arg0 : i32
    %broadcast_in_dim3A = arith.constant 1.000000e+00 : f32
    %broadcast_in_dim3A_1 = vector.broadcast %broadcast_in_dim3A : f32 to vector<16xf32>
    %swap3A = arith.constant 0 : index
    %swap3A_2 = tpu.vector_load %arg19[%swap3A] {strides = array<i32>} : memref<80xf32, #tpu.memory_space<vmem>>, vector<16xf32>,
    %swap3A_3 = vector.shape_cast %swap3A_2 : vector<16xf32> to vector<16xf32>
    %swap3A_4 = vector.shape_cast %broadcast_in_dim3A_1 : vector<16xf32> to vector<16xf32>
    tpu.vector_store %arg19[%swap3A], %swap3A_4 {strides = array<i32>} : memref<80xf32, #tpu.memory_space<vmem>>, vector<16xf32>,
    %broadcast_in_dim3A_5 = arith.constant 1.000000e+00 : f32
    %broadcast_in_dim3A_6 = vector.broadcast %broadcast_in_dim3A_5 : f32 to vector<16xf32>
    %swap3A_7 = arith.constant 16 : index
    %swap3A_8 = tpu.vector_load %arg19[%swap3A_7] {strides = array<i32>} : memref<80xf32, #tpu.memory_space<vmem>>, vector<16xf32>,
    %swap3A_9 = vector.shape_cast %swap3A_8 : vector<16xf32> to vector<16xf32>
    %swap3A_10 = vector.shape_cast %broadcast_in_dim3A_6 : vector<16xf32> to vector<16xf32>
    tpu.vector_store %arg19[%swap3A_7], %swap3A_10 {strides = array<i32>} : memref<80xf32, #tpu.memory_space<vmem>>, vector<16xf32>,
    %broadcast_in_dim3A_11 = arith.constant 1.000000e+00 : f32
    %broadcast_in_dim3A_12 = vector.broadcast %broadcast_in_dim3A_11 : f32 to vector<16xf32>
    %swap3A_13 = arith.constant 32 : index
    %swap3A_14 = tpu.vector_load %arg19[%swap3A_13] {strides = array<i32>} : memref<80xf32, #tpu.memory_space<vmem>>, vector<16xf32>,
    %swap3A_15 = vector.shape_cast %swap3A_14 : vector<16xf32> to vector<16xf32>
    %swap3A_16 = vector.shape_cast %broadcast_in_dim3A_12 : vector<16xf32> to vector<16xf32>
    tpu.vector_store %arg19[%swap3A_13], %swap3A_16 {strides = array<i32>} : memref<80xf32, #tpu.memory_space<vmem>>, vector<16xf32>,
    %broadcast_in_dim3A_17 = arith.constant 1.000000e+00 : f32
    %broadcast_in_dim3A_18 = vector.broadcast %broadcast_in_dim3A_17 : f32 to vector<16xf32>
    %swap3A_19 = arith.constant 48 : index
    %swap3A_20 = tpu.vector_load %arg19[%swap3A_19] {strides = array<i32>} : memref<80xf32, #tpu.memory_space<vmem>>, vector<16xf32>,
    %swap3A_21 = vector.shape_cast %swap3A_20 : vector<16xf32> to vector<16xf32>
    %swap3A_22 = vector.shape_cast %broadcast_in_dim3A_18 : vector<16xf32> to vector<16xf32>
    tpu.vector_store %arg19[%swap3A_19], %swap3A_22 {strides = array<i32>} : memref<80xf32, #tpu.memory_space<vmem>>, vector<16xf32>,
    %broadcast_in_dim3A_23 = arith.constant 1.000000e+00 : f32
    %broadcast_in_dim3A_24 = vector.broadcast %broadcast_in_dim3A_23 : f32 to vector<16xf32>
    %swap3A_25 = arith.constant 64 : index
    %swap3A_26 = tpu.vector_load %arg19[%swap3A_25] {strides = array<i32>} : memref<80xf32, #tpu.memory_space<vmem>>, vector<16xf32>,
    %swap3A_27 = vector.shape_cast %swap3A_26 : vector<16xf32> to vector<16xf32>
    %swap3A_28 = vector.shape_cast %broadcast_in_dim3A_24 : vector<16xf32> to vector<16xf32>
    tpu.vector_store %arg19[%swap3A_25], %swap3A_28 {strides = array<i32>} : memref<80xf32, #tpu.memory_space<vmem>>, vector<16xf32>,
    %broadcast_in_dim3A_29 = arith.constant 0.000000e+00 : f32
    %broadcast_in_dim3A_30 = vector.broadcast %broadcast_in_dim3A_29 : f32 to vector<16xf32>
    %swap3A_31 = arith.constant 0 : index
    %swap3A_32 = tpu.vector_load %arg20[%swap3A_31] {strides = array<i32>} : memref<624xf32, #tpu.memory_space<vmem>>, vector<16xf32>,
    %swap3A_33 = vector.shape_cast %swap3A_32 : vector<16xf32> to vector<16xf32>
    %swap3A_34 = vector.shape_cast %broadcast_in_dim3A_30 : vector<16xf32> to vector<16xf32>
    tpu.vector_store %arg20[%swap3A_31], %swap3A_34 {strides = array<i32>} : memref<624xf32, #tpu.memory_space<vmem>>, vector<16xf32>,
    %broadcast_in_dim3A_35 = arith.constant 0.000000e+00 : f32
    %broadcast_in_dim3A_36 = vector.broadcast %broadcast_in_dim3A_35 : f32 to vector<16xf32>
    %swap3A_37 = arith.constant 16 : index
    %swap3A_38 = tpu.vector_load %arg20[%swap3A_37] {strides = array<i32>} : memref<624xf32, #tpu.memory_space<vmem>>, vector<16xf32>,
    %swap3A_39 = vector.shape_cast %swap3A_38 : vector<16xf32> to vector<16xf32>
    %swap3A_40 = vector.shape_cast %broadcast_in_dim3A_36 : vector<16xf32> to vector<16xf32>
    tpu.vector_store %arg20[%swap3A_37], %swap3A_40 {strides = array<i32>} : memref<624xf32, #tpu.memory_space<vmem>>, vector<16xf32>,
    %broadcast_in_dim3A_41 = arith.constant 0.000000e+00 : f32
    %broadcast_in_dim3A_42 = vector.broadcast %broadcast_in_dim3A_41 : f32 to vector<16xf32>
    %swap3A_43 = arith.constant 32 : index
    %swap3A_44 = tpu.vector_load %arg20[%swap3A_43] {strides = array<i32>} : memref<624xf32, #tpu.memory_space<vmem>>, vector<16xf32>,
    %swap3A_45 = vector.shape_cast %swap3A_44 : vector<16xf32> to vector<16xf32>
    %swap3A_46 = vector.shape_cast %broadcast_in_dim3A_42 : vector<16xf32> to vector<16xf32>
    tpu.vector_store %arg20[%swap3A_43], %swap3A_46 {strides = array<i32>} : memref<624xf32, #tpu.memory_space<vmem>>, vector<16xf32>,
    %broadcast_in_dim3A_47 = arith.constant 0.000000e+00 : f32
    %broadcast_in_dim3A_48 = vector.broadcast %broadcast_in_dim3A_47 : f32 to vector<16xf32>
    %swap3A_49 = arith.constant 48 : index
    %swap3A_50 = tpu.vector_load %arg20[%swap3A_49] {strides = array<i32>} : memref<624xf32, #tpu.memory_space<vmem>>, vector<16xf32>,
    %swap3A_51 = vector.shape_cast %swap3A_50 : vector<16xf32> to vector<16xf32>
    %swap3A_52 = vector.shape_cast %broadcast_in_dim3A_48 : vector<16xf32> to vector<16xf32>
    tpu.vector_store %arg20[%swap3A_49], %swap3A_52 {strides = array<i32>} : memref<624xf32, #tpu.memory_space<vmem>>, vector<16xf32>,
    %broadcast_in_dim3A_53 = arith.constant 0.000000e+00 : f32
    %broadcast_in_dim3A_54 = vector.broadcast %broadcast_in_dim3A_53 : f32 to vector<16xf32>
    %swap3A_55 = arith.constant 64 : index
    %swap3A_56 = tpu.vector_load %arg20[%swap3A_55] {strides = array<i32>} : memref<624xf32, #tpu.memory_space<vmem>>, vector<16xf32>,
    %swap3A_57 = vector.shape_cast %swap3A_56 : vector<16xf32> to vector<16xf32>
    %swap3A_58 = vector.shape_cast %broadcast_in_dim3A_54 : vector<16xf32> to vector<16xf32>
    tpu.vector_store %arg20[%swap3A_55], %swap3A_58 {strides = array<i32>} : memref<624xf32, #tpu.memory_space<vmem>>, vector<16xf32>,
    %broadcast_in_dim3A_59 = arith.constant 0.000000e+00 : f32
    %broadcast_in_dim3A_60 = vector.broadcast %broadcast_in_dim3A_59 : f32 to vector<16xf32>
    %swap3A_61 = arith.constant 80 : index
    %swap3A_62 = tpu.vector_load %arg20[%swap3A_61] {strides = array<i32>} : memref<624xf32, #tpu.memory_space<vmem>>, vector<16xf32>,
    %swap3A_63 = vector.shape_cast %swap3A_62 : vector<16xf32> to vector<16xf32>
    %swap3A_64 = vector.shape_cast %broadcast_in_dim3A_60 : vector<16xf32> to vector<16xf32>
    tpu.vector_store %arg20[%swap3A_61], %swap3A_64 {strides = array<i32>} : memref<624xf32, #tpu.memory_space<vmem>>, vector<16xf32>,
    %broadcast_in_dim3A_65 = arith.constant 0.000000e+00 : f32
    %broadcast_in_dim3A_66 = vector.broadcast %broadcast_in_dim3A_65 : f32 to vector<16xf32>
    %swap3A_67 = arith.constant 96 : index
    %swap3A_68 = tpu.vector_load %arg20[%swap3A_67] {strides = array<i32>} : memref<624xf32, #tpu.memory_space<vmem>>, vector<16xf32>,
    %swap3A_69 = vector.shape_cast %swap3A_68 : vector<16xf32> to vector<16xf32>
    %swap3A_70 = vector.shape_cast %broadcast_in_dim3A_66 : vector<16xf32> to vector<16xf32>
    tpu.vector_store %arg20[%swap3A_67], %swap3A_70 {strides = array<i32>} : memref<624xf32, #tpu.memory_space<vmem>>, vector<16xf32>,
    %broadcast_in_dim3A_71 = arith.constant 0.000000e+00 : f32
    %broadcast_in_dim3A_72 = vector.broadcast %broadcast_in_dim3A_71 : f32 to vector<16xf32>
    %swap3A_73 = arith.constant 112 : index
    %swap3A_74 = tpu.vector_load %arg20[%swap3A_73] {strides = array<i32>} : memref<624xf32, #tpu.memory_space<vmem>>, vector<16xf32>,
    %swap3A_75 = vector.shape_cast %swap3A_74 : vector<16xf32> to vector<16xf32>
    %swap3A_76 = vector.shape_cast %broadcast_in_dim3A_72 : vector<16xf32> to vector<16xf32>
    tpu.vector_store %arg20[%swap3A_73], %swap3A_76 {strides = array<i32>} : memref<624xf32, #tpu.memory_space<vmem>>, vector<16xf32>,
    %broadcast_in_dim3A_77 = arith.constant 0.000000e+00 : f32
    %broadcast_in_dim3A_78 = vector.broadcast %broadcast_in_dim3A_77 : f32 to vector<16xf32>
    %swap3A_79 = arith.constant 128 : index
    %swap3A_80 = tpu.vector_load %arg20[%swap3A_79] {strides = array<i32>} : memref<624xf32, #tpu.memory_space<vmem>>, vector<16xf32>,
    %swap3A_81 = vector.shape_cast %swap3A_80 : vector<16xf32> to vector<16xf32>
    %swap3A_82 = vector.shape_cast %broadcast_in_dim3A_78 : vector<16xf32> to vector<16xf32>
    tpu.vector_store %arg20[%swap3A_79], %swap3A_82 {strides = array<i32>} : memref<624xf32, #tpu.memory_space<vmem>>, vector<16xf32>,
    %broadcast_in_dim3A_83 = arith.constant 0.000000e+00 : f32
    %broadcast_in_dim3A_84 = vector.broadcast %broadcast_in_dim3A_83 : f32 to vector<16xf32>
    %swap3A_85 = arith.constant 144 : index
    %swap3A_86 = tpu.vector_load %arg20[%swap3A_85] {strides = array<i32>} : memref<624xf32, #tpu.memory_space<vmem>>, vector<16xf32>,
    %swap3A_87 = vector.shape_cast %swap3A_86 : vector<16xf32> to vector<16xf32>
    %swap3A_88 = vector.shape_cast %broadcast_in_dim3A_84 : vector<16xf32> to vector<16xf32>
    tpu.vector_store %arg20[%swap3A_85], %swap3A_88 {strides = array<i32>} : memref<624xf32, #tpu.memory_space<vmem>>, vector<16xf32>,
    %broadcast_in_dim3A_89 = arith.constant 0.000000e+00 : f32
    %broadcast_in_dim3A_90 = vector.broadcast %broadcast_in_dim3A_89 : f32 to vector<16xf32>
    %swap3A_91 = arith.constant 160 : index
    %swap3A_92 = tpu.vector_load %arg20[%swap3A_91] {strides = array<i32>} : memref<624xf32, #tpu.memory_space<vmem>>, vector<16xf32>,
    %swap3A_93 = vector.shape_cast %swap3A_92 : vector<16xf32> to vector<16xf32>
    %swap3A_94 = vector.shape_cast %broadcast_in_dim3A_90 : vector<16xf32> to vector<16xf32>
    tpu.vector_store %arg20[%swap3A_91], %swap3A_94 {strides = array<i32>} : memref<624xf32, #tpu.memory_space<vmem>>, vector<16xf32>,
    %broadcast_in_dim3A_95 = arith.constant 0.000000e+00 : f32
    %broadcast_in_dim3A_96 = vector.broadcast %broadcast_in_dim3A_95 : f32 to vector<16xf32>
    %swap3A_97 = arith.constant 176 : index
    %swap3A_98 = tpu.vector_load %arg20[%swap3A_97] {strides = array<i32>} : memref<624xf32, #tpu.memory_space<vmem>>, vector<16xf32>,
    %swap3A_99 = vector.shape_cast %swap3A_98 : vector<16xf32> to vector<16xf32>
    %swap3A_100 = vector.shape_cast %broadcast_in_dim3A_96 : vector<16xf32> to vector<16xf32>
    tpu.vector_store %arg20[%swap3A_97], %swap3A_100 {strides = array<i32>} : memref<624xf32, #tpu.memory_space<vmem>>, vector<16xf32>,
    %broadcast_in_dim3A_101 = arith.constant 0.000000e+00 : f32
    %broadcast_in_dim3A_102 = vector.broadcast %broadcast_in_dim3A_101 : f32 to vector<16xf32>
    %swap3A_103 = arith.constant 192 : index
    %swap3A_104 = tpu.vector_load %arg20[%swap3A_103] {strides = array<i32>} : memref<624xf32, #tpu.memory_space<vmem>>, vector<16xf32>,
    %swap3A_105 = vector.shape_cast %swap3A_104 : vector<16xf32> to vector<16xf32>
    %swap3A_106 = vector.shape_cast %broadcast_in_dim3A_102 : vector<16xf32> to vector<16xf32>
    tpu.vector_store %arg20[%swap3A_103], %swap3A_106 {strides = array<i32>} : memref<624xf32, #tpu.memory_space<vmem>>, vector<16xf32>,
    %broadcast_in_dim3A_107 = arith.constant 0.000000e+00 : f32
    %broadcast_in_dim3A_108 = vector.broadcast %broadcast_in_dim3A_107 : f32 to vector<16xf32>
    %swap3A_109 = arith.constant 208 : index
    %swap3A_110 = tpu.vector_load %arg20[%swap3A_109] {strides = array<i32>} : memref<624xf32, #tpu.memory_space<vmem>>, vector<16xf32>,
    %swap3A_111 = vector.shape_cast %swap3A_110 : vector<16xf32> to vector<16xf32>
    %swap3A_112 = vector.shape_cast %broadcast_in_dim3A_108 : vector<16xf32> to vector<16xf32>
    tpu.vector_store %arg20[%swap3A_109], %swap3A_112 {strides = array<i32>} : memref<624xf32, #tpu.memory_space<vmem>>, vector<16xf32>,
    %broadcast_in_dim3A_113 = arith.constant 0.000000e+00 : f32
    %broadcast_in_dim3A_114 = vector.broadcast %broadcast_in_dim3A_113 : f32 to vector<16xf32>
    %swap3A_115 = arith.constant 224 : index
    %swap3A_116 = tpu.vector_load %arg20[%swap3A_115] {strides = array<i32>} : memref<624xf32, #tpu.memory_space<vmem>>, vector<16xf32>,
    %swap3A_117 = vector.shape_cast %swap3A_116 : vector<16xf32> to vector<16xf32>
    %swap3A_118 = vector.shape_cast %broadcast_in_dim3A_114 : vector<16xf32> to vector<16xf32>
    tpu.vector_store %arg20[%swap3A_115], %swap3A_118 {strides = array<i32>} : memref<624xf32, #tpu.memory_space<vmem>>, vector<16xf32>,
    %broadcast_in_dim3A_119 = arith.constant 0.000000e+00 : f32
    %broadcast_in_dim3A_120 = vector.broadcast %broadcast_in_dim3A_119 : f32 to vector<16xf32>
    %swap3A_121 = arith.constant 240 : index
    %swap3A_122 = tpu.vector_load %arg20[%swap3A_121] {strides = array<i32>} : memref<624xf32, #tpu.memory_space<vmem>>, vector<16xf32>,
    %swap3A_123 = vector.shape_cast %swap3A_122 : vector<16xf32> to vector<16xf32>
    %swap3A_124 = vector.shape_cast %broadcast_in_dim3A_120 : vector<16xf32> to vector<16xf32>
    tpu.vector_store %arg20[%swap3A_121], %swap3A_124 {strides = array<i32>} : memref<624xf32, #tpu.memory_space<vmem>>, vector<16xf32>,
    %broadcast_in_dim3A_125 = arith.constant 0.000000e+00 : f32
    %broadcast_in_dim3A_126 = vector.broadcast %broadcast_in_dim3A_125 : f32 to vector<16xf32>
    %swap3A_127 = arith.constant 256 : index
    %swap3A_128 = tpu.vector_load %arg20[%swap3A_127] {strides = array<i32>} : memref<624xf32, #tpu.memory_space<vmem>>, vector<16xf32>,
    %swap3A_129 = vector.shape_cast %swap3A_128 : vector<16xf32> to vector<16xf32>
    %swap3A_130 = vector.shape_cast %broadcast_in_dim3A_126 : vector<16xf32> to vector<16xf32>
    tpu.vector_store %arg20[%swap3A_127], %swap3A_130 {strides = array<i32>} : memref<624xf32, #tpu.memory_space<vmem>>, vector<16xf32>,
    %broadcast_in_dim3A_131 = arith.constant 0.000000e+00 : f32
    %broadcast_in_dim3A_132 = vector.broadcast %broadcast_in_dim3A_131 : f32 to vector<16xf32>
    %swap3A_133 = arith.constant 272 : index
    %swap3A_134 = tpu.vector_load %arg20[%swap3A_133] {strides = array<i32>} : memref<624xf32, #tpu.memory_space<vmem>>, vector<16xf32>,
    %swap3A_135 = vector.shape_cast %swap3A_134 : vector<16xf32> to vector<16xf32>
    %swap3A_136 = vector.shape_cast %broadcast_in_dim3A_132 : vector<16xf32> to vector<16xf32>
    tpu.vector_store %arg20[%swap3A_133], %swap3A_136 {strides = array<i32>} : memref<624xf32, #tpu.memory_space<vmem>>, vector<16xf32>,
    %broadcast_in_dim3A_137 = arith.constant 0.000000e+00 : f32
    %broadcast_in_dim3A_138 = vector.broadcast %broadcast_in_dim3A_137 : f32 to vector<16xf32>
    %swap3A_139 = arith.constant 288 : index
    %swap3A_140 = tpu.vector_load %arg20[%swap3A_139] {strides = array<i32>} : memref<624xf32, #tpu.memory_space<vmem>>, vector<16xf32>,
    %swap3A_141 = vector.shape_cast %swap3A_140 : vector<16xf32> to vector<16xf32>
    %swap3A_142 = vector.shape_cast %broadcast_in_dim3A_138 : vector<16xf32> to vector<16xf32>
    tpu.vector_store %arg20[%swap3A_139], %swap3A_142 {strides = array<i32>} : memref<624xf32, #tpu.memory_space<vmem>>, vector<16xf32>,
    %broadcast_in_dim3A_143 = arith.constant 0.000000e+00 : f32
    %broadcast_in_dim3A_144 = vector.broadcast %broadcast_in_dim3A_143 : f32 to vector<16xf32>
    %swap3A_145 = arith.constant 304 : index
    %swap3A_146 = tpu.vector_load %arg20[%swap3A_145] {strides = array<i32>} : memref<624xf32, #tpu.memory_space<vmem>>, vector<16xf32>,
    %swap3A_147 = vector.shape_cast %swap3A_146 : vector<16xf32> to vector<16xf32>
    %swap3A_148 = vector.shape_cast %broadcast_in_dim3A_144 : vector<16xf32> to vector<16xf32>
    tpu.vector_store %arg20[%swap3A_145], %swap3A_148 {strides = array<i32>} : memref<624xf32, #tpu.memory_space<vmem>>, vector<16xf32>,
    %broadcast_in_dim3A_149 = arith.constant 0.000000e+00 : f32
    %broadcast_in_dim3A_150 = vector.broadcast %broadcast_in_dim3A_149 : f32 to vector<16xf32>
    %swap3A_151 = arith.constant 320 : index
    %swap3A_152 = tpu.vector_load %arg20[%swap3A_151] {strides = array<i32>} : memref<624xf32, #tpu.memory_space<vmem>>, vector<16xf32>,
    %swap3A_153 = vector.shape_cast %swap3A_152 : vector<16xf32> to vector<16xf32>
    %swap3A_154 = vector.shape_cast %broadcast_in_dim3A_150 : vector<16xf32> to vector<16xf32>
    tpu.vector_store %arg20[%swap3A_151], %swap3A_154 {strides = array<i32>} : memref<624xf32, #tpu.memory_space<vmem>>, vector<16xf32>,
    %broadcast_in_dim3A_155 = arith.constant 0.000000e+00 : f32
    %broadcast_in_dim3A_156 = vector.broadcast %broadcast_in_dim3A_155 : f32 to vector<16xf32>
    %swap3A_157 = arith.constant 336 : index
    %swap3A_158 = tpu.vector_load %arg20[%swap3A_157] {strides = array<i32>} : memref<624xf32, #tpu.memory_space<vmem>>, vector<16xf32>,
    %swap3A_159 = vector.shape_cast %swap3A_158 : vector<16xf32> to vector<16xf32>
    %swap3A_160 = vector.shape_cast %broadcast_in_dim3A_156 : vector<16xf32> to vector<16xf32>
    tpu.vector_store %arg20[%swap3A_157], %swap3A_160 {strides = array<i32>} : memref<624xf32, #tpu.memory_space<vmem>>, vector<16xf32>,
    %broadcast_in_dim3A_161 = arith.constant 0.000000e+00 : f32
    %broadcast_in_dim3A_162 = vector.broadcast %broadcast_in_dim3A_161 : f32 to vector<16xf32>
    %swap3A_163 = arith.constant 352 : index
    %swap3A_164 = tpu.vector_load %arg20[%swap3A_163] {strides = array<i32>} : memref<624xf32, #tpu.memory_space<vmem>>, vector<16xf32>,
    %swap3A_165 = vector.shape_cast %swap3A_164 : vector<16xf32> to vector<16xf32>
    %swap3A_166 = vector.shape_cast %broadcast_in_dim3A_162 : vector<16xf32> to vector<16xf32>
    tpu.vector_store %arg20[%swap3A_163], %swap3A_166 {strides = array<i32>} : memref<624xf32, #tpu.memory_space<vmem>>, vector<16xf32>,
    %broadcast_in_dim3A_167 = arith.constant 0.000000e+00 : f32
    %broadcast_in_dim3A_168 = vector.broadcast %broadcast_in_dim3A_167 : f32 to vector<16xf32>
    %swap3A_169 = arith.constant 368 : index
    %swap3A_170 = tpu.vector_load %arg20[%swap3A_169] {strides = array<i32>} : memref<624xf32, #tpu.memory_space<vmem>>, vector<16xf32>,
    %swap3A_171 = vector.shape_cast %swap3A_170 : vector<16xf32> to vector<16xf32>
    %swap3A_172 = vector.shape_cast %broadcast_in_dim3A_168 : vector<16xf32> to vector<16xf32>
    tpu.vector_store %arg20[%swap3A_169], %swap3A_172 {strides = array<i32>} : memref<624xf32, #tpu.memory_space<vmem>>, vector<16xf32>,
    %broadcast_in_dim3A_173 = arith.constant 0.000000e+00 : f32
    %broadcast_in_dim3A_174 = vector.broadcast %broadcast_in_dim3A_173 : f32 to vector<16xf32>
    %swap3A_175 = arith.constant 384 : index
    %swap3A_176 = tpu.vector_load %arg20[%swap3A_175] {strides = array<i32>} : memref<624xf32, #tpu.memory_space<vmem>>, vector<16xf32>,
    %swap3A_177 = vector.shape_cast %swap3A_176 : vector<16xf32> to vector<16xf32>
    %swap3A_178 = vector.shape_cast %broadcast_in_dim3A_174 : vector<16xf32> to vector<16xf32>
    tpu.vector_store %arg20[%swap3A_175], %swap3A_178 {strides = array<i32>} : memref<624xf32, #tpu.memory_space<vmem>>, vector<16xf32>,
    %broadcast_in_dim3A_179 = arith.constant 0.000000e+00 : f32
    %broadcast_in_dim3A_180 = vector.broadcast %broadcast_in_dim3A_179 : f32 to vector<16xf32>
    %swap3A_181 = arith.constant 400 : index
    %swap3A_182 = tpu.vector_load %arg20[%swap3A_181] {strides = array<i32>} : memref<624xf32, #tpu.memory_space<vmem>>, vector<16xf32>,
    %swap3A_183 = vector.shape_cast %swap3A_182 : vector<16xf32> to vector<16xf32>
    %swap3A_184 = vector.shape_cast %broadcast_in_dim3A_180 : vector<16xf32> to vector<16xf32>
    tpu.vector_store %arg20[%swap3A_181], %swap3A_184 {strides = array<i32>} : memref<624xf32, #tpu.memory_space<vmem>>, vector<16xf32>,
    %broadcast_in_dim3A_185 = arith.constant 0.000000e+00 : f32
    %broadcast_in_dim3A_186 = vector.broadcast %broadcast_in_dim3A_185 : f32 to vector<16xf32>
    %swap3A_187 = arith.constant 416 : index
    %swap3A_188 = tpu.vector_load %arg20[%swap3A_187] {strides = array<i32>} : memref<624xf32, #tpu.memory_space<vmem>>, vector<16xf32>,
    %swap3A_189 = vector.shape_cast %swap3A_188 : vector<16xf32> to vector<16xf32>
    %swap3A_190 = vector.shape_cast %broadcast_in_dim3A_186 : vector<16xf32> to vector<16xf32>
    tpu.vector_store %arg20[%swap3A_187], %swap3A_190 {strides = array<i32>} : memref<624xf32, #tpu.memory_space<vmem>>, vector<16xf32>,
    %broadcast_in_dim3A_191 = arith.constant 0.000000e+00 : f32
    %broadcast_in_dim3A_192 = vector.broadcast %broadcast_in_dim3A_191 : f32 to vector<16xf32>
    %swap3A_193 = arith.constant 432 : index
    %swap3A_194 = tpu.vector_load %arg20[%swap3A_193] {strides = array<i32>} : memref<624xf32, #tpu.memory_space<vmem>>, vector<16xf32>,
    %swap3A_195 = vector.shape_cast %swap3A_194 : vector<16xf32> to vector<16xf32>
    %swap3A_196 = vector.shape_cast %broadcast_in_dim3A_192 : vector<16xf32> to vector<16xf32>
    tpu.vector_store %arg20[%swap3A_193], %swap3A_196 {strides = array<i32>} : memref<624xf32, #tpu.memory_space<vmem>>, vector<16xf32>,
    %broadcast_in_dim3A_197 = arith.constant 0.000000e+00 : f32
    %broadcast_in_dim3A_198 = vector.broadcast %broadcast_in_dim3A_197 : f32 to vector<16xf32>
    %swap3A_199 = arith.constant 448 : index
    %swap3A_200 = tpu.vector_load %arg20[%swap3A_199] {strides = array<i32>} : memref<624xf32, #tpu.memory_space<vmem>>, vector<16xf32>,
    %swap3A_201 = vector.shape_cast %swap3A_200 : vector<16xf32> to vector<16xf32>
    %swap3A_202 = vector.shape_cast %broadcast_in_dim3A_198 : vector<16xf32> to vector<16xf32>
    tpu.vector_store %arg20[%swap3A_199], %swap3A_202 {strides = array<i32>} : memref<624xf32, #tpu.memory_space<vmem>>, vector<16xf32>,
    %broadcast_in_dim3A_203 = arith.constant 0.000000e+00 : f32
    %broadcast_in_dim3A_204 = vector.broadcast %broadcast_in_dim3A_203 : f32 to vector<16xf32>
    %swap3A_205 = arith.constant 464 : index
    %swap3A_206 = tpu.vector_load %arg20[%swap3A_205] {strides = array<i32>} : memref<624xf32, #tpu.memory_space<vmem>>, vector<16xf32>,
    %swap3A_207 = vector.shape_cast %swap3A_206 : vector<16xf32> to vector<16xf32>
    %swap3A_208 = vector.shape_cast %broadcast_in_dim3A_204 : vector<16xf32> to vector<16xf32>
    tpu.vector_store %arg20[%swap3A_205], %swap3A_208 {strides = array<i32>} : memref<624xf32, #tpu.memory_space<vmem>>, vector<16xf32>,
    %broadcast_in_dim3A_209 = arith.constant 0.000000e+00 : f32
    %broadcast_in_dim3A_210 = vector.broadcast %broadcast_in_dim3A_209 : f32 to vector<16xf32>
    %swap3A_211 = arith.constant 480 : index
    %swap3A_212 = tpu.vector_load %arg20[%swap3A_211] {strides = array<i32>} : memref<624xf32, #tpu.memory_space<vmem>>, vector<16xf32>,
    %swap3A_213 = vector.shape_cast %swap3A_212 : vector<16xf32> to vector<16xf32>
    %swap3A_214 = vector.shape_cast %broadcast_in_dim3A_210 : vector<16xf32> to vector<16xf32>
    tpu.vector_store %arg20[%swap3A_211], %swap3A_214 {strides = array<i32>} : memref<624xf32, #tpu.memory_space<vmem>>, vector<16xf32>,
    %broadcast_in_dim3A_215 = arith.constant 0.000000e+00 : f32
    %broadcast_in_dim3A_216 = vector.broadcast %broadcast_in_dim3A_215 : f32 to vector<16xf32>
    %swap3A_217 = arith.constant 496 : index
    %swap3A_218 = tpu.vector_load %arg20[%swap3A_217] {strides = array<i32>} : memref<624xf32, #tpu.memory_space<vmem>>, vector<16xf32>,
    %swap3A_219 = vector.shape_cast %swap3A_218 : vector<16xf32> to vector<16xf32>
    %swap3A_220 = vector.shape_cast %broadcast_in_dim3A_216 : vector<16xf32> to vector<16xf32>
    tpu.vector_store %arg20[%swap3A_217], %swap3A_220 {strides = array<i32>} : memref<624xf32, #tpu.memory_space<vmem>>, vector<16xf32>,
    %broadcast_in_dim3A_221 = arith.constant 0.000000e+00 : f32
    %broadcast_in_dim3A_222 = vector.broadcast %broadcast_in_dim3A_221 : f32 to vector<16xf32>
    %swap3A_223 = arith.constant 512 : index
    %swap3A_224 = tpu.vector_load %arg20[%swap3A_223] {strides = array<i32>} : memref<624xf32, #tpu.memory_space<vmem>>, vector<16xf32>,
    %swap3A_225 = vector.shape_cast %swap3A_224 : vector<16xf32> to vector<16xf32>
    %swap3A_226 = vector.shape_cast %broadcast_in_dim3A_222 : vector<16xf32> to vector<16xf32>
    tpu.vector_store %arg20[%swap3A_223], %swap3A_226 {strides = array<i32>} : memref<624xf32, #tpu.memory_space<vmem>>, vector<16xf32>,
    %broadcast_in_dim3A_227 = arith.constant 0.000000e+00 : f32
    %broadcast_in_dim3A_228 = vector.broadcast %broadcast_in_dim3A_227 : f32 to vector<16xf32>
    %swap3A_229 = arith.constant 528 : index
    %swap3A_230 = tpu.vector_load %arg20[%swap3A_229] {strides = array<i32>} : memref<624xf32, #tpu.memory_space<vmem>>, vector<16xf32>,
    %swap3A_231 = vector.shape_cast %swap3A_230 : vector<16xf32> to vector<16xf32>
    %swap3A_232 = vector.shape_cast %broadcast_in_dim3A_228 : vector<16xf32> to vector<16xf32>
    tpu.vector_store %arg20[%swap3A_229], %swap3A_232 {strides = array<i32>} : memref<624xf32, #tpu.memory_space<vmem>>, vector<16xf32>,
    %broadcast_in_dim3A_233 = arith.constant 0.000000e+00 : f32
    %broadcast_in_dim3A_234 = vector.broadcast %broadcast_in_dim3A_233 : f32 to vector<16xf32>
    %swap3A_235 = arith.constant 544 : index
    %swap3A_236 = tpu.vector_load %arg20[%swap3A_235] {strides = array<i32>} : memref<624xf32, #tpu.memory_space<vmem>>, vector<16xf32>,
    %swap3A_237 = vector.shape_cast %swap3A_236 : vector<16xf32> to vector<16xf32>
    %swap3A_238 = vector.shape_cast %broadcast_in_dim3A_234 : vector<16xf32> to vector<16xf32>
    tpu.vector_store %arg20[%swap3A_235], %swap3A_238 {strides = array<i32>} : memref<624xf32, #tpu.memory_space<vmem>>, vector<16xf32>,
    %broadcast_in_dim3A_239 = arith.constant 0.000000e+00 : f32
    %broadcast_in_dim3A_240 = vector.broadcast %broadcast_in_dim3A_239 : f32 to vector<16xf32>
    %swap3A_241 = arith.constant 560 : index
    %swap3A_242 = tpu.vector_load %arg20[%swap3A_241] {strides = array<i32>} : memref<624xf32, #tpu.memory_space<vmem>>, vector<16xf32>,
    %swap3A_243 = vector.shape_cast %swap3A_242 : vector<16xf32> to vector<16xf32>
    %swap3A_244 = vector.shape_cast %broadcast_in_dim3A_240 : vector<16xf32> to vector<16xf32>
    tpu.vector_store %arg20[%swap3A_241], %swap3A_244 {strides = array<i32>} : memref<624xf32, #tpu.memory_space<vmem>>, vector<16xf32>,
    %broadcast_in_dim3A_245 = arith.constant 0.000000e+00 : f32
    %broadcast_in_dim3A_246 = vector.broadcast %broadcast_in_dim3A_245 : f32 to vector<16xf32>
    %swap3A_247 = arith.constant 576 : index
    %swap3A_248 = tpu.vector_load %arg20[%swap3A_247] {strides = array<i32>} : memref<624xf32, #tpu.memory_space<vmem>>, vector<16xf32>,
    %swap3A_249 = vector.shape_cast %swap3A_248 : vector<16xf32> to vector<16xf32>
    %swap3A_250 = vector.shape_cast %broadcast_in_dim3A_246 : vector<16xf32> to vector<16xf32>
    tpu.vector_store %arg20[%swap3A_247], %swap3A_250 {strides = array<i32>} : memref<624xf32, #tpu.memory_space<vmem>>, vector<16xf32>,
    %broadcast_in_dim3A_251 = arith.constant 0.000000e+00 : f32
    %broadcast_in_dim3A_252 = vector.broadcast %broadcast_in_dim3A_251 : f32 to vector<16xf32>
    %swap3A_253 = arith.constant 592 : index
    %swap3A_254 = tpu.vector_load %arg20[%swap3A_253] {strides = array<i32>} : memref<624xf32, #tpu.memory_space<vmem>>, vector<16xf32>,
    %swap3A_255 = vector.shape_cast %swap3A_254 : vector<16xf32> to vector<16xf32>
    %swap3A_256 = vector.shape_cast %broadcast_in_dim3A_252 : vector<16xf32> to vector<16xf32>
    tpu.vector_store %arg20[%swap3A_253], %swap3A_256 {strides = array<i32>} : memref<624xf32, #tpu.memory_space<vmem>>, vector<16xf32>,
    %broadcast_in_dim3A_257 = arith.constant 0.000000e+00 : f32
    %broadcast_in_dim3A_258 = vector.broadcast %broadcast_in_dim3A_257 : f32 to vector<16xf32>
    %swap3A_259 = arith.constant 608 : index
    %swap3A_260 = tpu.vector_load %arg20[%swap3A_259] {strides = array<i32>} : memref<624xf32, #tpu.memory_space<vmem>>, vector<16xf32>,
    %swap3A_261 = vector.shape_cast %swap3A_260 : vector<16xf32> to vector<16xf32>
    %swap3A_262 = vector.shape_cast %broadcast_in_dim3A_258 : vector<16xf32> to vector<16xf32>
    tpu.vector_store %arg20[%swap3A_259], %swap3A_262 {strides = array<i32>} : memref<624xf32, #tpu.memory_space<vmem>>, vector<16xf32>,
    %mul3A_263 = arith.constant 624 : i32
    %mul3A_264 = arith.muli %arg1, %mul3A_263 : i32
    %mul3A_265 = arith.constant 624 : i32
    %mul3A_266 = arith.muli %arg1, %mul3A_265 : i32
    "tpu.region"() ({
      %run_scoped3A = tpu.sem_alloc : memref<!tpu.dma_semaphore, #tpu.memory_space<semaphore_mem>>
      %dma_start3A_450 = arith.constant 0 : i32
      %dma_start3A_451 = tpu.memref_slice %arg21[%mul3A_266, %dma_start3A_450] : memref<10000x128xf32, #tpu.memory_space<vmem_shared>> -> memref<624x128xf32, #tpu.memory_space<vmem_shared>>
      %dma_start3A_452 = arith.constant 0 : i32
      %dma_start3A_453 = tpu.memref_slice %arg5[%mul3A_264, %dma_start3A_452] : memref<10000x128xf32, #tpu.memory_space<hbm>> -> memref<624x128xf32, #tpu.memory_space<hbm>>
      tpu.enqueue_dma source(%dma_start3A_453 : memref<624x128xf32, #tpu.memory_space<hbm>>) target(%dma_start3A_451 : memref<624x128xf32, #tpu.memory_space<vmem_shared>>) target_semaphore(%run_scoped3A : memref<!tpu.dma_semaphore, #tpu.memory_space<semaphore_mem>>)
      %dma_wait3A_454 = arith.constant 0 : i32
      %dma_wait3A_455 = tpu.memref_slice %arg21[%mul3A_266, %dma_wait3A_454] : memref<10000x128xf32, #tpu.memory_space<vmem_shared>> -> memref<624x128xf32, #tpu.memory_space<vmem_shared>>
      %dma_wait3A_456 = arith.constant 0 : i32
      %dma_wait3A_457 = tpu.memref_slice %arg5[%mul3A_264, %dma_wait3A_456] : memref<10000x128xf32, #tpu.memory_space<hbm>> -> memref<624x128xf32, #tpu.memory_space<hbm>>
      tpu.wait_dma2 semaphore(%run_scoped3A : memref<!tpu.dma_semaphore, #tpu.memory_space<semaphore_mem>>) src(%dma_wait3A_457 : memref<624x128xf32, #tpu.memory_space<hbm>>) dst(%dma_wait3A_455 : memref<624x128xf32, #tpu.memory_space<vmem_shared>>)
      tpu.yield
    }) : () -> ()
    %mul3A_267 = arith.constant 624 : i32
    %mul3A_268 = arith.muli %arg1, %mul3A_267 : i32
    "tpu.region"() ({
      %run_scoped3A = tpu.sem_alloc : memref<!tpu.dma_semaphore, #tpu.memory_space<semaphore_mem>>
      %dma_start3A_450 = tpu.memref_slice %arg22[%mul3A_268] : memref<10000xf32, #tpu.memory_space<vmem_shared>> -> memref<624xf32, #tpu.memory_space<vmem_shared>>
      %dma_start3A_451 = tpu.memref_slice %arg22[%mul3A_268] : memref<10000xf32, #tpu.memory_space<vmem_shared>> -> memref<624xf32, #tpu.memory_space<vmem_shared>>
      tpu.enqueue_dma source(%arg20 : memref<624xf32, #tpu.memory_space<vmem>>) target(%dma_start3A_451 : memref<624xf32, #tpu.memory_space<vmem_shared>>) target_semaphore(%run_scoped3A : memref<!tpu.dma_semaphore, #tpu.memory_space<semaphore_mem>>)
      %dma_wait3A_452 = tpu.memref_slice %arg22[%mul3A_268] : memref<10000xf32, #tpu.memory_space<vmem_shared>> -> memref<624xf32, #tpu.memory_space<vmem_shared>>
      %dma_wait3A_453 = tpu.memref_slice %arg22[%mul3A_268] : memref<10000xf32, #tpu.memory_space<vmem_shared>> -> memref<624xf32, #tpu.memory_space<vmem_shared>>
      tpu.wait_dma2 semaphore(%run_scoped3A : memref<!tpu.dma_semaphore, #tpu.memory_space<semaphore_mem>>) src(%arg20 : memref<624xf32, #tpu.memory_space<vmem>>) dst(%dma_wait3A_453 : memref<624xf32, #tpu.memory_space<vmem_shared>>)
      tpu.yield
    }) : () -> ()
    %eq3A = arith.constant 0 : i32
    %eq3A_269 = arith.cmpi eq, %arg1, %eq3A : i32
    %convert_element_type3A = arith.extui %eq3A_269 : i1 to i32
    %cond3A = arith.constant 0 : i32
    %cond3A_270 = arith.cmpi ne, %convert_element_type3A, %cond3A : i32
    scf.if %cond3A_270 {
      "tpu.region"() ({
        %run_scoped3A = tpu.sem_alloc : memref<!tpu.dma_semaphore, #tpu.memory_space<semaphore_mem>>
        %dma_start3A_450 = arith.constant 9984 : i32
        %dma_start3A_451 = arith.constant 0 : i32
        %dma_start3A_452 = tpu.memref_slice %arg21[%dma_start3A_450, %dma_start3A_451] : memref<10000x128xf32, #tpu.memory_space<vmem_shared>> -> memref<16x128xf32, #tpu.memory_space<vmem_shared>>
        %dma_start3A_453 = arith.constant 9984 : i32
        %dma_start3A_454 = arith.constant 0 : i32
        %dma_start3A_455 = tpu.memref_slice %arg5[%dma_start3A_453, %dma_start3A_454] : memref<10000x128xf32, #tpu.memory_space<hbm>> -> memref<16x128xf32, #tpu.memory_space<hbm>>
        tpu.enqueue_dma source(%dma_start3A_455 : memref<16x128xf32, #tpu.memory_space<hbm>>) target(%dma_start3A_452 : memref<16x128xf32, #tpu.memory_space<vmem_shared>>) target_semaphore(%run_scoped3A : memref<!tpu.dma_semaphore, #tpu.memory_space<semaphore_mem>>)
        %dma_wait3A_456 = arith.constant 9984 : i32
        %dma_wait3A_457 = arith.constant 0 : i32
        %dma_wait3A_458 = tpu.memref_slice %arg21[%dma_wait3A_456, %dma_wait3A_457] : memref<10000x128xf32, #tpu.memory_space<vmem_shared>> -> memref<16x128xf32, #tpu.memory_space<vmem_shared>>
        %dma_wait3A_459 = arith.constant 9984 : i32
        %dma_wait3A_460 = arith.constant 0 : i32
        %dma_wait3A_461 = tpu.memref_slice %arg5[%dma_wait3A_459, %dma_wait3A_460] : memref<10000x128xf32, #tpu.memory_space<hbm>> -> memref<16x128xf32, #tpu.memory_space<hbm>>
        tpu.wait_dma2 semaphore(%run_scoped3A : memref<!tpu.dma_semaphore, #tpu.memory_space<semaphore_mem>>) src(%dma_wait3A_461 : memref<16x128xf32, #tpu.memory_space<hbm>>) dst(%dma_wait3A_458 : memref<16x128xf32, #tpu.memory_space<vmem_shared>>)
        tpu.yield
      }) : () -> ()
      "tpu.region"() ({
        %run_scoped3A = tpu.sem_alloc : memref<!tpu.dma_semaphore, #tpu.memory_space<semaphore_mem>>
        %dma_start3A_450 = arith.constant 0 : i32
        %dma_start3A_451 = tpu.memref_slice %arg20[%dma_start3A_450] : memref<624xf32, #tpu.memory_space<vmem>> -> memref<16xf32, #tpu.memory_space<vmem>>
        %dma_start3A_452 = arith.constant 9984 : i32
        %dma_start3A_453 = tpu.memref_slice %arg22[%dma_start3A_452] : memref<10000xf32, #tpu.memory_space<vmem_shared>> -> memref<16xf32, #tpu.memory_space<vmem_shared>>
        %dma_start3A_454 = arith.constant 9984 : i32
        %dma_start3A_455 = tpu.memref_slice %arg22[%dma_start3A_454] : memref<10000xf32, #tpu.memory_space<vmem_shared>> -> memref<16xf32, #tpu.memory_space<vmem_shared>>
        %dma_start3A_456 = arith.constant 0 : i32
        %dma_start3A_457 = tpu.memref_slice %arg20[%dma_start3A_456] : memref<624xf32, #tpu.memory_space<vmem>> -> memref<16xf32, #tpu.memory_space<vmem>>
        tpu.enqueue_dma source(%dma_start3A_457 : memref<16xf32, #tpu.memory_space<vmem>>) target(%dma_start3A_455 : memref<16xf32, #tpu.memory_space<vmem_shared>>) target_semaphore(%run_scoped3A : memref<!tpu.dma_semaphore, #tpu.memory_space<semaphore_mem>>)
        %dma_wait3A_458 = arith.constant 0 : i32
        %dma_wait3A_459 = tpu.memref_slice %arg20[%dma_wait3A_458] : memref<624xf32, #tpu.memory_space<vmem>> -> memref<16xf32, #tpu.memory_space<vmem>>
        %dma_wait3A_460 = arith.constant 9984 : i32
        %dma_wait3A_461 = tpu.memref_slice %arg22[%dma_wait3A_460] : memref<10000xf32, #tpu.memory_space<vmem_shared>> -> memref<16xf32, #tpu.memory_space<vmem_shared>>
        %dma_wait3A_462 = arith.constant 9984 : i32
        %dma_wait3A_463 = tpu.memref_slice %arg22[%dma_wait3A_462] : memref<10000xf32, #tpu.memory_space<vmem_shared>> -> memref<16xf32, #tpu.memory_space<vmem_shared>>
        %dma_wait3A_464 = arith.constant 0 : i32
        %dma_wait3A_465 = tpu.memref_slice %arg20[%dma_wait3A_464] : memref<624xf32, #tpu.memory_space<vmem>> -> memref<16xf32, #tpu.memory_space<vmem>>
        tpu.wait_dma2 semaphore(%run_scoped3A : memref<!tpu.dma_semaphore, #tpu.memory_space<semaphore_mem>>) src(%dma_wait3A_465 : memref<16xf32, #tpu.memory_space<vmem>>) dst(%dma_wait3A_463 : memref<16xf32, #tpu.memory_space<vmem_shared>>)
        tpu.yield
      }) : () -> ()
    } else {
    }
    %mul3A_271 = arith.constant 160 : i32
    %mul3A_272 = arith.muli %add3A, %mul3A_271 : i32
    %add3A_273 = arith.constant 0 : i32
    %add3A_274 = arith.addi %mul3A_272, %add3A_273 : i32
    %dma_start3A = arith.constant 0 : i32
    %dma_start3A_275 = arith.constant 0 : i32
    %dma_start3A_276 = tpu.memref_slice %arg9[%dma_start3A, %dma_start3A_275] : memref<2x80xi32, #tpu.memory_space<vmem>> -> memref<1x80xi32, #tpu.memory_space<vmem>>
    %dma_start3A_277 = tpu.memref_squeeze %dma_start3A_276 : memref<1x80xi32, #tpu.memory_space<vmem>> -> memref<80xi32, #tpu.memory_space<vmem>>
    %dma_start3A_278 = tpu.memref_slice %arg3[%add3A_274] : memref<320000xi32, #tpu.memory_space<hbm>> -> memref<80xi32, #tpu.memory_space<hbm>>
    %dma_start3A_279 = arith.constant 0 : i32
    %dma_start3A_280 = tpu.memref_slice %arg9[%dma_start3A, %dma_start3A_279] : memref<2x80xi32, #tpu.memory_space<vmem>> -> memref<1x80xi32, #tpu.memory_space<vmem>>
    %dma_start3A_281 = tpu.memref_squeeze %dma_start3A_280 : memref<1x80xi32, #tpu.memory_space<vmem>> -> memref<80xi32, #tpu.memory_space<vmem>>
    %dma_start3A_282 = tpu.memref_slice %arg3[%add3A_274] : memref<320000xi32, #tpu.memory_space<hbm>> -> memref<80xi32, #tpu.memory_space<hbm>>
    tpu.enqueue_dma source(%dma_start3A_282 : memref<80xi32, #tpu.memory_space<hbm>>) target(%dma_start3A_281 : memref<80xi32, #tpu.memory_space<vmem>>) target_semaphore(%arg23 : memref<!tpu.dma_semaphore, #tpu.memory_space<semaphore_mem>>)
    %dma_start3A_283 = arith.constant 0 : i32
    %dma_start3A_284 = arith.constant 0 : i32
    %dma_start3A_285 = tpu.memref_slice %arg13[%dma_start3A_283, %dma_start3A_284] : memref<2x80xi32, #tpu.memory_space<vmem>> -> memref<1x80xi32, #tpu.memory_space<vmem>>
    %dma_start3A_286 = tpu.memref_squeeze %dma_start3A_285 : memref<1x80xi32, #tpu.memory_space<vmem>> -> memref<80xi32, #tpu.memory_space<vmem>>
    %dma_start3A_287 = tpu.memref_slice %arg4[%add3A_274] : memref<320000xi32, #tpu.memory_space<hbm>> -> memref<80xi32, #tpu.memory_space<hbm>>
    %dma_start3A_288 = arith.constant 0 : i32
    %dma_start3A_289 = tpu.memref_slice %arg13[%dma_start3A_283, %dma_start3A_288] : memref<2x80xi32, #tpu.memory_space<vmem>> -> memref<1x80xi32, #tpu.memory_space<vmem>>
    %dma_start3A_290 = tpu.memref_squeeze %dma_start3A_289 : memref<1x80xi32, #tpu.memory_space<vmem>> -> memref<80xi32, #tpu.memory_space<vmem>>
    %dma_start3A_291 = tpu.memref_slice %arg4[%add3A_274] : memref<320000xi32, #tpu.memory_space<hbm>> -> memref<80xi32, #tpu.memory_space<hbm>>
    tpu.enqueue_dma source(%dma_start3A_291 : memref<80xi32, #tpu.memory_space<hbm>>) target(%dma_start3A_290 : memref<80xi32, #tpu.memory_space<vmem>>) target_semaphore(%arg23 : memref<!tpu.dma_semaphore, #tpu.memory_space<semaphore_mem>>)
    %mul3A_292 = arith.constant 160 : i32
    %mul3A_293 = arith.muli %add3A, %mul3A_292 : i32
    %add3A_294 = arith.constant 80 : i32
    %add3A_295 = arith.addi %mul3A_293, %add3A_294 : i32
    %dma_start3A_296 = arith.constant 1 : i32
    %dma_start3A_297 = arith.constant 0 : i32
    %dma_start3A_298 = tpu.memref_slice %arg9[%dma_start3A_296, %dma_start3A_297] : memref<2x80xi32, #tpu.memory_space<vmem>> -> memref<1x80xi32, #tpu.memory_space<vmem>>
    %dma_start3A_299 = tpu.memref_squeeze %dma_start3A_298 : memref<1x80xi32, #tpu.memory_space<vmem>> -> memref<80xi32, #tpu.memory_space<vmem>>
    %dma_start3A_300 = tpu.memref_slice %arg3[%add3A_295] : memref<320000xi32, #tpu.memory_space<hbm>> -> memref<80xi32, #tpu.memory_space<hbm>>
    %dma_start3A_301 = arith.constant 0 : i32
    %dma_start3A_302 = tpu.memref_slice %arg9[%dma_start3A_296, %dma_start3A_301] : memref<2x80xi32, #tpu.memory_space<vmem>> -> memref<1x80xi32, #tpu.memory_space<vmem>>
    %dma_start3A_303 = tpu.memref_squeeze %dma_start3A_302 : memref<1x80xi32, #tpu.memory_space<vmem>> -> memref<80xi32, #tpu.memory_space<vmem>>
    %dma_start3A_304 = tpu.memref_slice %arg3[%add3A_295] : memref<320000xi32, #tpu.memory_space<hbm>> -> memref<80xi32, #tpu.memory_space<hbm>>
    tpu.enqueue_dma source(%dma_start3A_304 : memref<80xi32, #tpu.memory_space<hbm>>) target(%dma_start3A_303 : memref<80xi32, #tpu.memory_space<vmem>>) target_semaphore(%arg23 : memref<!tpu.dma_semaphore, #tpu.memory_space<semaphore_mem>>)
    %dma_start3A_305 = arith.constant 1 : i32
    %dma_start3A_306 = arith.constant 0 : i32
    %dma_start3A_307 = tpu.memref_slice %arg13[%dma_start3A_305, %dma_start3A_306] : memref<2x80xi32, #tpu.memory_space<vmem>> -> memref<1x80xi32, #tpu.memory_space<vmem>>
    %dma_start3A_308 = tpu.memref_squeeze %dma_start3A_307 : memref<1x80xi32, #tpu.memory_space<vmem>> -> memref<80xi32, #tpu.memory_space<vmem>>
    %dma_start3A_309 = tpu.memref_slice %arg4[%add3A_295] : memref<320000xi32, #tpu.memory_space<hbm>> -> memref<80xi32, #tpu.memory_space<hbm>>
    %dma_start3A_310 = arith.constant 0 : i32
    %dma_start3A_311 = tpu.memref_slice %arg13[%dma_start3A_305, %dma_start3A_310] : memref<2x80xi32, #tpu.memory_space<vmem>> -> memref<1x80xi32, #tpu.memory_space<vmem>>
    %dma_start3A_312 = tpu.memref_squeeze %dma_start3A_311 : memref<1x80xi32, #tpu.memory_space<vmem>> -> memref<80xi32, #tpu.memory_space<vmem>>
    %dma_start3A_313 = tpu.memref_slice %arg4[%add3A_295] : memref<320000xi32, #tpu.memory_space<hbm>> -> memref<80xi32, #tpu.memory_space<hbm>>
    tpu.enqueue_dma source(%dma_start3A_313 : memref<80xi32, #tpu.memory_space<hbm>>) target(%dma_start3A_312 : memref<80xi32, #tpu.memory_space<vmem>>) target_semaphore(%arg23 : memref<!tpu.dma_semaphore, #tpu.memory_space<semaphore_mem>>)
    %add3A_314 = arith.constant 32 : i32
    %add3A_315 = arith.addi %add3A, %add3A_314 : i32
    %mul3A_316 = arith.constant 160 : i32
    %mul3A_317 = arith.muli %add3A_315, %mul3A_316 : i32
    %add3A_318 = arith.constant 0 : i32
    %add3A_319 = arith.addi %mul3A_317, %add3A_318 : i32
    %dma_start3A_320 = arith.constant 0 : i32
    %dma_start3A_321 = arith.constant 0 : i32
    %dma_start3A_322 = tpu.memref_slice %arg10[%dma_start3A_320, %dma_start3A_321] : memref<2x80xi32, #tpu.memory_space<vmem>> -> memref<1x80xi32, #tpu.memory_space<vmem>>
    %dma_start3A_323 = tpu.memref_squeeze %dma_start3A_322 : memref<1x80xi32, #tpu.memory_space<vmem>> -> memref<80xi32, #tpu.memory_space<vmem>>
    %dma_start3A_324 = tpu.memref_slice %arg3[%add3A_319] : memref<320000xi32, #tpu.memory_space<hbm>> -> memref<80xi32, #tpu.memory_space<hbm>>
    %dma_start3A_325 = arith.constant 0 : i32
    %dma_start3A_326 = tpu.memref_slice %arg10[%dma_start3A_320, %dma_start3A_325] : memref<2x80xi32, #tpu.memory_space<vmem>> -> memref<1x80xi32, #tpu.memory_space<vmem>>
    %dma_start3A_327 = tpu.memref_squeeze %dma_start3A_326 : memref<1x80xi32, #tpu.memory_space<vmem>> -> memref<80xi32, #tpu.memory_space<vmem>>
    %dma_start3A_328 = tpu.memref_slice %arg3[%add3A_319] : memref<320000xi32, #tpu.memory_space<hbm>> -> memref<80xi32, #tpu.memory_space<hbm>>
    tpu.enqueue_dma source(%dma_start3A_328 : memref<80xi32, #tpu.memory_space<hbm>>) target(%dma_start3A_327 : memref<80xi32, #tpu.memory_space<vmem>>) target_semaphore(%arg24 : memref<!tpu.dma_semaphore, #tpu.memory_space<semaphore_mem>>)
    %dma_start3A_329 = arith.constant 0 : i32
    %dma_start3A_330 = arith.constant 0 : i32
    %dma_start3A_331 = tpu.memref_slice %arg14[%dma_start3A_329, %dma_start3A_330] : memref<2x80xi32, #tpu.memory_space<vmem>> -> memref<1x80xi32, #tpu.memory_space<vmem>>
    %dma_start3A_332 = tpu.memref_squeeze %dma_start3A_331 : memref<1x80xi32, #tpu.memory_space<vmem>> -> memref<80xi32, #tpu.memory_space<vmem>>
    %dma_start3A_333 = tpu.memref_slice %arg4[%add3A_319] : memref<320000xi32, #tpu.memory_space<hbm>> -> memref<80xi32, #tpu.memory_space<hbm>>
    %dma_start3A_334 = arith.constant 0 : i32
    %dma_start3A_335 = tpu.memref_slice %arg14[%dma_start3A_329, %dma_start3A_334] : memref<2x80xi32, #tpu.memory_space<vmem>> -> memref<1x80xi32, #tpu.memory_space<vmem>>
    %dma_start3A_336 = tpu.memref_squeeze %dma_start3A_335 : memref<1x80xi32, #tpu.memory_space<vmem>> -> memref<80xi32, #tpu.memory_space<vmem>>
    %dma_start3A_337 = tpu.memref_slice %arg4[%add3A_319] : memref<320000xi32, #tpu.memory_space<hbm>> -> memref<80xi32, #tpu.memory_space<hbm>>
    tpu.enqueue_dma source(%dma_start3A_337 : memref<80xi32, #tpu.memory_space<hbm>>) target(%dma_start3A_336 : memref<80xi32, #tpu.memory_space<vmem>>) target_semaphore(%arg24 : memref<!tpu.dma_semaphore, #tpu.memory_space<semaphore_mem>>)
    %mul3A_338 = arith.constant 160 : i32
    %mul3A_339 = arith.muli %add3A_315, %mul3A_338 : i32
    %add3A_340 = arith.constant 80 : i32
    %add3A_341 = arith.addi %mul3A_339, %add3A_340 : i32
    %dma_start3A_342 = arith.constant 1 : i32
    %dma_start3A_343 = arith.constant 0 : i32
    %dma_start3A_344 = tpu.memref_slice %arg10[%dma_start3A_342, %dma_start3A_343] : memref<2x80xi32, #tpu.memory_space<vmem>> -> memref<1x80xi32, #tpu.memory_space<vmem>>
    %dma_start3A_345 = tpu.memref_squeeze %dma_start3A_344 : memref<1x80xi32, #tpu.memory_space<vmem>> -> memref<80xi32, #tpu.memory_space<vmem>>
    %dma_start3A_346 = tpu.memref_slice %arg3[%add3A_341] : memref<320000xi32, #tpu.memory_space<hbm>> -> memref<80xi32, #tpu.memory_space<hbm>>
    %dma_start3A_347 = arith.constant 0 : i32
    %dma_start3A_348 = tpu.memref_slice %arg10[%dma_start3A_342, %dma_start3A_347] : memref<2x80xi32, #tpu.memory_space<vmem>> -> memref<1x80xi32, #tpu.memory_space<vmem>>
    %dma_start3A_349 = tpu.memref_squeeze %dma_start3A_348 : memref<1x80xi32, #tpu.memory_space<vmem>> -> memref<80xi32, #tpu.memory_space<vmem>>
    %dma_start3A_350 = tpu.memref_slice %arg3[%add3A_341] : memref<320000xi32, #tpu.memory_space<hbm>> -> memref<80xi32, #tpu.memory_space<hbm>>
    tpu.enqueue_dma source(%dma_start3A_350 : memref<80xi32, #tpu.memory_space<hbm>>) target(%dma_start3A_349 : memref<80xi32, #tpu.memory_space<vmem>>) target_semaphore(%arg24 : memref<!tpu.dma_semaphore, #tpu.memory_space<semaphore_mem>>)
    %dma_start3A_351 = arith.constant 1 : i32
    %dma_start3A_352 = arith.constant 0 : i32
    %dma_start3A_353 = tpu.memref_slice %arg14[%dma_start3A_351, %dma_start3A_352] : memref<2x80xi32, #tpu.memory_space<vmem>> -> memref<1x80xi32, #tpu.memory_space<vmem>>
    %dma_start3A_354 = tpu.memref_squeeze %dma_start3A_353 : memref<1x80xi32, #tpu.memory_space<vmem>> -> memref<80xi32, #tpu.memory_space<vmem>>
    %dma_start3A_355 = tpu.memref_slice %arg4[%add3A_341] : memref<320000xi32, #tpu.memory_space<hbm>> -> memref<80xi32, #tpu.memory_space<hbm>>
    %dma_start3A_356 = arith.constant 0 : i32
    %dma_start3A_357 = tpu.memref_slice %arg14[%dma_start3A_351, %dma_start3A_356] : memref<2x80xi32, #tpu.memory_space<vmem>> -> memref<1x80xi32, #tpu.memory_space<vmem>>
    %dma_start3A_358 = tpu.memref_squeeze %dma_start3A_357 : memref<1x80xi32, #tpu.memory_space<vmem>> -> memref<80xi32, #tpu.memory_space<vmem>>
    %dma_start3A_359 = tpu.memref_slice %arg4[%add3A_341] : memref<320000xi32, #tpu.memory_space<hbm>> -> memref<80xi32, #tpu.memory_space<hbm>>
    tpu.enqueue_dma source(%dma_start3A_359 : memref<80xi32, #tpu.memory_space<hbm>>) target(%dma_start3A_358 : memref<80xi32, #tpu.memory_space<vmem>>) target_semaphore(%arg24 : memref<!tpu.dma_semaphore, #tpu.memory_space<semaphore_mem>>)
    %barrier3A = arith.constant 0 : index
    tpu.barrier barrier_id(%barrier3A)
    %scan3A = arith.constant 0 : i32
    %scan3A_360 = arith.constant 0 : i32
    %scan3A_361 = arith.constant 16 : i32
    %scan3A_362 = arith.addi %scan3A_360, %scan3A_361 : i32
    %scan3A_363 = arith.constant 1 : i32
    scf.for %scan3A_450 = %scan3A_360 to %scan3A_362 step %scan3A_363  : i32 {
      %mul3A_451 = arith.constant 4 : i32
      %mul3A_452 = arith.muli %scan3A_450, %mul3A_451 : i32
      %add3A_453 = arith.constant 0 : i32
      %add3A_454 = arith.addi %mul3A_452, %add3A_453 : i32
      %mul3A_455 = arith.constant 32 : i32
      %mul3A_456 = arith.muli %add3A_454, %mul3A_455 : i32
      %add3A_457 = arith.addi %add3A, %mul3A_456 : i32
      %lt3A = arith.constant 2000 : i32
      %lt3A_458 = arith.cmpi slt, %add3A_457, %lt3A : i32
      %convert_element_type3A_459 = arith.extui %lt3A_458 : i1 to i32
      %cond3A_460 = arith.constant 0 : i32
      %cond3A_461 = arith.cmpi ne, %convert_element_type3A_459, %cond3A_460 : i32
      scf.if %cond3A_461 {
        %mul3A_498 = arith.constant 160 : i32
        %mul3A_499 = arith.muli %add3A_457, %mul3A_498 : i32
        %add3A_500 = arith.constant 0 : i32
        %add3A_501 = arith.addi %mul3A_499, %add3A_500 : i32
        %dma_wait3A_502 = arith.constant 0 : i32
        %dma_wait3A_503 = arith.constant 0 : i32
        %dma_wait3A_504 = tpu.memref_slice %arg9[%dma_wait3A_502, %dma_wait3A_503] : memref<2x80xi32, #tpu.memory_space<vmem>> -> memref<1x80xi32, #tpu.memory_space<vmem>>
        %dma_wait3A_505 = tpu.memref_squeeze %dma_wait3A_504 : memref<1x80xi32, #tpu.memory_space<vmem>> -> memref<80xi32, #tpu.memory_space<vmem>>
        %dma_wait3A_506 = tpu.memref_slice %arg3[%add3A_501] : memref<320000xi32, #tpu.memory_space<hbm>> -> memref<80xi32, #tpu.memory_space<hbm>>
        %dma_wait3A_507 = arith.constant 0 : i32
        %dma_wait3A_508 = tpu.memref_slice %arg9[%dma_wait3A_502, %dma_wait3A_507] : memref<2x80xi32, #tpu.memory_space<vmem>> -> memref<1x80xi32, #tpu.memory_space<vmem>>
        %dma_wait3A_509 = tpu.memref_squeeze %dma_wait3A_508 : memref<1x80xi32, #tpu.memory_space<vmem>> -> memref<80xi32, #tpu.memory_space<vmem>>
        %dma_wait3A_510 = tpu.memref_slice %arg3[%add3A_501] : memref<320000xi32, #tpu.memory_space<hbm>> -> memref<80xi32, #tpu.memory_space<hbm>>
        tpu.wait_dma2 semaphore(%arg23 : memref<!tpu.dma_semaphore, #tpu.memory_space<semaphore_mem>>) src(%dma_wait3A_510 : memref<80xi32, #tpu.memory_space<hbm>>) dst(%dma_wait3A_509 : memref<80xi32, #tpu.memory_space<vmem>>)
        %dma_wait3A_511 = arith.constant 0 : i32
        %dma_wait3A_512 = arith.constant 0 : i32
        %dma_wait3A_513 = tpu.memref_slice %arg13[%dma_wait3A_511, %dma_wait3A_512] : memref<2x80xi32, #tpu.memory_space<vmem>> -> memref<1x80xi32, #tpu.memory_space<vmem>>
        %dma_wait3A_514 = tpu.memref_squeeze %dma_wait3A_513 : memref<1x80xi32, #tpu.memory_space<vmem>> -> memref<80xi32, #tpu.memory_space<vmem>>
        %dma_wait3A_515 = tpu.memref_slice %arg4[%add3A_501] : memref<320000xi32, #tpu.memory_space<hbm>> -> memref<80xi32, #tpu.memory_space<hbm>>
        %dma_wait3A_516 = arith.constant 0 : i32
        %dma_wait3A_517 = tpu.memref_slice %arg13[%dma_wait3A_511, %dma_wait3A_516] : memref<2x80xi32, #tpu.memory_space<vmem>> -> memref<1x80xi32, #tpu.memory_space<vmem>>
        %dma_wait3A_518 = tpu.memref_squeeze %dma_wait3A_517 : memref<1x80xi32, #tpu.memory_space<vmem>> -> memref<80xi32, #tpu.memory_space<vmem>>
        %dma_wait3A_519 = tpu.memref_slice %arg4[%add3A_501] : memref<320000xi32, #tpu.memory_space<hbm>> -> memref<80xi32, #tpu.memory_space<hbm>>
        tpu.wait_dma2 semaphore(%arg23 : memref<!tpu.dma_semaphore, #tpu.memory_space<semaphore_mem>>) src(%dma_wait3A_519 : memref<80xi32, #tpu.memory_space<hbm>>) dst(%dma_wait3A_518 : memref<80xi32, #tpu.memory_space<vmem>>)
        %mul3A_520 = arith.constant 160 : i32
        %mul3A_521 = arith.muli %add3A_457, %mul3A_520 : i32
        %add3A_522 = arith.constant 80 : i32
        %add3A_523 = arith.addi %mul3A_521, %add3A_522 : i32
        %dma_wait3A_524 = arith.constant 1 : i32
        %dma_wait3A_525 = arith.constant 0 : i32
        %dma_wait3A_526 = tpu.memref_slice %arg9[%dma_wait3A_524, %dma_wait3A_525] : memref<2x80xi32, #tpu.memory_space<vmem>> -> memref<1x80xi32, #tpu.memory_space<vmem>>
        %dma_wait3A_527 = tpu.memref_squeeze %dma_wait3A_526 : memref<1x80xi32, #tpu.memory_space<vmem>> -> memref<80xi32, #tpu.memory_space<vmem>>
        %dma_wait3A_528 = tpu.memref_slice %arg3[%add3A_523] : memref<320000xi32, #tpu.memory_space<hbm>> -> memref<80xi32, #tpu.memory_space<hbm>>
        %dma_wait3A_529 = arith.constant 0 : i32
        %dma_wait3A_530 = tpu.memref_slice %arg9[%dma_wait3A_524, %dma_wait3A_529] : memref<2x80xi32, #tpu.memory_space<vmem>> -> memref<1x80xi32, #tpu.memory_space<vmem>>
        %dma_wait3A_531 = tpu.memref_squeeze %dma_wait3A_530 : memref<1x80xi32, #tpu.memory_space<vmem>> -> memref<80xi32, #tpu.memory_space<vmem>>
        %dma_wait3A_532 = tpu.memref_slice %arg3[%add3A_523] : memref<320000xi32, #tpu.memory_space<hbm>> -> memref<80xi32, #tpu.memory_space<hbm>>
        tpu.wait_dma2 semaphore(%arg23 : memref<!tpu.dma_semaphore, #tpu.memory_space<semaphore_mem>>) src(%dma_wait3A_532 : memref<80xi32, #tpu.memory_space<hbm>>) dst(%dma_wait3A_531 : memref<80xi32, #tpu.memory_space<vmem>>)
        %dma_wait3A_533 = arith.constant 1 : i32
        %dma_wait3A_534 = arith.constant 0 : i32
        %dma_wait3A_535 = tpu.memref_slice %arg13[%dma_wait3A_533, %dma_wait3A_534] : memref<2x80xi32, #tpu.memory_space<vmem>> -> memref<1x80xi32, #tpu.memory_space<vmem>>
        %dma_wait3A_536 = tpu.memref_squeeze %dma_wait3A_535 : memref<1x80xi32, #tpu.memory_space<vmem>> -> memref<80xi32, #tpu.memory_space<vmem>>
        %dma_wait3A_537 = tpu.memref_slice %arg4[%add3A_523] : memref<320000xi32, #tpu.memory_space<hbm>> -> memref<80xi32, #tpu.memory_space<hbm>>
        %dma_wait3A_538 = arith.constant 0 : i32
        %dma_wait3A_539 = tpu.memref_slice %arg13[%dma_wait3A_533, %dma_wait3A_538] : memref<2x80xi32, #tpu.memory_space<vmem>> -> memref<1x80xi32, #tpu.memory_space<vmem>>
        %dma_wait3A_540 = tpu.memref_squeeze %dma_wait3A_539 : memref<1x80xi32, #tpu.memory_space<vmem>> -> memref<80xi32, #tpu.memory_space<vmem>>
        %dma_wait3A_541 = tpu.memref_slice %arg4[%add3A_523] : memref<320000xi32, #tpu.memory_space<hbm>> -> memref<80xi32, #tpu.memory_space<hbm>>
        tpu.wait_dma2 semaphore(%arg23 : memref<!tpu.dma_semaphore, #tpu.memory_space<semaphore_mem>>) src(%dma_wait3A_541 : memref<80xi32, #tpu.memory_space<hbm>>) dst(%dma_wait3A_540 : memref<80xi32, #tpu.memory_space<vmem>>)
        %ge3A = arith.constant 2 : i32
        %ge3A_542 = arith.cmpi sge, %add3A_454, %ge3A : i32
        %convert_element_type3A_543 = arith.extui %ge3A_542 : i1 to i32
        %cond3A_544 = arith.constant 0 : i32
        %cond3A_545 = arith.cmpi ne, %convert_element_type3A_543, %cond3A_544 : i32
        scf.if %cond3A_545 {
          %dma_wait3A_625 = arith.constant 0 : i32
          %dma_wait3A_626 = arith.constant 0 : i32
          %dma_wait3A_627 = arith.constant 0 : i32
          %dma_wait3A_628 = tpu.memref_slice %arg17[%dma_wait3A_626, %dma_wait3A_627] : memref<160x128xf32, #tpu.memory_space<vmem>> -> memref<80x128xf32, #tpu.memory_space<vmem>>
          %dma_wait3A_629 = arith.constant 0 : i32
          %dma_wait3A_630 = tpu.memref_slice %arg13[%dma_wait3A_625, %dma_wait3A_629] : memref<2x80xi32, #tpu.memory_space<vmem>> -> memref<1x80xi32, #tpu.memory_space<vmem>>
          %dma_wait3A_631 = tpu.memref_squeeze %dma_wait3A_630 : memref<1x80xi32, #tpu.memory_space<vmem>> -> memref<80xi32, #tpu.memory_space<vmem>>
          %dma_wait3A_632 = arith.constant 0 : i32
          %dma_wait3A_633 = arith.constant 0 : i32
          %dma_wait3A_634 = tpu.memref_slice %arg21[%dma_wait3A_632, %dma_wait3A_633] : memref<10000x128xf32, #tpu.memory_space<vmem_shared>> -> memref<10000x128xf32, #tpu.memory_space<vmem_shared>>
          tpu.wait_indirect_dma semaphore(%arg31 : memref<!tpu.dma_semaphore, #tpu.memory_space<semaphore_mem>>) src(%dma_wait3A_628 : memref<80x128xf32, #tpu.memory_space<vmem>>) dst(%dma_wait3A_634 : memref<10000x128xf32, #tpu.memory_space<vmem_shared>>)
          %dma_wait3A_635 = arith.constant 0 : i32
          %dma_wait3A_636 = arith.constant 0 : i32
          %dma_wait3A_637 = tpu.memref_slice %arg13[%dma_wait3A_635, %dma_wait3A_636] : memref<2x80xi32, #tpu.memory_space<vmem>> -> memref<1x80xi32, #tpu.memory_space<vmem>>
          %dma_wait3A_638 = tpu.memref_squeeze %dma_wait3A_637 : memref<1x80xi32, #tpu.memory_space<vmem>> -> memref<80xi32, #tpu.memory_space<vmem>>
          %dma_wait3A_639 = arith.constant 0 : i32
          %dma_wait3A_640 = tpu.memref_slice %arg22[%dma_wait3A_639] : memref<10000xf32, #tpu.memory_space<vmem_shared>> -> memref<10000xf32, #tpu.memory_space<vmem_shared>>
          tpu.wait_indirect_dma semaphore(%arg31 : memref<!tpu.dma_semaphore, #tpu.memory_space<semaphore_mem>>) src(%arg19 : memref<80xf32, #tpu.memory_space<vmem>>) dst(%dma_wait3A_640 : memref<10000xf32, #tpu.memory_space<vmem_shared>>)
          %dma_wait3A_641 = arith.constant 1 : i32
          %dma_wait3A_642 = arith.constant 80 : i32
          %dma_wait3A_643 = arith.constant 0 : i32
          %dma_wait3A_644 = tpu.memref_slice %arg17[%dma_wait3A_642, %dma_wait3A_643] : memref<160x128xf32, #tpu.memory_space<vmem>> -> memref<80x128xf32, #tpu.memory_space<vmem>>
          %dma_wait3A_645 = arith.constant 0 : i32
          %dma_wait3A_646 = tpu.memref_slice %arg13[%dma_wait3A_641, %dma_wait3A_645] : memref<2x80xi32, #tpu.memory_space<vmem>> -> memref<1x80xi32, #tpu.memory_space<vmem>>
          %dma_wait3A_647 = tpu.memref_squeeze %dma_wait3A_646 : memref<1x80xi32, #tpu.memory_space<vmem>> -> memref<80xi32, #tpu.memory_space<vmem>>
          %dma_wait3A_648 = arith.constant 0 : i32
          %dma_wait3A_649 = arith.constant 0 : i32
          %dma_wait3A_650 = tpu.memref_slice %arg21[%dma_wait3A_648, %dma_wait3A_649] : memref<10000x128xf32, #tpu.memory_space<vmem_shared>> -> memref<10000x128xf32, #tpu.memory_space<vmem_shared>>
          tpu.wait_indirect_dma semaphore(%arg31 : memref<!tpu.dma_semaphore, #tpu.memory_space<semaphore_mem>>) src(%dma_wait3A_644 : memref<80x128xf32, #tpu.memory_space<vmem>>) dst(%dma_wait3A_650 : memref<10000x128xf32, #tpu.memory_space<vmem_shared>>)
          %dma_wait3A_651 = arith.constant 1 : i32
          %dma_wait3A_652 = arith.constant 0 : i32
          %dma_wait3A_653 = tpu.memref_slice %arg13[%dma_wait3A_651, %dma_wait3A_652] : memref<2x80xi32, #tpu.memory_space<vmem>> -> memref<1x80xi32, #tpu.memory_space<vmem>>
          %dma_wait3A_654 = tpu.memref_squeeze %dma_wait3A_653 : memref<1x80xi32, #tpu.memory_space<vmem>> -> memref<80xi32, #tpu.memory_space<vmem>>
          %dma_wait3A_655 = arith.constant 0 : i32
          %dma_wait3A_656 = tpu.memref_slice %arg22[%dma_wait3A_655] : memref<10000xf32, #tpu.memory_space<vmem_shared>> -> memref<10000xf32, #tpu.memory_space<vmem_shared>>
          tpu.wait_indirect_dma semaphore(%arg31 : memref<!tpu.dma_semaphore, #tpu.memory_space<semaphore_mem>>) src(%arg19 : memref<80xf32, #tpu.memory_space<vmem>>) dst(%dma_wait3A_656 : memref<10000xf32, #tpu.memory_space<vmem_shared>>)
        } else {
        }
        %dma_start3A_546 = arith.constant 0 : i32
        %dma_start3A_547 = arith.constant 0 : i32
        %dma_start3A_548 = arith.constant 0 : i32
        %dma_start3A_549 = tpu.memref_slice %arg17[%dma_start3A_547, %dma_start3A_548] : memref<160x128xf32, #tpu.memory_space<vmem>> -> memref<80x128xf32, #tpu.memory_space<vmem>>
        %dma_start3A_550 = arith.constant 0 : i32
        %dma_start3A_551 = tpu.memref_slice %arg9[%dma_start3A_546, %dma_start3A_550] : memref<2x80xi32, #tpu.memory_space<vmem>> -> memref<1x80xi32, #tpu.memory_space<vmem>>
        %dma_start3A_552 = tpu.memref_squeeze %dma_start3A_551 : memref<1x80xi32, #tpu.memory_space<vmem>> -> memref<80xi32, #tpu.memory_space<vmem>>
        %dma_start3A_553 = arith.constant 0 : i32
        %dma_start3A_554 = arith.constant 0 : i32
        %dma_start3A_555 = tpu.memref_slice %arg2[%dma_start3A_553, %dma_start3A_554] : memref<10000x128xf32, #tpu.memory_space<hbm>> -> memref<10000x128xf32, #tpu.memory_space<hbm>>
        tpu.enqueue_indirect_dma source(%dma_start3A_555 : memref<10000x128xf32, #tpu.memory_space<hbm>>) target(%dma_start3A_549 : memref<80x128xf32, #tpu.memory_space<vmem>>) offsets(%dma_start3A_552 : memref<80xi32, #tpu.memory_space<vmem>>) semaphore(%arg27 : memref<!tpu.dma_semaphore, #tpu.memory_space<semaphore_mem>>)
        %dma_start3A_556 = arith.constant 1 : i32
        %dma_start3A_557 = arith.constant 80 : i32
        %dma_start3A_558 = arith.constant 0 : i32
        %dma_start3A_559 = tpu.memref_slice %arg17[%dma_start3A_557, %dma_start3A_558] : memref<160x128xf32, #tpu.memory_space<vmem>> -> memref<80x128xf32, #tpu.memory_space<vmem>>
        %dma_start3A_560 = arith.constant 0 : i32
        %dma_start3A_561 = tpu.memref_slice %arg9[%dma_start3A_556, %dma_start3A_560] : memref<2x80xi32, #tpu.memory_space<vmem>> -> memref<1x80xi32, #tpu.memory_space<vmem>>
        %dma_start3A_562 = tpu.memref_squeeze %dma_start3A_561 : memref<1x80xi32, #tpu.memory_space<vmem>> -> memref<80xi32, #tpu.memory_space<vmem>>
        %dma_start3A_563 = arith.constant 0 : i32
        %dma_start3A_564 = arith.constant 0 : i32
        %dma_start3A_565 = tpu.memref_slice %arg2[%dma_start3A_563, %dma_start3A_564] : memref<10000x128xf32, #tpu.memory_space<hbm>> -> memref<10000x128xf32, #tpu.memory_space<hbm>>
        tpu.enqueue_indirect_dma source(%dma_start3A_565 : memref<10000x128xf32, #tpu.memory_space<hbm>>) target(%dma_start3A_559 : memref<80x128xf32, #tpu.memory_space<vmem>>) offsets(%dma_start3A_562 : memref<80xi32, #tpu.memory_space<vmem>>) semaphore(%arg28 : memref<!tpu.dma_semaphore, #tpu.memory_space<semaphore_mem>>)
        %add3A_566 = arith.constant 64 : i32
        %add3A_567 = arith.addi %add3A_457, %add3A_566 : i32
        %lt3A_568 = arith.constant 2000 : i32
        %lt3A_569 = arith.cmpi slt, %add3A_567, %lt3A_568 : i32
        %convert_element_type3A_570 = arith.extui %lt3A_569 : i1 to i32
        %cond3A_571 = arith.constant 0 : i32
        %cond3A_572 = arith.cmpi ne, %convert_element_type3A_570, %cond3A_571 : i32
        scf.if %cond3A_572 {
          %mul3A_625 = arith.constant 160 : i32
          %mul3A_626 = arith.muli %add3A_567, %mul3A_625 : i32
          %add3A_627 = arith.constant 0 : i32
          %add3A_628 = arith.addi %mul3A_626, %add3A_627 : i32
          %dma_start3A_629 = arith.constant 0 : i32
          %dma_start3A_630 = arith.constant 0 : i32
          %dma_start3A_631 = tpu.memref_slice %arg11[%dma_start3A_629, %dma_start3A_630] : memref<2x80xi32, #tpu.memory_space<vmem>> -> memref<1x80xi32, #tpu.memory_space<vmem>>
          %dma_start3A_632 = tpu.memref_squeeze %dma_start3A_631 : memref<1x80xi32, #tpu.memory_space<vmem>> -> memref<80xi32, #tpu.memory_space<vmem>>
          %dma_start3A_633 = tpu.memref_slice %arg3[%add3A_628] : memref<320000xi32, #tpu.memory_space<hbm>> -> memref<80xi32, #tpu.memory_space<hbm>>
          %dma_start3A_634 = arith.constant 0 : i32
          %dma_start3A_635 = tpu.memref_slice %arg11[%dma_start3A_629, %dma_start3A_634] : memref<2x80xi32, #tpu.memory_space<vmem>> -> memref<1x80xi32, #tpu.memory_space<vmem>>
          %dma_start3A_636 = tpu.memref_squeeze %dma_start3A_635 : memref<1x80xi32, #tpu.memory_space<vmem>> -> memref<80xi32, #tpu.memory_space<vmem>>
          %dma_start3A_637 = tpu.memref_slice %arg3[%add3A_628] : memref<320000xi32, #tpu.memory_space<hbm>> -> memref<80xi32, #tpu.memory_space<hbm>>
          tpu.enqueue_dma source(%dma_start3A_637 : memref<80xi32, #tpu.memory_space<hbm>>) target(%dma_start3A_636 : memref<80xi32, #tpu.memory_space<vmem>>) target_semaphore(%arg25 : memref<!tpu.dma_semaphore, #tpu.memory_space<semaphore_mem>>)
          %dma_start3A_638 = arith.constant 0 : i32
          %dma_start3A_639 = arith.constant 0 : i32
          %dma_start3A_640 = tpu.memref_slice %arg15[%dma_start3A_638, %dma_start3A_639] : memref<2x80xi32, #tpu.memory_space<vmem>> -> memref<1x80xi32, #tpu.memory_space<vmem>>
          %dma_start3A_641 = tpu.memref_squeeze %dma_start3A_640 : memref<1x80xi32, #tpu.memory_space<vmem>> -> memref<80xi32, #tpu.memory_space<vmem>>
          %dma_start3A_642 = tpu.memref_slice %arg4[%add3A_628] : memref<320000xi32, #tpu.memory_space<hbm>> -> memref<80xi32, #tpu.memory_space<hbm>>
          %dma_start3A_643 = arith.constant 0 : i32
          %dma_start3A_644 = tpu.memref_slice %arg15[%dma_start3A_638, %dma_start3A_643] : memref<2x80xi32, #tpu.memory_space<vmem>> -> memref<1x80xi32, #tpu.memory_space<vmem>>
          %dma_start3A_645 = tpu.memref_squeeze %dma_start3A_644 : memref<1x80xi32, #tpu.memory_space<vmem>> -> memref<80xi32, #tpu.memory_space<vmem>>
          %dma_start3A_646 = tpu.memref_slice %arg4[%add3A_628] : memref<320000xi32, #tpu.memory_space<hbm>> -> memref<80xi32, #tpu.memory_space<hbm>>
          tpu.enqueue_dma source(%dma_start3A_646 : memref<80xi32, #tpu.memory_space<hbm>>) target(%dma_start3A_645 : memref<80xi32, #tpu.memory_space<vmem>>) target_semaphore(%arg25 : memref<!tpu.dma_semaphore, #tpu.memory_space<semaphore_mem>>)
          %mul3A_647 = arith.constant 160 : i32
          %mul3A_648 = arith.muli %add3A_567, %mul3A_647 : i32
          %add3A_649 = arith.constant 80 : i32
          %add3A_650 = arith.addi %mul3A_648, %add3A_649 : i32
          %dma_start3A_651 = arith.constant 1 : i32
          %dma_start3A_652 = arith.constant 0 : i32
          %dma_start3A_653 = tpu.memref_slice %arg11[%dma_start3A_651, %dma_start3A_652] : memref<2x80xi32, #tpu.memory_space<vmem>> -> memref<1x80xi32, #tpu.memory_space<vmem>>
          %dma_start3A_654 = tpu.memref_squeeze %dma_start3A_653 : memref<1x80xi32, #tpu.memory_space<vmem>> -> memref<80xi32, #tpu.memory_space<vmem>>
          %dma_start3A_655 = tpu.memref_slice %arg3[%add3A_650] : memref<320000xi32, #tpu.memory_space<hbm>> -> memref<80xi32, #tpu.memory_space<hbm>>
          %dma_start3A_656 = arith.constant 0 : i32
          %dma_start3A_657 = tpu.memref_slice %arg11[%dma_start3A_651, %dma_start3A_656] : memref<2x80xi32, #tpu.memory_space<vmem>> -> memref<1x80xi32, #tpu.memory_space<vmem>>
          %dma_start3A_658 = tpu.memref_squeeze %dma_start3A_657 : memref<1x80xi32, #tpu.memory_space<vmem>> -> memref<80xi32, #tpu.memory_space<vmem>>
          %dma_start3A_659 = tpu.memref_slice %arg3[%add3A_650] : memref<320000xi32, #tpu.memory_space<hbm>> -> memref<80xi32, #tpu.memory_space<hbm>>
          tpu.enqueue_dma source(%dma_start3A_659 : memref<80xi32, #tpu.memory_space<hbm>>) target(%dma_start3A_658 : memref<80xi32, #tpu.memory_space<vmem>>) target_semaphore(%arg25 : memref<!tpu.dma_semaphore, #tpu.memory_space<semaphore_mem>>)
          %dma_start3A_660 = arith.constant 1 : i32
          %dma_start3A_661 = arith.constant 0 : i32
          %dma_start3A_662 = tpu.memref_slice %arg15[%dma_start3A_660, %dma_start3A_661] : memref<2x80xi32, #tpu.memory_space<vmem>> -> memref<1x80xi32, #tpu.memory_space<vmem>>
          %dma_start3A_663 = tpu.memref_squeeze %dma_start3A_662 : memref<1x80xi32, #tpu.memory_space<vmem>> -> memref<80xi32, #tpu.memory_space<vmem>>
          %dma_start3A_664 = tpu.memref_slice %arg4[%add3A_650] : memref<320000xi32, #tpu.memory_space<hbm>> -> memref<80xi32, #tpu.memory_space<hbm>>
          %dma_start3A_665 = arith.constant 0 : i32
          %dma_start3A_666 = tpu.memref_slice %arg15[%dma_start3A_660, %dma_start3A_665] : memref<2x80xi32, #tpu.memory_space<vmem>> -> memref<1x80xi32, #tpu.memory_space<vmem>>
          %dma_start3A_667 = tpu.memref_squeeze %dma_start3A_666 : memref<1x80xi32, #tpu.memory_space<vmem>> -> memref<80xi32, #tpu.memory_space<vmem>>
          %dma_start3A_668 = tpu.memref_slice %arg4[%add3A_650] : memref<320000xi32, #tpu.memory_space<hbm>> -> memref<80xi32, #tpu.memory_space<hbm>>
          tpu.enqueue_dma source(%dma_start3A_668 : memref<80xi32, #tpu.memory_space<hbm>>) target(%dma_start3A_667 : memref<80xi32, #tpu.memory_space<vmem>>) target_semaphore(%arg25 : memref<!tpu.dma_semaphore, #tpu.memory_space<semaphore_mem>>)
        } else {
        }
        %dma_wait3A_573 = arith.constant 0 : i32
        %dma_wait3A_574 = arith.constant 0 : i32
        %dma_wait3A_575 = arith.constant 0 : i32
        %dma_wait3A_576 = tpu.memref_slice %arg17[%dma_wait3A_574, %dma_wait3A_575] : memref<160x128xf32, #tpu.memory_space<vmem>> -> memref<80x128xf32, #tpu.memory_space<vmem>>
        %dma_wait3A_577 = arith.constant 0 : i32
        %dma_wait3A_578 = tpu.memref_slice %arg9[%dma_wait3A_573, %dma_wait3A_577] : memref<2x80xi32, #tpu.memory_space<vmem>> -> memref<1x80xi32, #tpu.memory_space<vmem>>
        %dma_wait3A_579 = tpu.memref_squeeze %dma_wait3A_578 : memref<1x80xi32, #tpu.memory_space<vmem>> -> memref<80xi32, #tpu.memory_space<vmem>>
        %dma_wait3A_580 = arith.constant 0 : i32
        %dma_wait3A_581 = arith.constant 0 : i32
        %dma_wait3A_582 = tpu.memref_slice %arg2[%dma_wait3A_580, %dma_wait3A_581] : memref<10000x128xf32, #tpu.memory_space<hbm>> -> memref<10000x128xf32, #tpu.memory_space<hbm>>
        tpu.wait_indirect_dma semaphore(%arg27 : memref<!tpu.dma_semaphore, #tpu.memory_space<semaphore_mem>>) src(%dma_wait3A_582 : memref<10000x128xf32, #tpu.memory_space<hbm>>) dst(%dma_wait3A_576 : memref<80x128xf32, #tpu.memory_space<vmem>>)
        %dma_start3A_583 = arith.constant 0 : i32
        %dma_start3A_584 = arith.constant 0 : i32
        %dma_start3A_585 = arith.constant 0 : i32
        %dma_start3A_586 = tpu.memref_slice %arg17[%dma_start3A_584, %dma_start3A_585] : memref<160x128xf32, #tpu.memory_space<vmem>> -> memref<80x128xf32, #tpu.memory_space<vmem>>
        %dma_start3A_587 = arith.constant 0 : i32
        %dma_start3A_588 = tpu.memref_slice %arg13[%dma_start3A_583, %dma_start3A_587] : memref<2x80xi32, #tpu.memory_space<vmem>> -> memref<1x80xi32, #tpu.memory_space<vmem>>
        %dma_start3A_589 = tpu.memref_squeeze %dma_start3A_588 : memref<1x80xi32, #tpu.memory_space<vmem>> -> memref<80xi32, #tpu.memory_space<vmem>>
        %dma_start3A_590 = arith.constant 0 : i32
        %dma_start3A_591 = arith.constant 0 : i32
        %dma_start3A_592 = tpu.memref_slice %arg21[%dma_start3A_590, %dma_start3A_591] : memref<10000x128xf32, #tpu.memory_space<vmem_shared>> -> memref<10000x128xf32, #tpu.memory_space<vmem_shared>>
        tpu.enqueue_indirect_dma source(%dma_start3A_586 : memref<80x128xf32, #tpu.memory_space<vmem>>) target(%dma_start3A_592 : memref<10000x128xf32, #tpu.memory_space<vmem_shared>>) offsets(%dma_start3A_589 : memref<80xi32, #tpu.memory_space<vmem>>) semaphore(%arg31 : memref<!tpu.dma_semaphore, #tpu.memory_space<semaphore_mem>>) {add = true}
        %dma_start3A_593 = arith.constant 0 : i32
        %dma_start3A_594 = arith.constant 0 : i32
        %dma_start3A_595 = tpu.memref_slice %arg13[%dma_start3A_593, %dma_start3A_594] : memref<2x80xi32, #tpu.memory_space<vmem>> -> memref<1x80xi32, #tpu.memory_space<vmem>>
        %dma_start3A_596 = tpu.memref_squeeze %dma_start3A_595 : memref<1x80xi32, #tpu.memory_space<vmem>> -> memref<80xi32, #tpu.memory_space<vmem>>
        %dma_start3A_597 = arith.constant 0 : i32
        %dma_start3A_598 = tpu.memref_slice %arg22[%dma_start3A_597] : memref<10000xf32, #tpu.memory_space<vmem_shared>> -> memref<10000xf32, #tpu.memory_space<vmem_shared>>
        tpu.enqueue_indirect_dma source(%arg19 : memref<80xf32, #tpu.memory_space<vmem>>) target(%dma_start3A_598 : memref<10000xf32, #tpu.memory_space<vmem_shared>>) offsets(%dma_start3A_596 : memref<80xi32, #tpu.memory_space<vmem>>) semaphore(%arg31 : memref<!tpu.dma_semaphore, #tpu.memory_space<semaphore_mem>>) {add = true}
        %dma_wait3A_599 = arith.constant 1 : i32
        %dma_wait3A_600 = arith.constant 80 : i32
        %dma_wait3A_601 = arith.constant 0 : i32
        %dma_wait3A_602 = tpu.memref_slice %arg17[%dma_wait3A_600, %dma_wait3A_601] : memref<160x128xf32, #tpu.memory_space<vmem>> -> memref<80x128xf32, #tpu.memory_space<vmem>>
        %dma_wait3A_603 = arith.constant 0 : i32
        %dma_wait3A_604 = tpu.memref_slice %arg9[%dma_wait3A_599, %dma_wait3A_603] : memref<2x80xi32, #tpu.memory_space<vmem>> -> memref<1x80xi32, #tpu.memory_space<vmem>>
        %dma_wait3A_605 = tpu.memref_squeeze %dma_wait3A_604 : memref<1x80xi32, #tpu.memory_space<vmem>> -> memref<80xi32, #tpu.memory_space<vmem>>
        %dma_wait3A_606 = arith.constant 0 : i32
        %dma_wait3A_607 = arith.constant 0 : i32
        %dma_wait3A_608 = tpu.memref_slice %arg2[%dma_wait3A_606, %dma_wait3A_607] : memref<10000x128xf32, #tpu.memory_space<hbm>> -> memref<10000x128xf32, #tpu.memory_space<hbm>>
        tpu.wait_indirect_dma semaphore(%arg28 : memref<!tpu.dma_semaphore, #tpu.memory_space<semaphore_mem>>) src(%dma_wait3A_608 : memref<10000x128xf32, #tpu.memory_space<hbm>>) dst(%dma_wait3A_602 : memref<80x128xf32, #tpu.memory_space<vmem>>)
        %dma_start3A_609 = arith.constant 1 : i32
        %dma_start3A_610 = arith.constant 80 : i32
        %dma_start3A_611 = arith.constant 0 : i32
        %dma_start3A_612 = tpu.memref_slice %arg17[%dma_start3A_610, %dma_start3A_611] : memref<160x128xf32, #tpu.memory_space<vmem>> -> memref<80x128xf32, #tpu.memory_space<vmem>>
        %dma_start3A_613 = arith.constant 0 : i32
        %dma_start3A_614 = tpu.memref_slice %arg13[%dma_start3A_609, %dma_start3A_613] : memref<2x80xi32, #tpu.memory_space<vmem>> -> memref<1x80xi32, #tpu.memory_space<vmem>>
        %dma_start3A_615 = tpu.memref_squeeze %dma_start3A_614 : memref<1x80xi32, #tpu.memory_space<vmem>> -> memref<80xi32, #tpu.memory_space<vmem>>
        %dma_start3A_616 = arith.constant 0 : i32
        %dma_start3A_617 = arith.constant 0 : i32
        %dma_start3A_618 = tpu.memref_slice %arg21[%dma_start3A_616, %dma_start3A_617] : memref<10000x128xf32, #tpu.memory_space<vmem_shared>> -> memref<10000x128xf32, #tpu.memory_space<vmem_shared>>
        tpu.enqueue_indirect_dma source(%dma_start3A_612 : memref<80x128xf32, #tpu.memory_space<vmem>>) target(%dma_start3A_618 : memref<10000x128xf32, #tpu.memory_space<vmem_shared>>) offsets(%dma_start3A_615 : memref<80xi32, #tpu.memory_space<vmem>>) semaphore(%arg31 : memref<!tpu.dma_semaphore, #tpu.memory_space<semaphore_mem>>) {add = true}
        %dma_start3A_619 = arith.constant 1 : i32
        %dma_start3A_620 = arith.constant 0 : i32
        %dma_start3A_621 = tpu.memref_slice %arg13[%dma_start3A_619, %dma_start3A_620] : memref<2x80xi32, #tpu.memory_space<vmem>> -> memref<1x80xi32, #tpu.memory_space<vmem>>
        %dma_start3A_622 = tpu.memref_squeeze %dma_start3A_621 : memref<1x80xi32, #tpu.memory_space<vmem>> -> memref<80xi32, #tpu.memory_space<vmem>>
        %dma_start3A_623 = arith.constant 0 : i32
        %dma_start3A_624 = tpu.memref_slice %arg22[%dma_start3A_623] : memref<10000xf32, #tpu.memory_space<vmem_shared>> -> memref<10000xf32, #tpu.memory_space<vmem_shared>>
        tpu.enqueue_indirect_dma source(%arg19 : memref<80xf32, #tpu.memory_space<vmem>>) target(%dma_start3A_624 : memref<10000xf32, #tpu.memory_space<vmem_shared>>) offsets(%dma_start3A_622 : memref<80xi32, #tpu.memory_space<vmem>>) semaphore(%arg31 : memref<!tpu.dma_semaphore, #tpu.memory_space<semaphore_mem>>) {add = true}
      } else {
      }
      %mul3A_462 = arith.constant 4 : i32
      %mul3A_463 = arith.muli %scan3A_450, %mul3A_462 : i32
      %add3A_464 = arith.constant 1 : i32
      %add3A_465 = arith.addi %mul3A_463, %add3A_464 : i32
      %mul3A_466 = arith.constant 32 : i32
      %mul3A_467 = arith.muli %add3A_465, %mul3A_466 : i32
      %add3A_468 = arith.addi %add3A, %mul3A_467 : i32
      %lt3A_469 = arith.constant 2000 : i32
      %lt3A_470 = arith.cmpi slt, %add3A_468, %lt3A_469 : i32
      %convert_element_type3A_471 = arith.extui %lt3A_470 : i1 to i32
      %cond3A_472 = arith.constant 0 : i32
      %cond3A_473 = arith.cmpi ne, %convert_element_type3A_471, %cond3A_472 : i32
      scf.if %cond3A_473 {
        %mul3A_498 = arith.constant 160 : i32
        %mul3A_499 = arith.muli %add3A_468, %mul3A_498 : i32
        %add3A_500 = arith.constant 0 : i32
        %add3A_501 = arith.addi %mul3A_499, %add3A_500 : i32
        %dma_wait3A_502 = arith.constant 0 : i32
        %dma_wait3A_503 = arith.constant 0 : i32
        %dma_wait3A_504 = tpu.memref_slice %arg10[%dma_wait3A_502, %dma_wait3A_503] : memref<2x80xi32, #tpu.memory_space<vmem>> -> memref<1x80xi32, #tpu.memory_space<vmem>>
        %dma_wait3A_505 = tpu.memref_squeeze %dma_wait3A_504 : memref<1x80xi32, #tpu.memory_space<vmem>> -> memref<80xi32, #tpu.memory_space<vmem>>
        %dma_wait3A_506 = tpu.memref_slice %arg3[%add3A_501] : memref<320000xi32, #tpu.memory_space<hbm>> -> memref<80xi32, #tpu.memory_space<hbm>>
        %dma_wait3A_507 = arith.constant 0 : i32
        %dma_wait3A_508 = tpu.memref_slice %arg10[%dma_wait3A_502, %dma_wait3A_507] : memref<2x80xi32, #tpu.memory_space<vmem>> -> memref<1x80xi32, #tpu.memory_space<vmem>>
        %dma_wait3A_509 = tpu.memref_squeeze %dma_wait3A_508 : memref<1x80xi32, #tpu.memory_space<vmem>> -> memref<80xi32, #tpu.memory_space<vmem>>
        %dma_wait3A_510 = tpu.memref_slice %arg3[%add3A_501] : memref<320000xi32, #tpu.memory_space<hbm>> -> memref<80xi32, #tpu.memory_space<hbm>>
        tpu.wait_dma2 semaphore(%arg24 : memref<!tpu.dma_semaphore, #tpu.memory_space<semaphore_mem>>) src(%dma_wait3A_510 : memref<80xi32, #tpu.memory_space<hbm>>) dst(%dma_wait3A_509 : memref<80xi32, #tpu.memory_space<vmem>>)
        %dma_wait3A_511 = arith.constant 0 : i32
        %dma_wait3A_512 = arith.constant 0 : i32
        %dma_wait3A_513 = tpu.memref_slice %arg14[%dma_wait3A_511, %dma_wait3A_512] : memref<2x80xi32, #tpu.memory_space<vmem>> -> memref<1x80xi32, #tpu.memory_space<vmem>>
        %dma_wait3A_514 = tpu.memref_squeeze %dma_wait3A_513 : memref<1x80xi32, #tpu.memory_space<vmem>> -> memref<80xi32, #tpu.memory_space<vmem>>
        %dma_wait3A_515 = tpu.memref_slice %arg4[%add3A_501] : memref<320000xi32, #tpu.memory_space<hbm>> -> memref<80xi32, #tpu.memory_space<hbm>>
        %dma_wait3A_516 = arith.constant 0 : i32
        %dma_wait3A_517 = tpu.memref_slice %arg14[%dma_wait3A_511, %dma_wait3A_516] : memref<2x80xi32, #tpu.memory_space<vmem>> -> memref<1x80xi32, #tpu.memory_space<vmem>>
        %dma_wait3A_518 = tpu.memref_squeeze %dma_wait3A_517 : memref<1x80xi32, #tpu.memory_space<vmem>> -> memref<80xi32, #tpu.memory_space<vmem>>
        %dma_wait3A_519 = tpu.memref_slice %arg4[%add3A_501] : memref<320000xi32, #tpu.memory_space<hbm>> -> memref<80xi32, #tpu.memory_space<hbm>>
        tpu.wait_dma2 semaphore(%arg24 : memref<!tpu.dma_semaphore, #tpu.memory_space<semaphore_mem>>) src(%dma_wait3A_519 : memref<80xi32, #tpu.memory_space<hbm>>) dst(%dma_wait3A_518 : memref<80xi32, #tpu.memory_space<vmem>>)
        %mul3A_520 = arith.constant 160 : i32
        %mul3A_521 = arith.muli %add3A_468, %mul3A_520 : i32
        %add3A_522 = arith.constant 80 : i32
        %add3A_523 = arith.addi %mul3A_521, %add3A_522 : i32
        %dma_wait3A_524 = arith.constant 1 : i32
        %dma_wait3A_525 = arith.constant 0 : i32
        %dma_wait3A_526 = tpu.memref_slice %arg10[%dma_wait3A_524, %dma_wait3A_525] : memref<2x80xi32, #tpu.memory_space<vmem>> -> memref<1x80xi32, #tpu.memory_space<vmem>>
        %dma_wait3A_527 = tpu.memref_squeeze %dma_wait3A_526 : memref<1x80xi32, #tpu.memory_space<vmem>> -> memref<80xi32, #tpu.memory_space<vmem>>
        %dma_wait3A_528 = tpu.memref_slice %arg3[%add3A_523] : memref<320000xi32, #tpu.memory_space<hbm>> -> memref<80xi32, #tpu.memory_space<hbm>>
        %dma_wait3A_529 = arith.constant 0 : i32
        %dma_wait3A_530 = tpu.memref_slice %arg10[%dma_wait3A_524, %dma_wait3A_529] : memref<2x80xi32, #tpu.memory_space<vmem>> -> memref<1x80xi32, #tpu.memory_space<vmem>>
        %dma_wait3A_531 = tpu.memref_squeeze %dma_wait3A_530 : memref<1x80xi32, #tpu.memory_space<vmem>> -> memref<80xi32, #tpu.memory_space<vmem>>
        %dma_wait3A_532 = tpu.memref_slice %arg3[%add3A_523] : memref<320000xi32, #tpu.memory_space<hbm>> -> memref<80xi32, #tpu.memory_space<hbm>>
        tpu.wait_dma2 semaphore(%arg24 : memref<!tpu.dma_semaphore, #tpu.memory_space<semaphore_mem>>) src(%dma_wait3A_532 : memref<80xi32, #tpu.memory_space<hbm>>) dst(%dma_wait3A_531 : memref<80xi32, #tpu.memory_space<vmem>>)
        %dma_wait3A_533 = arith.constant 1 : i32
        %dma_wait3A_534 = arith.constant 0 : i32
        %dma_wait3A_535 = tpu.memref_slice %arg14[%dma_wait3A_533, %dma_wait3A_534] : memref<2x80xi32, #tpu.memory_space<vmem>> -> memref<1x80xi32, #tpu.memory_space<vmem>>
        %dma_wait3A_536 = tpu.memref_squeeze %dma_wait3A_535 : memref<1x80xi32, #tpu.memory_space<vmem>> -> memref<80xi32, #tpu.memory_space<vmem>>
        %dma_wait3A_537 = tpu.memref_slice %arg4[%add3A_523] : memref<320000xi32, #tpu.memory_space<hbm>> -> memref<80xi32, #tpu.memory_space<hbm>>
        %dma_wait3A_538 = arith.constant 0 : i32
        %dma_wait3A_539 = tpu.memref_slice %arg14[%dma_wait3A_533, %dma_wait3A_538] : memref<2x80xi32, #tpu.memory_space<vmem>> -> memref<1x80xi32, #tpu.memory_space<vmem>>
        %dma_wait3A_540 = tpu.memref_squeeze %dma_wait3A_539 : memref<1x80xi32, #tpu.memory_space<vmem>> -> memref<80xi32, #tpu.memory_space<vmem>>
        %dma_wait3A_541 = tpu.memref_slice %arg4[%add3A_523] : memref<320000xi32, #tpu.memory_space<hbm>> -> memref<80xi32, #tpu.memory_space<hbm>>
        tpu.wait_dma2 semaphore(%arg24 : memref<!tpu.dma_semaphore, #tpu.memory_space<semaphore_mem>>) src(%dma_wait3A_541 : memref<80xi32, #tpu.memory_space<hbm>>) dst(%dma_wait3A_540 : memref<80xi32, #tpu.memory_space<vmem>>)
        %ge3A = arith.constant 2 : i32
        %ge3A_542 = arith.cmpi sge, %add3A_465, %ge3A : i32
        %convert_element_type3A_543 = arith.extui %ge3A_542 : i1 to i32
        %cond3A_544 = arith.constant 0 : i32
        %cond3A_545 = arith.cmpi ne, %convert_element_type3A_543, %cond3A_544 : i32
        scf.if %cond3A_545 {
          %dma_wait3A_625 = arith.constant 0 : i32
          %dma_wait3A_626 = arith.constant 0 : i32
          %dma_wait3A_627 = arith.constant 0 : i32
          %dma_wait3A_628 = tpu.memref_slice %arg18[%dma_wait3A_626, %dma_wait3A_627] : memref<160x128xf32, #tpu.memory_space<vmem>> -> memref<80x128xf32, #tpu.memory_space<vmem>>
          %dma_wait3A_629 = arith.constant 0 : i32
          %dma_wait3A_630 = tpu.memref_slice %arg13[%dma_wait3A_625, %dma_wait3A_629] : memref<2x80xi32, #tpu.memory_space<vmem>> -> memref<1x80xi32, #tpu.memory_space<vmem>>
          %dma_wait3A_631 = tpu.memref_squeeze %dma_wait3A_630 : memref<1x80xi32, #tpu.memory_space<vmem>> -> memref<80xi32, #tpu.memory_space<vmem>>
          %dma_wait3A_632 = arith.constant 0 : i32
          %dma_wait3A_633 = arith.constant 0 : i32
          %dma_wait3A_634 = tpu.memref_slice %arg21[%dma_wait3A_632, %dma_wait3A_633] : memref<10000x128xf32, #tpu.memory_space<vmem_shared>> -> memref<10000x128xf32, #tpu.memory_space<vmem_shared>>
          tpu.wait_indirect_dma semaphore(%arg32 : memref<!tpu.dma_semaphore, #tpu.memory_space<semaphore_mem>>) src(%dma_wait3A_628 : memref<80x128xf32, #tpu.memory_space<vmem>>) dst(%dma_wait3A_634 : memref<10000x128xf32, #tpu.memory_space<vmem_shared>>)
          %dma_wait3A_635 = arith.constant 0 : i32
          %dma_wait3A_636 = arith.constant 0 : i32
          %dma_wait3A_637 = tpu.memref_slice %arg13[%dma_wait3A_635, %dma_wait3A_636] : memref<2x80xi32, #tpu.memory_space<vmem>> -> memref<1x80xi32, #tpu.memory_space<vmem>>
          %dma_wait3A_638 = tpu.memref_squeeze %dma_wait3A_637 : memref<1x80xi32, #tpu.memory_space<vmem>> -> memref<80xi32, #tpu.memory_space<vmem>>
          %dma_wait3A_639 = arith.constant 0 : i32
          %dma_wait3A_640 = tpu.memref_slice %arg22[%dma_wait3A_639] : memref<10000xf32, #tpu.memory_space<vmem_shared>> -> memref<10000xf32, #tpu.memory_space<vmem_shared>>
          tpu.wait_indirect_dma semaphore(%arg32 : memref<!tpu.dma_semaphore, #tpu.memory_space<semaphore_mem>>) src(%arg19 : memref<80xf32, #tpu.memory_space<vmem>>) dst(%dma_wait3A_640 : memref<10000xf32, #tpu.memory_space<vmem_shared>>)
          %dma_wait3A_641 = arith.constant 1 : i32
          %dma_wait3A_642 = arith.constant 80 : i32
          %dma_wait3A_643 = arith.constant 0 : i32
          %dma_wait3A_644 = tpu.memref_slice %arg18[%dma_wait3A_642, %dma_wait3A_643] : memref<160x128xf32, #tpu.memory_space<vmem>> -> memref<80x128xf32, #tpu.memory_space<vmem>>
          %dma_wait3A_645 = arith.constant 0 : i32
          %dma_wait3A_646 = tpu.memref_slice %arg13[%dma_wait3A_641, %dma_wait3A_645] : memref<2x80xi32, #tpu.memory_space<vmem>> -> memref<1x80xi32, #tpu.memory_space<vmem>>
          %dma_wait3A_647 = tpu.memref_squeeze %dma_wait3A_646 : memref<1x80xi32, #tpu.memory_space<vmem>> -> memref<80xi32, #tpu.memory_space<vmem>>
          %dma_wait3A_648 = arith.constant 0 : i32
          %dma_wait3A_649 = arith.constant 0 : i32
          %dma_wait3A_650 = tpu.memref_slice %arg21[%dma_wait3A_648, %dma_wait3A_649] : memref<10000x128xf32, #tpu.memory_space<vmem_shared>> -> memref<10000x128xf32, #tpu.memory_space<vmem_shared>>
          tpu.wait_indirect_dma semaphore(%arg32 : memref<!tpu.dma_semaphore, #tpu.memory_space<semaphore_mem>>) src(%dma_wait3A_644 : memref<80x128xf32, #tpu.memory_space<vmem>>) dst(%dma_wait3A_650 : memref<10000x128xf32, #tpu.memory_space<vmem_shared>>)
          %dma_wait3A_651 = arith.constant 1 : i32
          %dma_wait3A_652 = arith.constant 0 : i32
          %dma_wait3A_653 = tpu.memref_slice %arg13[%dma_wait3A_651, %dma_wait3A_652] : memref<2x80xi32, #tpu.memory_space<vmem>> -> memref<1x80xi32, #tpu.memory_space<vmem>>
          %dma_wait3A_654 = tpu.memref_squeeze %dma_wait3A_653 : memref<1x80xi32, #tpu.memory_space<vmem>> -> memref<80xi32, #tpu.memory_space<vmem>>
          %dma_wait3A_655 = arith.constant 0 : i32
          %dma_wait3A_656 = tpu.memref_slice %arg22[%dma_wait3A_655] : memref<10000xf32, #tpu.memory_space<vmem_shared>> -> memref<10000xf32, #tpu.memory_space<vmem_shared>>
          tpu.wait_indirect_dma semaphore(%arg32 : memref<!tpu.dma_semaphore, #tpu.memory_space<semaphore_mem>>) src(%arg19 : memref<80xf32, #tpu.memory_space<vmem>>) dst(%dma_wait3A_656 : memref<10000xf32, #tpu.memory_space<vmem_shared>>)
        } else {
        }
        %dma_start3A_546 = arith.constant 0 : i32
        %dma_start3A_547 = arith.constant 0 : i32
        %dma_start3A_548 = arith.constant 0 : i32
        %dma_start3A_549 = tpu.memref_slice %arg18[%dma_start3A_547, %dma_start3A_548] : memref<160x128xf32, #tpu.memory_space<vmem>> -> memref<80x128xf32, #tpu.memory_space<vmem>>
        %dma_start3A_550 = arith.constant 0 : i32
        %dma_start3A_551 = tpu.memref_slice %arg10[%dma_start3A_546, %dma_start3A_550] : memref<2x80xi32, #tpu.memory_space<vmem>> -> memref<1x80xi32, #tpu.memory_space<vmem>>
        %dma_start3A_552 = tpu.memref_squeeze %dma_start3A_551 : memref<1x80xi32, #tpu.memory_space<vmem>> -> memref<80xi32, #tpu.memory_space<vmem>>
        %dma_start3A_553 = arith.constant 0 : i32
        %dma_start3A_554 = arith.constant 0 : i32
        %dma_start3A_555 = tpu.memref_slice %arg2[%dma_start3A_553, %dma_start3A_554] : memref<10000x128xf32, #tpu.memory_space<hbm>> -> memref<10000x128xf32, #tpu.memory_space<hbm>>
        tpu.enqueue_indirect_dma source(%dma_start3A_555 : memref<10000x128xf32, #tpu.memory_space<hbm>>) target(%dma_start3A_549 : memref<80x128xf32, #tpu.memory_space<vmem>>) offsets(%dma_start3A_552 : memref<80xi32, #tpu.memory_space<vmem>>) semaphore(%arg29 : memref<!tpu.dma_semaphore, #tpu.memory_space<semaphore_mem>>)
        %dma_start3A_556 = arith.constant 1 : i32
        %dma_start3A_557 = arith.constant 80 : i32
        %dma_start3A_558 = arith.constant 0 : i32
        %dma_start3A_559 = tpu.memref_slice %arg18[%dma_start3A_557, %dma_start3A_558] : memref<160x128xf32, #tpu.memory_space<vmem>> -> memref<80x128xf32, #tpu.memory_space<vmem>>
        %dma_start3A_560 = arith.constant 0 : i32
        %dma_start3A_561 = tpu.memref_slice %arg10[%dma_start3A_556, %dma_start3A_560] : memref<2x80xi32, #tpu.memory_space<vmem>> -> memref<1x80xi32, #tpu.memory_space<vmem>>
        %dma_start3A_562 = tpu.memref_squeeze %dma_start3A_561 : memref<1x80xi32, #tpu.memory_space<vmem>> -> memref<80xi32, #tpu.memory_space<vmem>>
        %dma_start3A_563 = arith.constant 0 : i32
        %dma_start3A_564 = arith.constant 0 : i32
        %dma_start3A_565 = tpu.memref_slice %arg2[%dma_start3A_563, %dma_start3A_564] : memref<10000x128xf32, #tpu.memory_space<hbm>> -> memref<10000x128xf32, #tpu.memory_space<hbm>>
        tpu.enqueue_indirect_dma source(%dma_start3A_565 : memref<10000x128xf32, #tpu.memory_space<hbm>>) target(%dma_start3A_559 : memref<80x128xf32, #tpu.memory_space<vmem>>) offsets(%dma_start3A_562 : memref<80xi32, #tpu.memory_space<vmem>>) semaphore(%arg30 : memref<!tpu.dma_semaphore, #tpu.memory_space<semaphore_mem>>)
        %add3A_566 = arith.constant 64 : i32
        %add3A_567 = arith.addi %add3A_468, %add3A_566 : i32
        %lt3A_568 = arith.constant 2000 : i32
        %lt3A_569 = arith.cmpi slt, %add3A_567, %lt3A_568 : i32
        %convert_element_type3A_570 = arith.extui %lt3A_569 : i1 to i32
        %cond3A_571 = arith.constant 0 : i32
        %cond3A_572 = arith.cmpi ne, %convert_element_type3A_570, %cond3A_571 : i32
        scf.if %cond3A_572 {
          %mul3A_625 = arith.constant 160 : i32
          %mul3A_626 = arith.muli %add3A_567, %mul3A_625 : i32
          %add3A_627 = arith.constant 0 : i32
          %add3A_628 = arith.addi %mul3A_626, %add3A_627 : i32
          %dma_start3A_629 = arith.constant 0 : i32
          %dma_start3A_630 = arith.constant 0 : i32
          %dma_start3A_631 = tpu.memref_slice %arg12[%dma_start3A_629, %dma_start3A_630] : memref<2x80xi32, #tpu.memory_space<vmem>> -> memref<1x80xi32, #tpu.memory_space<vmem>>
          %dma_start3A_632 = tpu.memref_squeeze %dma_start3A_631 : memref<1x80xi32, #tpu.memory_space<vmem>> -> memref<80xi32, #tpu.memory_space<vmem>>
          %dma_start3A_633 = tpu.memref_slice %arg3[%add3A_628] : memref<320000xi32, #tpu.memory_space<hbm>> -> memref<80xi32, #tpu.memory_space<hbm>>
          %dma_start3A_634 = arith.constant 0 : i32
          %dma_start3A_635 = tpu.memref_slice %arg12[%dma_start3A_629, %dma_start3A_634] : memref<2x80xi32, #tpu.memory_space<vmem>> -> memref<1x80xi32, #tpu.memory_space<vmem>>
          %dma_start3A_636 = tpu.memref_squeeze %dma_start3A_635 : memref<1x80xi32, #tpu.memory_space<vmem>> -> memref<80xi32, #tpu.memory_space<vmem>>
          %dma_start3A_637 = tpu.memref_slice %arg3[%add3A_628] : memref<320000xi32, #tpu.memory_space<hbm>> -> memref<80xi32, #tpu.memory_space<hbm>>
          tpu.enqueue_dma source(%dma_start3A_637 : memref<80xi32, #tpu.memory_space<hbm>>) target(%dma_start3A_636 : memref<80xi32, #tpu.memory_space<vmem>>) target_semaphore(%arg26 : memref<!tpu.dma_semaphore, #tpu.memory_space<semaphore_mem>>)
          %dma_start3A_638 = arith.constant 0 : i32
          %dma_start3A_639 = arith.constant 0 : i32
          %dma_start3A_640 = tpu.memref_slice %arg16[%dma_start3A_638, %dma_start3A_639] : memref<2x80xi32, #tpu.memory_space<vmem>> -> memref<1x80xi32, #tpu.memory_space<vmem>>
          %dma_start3A_641 = tpu.memref_squeeze %dma_start3A_640 : memref<1x80xi32, #tpu.memory_space<vmem>> -> memref<80xi32, #tpu.memory_space<vmem>>
          %dma_start3A_642 = tpu.memref_slice %arg4[%add3A_628] : memref<320000xi32, #tpu.memory_space<hbm>> -> memref<80xi32, #tpu.memory_space<hbm>>
          %dma_start3A_643 = arith.constant 0 : i32
          %dma_start3A_644 = tpu.memref_slice %arg16[%dma_start3A_638, %dma_start3A_643] : memref<2x80xi32, #tpu.memory_space<vmem>> -> memref<1x80xi32, #tpu.memory_space<vmem>>
          %dma_start3A_645 = tpu.memref_squeeze %dma_start3A_644 : memref<1x80xi32, #tpu.memory_space<vmem>> -> memref<80xi32, #tpu.memory_space<vmem>>
          %dma_start3A_646 = tpu.memref_slice %arg4[%add3A_628] : memref<320000xi32, #tpu.memory_space<hbm>> -> memref<80xi32, #tpu.memory_space<hbm>>
          tpu.enqueue_dma source(%dma_start3A_646 : memref<80xi32, #tpu.memory_space<hbm>>) target(%dma_start3A_645 : memref<80xi32, #tpu.memory_space<vmem>>) target_semaphore(%arg26 : memref<!tpu.dma_semaphore, #tpu.memory_space<semaphore_mem>>)
          %mul3A_647 = arith.constant 160 : i32
          %mul3A_648 = arith.muli %add3A_567, %mul3A_647 : i32
          %add3A_649 = arith.constant 80 : i32
          %add3A_650 = arith.addi %mul3A_648, %add3A_649 : i32
          %dma_start3A_651 = arith.constant 1 : i32
          %dma_start3A_652 = arith.constant 0 : i32
          %dma_start3A_653 = tpu.memref_slice %arg12[%dma_start3A_651, %dma_start3A_652] : memref<2x80xi32, #tpu.memory_space<vmem>> -> memref<1x80xi32, #tpu.memory_space<vmem>>
          %dma_start3A_654 = tpu.memref_squeeze %dma_start3A_653 : memref<1x80xi32, #tpu.memory_space<vmem>> -> memref<80xi32, #tpu.memory_space<vmem>>
          %dma_start3A_655 = tpu.memref_slice %arg3[%add3A_650] : memref<320000xi32, #tpu.memory_space<hbm>> -> memref<80xi32, #tpu.memory_space<hbm>>
          %dma_start3A_656 = arith.constant 0 : i32
          %dma_start3A_657 = tpu.memref_slice %arg12[%dma_start3A_651, %dma_start3A_656] : memref<2x80xi32, #tpu.memory_space<vmem>> -> memref<1x80xi32, #tpu.memory_space<vmem>>
          %dma_start3A_658 = tpu.memref_squeeze %dma_start3A_657 : memref<1x80xi32, #tpu.memory_space<vmem>> -> memref<80xi32, #tpu.memory_space<vmem>>
          %dma_start3A_659 = tpu.memref_slice %arg3[%add3A_650] : memref<320000xi32, #tpu.memory_space<hbm>> -> memref<80xi32, #tpu.memory_space<hbm>>
          tpu.enqueue_dma source(%dma_start3A_659 : memref<80xi32, #tpu.memory_space<hbm>>) target(%dma_start3A_658 : memref<80xi32, #tpu.memory_space<vmem>>) target_semaphore(%arg26 : memref<!tpu.dma_semaphore, #tpu.memory_space<semaphore_mem>>)
          %dma_start3A_660 = arith.constant 1 : i32
          %dma_start3A_661 = arith.constant 0 : i32
          %dma_start3A_662 = tpu.memref_slice %arg16[%dma_start3A_660, %dma_start3A_661] : memref<2x80xi32, #tpu.memory_space<vmem>> -> memref<1x80xi32, #tpu.memory_space<vmem>>
          %dma_start3A_663 = tpu.memref_squeeze %dma_start3A_662 : memref<1x80xi32, #tpu.memory_space<vmem>> -> memref<80xi32, #tpu.memory_space<vmem>>
          %dma_start3A_664 = tpu.memref_slice %arg4[%add3A_650] : memref<320000xi32, #tpu.memory_space<hbm>> -> memref<80xi32, #tpu.memory_space<hbm>>
          %dma_start3A_665 = arith.constant 0 : i32
          %dma_start3A_666 = tpu.memref_slice %arg16[%dma_start3A_660, %dma_start3A_665] : memref<2x80xi32, #tpu.memory_space<vmem>> -> memref<1x80xi32, #tpu.memory_space<vmem>>
          %dma_start3A_667 = tpu.memref_squeeze %dma_start3A_666 : memref<1x80xi32, #tpu.memory_space<vmem>> -> memref<80xi32, #tpu.memory_space<vmem>>
          %dma_start3A_668 = tpu.memref_slice %arg4[%add3A_650] : memref<320000xi32, #tpu.memory_space<hbm>> -> memref<80xi32, #tpu.memory_space<hbm>>
          tpu.enqueue_dma source(%dma_start3A_668 : memref<80xi32, #tpu.memory_space<hbm>>) target(%dma_start3A_667 : memref<80xi32, #tpu.memory_space<vmem>>) target_semaphore(%arg26 : memref<!tpu.dma_semaphore, #tpu.memory_space<semaphore_mem>>)
        } else {
        }
        %dma_wait3A_573 = arith.constant 0 : i32
        %dma_wait3A_574 = arith.constant 0 : i32
        %dma_wait3A_575 = arith.constant 0 : i32
        %dma_wait3A_576 = tpu.memref_slice %arg18[%dma_wait3A_574, %dma_wait3A_575] : memref<160x128xf32, #tpu.memory_space<vmem>> -> memref<80x128xf32, #tpu.memory_space<vmem>>
        %dma_wait3A_577 = arith.constant 0 : i32
        %dma_wait3A_578 = tpu.memref_slice %arg10[%dma_wait3A_573, %dma_wait3A_577] : memref<2x80xi32, #tpu.memory_space<vmem>> -> memref<1x80xi32, #tpu.memory_space<vmem>>
        %dma_wait3A_579 = tpu.memref_squeeze %dma_wait3A_578 : memref<1x80xi32, #tpu.memory_space<vmem>> -> memref<80xi32, #tpu.memory_space<vmem>>
        %dma_wait3A_580 = arith.constant 0 : i32
        %dma_wait3A_581 = arith.constant 0 : i32
        %dma_wait3A_582 = tpu.memref_slice %arg2[%dma_wait3A_580, %dma_wait3A_581] : memref<10000x128xf32, #tpu.memory_space<hbm>> -> memref<10000x128xf32, #tpu.memory_space<hbm>>
        tpu.wait_indirect_dma semaphore(%arg29 : memref<!tpu.dma_semaphore, #tpu.memory_space<semaphore_mem>>) src(%dma_wait3A_582 : memref<10000x128xf32, #tpu.memory_space<hbm>>) dst(%dma_wait3A_576 : memref<80x128xf32, #tpu.memory_space<vmem>>)
        %dma_start3A_583 = arith.constant 0 : i32
        %dma_start3A_584 = arith.constant 0 : i32
        %dma_start3A_585 = arith.constant 0 : i32
        %dma_start3A_586 = tpu.memref_slice %arg18[%dma_start3A_584, %dma_start3A_585] : memref<160x128xf32, #tpu.memory_space<vmem>> -> memref<80x128xf32, #tpu.memory_space<vmem>>
        %dma_start3A_587 = arith.constant 0 : i32
        %dma_start3A_588 = tpu.memref_slice %arg14[%dma_start3A_583, %dma_start3A_587] : memref<2x80xi32, #tpu.memory_space<vmem>> -> memref<1x80xi32, #tpu.memory_space<vmem>>
        %dma_start3A_589 = tpu.memref_squeeze %dma_start3A_588 : memref<1x80xi32, #tpu.memory_space<vmem>> -> memref<80xi32, #tpu.memory_space<vmem>>
        %dma_start3A_590 = arith.constant 0 : i32
        %dma_start3A_591 = arith.constant 0 : i32
        %dma_start3A_592 = tpu.memref_slice %arg21[%dma_start3A_590, %dma_start3A_591] : memref<10000x128xf32, #tpu.memory_space<vmem_shared>> -> memref<10000x128xf32, #tpu.memory_space<vmem_shared>>
        tpu.enqueue_indirect_dma source(%dma_start3A_586 : memref<80x128xf32, #tpu.memory_space<vmem>>) target(%dma_start3A_592 : memref<10000x128xf32, #tpu.memory_space<vmem_shared>>) offsets(%dma_start3A_589 : memref<80xi32, #tpu.memory_space<vmem>>) semaphore(%arg32 : memref<!tpu.dma_semaphore, #tpu.memory_space<semaphore_mem>>) {add = true}
        %dma_start3A_593 = arith.constant 0 : i32
        %dma_start3A_594 = arith.constant 0 : i32
        %dma_start3A_595 = tpu.memref_slice %arg14[%dma_start3A_593, %dma_start3A_594] : memref<2x80xi32, #tpu.memory_space<vmem>> -> memref<1x80xi32, #tpu.memory_space<vmem>>
        %dma_start3A_596 = tpu.memref_squeeze %dma_start3A_595 : memref<1x80xi32, #tpu.memory_space<vmem>> -> memref<80xi32, #tpu.memory_space<vmem>>
        %dma_start3A_597 = arith.constant 0 : i32
        %dma_start3A_598 = tpu.memref_slice %arg22[%dma_start3A_597] : memref<10000xf32, #tpu.memory_space<vmem_shared>> -> memref<10000xf32, #tpu.memory_space<vmem_shared>>
        tpu.enqueue_indirect_dma source(%arg19 : memref<80xf32, #tpu.memory_space<vmem>>) target(%dma_start3A_598 : memref<10000xf32, #tpu.memory_space<vmem_shared>>) offsets(%dma_start3A_596 : memref<80xi32, #tpu.memory_space<vmem>>) semaphore(%arg32 : memref<!tpu.dma_semaphore, #tpu.memory_space<semaphore_mem>>) {add = true}
        %dma_wait3A_599 = arith.constant 1 : i32
        %dma_wait3A_600 = arith.constant 80 : i32
        %dma_wait3A_601 = arith.constant 0 : i32
        %dma_wait3A_602 = tpu.memref_slice %arg18[%dma_wait3A_600, %dma_wait3A_601] : memref<160x128xf32, #tpu.memory_space<vmem>> -> memref<80x128xf32, #tpu.memory_space<vmem>>
        %dma_wait3A_603 = arith.constant 0 : i32
        %dma_wait3A_604 = tpu.memref_slice %arg10[%dma_wait3A_599, %dma_wait3A_603] : memref<2x80xi32, #tpu.memory_space<vmem>> -> memref<1x80xi32, #tpu.memory_space<vmem>>
        %dma_wait3A_605 = tpu.memref_squeeze %dma_wait3A_604 : memref<1x80xi32, #tpu.memory_space<vmem>> -> memref<80xi32, #tpu.memory_space<vmem>>
        %dma_wait3A_606 = arith.constant 0 : i32
        %dma_wait3A_607 = arith.constant 0 : i32
        %dma_wait3A_608 = tpu.memref_slice %arg2[%dma_wait3A_606, %dma_wait3A_607] : memref<10000x128xf32, #tpu.memory_space<hbm>> -> memref<10000x128xf32, #tpu.memory_space<hbm>>
        tpu.wait_indirect_dma semaphore(%arg30 : memref<!tpu.dma_semaphore, #tpu.memory_space<semaphore_mem>>) src(%dma_wait3A_608 : memref<10000x128xf32, #tpu.memory_space<hbm>>) dst(%dma_wait3A_602 : memref<80x128xf32, #tpu.memory_space<vmem>>)
        %dma_start3A_609 = arith.constant 1 : i32
        %dma_start3A_610 = arith.constant 80 : i32
        %dma_start3A_611 = arith.constant 0 : i32
        %dma_start3A_612 = tpu.memref_slice %arg18[%dma_start3A_610, %dma_start3A_611] : memref<160x128xf32, #tpu.memory_space<vmem>> -> memref<80x128xf32, #tpu.memory_space<vmem>>
        %dma_start3A_613 = arith.constant 0 : i32
        %dma_start3A_614 = tpu.memref_slice %arg14[%dma_start3A_609, %dma_start3A_613] : memref<2x80xi32, #tpu.memory_space<vmem>> -> memref<1x80xi32, #tpu.memory_space<vmem>>
        %dma_start3A_615 = tpu.memref_squeeze %dma_start3A_614 : memref<1x80xi32, #tpu.memory_space<vmem>> -> memref<80xi32, #tpu.memory_space<vmem>>
        %dma_start3A_616 = arith.constant 0 : i32
        %dma_start3A_617 = arith.constant 0 : i32
        %dma_start3A_618 = tpu.memref_slice %arg21[%dma_start3A_616, %dma_start3A_617] : memref<10000x128xf32, #tpu.memory_space<vmem_shared>> -> memref<10000x128xf32, #tpu.memory_space<vmem_shared>>
        tpu.enqueue_indirect_dma source(%dma_start3A_612 : memref<80x128xf32, #tpu.memory_space<vmem>>) target(%dma_start3A_618 : memref<10000x128xf32, #tpu.memory_space<vmem_shared>>) offsets(%dma_start3A_615 : memref<80xi32, #tpu.memory_space<vmem>>) semaphore(%arg32 : memref<!tpu.dma_semaphore, #tpu.memory_space<semaphore_mem>>) {add = true}
        %dma_start3A_619 = arith.constant 1 : i32
        %dma_start3A_620 = arith.constant 0 : i32
        %dma_start3A_621 = tpu.memref_slice %arg14[%dma_start3A_619, %dma_start3A_620] : memref<2x80xi32, #tpu.memory_space<vmem>> -> memref<1x80xi32, #tpu.memory_space<vmem>>
        %dma_start3A_622 = tpu.memref_squeeze %dma_start3A_621 : memref<1x80xi32, #tpu.memory_space<vmem>> -> memref<80xi32, #tpu.memory_space<vmem>>
        %dma_start3A_623 = arith.constant 0 : i32
        %dma_start3A_624 = tpu.memref_slice %arg22[%dma_start3A_623] : memref<10000xf32, #tpu.memory_space<vmem_shared>> -> memref<10000xf32, #tpu.memory_space<vmem_shared>>
        tpu.enqueue_indirect_dma source(%arg19 : memref<80xf32, #tpu.memory_space<vmem>>) target(%dma_start3A_624 : memref<10000xf32, #tpu.memory_space<vmem_shared>>) offsets(%dma_start3A_622 : memref<80xi32, #tpu.memory_space<vmem>>) semaphore(%arg32 : memref<!tpu.dma_semaphore, #tpu.memory_space<semaphore_mem>>) {add = true}
      } else {
      }
      %mul3A_474 = arith.constant 4 : i32
      %mul3A_475 = arith.muli %scan3A_450, %mul3A_474 : i32
      %add3A_476 = arith.constant 2 : i32
      %add3A_477 = arith.addi %mul3A_475, %add3A_476 : i32
      %mul3A_478 = arith.constant 32 : i32
      %mul3A_479 = arith.muli %add3A_477, %mul3A_478 : i32
      %add3A_480 = arith.addi %add3A, %mul3A_479 : i32
      %lt3A_481 = arith.constant 2000 : i32
      %lt3A_482 = arith.cmpi slt, %add3A_480, %lt3A_481 : i32
      %convert_element_type3A_483 = arith.extui %lt3A_482 : i1 to i32
      %cond3A_484 = arith.constant 0 : i32
      %cond3A_485 = arith.cmpi ne, %convert_element_type3A_483, %cond3A_484 : i32
      scf.if %cond3A_485 {
        %mul3A_498 = arith.constant 160 : i32
        %mul3A_499 = arith.muli %add3A_480, %mul3A_498 : i32
        %add3A_500 = arith.constant 0 : i32
        %add3A_501 = arith.addi %mul3A_499, %add3A_500 : i32
        %dma_wait3A_502 = arith.constant 0 : i32
        %dma_wait3A_503 = arith.constant 0 : i32
        %dma_wait3A_504 = tpu.memref_slice %arg11[%dma_wait3A_502, %dma_wait3A_503] : memref<2x80xi32, #tpu.memory_space<vmem>> -> memref<1x80xi32, #tpu.memory_space<vmem>>
        %dma_wait3A_505 = tpu.memref_squeeze %dma_wait3A_504 : memref<1x80xi32, #tpu.memory_space<vmem>> -> memref<80xi32, #tpu.memory_space<vmem>>
        %dma_wait3A_506 = tpu.memref_slice %arg3[%add3A_501] : memref<320000xi32, #tpu.memory_space<hbm>> -> memref<80xi32, #tpu.memory_space<hbm>>
        %dma_wait3A_507 = arith.constant 0 : i32
        %dma_wait3A_508 = tpu.memref_slice %arg11[%dma_wait3A_502, %dma_wait3A_507] : memref<2x80xi32, #tpu.memory_space<vmem>> -> memref<1x80xi32, #tpu.memory_space<vmem>>
        %dma_wait3A_509 = tpu.memref_squeeze %dma_wait3A_508 : memref<1x80xi32, #tpu.memory_space<vmem>> -> memref<80xi32, #tpu.memory_space<vmem>>
        %dma_wait3A_510 = tpu.memref_slice %arg3[%add3A_501] : memref<320000xi32, #tpu.memory_space<hbm>> -> memref<80xi32, #tpu.memory_space<hbm>>
        tpu.wait_dma2 semaphore(%arg25 : memref<!tpu.dma_semaphore, #tpu.memory_space<semaphore_mem>>) src(%dma_wait3A_510 : memref<80xi32, #tpu.memory_space<hbm>>) dst(%dma_wait3A_509 : memref<80xi32, #tpu.memory_space<vmem>>)
        %dma_wait3A_511 = arith.constant 0 : i32
        %dma_wait3A_512 = arith.constant 0 : i32
        %dma_wait3A_513 = tpu.memref_slice %arg15[%dma_wait3A_511, %dma_wait3A_512] : memref<2x80xi32, #tpu.memory_space<vmem>> -> memref<1x80xi32, #tpu.memory_space<vmem>>
        %dma_wait3A_514 = tpu.memref_squeeze %dma_wait3A_513 : memref<1x80xi32, #tpu.memory_space<vmem>> -> memref<80xi32, #tpu.memory_space<vmem>>
        %dma_wait3A_515 = tpu.memref_slice %arg4[%add3A_501] : memref<320000xi32, #tpu.memory_space<hbm>> -> memref<80xi32, #tpu.memory_space<hbm>>
        %dma_wait3A_516 = arith.constant 0 : i32
        %dma_wait3A_517 = tpu.memref_slice %arg15[%dma_wait3A_511, %dma_wait3A_516] : memref<2x80xi32, #tpu.memory_space<vmem>> -> memref<1x80xi32, #tpu.memory_space<vmem>>
        %dma_wait3A_518 = tpu.memref_squeeze %dma_wait3A_517 : memref<1x80xi32, #tpu.memory_space<vmem>> -> memref<80xi32, #tpu.memory_space<vmem>>
        %dma_wait3A_519 = tpu.memref_slice %arg4[%add3A_501] : memref<320000xi32, #tpu.memory_space<hbm>> -> memref<80xi32, #tpu.memory_space<hbm>>
        tpu.wait_dma2 semaphore(%arg25 : memref<!tpu.dma_semaphore, #tpu.memory_space<semaphore_mem>>) src(%dma_wait3A_519 : memref<80xi32, #tpu.memory_space<hbm>>) dst(%dma_wait3A_518 : memref<80xi32, #tpu.memory_space<vmem>>)
        %mul3A_520 = arith.constant 160 : i32
        %mul3A_521 = arith.muli %add3A_480, %mul3A_520 : i32
        %add3A_522 = arith.constant 80 : i32
        %add3A_523 = arith.addi %mul3A_521, %add3A_522 : i32
        %dma_wait3A_524 = arith.constant 1 : i32
        %dma_wait3A_525 = arith.constant 0 : i32
        %dma_wait3A_526 = tpu.memref_slice %arg11[%dma_wait3A_524, %dma_wait3A_525] : memref<2x80xi32, #tpu.memory_space<vmem>> -> memref<1x80xi32, #tpu.memory_space<vmem>>
        %dma_wait3A_527 = tpu.memref_squeeze %dma_wait3A_526 : memref<1x80xi32, #tpu.memory_space<vmem>> -> memref<80xi32, #tpu.memory_space<vmem>>
        %dma_wait3A_528 = tpu.memref_slice %arg3[%add3A_523] : memref<320000xi32, #tpu.memory_space<hbm>> -> memref<80xi32, #tpu.memory_space<hbm>>
        %dma_wait3A_529 = arith.constant 0 : i32
        %dma_wait3A_530 = tpu.memref_slice %arg11[%dma_wait3A_524, %dma_wait3A_529] : memref<2x80xi32, #tpu.memory_space<vmem>> -> memref<1x80xi32, #tpu.memory_space<vmem>>
        %dma_wait3A_531 = tpu.memref_squeeze %dma_wait3A_530 : memref<1x80xi32, #tpu.memory_space<vmem>> -> memref<80xi32, #tpu.memory_space<vmem>>
        %dma_wait3A_532 = tpu.memref_slice %arg3[%add3A_523] : memref<320000xi32, #tpu.memory_space<hbm>> -> memref<80xi32, #tpu.memory_space<hbm>>
        tpu.wait_dma2 semaphore(%arg25 : memref<!tpu.dma_semaphore, #tpu.memory_space<semaphore_mem>>) src(%dma_wait3A_532 : memref<80xi32, #tpu.memory_space<hbm>>) dst(%dma_wait3A_531 : memref<80xi32, #tpu.memory_space<vmem>>)
        %dma_wait3A_533 = arith.constant 1 : i32
        %dma_wait3A_534 = arith.constant 0 : i32
        %dma_wait3A_535 = tpu.memref_slice %arg15[%dma_wait3A_533, %dma_wait3A_534] : memref<2x80xi32, #tpu.memory_space<vmem>> -> memref<1x80xi32, #tpu.memory_space<vmem>>
        %dma_wait3A_536 = tpu.memref_squeeze %dma_wait3A_535 : memref<1x80xi32, #tpu.memory_space<vmem>> -> memref<80xi32, #tpu.memory_space<vmem>>
        %dma_wait3A_537 = tpu.memref_slice %arg4[%add3A_523] : memref<320000xi32, #tpu.memory_space<hbm>> -> memref<80xi32, #tpu.memory_space<hbm>>
        %dma_wait3A_538 = arith.constant 0 : i32
        %dma_wait3A_539 = tpu.memref_slice %arg15[%dma_wait3A_533, %dma_wait3A_538] : memref<2x80xi32, #tpu.memory_space<vmem>> -> memref<1x80xi32, #tpu.memory_space<vmem>>
        %dma_wait3A_540 = tpu.memref_squeeze %dma_wait3A_539 : memref<1x80xi32, #tpu.memory_space<vmem>> -> memref<80xi32, #tpu.memory_space<vmem>>
        %dma_wait3A_541 = tpu.memref_slice %arg4[%add3A_523] : memref<320000xi32, #tpu.memory_space<hbm>> -> memref<80xi32, #tpu.memory_space<hbm>>
        tpu.wait_dma2 semaphore(%arg25 : memref<!tpu.dma_semaphore, #tpu.memory_space<semaphore_mem>>) src(%dma_wait3A_541 : memref<80xi32, #tpu.memory_space<hbm>>) dst(%dma_wait3A_540 : memref<80xi32, #tpu.memory_space<vmem>>)
        %ge3A = arith.constant 2 : i32
        %ge3A_542 = arith.cmpi sge, %add3A_477, %ge3A : i32
        %convert_element_type3A_543 = arith.extui %ge3A_542 : i1 to i32
        %cond3A_544 = arith.constant 0 : i32
        %cond3A_545 = arith.cmpi ne, %convert_element_type3A_543, %cond3A_544 : i32
        scf.if %cond3A_545 {
          %dma_wait3A_625 = arith.constant 0 : i32
          %dma_wait3A_626 = arith.constant 0 : i32
          %dma_wait3A_627 = arith.constant 0 : i32
          %dma_wait3A_628 = tpu.memref_slice %arg17[%dma_wait3A_626, %dma_wait3A_627] : memref<160x128xf32, #tpu.memory_space<vmem>> -> memref<80x128xf32, #tpu.memory_space<vmem>>
          %dma_wait3A_629 = arith.constant 0 : i32
          %dma_wait3A_630 = tpu.memref_slice %arg13[%dma_wait3A_625, %dma_wait3A_629] : memref<2x80xi32, #tpu.memory_space<vmem>> -> memref<1x80xi32, #tpu.memory_space<vmem>>
          %dma_wait3A_631 = tpu.memref_squeeze %dma_wait3A_630 : memref<1x80xi32, #tpu.memory_space<vmem>> -> memref<80xi32, #tpu.memory_space<vmem>>
          %dma_wait3A_632 = arith.constant 0 : i32
          %dma_wait3A_633 = arith.constant 0 : i32
          %dma_wait3A_634 = tpu.memref_slice %arg21[%dma_wait3A_632, %dma_wait3A_633] : memref<10000x128xf32, #tpu.memory_space<vmem_shared>> -> memref<10000x128xf32, #tpu.memory_space<vmem_shared>>
          tpu.wait_indirect_dma semaphore(%arg31 : memref<!tpu.dma_semaphore, #tpu.memory_space<semaphore_mem>>) src(%dma_wait3A_628 : memref<80x128xf32, #tpu.memory_space<vmem>>) dst(%dma_wait3A_634 : memref<10000x128xf32, #tpu.memory_space<vmem_shared>>)
          %dma_wait3A_635 = arith.constant 0 : i32
          %dma_wait3A_636 = arith.constant 0 : i32
          %dma_wait3A_637 = tpu.memref_slice %arg13[%dma_wait3A_635, %dma_wait3A_636] : memref<2x80xi32, #tpu.memory_space<vmem>> -> memref<1x80xi32, #tpu.memory_space<vmem>>
          %dma_wait3A_638 = tpu.memref_squeeze %dma_wait3A_637 : memref<1x80xi32, #tpu.memory_space<vmem>> -> memref<80xi32, #tpu.memory_space<vmem>>
          %dma_wait3A_639 = arith.constant 0 : i32
          %dma_wait3A_640 = tpu.memref_slice %arg22[%dma_wait3A_639] : memref<10000xf32, #tpu.memory_space<vmem_shared>> -> memref<10000xf32, #tpu.memory_space<vmem_shared>>
          tpu.wait_indirect_dma semaphore(%arg31 : memref<!tpu.dma_semaphore, #tpu.memory_space<semaphore_mem>>) src(%arg19 : memref<80xf32, #tpu.memory_space<vmem>>) dst(%dma_wait3A_640 : memref<10000xf32, #tpu.memory_space<vmem_shared>>)
          %dma_wait3A_641 = arith.constant 1 : i32
          %dma_wait3A_642 = arith.constant 80 : i32
          %dma_wait3A_643 = arith.constant 0 : i32
          %dma_wait3A_644 = tpu.memref_slice %arg17[%dma_wait3A_642, %dma_wait3A_643] : memref<160x128xf32, #tpu.memory_space<vmem>> -> memref<80x128xf32, #tpu.memory_space<vmem>>
          %dma_wait3A_645 = arith.constant 0 : i32
          %dma_wait3A_646 = tpu.memref_slice %arg13[%dma_wait3A_641, %dma_wait3A_645] : memref<2x80xi32, #tpu.memory_space<vmem>> -> memref<1x80xi32, #tpu.memory_space<vmem>>
          %dma_wait3A_647 = tpu.memref_squeeze %dma_wait3A_646 : memref<1x80xi32, #tpu.memory_space<vmem>> -> memref<80xi32, #tpu.memory_space<vmem>>
          %dma_wait3A_648 = arith.constant 0 : i32
          %dma_wait3A_649 = arith.constant 0 : i32
          %dma_wait3A_650 = tpu.memref_slice %arg21[%dma_wait3A_648, %dma_wait3A_649] : memref<10000x128xf32, #tpu.memory_space<vmem_shared>> -> memref<10000x128xf32, #tpu.memory_space<vmem_shared>>
          tpu.wait_indirect_dma semaphore(%arg31 : memref<!tpu.dma_semaphore, #tpu.memory_space<semaphore_mem>>) src(%dma_wait3A_644 : memref<80x128xf32, #tpu.memory_space<vmem>>) dst(%dma_wait3A_650 : memref<10000x128xf32, #tpu.memory_space<vmem_shared>>)
          %dma_wait3A_651 = arith.constant 1 : i32
          %dma_wait3A_652 = arith.constant 0 : i32
          %dma_wait3A_653 = tpu.memref_slice %arg13[%dma_wait3A_651, %dma_wait3A_652] : memref<2x80xi32, #tpu.memory_space<vmem>> -> memref<1x80xi32, #tpu.memory_space<vmem>>
          %dma_wait3A_654 = tpu.memref_squeeze %dma_wait3A_653 : memref<1x80xi32, #tpu.memory_space<vmem>> -> memref<80xi32, #tpu.memory_space<vmem>>
          %dma_wait3A_655 = arith.constant 0 : i32
          %dma_wait3A_656 = tpu.memref_slice %arg22[%dma_wait3A_655] : memref<10000xf32, #tpu.memory_space<vmem_shared>> -> memref<10000xf32, #tpu.memory_space<vmem_shared>>
          tpu.wait_indirect_dma semaphore(%arg31 : memref<!tpu.dma_semaphore, #tpu.memory_space<semaphore_mem>>) src(%arg19 : memref<80xf32, #tpu.memory_space<vmem>>) dst(%dma_wait3A_656 : memref<10000xf32, #tpu.memory_space<vmem_shared>>)
        } else {
        }
        %dma_start3A_546 = arith.constant 0 : i32
        %dma_start3A_547 = arith.constant 0 : i32
        %dma_start3A_548 = arith.constant 0 : i32
        %dma_start3A_549 = tpu.memref_slice %arg17[%dma_start3A_547, %dma_start3A_548] : memref<160x128xf32, #tpu.memory_space<vmem>> -> memref<80x128xf32, #tpu.memory_space<vmem>>
        %dma_start3A_550 = arith.constant 0 : i32
        %dma_start3A_551 = tpu.memref_slice %arg11[%dma_start3A_546, %dma_start3A_550] : memref<2x80xi32, #tpu.memory_space<vmem>> -> memref<1x80xi32, #tpu.memory_space<vmem>>
        %dma_start3A_552 = tpu.memref_squeeze %dma_start3A_551 : memref<1x80xi32, #tpu.memory_space<vmem>> -> memref<80xi32, #tpu.memory_space<vmem>>
        %dma_start3A_553 = arith.constant 0 : i32
        %dma_start3A_554 = arith.constant 0 : i32
        %dma_start3A_555 = tpu.memref_slice %arg2[%dma_start3A_553, %dma_start3A_554] : memref<10000x128xf32, #tpu.memory_space<hbm>> -> memref<10000x128xf32, #tpu.memory_space<hbm>>
        tpu.enqueue_indirect_dma source(%dma_start3A_555 : memref<10000x128xf32, #tpu.memory_space<hbm>>) target(%dma_start3A_549 : memref<80x128xf32, #tpu.memory_space<vmem>>) offsets(%dma_start3A_552 : memref<80xi32, #tpu.memory_space<vmem>>) semaphore(%arg27 : memref<!tpu.dma_semaphore, #tpu.memory_space<semaphore_mem>>)
        %dma_start3A_556 = arith.constant 1 : i32
        %dma_start3A_557 = arith.constant 80 : i32
        %dma_start3A_558 = arith.constant 0 : i32
        %dma_start3A_559 = tpu.memref_slice %arg17[%dma_start3A_557, %dma_start3A_558] : memref<160x128xf32, #tpu.memory_space<vmem>> -> memref<80x128xf32, #tpu.memory_space<vmem>>
        %dma_start3A_560 = arith.constant 0 : i32
        %dma_start3A_561 = tpu.memref_slice %arg11[%dma_start3A_556, %dma_start3A_560] : memref<2x80xi32, #tpu.memory_space<vmem>> -> memref<1x80xi32, #tpu.memory_space<vmem>>
        %dma_start3A_562 = tpu.memref_squeeze %dma_start3A_561 : memref<1x80xi32, #tpu.memory_space<vmem>> -> memref<80xi32, #tpu.memory_space<vmem>>
        %dma_start3A_563 = arith.constant 0 : i32
        %dma_start3A_564 = arith.constant 0 : i32
        %dma_start3A_565 = tpu.memref_slice %arg2[%dma_start3A_563, %dma_start3A_564] : memref<10000x128xf32, #tpu.memory_space<hbm>> -> memref<10000x128xf32, #tpu.memory_space<hbm>>
        tpu.enqueue_indirect_dma source(%dma_start3A_565 : memref<10000x128xf32, #tpu.memory_space<hbm>>) target(%dma_start3A_559 : memref<80x128xf32, #tpu.memory_space<vmem>>) offsets(%dma_start3A_562 : memref<80xi32, #tpu.memory_space<vmem>>) semaphore(%arg28 : memref<!tpu.dma_semaphore, #tpu.memory_space<semaphore_mem>>)
        %add3A_566 = arith.constant 64 : i32
        %add3A_567 = arith.addi %add3A_480, %add3A_566 : i32
        %lt3A_568 = arith.constant 2000 : i32
        %lt3A_569 = arith.cmpi slt, %add3A_567, %lt3A_568 : i32
        %convert_element_type3A_570 = arith.extui %lt3A_569 : i1 to i32
        %cond3A_571 = arith.constant 0 : i32
        %cond3A_572 = arith.cmpi ne, %convert_element_type3A_570, %cond3A_571 : i32
        scf.if %cond3A_572 {
          %mul3A_625 = arith.constant 160 : i32
          %mul3A_626 = arith.muli %add3A_567, %mul3A_625 : i32
          %add3A_627 = arith.constant 0 : i32
          %add3A_628 = arith.addi %mul3A_626, %add3A_627 : i32
          %dma_start3A_629 = arith.constant 0 : i32
          %dma_start3A_630 = arith.constant 0 : i32
          %dma_start3A_631 = tpu.memref_slice %arg9[%dma_start3A_629, %dma_start3A_630] : memref<2x80xi32, #tpu.memory_space<vmem>> -> memref<1x80xi32, #tpu.memory_space<vmem>>
          %dma_start3A_632 = tpu.memref_squeeze %dma_start3A_631 : memref<1x80xi32, #tpu.memory_space<vmem>> -> memref<80xi32, #tpu.memory_space<vmem>>
          %dma_start3A_633 = tpu.memref_slice %arg3[%add3A_628] : memref<320000xi32, #tpu.memory_space<hbm>> -> memref<80xi32, #tpu.memory_space<hbm>>
          %dma_start3A_634 = arith.constant 0 : i32
          %dma_start3A_635 = tpu.memref_slice %arg9[%dma_start3A_629, %dma_start3A_634] : memref<2x80xi32, #tpu.memory_space<vmem>> -> memref<1x80xi32, #tpu.memory_space<vmem>>
          %dma_start3A_636 = tpu.memref_squeeze %dma_start3A_635 : memref<1x80xi32, #tpu.memory_space<vmem>> -> memref<80xi32, #tpu.memory_space<vmem>>
          %dma_start3A_637 = tpu.memref_slice %arg3[%add3A_628] : memref<320000xi32, #tpu.memory_space<hbm>> -> memref<80xi32, #tpu.memory_space<hbm>>
          tpu.enqueue_dma source(%dma_start3A_637 : memref<80xi32, #tpu.memory_space<hbm>>) target(%dma_start3A_636 : memref<80xi32, #tpu.memory_space<vmem>>) target_semaphore(%arg23 : memref<!tpu.dma_semaphore, #tpu.memory_space<semaphore_mem>>)
          %dma_start3A_638 = arith.constant 0 : i32
          %dma_start3A_639 = arith.constant 0 : i32
          %dma_start3A_640 = tpu.memref_slice %arg13[%dma_start3A_638, %dma_start3A_639] : memref<2x80xi32, #tpu.memory_space<vmem>> -> memref<1x80xi32, #tpu.memory_space<vmem>>
          %dma_start3A_641 = tpu.memref_squeeze %dma_start3A_640 : memref<1x80xi32, #tpu.memory_space<vmem>> -> memref<80xi32, #tpu.memory_space<vmem>>
          %dma_start3A_642 = tpu.memref_slice %arg4[%add3A_628] : memref<320000xi32, #tpu.memory_space<hbm>> -> memref<80xi32, #tpu.memory_space<hbm>>
          %dma_start3A_643 = arith.constant 0 : i32
          %dma_start3A_644 = tpu.memref_slice %arg13[%dma_start3A_638, %dma_start3A_643] : memref<2x80xi32, #tpu.memory_space<vmem>> -> memref<1x80xi32, #tpu.memory_space<vmem>>
          %dma_start3A_645 = tpu.memref_squeeze %dma_start3A_644 : memref<1x80xi32, #tpu.memory_space<vmem>> -> memref<80xi32, #tpu.memory_space<vmem>>
          %dma_start3A_646 = tpu.memref_slice %arg4[%add3A_628] : memref<320000xi32, #tpu.memory_space<hbm>> -> memref<80xi32, #tpu.memory_space<hbm>>
          tpu.enqueue_dma source(%dma_start3A_646 : memref<80xi32, #tpu.memory_space<hbm>>) target(%dma_start3A_645 : memref<80xi32, #tpu.memory_space<vmem>>) target_semaphore(%arg23 : memref<!tpu.dma_semaphore, #tpu.memory_space<semaphore_mem>>)
          %mul3A_647 = arith.constant 160 : i32
          %mul3A_648 = arith.muli %add3A_567, %mul3A_647 : i32
          %add3A_649 = arith.constant 80 : i32
          %add3A_650 = arith.addi %mul3A_648, %add3A_649 : i32
          %dma_start3A_651 = arith.constant 1 : i32
          %dma_start3A_652 = arith.constant 0 : i32
          %dma_start3A_653 = tpu.memref_slice %arg9[%dma_start3A_651, %dma_start3A_652] : memref<2x80xi32, #tpu.memory_space<vmem>> -> memref<1x80xi32, #tpu.memory_space<vmem>>
          %dma_start3A_654 = tpu.memref_squeeze %dma_start3A_653 : memref<1x80xi32, #tpu.memory_space<vmem>> -> memref<80xi32, #tpu.memory_space<vmem>>
          %dma_start3A_655 = tpu.memref_slice %arg3[%add3A_650] : memref<320000xi32, #tpu.memory_space<hbm>> -> memref<80xi32, #tpu.memory_space<hbm>>
          %dma_start3A_656 = arith.constant 0 : i32
          %dma_start3A_657 = tpu.memref_slice %arg9[%dma_start3A_651, %dma_start3A_656] : memref<2x80xi32, #tpu.memory_space<vmem>> -> memref<1x80xi32, #tpu.memory_space<vmem>>
          %dma_start3A_658 = tpu.memref_squeeze %dma_start3A_657 : memref<1x80xi32, #tpu.memory_space<vmem>> -> memref<80xi32, #tpu.memory_space<vmem>>
          %dma_start3A_659 = tpu.memref_slice %arg3[%add3A_650] : memref<320000xi32, #tpu.memory_space<hbm>> -> memref<80xi32, #tpu.memory_space<hbm>>
          tpu.enqueue_dma source(%dma_start3A_659 : memref<80xi32, #tpu.memory_space<hbm>>) target(%dma_start3A_658 : memref<80xi32, #tpu.memory_space<vmem>>) target_semaphore(%arg23 : memref<!tpu.dma_semaphore, #tpu.memory_space<semaphore_mem>>)
          %dma_start3A_660 = arith.constant 1 : i32
          %dma_start3A_661 = arith.constant 0 : i32
          %dma_start3A_662 = tpu.memref_slice %arg13[%dma_start3A_660, %dma_start3A_661] : memref<2x80xi32, #tpu.memory_space<vmem>> -> memref<1x80xi32, #tpu.memory_space<vmem>>
          %dma_start3A_663 = tpu.memref_squeeze %dma_start3A_662 : memref<1x80xi32, #tpu.memory_space<vmem>> -> memref<80xi32, #tpu.memory_space<vmem>>
          %dma_start3A_664 = tpu.memref_slice %arg4[%add3A_650] : memref<320000xi32, #tpu.memory_space<hbm>> -> memref<80xi32, #tpu.memory_space<hbm>>
          %dma_start3A_665 = arith.constant 0 : i32
          %dma_start3A_666 = tpu.memref_slice %arg13[%dma_start3A_660, %dma_start3A_665] : memref<2x80xi32, #tpu.memory_space<vmem>> -> memref<1x80xi32, #tpu.memory_space<vmem>>
          %dma_start3A_667 = tpu.memref_squeeze %dma_start3A_666 : memref<1x80xi32, #tpu.memory_space<vmem>> -> memref<80xi32, #tpu.memory_space<vmem>>
          %dma_start3A_668 = tpu.memref_slice %arg4[%add3A_650] : memref<320000xi32, #tpu.memory_space<hbm>> -> memref<80xi32, #tpu.memory_space<hbm>>
          tpu.enqueue_dma source(%dma_start3A_668 : memref<80xi32, #tpu.memory_space<hbm>>) target(%dma_start3A_667 : memref<80xi32, #tpu.memory_space<vmem>>) target_semaphore(%arg23 : memref<!tpu.dma_semaphore, #tpu.memory_space<semaphore_mem>>)
        } else {
        }
        %dma_wait3A_573 = arith.constant 0 : i32
        %dma_wait3A_574 = arith.constant 0 : i32
        %dma_wait3A_575 = arith.constant 0 : i32
        %dma_wait3A_576 = tpu.memref_slice %arg17[%dma_wait3A_574, %dma_wait3A_575] : memref<160x128xf32, #tpu.memory_space<vmem>> -> memref<80x128xf32, #tpu.memory_space<vmem>>
        %dma_wait3A_577 = arith.constant 0 : i32
        %dma_wait3A_578 = tpu.memref_slice %arg11[%dma_wait3A_573, %dma_wait3A_577] : memref<2x80xi32, #tpu.memory_space<vmem>> -> memref<1x80xi32, #tpu.memory_space<vmem>>
        %dma_wait3A_579 = tpu.memref_squeeze %dma_wait3A_578 : memref<1x80xi32, #tpu.memory_space<vmem>> -> memref<80xi32, #tpu.memory_space<vmem>>
        %dma_wait3A_580 = arith.constant 0 : i32
        %dma_wait3A_581 = arith.constant 0 : i32
        %dma_wait3A_582 = tpu.memref_slice %arg2[%dma_wait3A_580, %dma_wait3A_581] : memref<10000x128xf32, #tpu.memory_space<hbm>> -> memref<10000x128xf32, #tpu.memory_space<hbm>>
        tpu.wait_indirect_dma semaphore(%arg27 : memref<!tpu.dma_semaphore, #tpu.memory_space<semaphore_mem>>) src(%dma_wait3A_582 : memref<10000x128xf32, #tpu.memory_space<hbm>>) dst(%dma_wait3A_576 : memref<80x128xf32, #tpu.memory_space<vmem>>)
        %dma_start3A_583 = arith.constant 0 : i32
        %dma_start3A_584 = arith.constant 0 : i32
        %dma_start3A_585 = arith.constant 0 : i32
        %dma_start3A_586 = tpu.memref_slice %arg17[%dma_start3A_584, %dma_start3A_585] : memref<160x128xf32, #tpu.memory_space<vmem>> -> memref<80x128xf32, #tpu.memory_space<vmem>>
        %dma_start3A_587 = arith.constant 0 : i32
        %dma_start3A_588 = tpu.memref_slice %arg15[%dma_start3A_583, %dma_start3A_587] : memref<2x80xi32, #tpu.memory_space<vmem>> -> memref<1x80xi32, #tpu.memory_space<vmem>>
        %dma_start3A_589 = tpu.memref_squeeze %dma_start3A_588 : memref<1x80xi32, #tpu.memory_space<vmem>> -> memref<80xi32, #tpu.memory_space<vmem>>
        %dma_start3A_590 = arith.constant 0 : i32
        %dma_start3A_591 = arith.constant 0 : i32
        %dma_start3A_592 = tpu.memref_slice %arg21[%dma_start3A_590, %dma_start3A_591] : memref<10000x128xf32, #tpu.memory_space<vmem_shared>> -> memref<10000x128xf32, #tpu.memory_space<vmem_shared>>
        tpu.enqueue_indirect_dma source(%dma_start3A_586 : memref<80x128xf32, #tpu.memory_space<vmem>>) target(%dma_start3A_592 : memref<10000x128xf32, #tpu.memory_space<vmem_shared>>) offsets(%dma_start3A_589 : memref<80xi32, #tpu.memory_space<vmem>>) semaphore(%arg31 : memref<!tpu.dma_semaphore, #tpu.memory_space<semaphore_mem>>) {add = true}
        %dma_start3A_593 = arith.constant 0 : i32
        %dma_start3A_594 = arith.constant 0 : i32
        %dma_start3A_595 = tpu.memref_slice %arg15[%dma_start3A_593, %dma_start3A_594] : memref<2x80xi32, #tpu.memory_space<vmem>> -> memref<1x80xi32, #tpu.memory_space<vmem>>
        %dma_start3A_596 = tpu.memref_squeeze %dma_start3A_595 : memref<1x80xi32, #tpu.memory_space<vmem>> -> memref<80xi32, #tpu.memory_space<vmem>>
        %dma_start3A_597 = arith.constant 0 : i32
        %dma_start3A_598 = tpu.memref_slice %arg22[%dma_start3A_597] : memref<10000xf32, #tpu.memory_space<vmem_shared>> -> memref<10000xf32, #tpu.memory_space<vmem_shared>>
        tpu.enqueue_indirect_dma source(%arg19 : memref<80xf32, #tpu.memory_space<vmem>>) target(%dma_start3A_598 : memref<10000xf32, #tpu.memory_space<vmem_shared>>) offsets(%dma_start3A_596 : memref<80xi32, #tpu.memory_space<vmem>>) semaphore(%arg31 : memref<!tpu.dma_semaphore, #tpu.memory_space<semaphore_mem>>) {add = true}
        %dma_wait3A_599 = arith.constant 1 : i32
        %dma_wait3A_600 = arith.constant 80 : i32
        %dma_wait3A_601 = arith.constant 0 : i32
        %dma_wait3A_602 = tpu.memref_slice %arg17[%dma_wait3A_600, %dma_wait3A_601] : memref<160x128xf32, #tpu.memory_space<vmem>> -> memref<80x128xf32, #tpu.memory_space<vmem>>
        %dma_wait3A_603 = arith.constant 0 : i32
        %dma_wait3A_604 = tpu.memref_slice %arg11[%dma_wait3A_599, %dma_wait3A_603] : memref<2x80xi32, #tpu.memory_space<vmem>> -> memref<1x80xi32, #tpu.memory_space<vmem>>
        %dma_wait3A_605 = tpu.memref_squeeze %dma_wait3A_604 : memref<1x80xi32, #tpu.memory_space<vmem>> -> memref<80xi32, #tpu.memory_space<vmem>>
        %dma_wait3A_606 = arith.constant 0 : i32
        %dma_wait3A_607 = arith.constant 0 : i32
        %dma_wait3A_608 = tpu.memref_slice %arg2[%dma_wait3A_606, %dma_wait3A_607] : memref<10000x128xf32, #tpu.memory_space<hbm>> -> memref<10000x128xf32, #tpu.memory_space<hbm>>
        tpu.wait_indirect_dma semaphore(%arg28 : memref<!tpu.dma_semaphore, #tpu.memory_space<semaphore_mem>>) src(%dma_wait3A_608 : memref<10000x128xf32, #tpu.memory_space<hbm>>) dst(%dma_wait3A_602 : memref<80x128xf32, #tpu.memory_space<vmem>>)
        %dma_start3A_609 = arith.constant 1 : i32
        %dma_start3A_610 = arith.constant 80 : i32
        %dma_start3A_611 = arith.constant 0 : i32
        %dma_start3A_612 = tpu.memref_slice %arg17[%dma_start3A_610, %dma_start3A_611] : memref<160x128xf32, #tpu.memory_space<vmem>> -> memref<80x128xf32, #tpu.memory_space<vmem>>
        %dma_start3A_613 = arith.constant 0 : i32
        %dma_start3A_614 = tpu.memref_slice %arg15[%dma_start3A_609, %dma_start3A_613] : memref<2x80xi32, #tpu.memory_space<vmem>> -> memref<1x80xi32, #tpu.memory_space<vmem>>
        %dma_start3A_615 = tpu.memref_squeeze %dma_start3A_614 : memref<1x80xi32, #tpu.memory_space<vmem>> -> memref<80xi32, #tpu.memory_space<vmem>>
        %dma_start3A_616 = arith.constant 0 : i32
        %dma_start3A_617 = arith.constant 0 : i32
        %dma_start3A_618 = tpu.memref_slice %arg21[%dma_start3A_616, %dma_start3A_617] : memref<10000x128xf32, #tpu.memory_space<vmem_shared>> -> memref<10000x128xf32, #tpu.memory_space<vmem_shared>>
        tpu.enqueue_indirect_dma source(%dma_start3A_612 : memref<80x128xf32, #tpu.memory_space<vmem>>) target(%dma_start3A_618 : memref<10000x128xf32, #tpu.memory_space<vmem_shared>>) offsets(%dma_start3A_615 : memref<80xi32, #tpu.memory_space<vmem>>) semaphore(%arg31 : memref<!tpu.dma_semaphore, #tpu.memory_space<semaphore_mem>>) {add = true}
        %dma_start3A_619 = arith.constant 1 : i32
        %dma_start3A_620 = arith.constant 0 : i32
        %dma_start3A_621 = tpu.memref_slice %arg15[%dma_start3A_619, %dma_start3A_620] : memref<2x80xi32, #tpu.memory_space<vmem>> -> memref<1x80xi32, #tpu.memory_space<vmem>>
        %dma_start3A_622 = tpu.memref_squeeze %dma_start3A_621 : memref<1x80xi32, #tpu.memory_space<vmem>> -> memref<80xi32, #tpu.memory_space<vmem>>
        %dma_start3A_623 = arith.constant 0 : i32
        %dma_start3A_624 = tpu.memref_slice %arg22[%dma_start3A_623] : memref<10000xf32, #tpu.memory_space<vmem_shared>> -> memref<10000xf32, #tpu.memory_space<vmem_shared>>
        tpu.enqueue_indirect_dma source(%arg19 : memref<80xf32, #tpu.memory_space<vmem>>) target(%dma_start3A_624 : memref<10000xf32, #tpu.memory_space<vmem_shared>>) offsets(%dma_start3A_622 : memref<80xi32, #tpu.memory_space<vmem>>) semaphore(%arg31 : memref<!tpu.dma_semaphore, #tpu.memory_space<semaphore_mem>>) {add = true}
      } else {
      }
      %mul3A_486 = arith.constant 4 : i32
      %mul3A_487 = arith.muli %scan3A_450, %mul3A_486 : i32
      %add3A_488 = arith.constant 3 : i32
      %add3A_489 = arith.addi %mul3A_487, %add3A_488 : i32
      %mul3A_490 = arith.constant 32 : i32
      %mul3A_491 = arith.muli %add3A_489, %mul3A_490 : i32
      %add3A_492 = arith.addi %add3A, %mul3A_491 : i32
      %lt3A_493 = arith.constant 2000 : i32
      %lt3A_494 = arith.cmpi slt, %add3A_492, %lt3A_493 : i32
      %convert_element_type3A_495 = arith.extui %lt3A_494 : i1 to i32
      %cond3A_496 = arith.constant 0 : i32
      %cond3A_497 = arith.cmpi ne, %convert_element_type3A_495, %cond3A_496 : i32
      scf.if %cond3A_497 {
        %mul3A_498 = arith.constant 160 : i32
        %mul3A_499 = arith.muli %add3A_492, %mul3A_498 : i32
        %add3A_500 = arith.constant 0 : i32
        %add3A_501 = arith.addi %mul3A_499, %add3A_500 : i32
        %dma_wait3A_502 = arith.constant 0 : i32
        %dma_wait3A_503 = arith.constant 0 : i32
        %dma_wait3A_504 = tpu.memref_slice %arg12[%dma_wait3A_502, %dma_wait3A_503] : memref<2x80xi32, #tpu.memory_space<vmem>> -> memref<1x80xi32, #tpu.memory_space<vmem>>
        %dma_wait3A_505 = tpu.memref_squeeze %dma_wait3A_504 : memref<1x80xi32, #tpu.memory_space<vmem>> -> memref<80xi32, #tpu.memory_space<vmem>>
        %dma_wait3A_506 = tpu.memref_slice %arg3[%add3A_501] : memref<320000xi32, #tpu.memory_space<hbm>> -> memref<80xi32, #tpu.memory_space<hbm>>
        %dma_wait3A_507 = arith.constant 0 : i32
        %dma_wait3A_508 = tpu.memref_slice %arg12[%dma_wait3A_502, %dma_wait3A_507] : memref<2x80xi32, #tpu.memory_space<vmem>> -> memref<1x80xi32, #tpu.memory_space<vmem>>
        %dma_wait3A_509 = tpu.memref_squeeze %dma_wait3A_508 : memref<1x80xi32, #tpu.memory_space<vmem>> -> memref<80xi32, #tpu.memory_space<vmem>>
        %dma_wait3A_510 = tpu.memref_slice %arg3[%add3A_501] : memref<320000xi32, #tpu.memory_space<hbm>> -> memref<80xi32, #tpu.memory_space<hbm>>
        tpu.wait_dma2 semaphore(%arg26 : memref<!tpu.dma_semaphore, #tpu.memory_space<semaphore_mem>>) src(%dma_wait3A_510 : memref<80xi32, #tpu.memory_space<hbm>>) dst(%dma_wait3A_509 : memref<80xi32, #tpu.memory_space<vmem>>)
        %dma_wait3A_511 = arith.constant 0 : i32
        %dma_wait3A_512 = arith.constant 0 : i32
        %dma_wait3A_513 = tpu.memref_slice %arg16[%dma_wait3A_511, %dma_wait3A_512] : memref<2x80xi32, #tpu.memory_space<vmem>> -> memref<1x80xi32, #tpu.memory_space<vmem>>
        %dma_wait3A_514 = tpu.memref_squeeze %dma_wait3A_513 : memref<1x80xi32, #tpu.memory_space<vmem>> -> memref<80xi32, #tpu.memory_space<vmem>>
        %dma_wait3A_515 = tpu.memref_slice %arg4[%add3A_501] : memref<320000xi32, #tpu.memory_space<hbm>> -> memref<80xi32, #tpu.memory_space<hbm>>
        %dma_wait3A_516 = arith.constant 0 : i32
        %dma_wait3A_517 = tpu.memref_slice %arg16[%dma_wait3A_511, %dma_wait3A_516] : memref<2x80xi32, #tpu.memory_space<vmem>> -> memref<1x80xi32, #tpu.memory_space<vmem>>
        %dma_wait3A_518 = tpu.memref_squeeze %dma_wait3A_517 : memref<1x80xi32, #tpu.memory_space<vmem>> -> memref<80xi32, #tpu.memory_space<vmem>>
        %dma_wait3A_519 = tpu.memref_slice %arg4[%add3A_501] : memref<320000xi32, #tpu.memory_space<hbm>> -> memref<80xi32, #tpu.memory_space<hbm>>
        tpu.wait_dma2 semaphore(%arg26 : memref<!tpu.dma_semaphore, #tpu.memory_space<semaphore_mem>>) src(%dma_wait3A_519 : memref<80xi32, #tpu.memory_space<hbm>>) dst(%dma_wait3A_518 : memref<80xi32, #tpu.memory_space<vmem>>)
        %mul3A_520 = arith.constant 160 : i32
        %mul3A_521 = arith.muli %add3A_492, %mul3A_520 : i32
        %add3A_522 = arith.constant 80 : i32
        %add3A_523 = arith.addi %mul3A_521, %add3A_522 : i32
        %dma_wait3A_524 = arith.constant 1 : i32
        %dma_wait3A_525 = arith.constant 0 : i32
        %dma_wait3A_526 = tpu.memref_slice %arg12[%dma_wait3A_524, %dma_wait3A_525] : memref<2x80xi32, #tpu.memory_space<vmem>> -> memref<1x80xi32, #tpu.memory_space<vmem>>
        %dma_wait3A_527 = tpu.memref_squeeze %dma_wait3A_526 : memref<1x80xi32, #tpu.memory_space<vmem>> -> memref<80xi32, #tpu.memory_space<vmem>>
        %dma_wait3A_528 = tpu.memref_slice %arg3[%add3A_523] : memref<320000xi32, #tpu.memory_space<hbm>> -> memref<80xi32, #tpu.memory_space<hbm>>
        %dma_wait3A_529 = arith.constant 0 : i32
        %dma_wait3A_530 = tpu.memref_slice %arg12[%dma_wait3A_524, %dma_wait3A_529] : memref<2x80xi32, #tpu.memory_space<vmem>> -> memref<1x80xi32, #tpu.memory_space<vmem>>
        %dma_wait3A_531 = tpu.memref_squeeze %dma_wait3A_530 : memref<1x80xi32, #tpu.memory_space<vmem>> -> memref<80xi32, #tpu.memory_space<vmem>>
        %dma_wait3A_532 = tpu.memref_slice %arg3[%add3A_523] : memref<320000xi32, #tpu.memory_space<hbm>> -> memref<80xi32, #tpu.memory_space<hbm>>
        tpu.wait_dma2 semaphore(%arg26 : memref<!tpu.dma_semaphore, #tpu.memory_space<semaphore_mem>>) src(%dma_wait3A_532 : memref<80xi32, #tpu.memory_space<hbm>>) dst(%dma_wait3A_531 : memref<80xi32, #tpu.memory_space<vmem>>)
        %dma_wait3A_533 = arith.constant 1 : i32
        %dma_wait3A_534 = arith.constant 0 : i32
        %dma_wait3A_535 = tpu.memref_slice %arg16[%dma_wait3A_533, %dma_wait3A_534] : memref<2x80xi32, #tpu.memory_space<vmem>> -> memref<1x80xi32, #tpu.memory_space<vmem>>
        %dma_wait3A_536 = tpu.memref_squeeze %dma_wait3A_535 : memref<1x80xi32, #tpu.memory_space<vmem>> -> memref<80xi32, #tpu.memory_space<vmem>>
        %dma_wait3A_537 = tpu.memref_slice %arg4[%add3A_523] : memref<320000xi32, #tpu.memory_space<hbm>> -> memref<80xi32, #tpu.memory_space<hbm>>
        %dma_wait3A_538 = arith.constant 0 : i32
        %dma_wait3A_539 = tpu.memref_slice %arg16[%dma_wait3A_533, %dma_wait3A_538] : memref<2x80xi32, #tpu.memory_space<vmem>> -> memref<1x80xi32, #tpu.memory_space<vmem>>
        %dma_wait3A_540 = tpu.memref_squeeze %dma_wait3A_539 : memref<1x80xi32, #tpu.memory_space<vmem>> -> memref<80xi32, #tpu.memory_space<vmem>>
        %dma_wait3A_541 = tpu.memref_slice %arg4[%add3A_523] : memref<320000xi32, #tpu.memory_space<hbm>> -> memref<80xi32, #tpu.memory_space<hbm>>
        tpu.wait_dma2 semaphore(%arg26 : memref<!tpu.dma_semaphore, #tpu.memory_space<semaphore_mem>>) src(%dma_wait3A_541 : memref<80xi32, #tpu.memory_space<hbm>>) dst(%dma_wait3A_540 : memref<80xi32, #tpu.memory_space<vmem>>)
        %ge3A = arith.constant 2 : i32
        %ge3A_542 = arith.cmpi sge, %add3A_489, %ge3A : i32
        %convert_element_type3A_543 = arith.extui %ge3A_542 : i1 to i32
        %cond3A_544 = arith.constant 0 : i32
        %cond3A_545 = arith.cmpi ne, %convert_element_type3A_543, %cond3A_544 : i32
        scf.if %cond3A_545 {
          %dma_wait3A_625 = arith.constant 0 : i32
          %dma_wait3A_626 = arith.constant 0 : i32
          %dma_wait3A_627 = arith.constant 0 : i32
          %dma_wait3A_628 = tpu.memref_slice %arg18[%dma_wait3A_626, %dma_wait3A_627] : memref<160x128xf32, #tpu.memory_space<vmem>> -> memref<80x128xf32, #tpu.memory_space<vmem>>
          %dma_wait3A_629 = arith.constant 0 : i32
          %dma_wait3A_630 = tpu.memref_slice %arg13[%dma_wait3A_625, %dma_wait3A_629] : memref<2x80xi32, #tpu.memory_space<vmem>> -> memref<1x80xi32, #tpu.memory_space<vmem>>
          %dma_wait3A_631 = tpu.memref_squeeze %dma_wait3A_630 : memref<1x80xi32, #tpu.memory_space<vmem>> -> memref<80xi32, #tpu.memory_space<vmem>>
          %dma_wait3A_632 = arith.constant 0 : i32
          %dma_wait3A_633 = arith.constant 0 : i32
          %dma_wait3A_634 = tpu.memref_slice %arg21[%dma_wait3A_632, %dma_wait3A_633] : memref<10000x128xf32, #tpu.memory_space<vmem_shared>> -> memref<10000x128xf32, #tpu.memory_space<vmem_shared>>
          tpu.wait_indirect_dma semaphore(%arg32 : memref<!tpu.dma_semaphore, #tpu.memory_space<semaphore_mem>>) src(%dma_wait3A_628 : memref<80x128xf32, #tpu.memory_space<vmem>>) dst(%dma_wait3A_634 : memref<10000x128xf32, #tpu.memory_space<vmem_shared>>)
          %dma_wait3A_635 = arith.constant 0 : i32
          %dma_wait3A_636 = arith.constant 0 : i32
          %dma_wait3A_637 = tpu.memref_slice %arg13[%dma_wait3A_635, %dma_wait3A_636] : memref<2x80xi32, #tpu.memory_space<vmem>> -> memref<1x80xi32, #tpu.memory_space<vmem>>
          %dma_wait3A_638 = tpu.memref_squeeze %dma_wait3A_637 : memref<1x80xi32, #tpu.memory_space<vmem>> -> memref<80xi32, #tpu.memory_space<vmem>>
          %dma_wait3A_639 = arith.constant 0 : i32
          %dma_wait3A_640 = tpu.memref_slice %arg22[%dma_wait3A_639] : memref<10000xf32, #tpu.memory_space<vmem_shared>> -> memref<10000xf32, #tpu.memory_space<vmem_shared>>
          tpu.wait_indirect_dma semaphore(%arg32 : memref<!tpu.dma_semaphore, #tpu.memory_space<semaphore_mem>>) src(%arg19 : memref<80xf32, #tpu.memory_space<vmem>>) dst(%dma_wait3A_640 : memref<10000xf32, #tpu.memory_space<vmem_shared>>)
          %dma_wait3A_641 = arith.constant 1 : i32
          %dma_wait3A_642 = arith.constant 80 : i32
          %dma_wait3A_643 = arith.constant 0 : i32
          %dma_wait3A_644 = tpu.memref_slice %arg18[%dma_wait3A_642, %dma_wait3A_643] : memref<160x128xf32, #tpu.memory_space<vmem>> -> memref<80x128xf32, #tpu.memory_space<vmem>>
          %dma_wait3A_645 = arith.constant 0 : i32
          %dma_wait3A_646 = tpu.memref_slice %arg13[%dma_wait3A_641, %dma_wait3A_645] : memref<2x80xi32, #tpu.memory_space<vmem>> -> memref<1x80xi32, #tpu.memory_space<vmem>>
          %dma_wait3A_647 = tpu.memref_squeeze %dma_wait3A_646 : memref<1x80xi32, #tpu.memory_space<vmem>> -> memref<80xi32, #tpu.memory_space<vmem>>
          %dma_wait3A_648 = arith.constant 0 : i32
          %dma_wait3A_649 = arith.constant 0 : i32
          %dma_wait3A_650 = tpu.memref_slice %arg21[%dma_wait3A_648, %dma_wait3A_649] : memref<10000x128xf32, #tpu.memory_space<vmem_shared>> -> memref<10000x128xf32, #tpu.memory_space<vmem_shared>>
          tpu.wait_indirect_dma semaphore(%arg32 : memref<!tpu.dma_semaphore, #tpu.memory_space<semaphore_mem>>) src(%dma_wait3A_644 : memref<80x128xf32, #tpu.memory_space<vmem>>) dst(%dma_wait3A_650 : memref<10000x128xf32, #tpu.memory_space<vmem_shared>>)
          %dma_wait3A_651 = arith.constant 1 : i32
          %dma_wait3A_652 = arith.constant 0 : i32
          %dma_wait3A_653 = tpu.memref_slice %arg13[%dma_wait3A_651, %dma_wait3A_652] : memref<2x80xi32, #tpu.memory_space<vmem>> -> memref<1x80xi32, #tpu.memory_space<vmem>>
          %dma_wait3A_654 = tpu.memref_squeeze %dma_wait3A_653 : memref<1x80xi32, #tpu.memory_space<vmem>> -> memref<80xi32, #tpu.memory_space<vmem>>
          %dma_wait3A_655 = arith.constant 0 : i32
          %dma_wait3A_656 = tpu.memref_slice %arg22[%dma_wait3A_655] : memref<10000xf32, #tpu.memory_space<vmem_shared>> -> memref<10000xf32, #tpu.memory_space<vmem_shared>>
          tpu.wait_indirect_dma semaphore(%arg32 : memref<!tpu.dma_semaphore, #tpu.memory_space<semaphore_mem>>) src(%arg19 : memref<80xf32, #tpu.memory_space<vmem>>) dst(%dma_wait3A_656 : memref<10000xf32, #tpu.memory_space<vmem_shared>>)
        } else {
        }
        %dma_start3A_546 = arith.constant 0 : i32
        %dma_start3A_547 = arith.constant 0 : i32
        %dma_start3A_548 = arith.constant 0 : i32
        %dma_start3A_549 = tpu.memref_slice %arg18[%dma_start3A_547, %dma_start3A_548] : memref<160x128xf32, #tpu.memory_space<vmem>> -> memref<80x128xf32, #tpu.memory_space<vmem>>
        %dma_start3A_550 = arith.constant 0 : i32
        %dma_start3A_551 = tpu.memref_slice %arg12[%dma_start3A_546, %dma_start3A_550] : memref<2x80xi32, #tpu.memory_space<vmem>> -> memref<1x80xi32, #tpu.memory_space<vmem>>
        %dma_start3A_552 = tpu.memref_squeeze %dma_start3A_551 : memref<1x80xi32, #tpu.memory_space<vmem>> -> memref<80xi32, #tpu.memory_space<vmem>>
        %dma_start3A_553 = arith.constant 0 : i32
        %dma_start3A_554 = arith.constant 0 : i32
        %dma_start3A_555 = tpu.memref_slice %arg2[%dma_start3A_553, %dma_start3A_554] : memref<10000x128xf32, #tpu.memory_space<hbm>> -> memref<10000x128xf32, #tpu.memory_space<hbm>>
        tpu.enqueue_indirect_dma source(%dma_start3A_555 : memref<10000x128xf32, #tpu.memory_space<hbm>>) target(%dma_start3A_549 : memref<80x128xf32, #tpu.memory_space<vmem>>) offsets(%dma_start3A_552 : memref<80xi32, #tpu.memory_space<vmem>>) semaphore(%arg29 : memref<!tpu.dma_semaphore, #tpu.memory_space<semaphore_mem>>)
        %dma_start3A_556 = arith.constant 1 : i32
        %dma_start3A_557 = arith.constant 80 : i32
        %dma_start3A_558 = arith.constant 0 : i32
        %dma_start3A_559 = tpu.memref_slice %arg18[%dma_start3A_557, %dma_start3A_558] : memref<160x128xf32, #tpu.memory_space<vmem>> -> memref<80x128xf32, #tpu.memory_space<vmem>>
        %dma_start3A_560 = arith.constant 0 : i32
        %dma_start3A_561 = tpu.memref_slice %arg12[%dma_start3A_556, %dma_start3A_560] : memref<2x80xi32, #tpu.memory_space<vmem>> -> memref<1x80xi32, #tpu.memory_space<vmem>>
        %dma_start3A_562 = tpu.memref_squeeze %dma_start3A_561 : memref<1x80xi32, #tpu.memory_space<vmem>> -> memref<80xi32, #tpu.memory_space<vmem>>
        %dma_start3A_563 = arith.constant 0 : i32
        %dma_start3A_564 = arith.constant 0 : i32
        %dma_start3A_565 = tpu.memref_slice %arg2[%dma_start3A_563, %dma_start3A_564] : memref<10000x128xf32, #tpu.memory_space<hbm>> -> memref<10000x128xf32, #tpu.memory_space<hbm>>
        tpu.enqueue_indirect_dma source(%dma_start3A_565 : memref<10000x128xf32, #tpu.memory_space<hbm>>) target(%dma_start3A_559 : memref<80x128xf32, #tpu.memory_space<vmem>>) offsets(%dma_start3A_562 : memref<80xi32, #tpu.memory_space<vmem>>) semaphore(%arg30 : memref<!tpu.dma_semaphore, #tpu.memory_space<semaphore_mem>>)
        %add3A_566 = arith.constant 64 : i32
        %add3A_567 = arith.addi %add3A_492, %add3A_566 : i32
        %lt3A_568 = arith.constant 2000 : i32
        %lt3A_569 = arith.cmpi slt, %add3A_567, %lt3A_568 : i32
        %convert_element_type3A_570 = arith.extui %lt3A_569 : i1 to i32
        %cond3A_571 = arith.constant 0 : i32
        %cond3A_572 = arith.cmpi ne, %convert_element_type3A_570, %cond3A_571 : i32
        scf.if %cond3A_572 {
          %mul3A_625 = arith.constant 160 : i32
          %mul3A_626 = arith.muli %add3A_567, %mul3A_625 : i32
          %add3A_627 = arith.constant 0 : i32
          %add3A_628 = arith.addi %mul3A_626, %add3A_627 : i32
          %dma_start3A_629 = arith.constant 0 : i32
          %dma_start3A_630 = arith.constant 0 : i32
          %dma_start3A_631 = tpu.memref_slice %arg10[%dma_start3A_629, %dma_start3A_630] : memref<2x80xi32, #tpu.memory_space<vmem>> -> memref<1x80xi32, #tpu.memory_space<vmem>>
          %dma_start3A_632 = tpu.memref_squeeze %dma_start3A_631 : memref<1x80xi32, #tpu.memory_space<vmem>> -> memref<80xi32, #tpu.memory_space<vmem>>
          %dma_start3A_633 = tpu.memref_slice %arg3[%add3A_628] : memref<320000xi32, #tpu.memory_space<hbm>> -> memref<80xi32, #tpu.memory_space<hbm>>
          %dma_start3A_634 = arith.constant 0 : i32
          %dma_start3A_635 = tpu.memref_slice %arg10[%dma_start3A_629, %dma_start3A_634] : memref<2x80xi32, #tpu.memory_space<vmem>> -> memref<1x80xi32, #tpu.memory_space<vmem>>
          %dma_start3A_636 = tpu.memref_squeeze %dma_start3A_635 : memref<1x80xi32, #tpu.memory_space<vmem>> -> memref<80xi32, #tpu.memory_space<vmem>>
          %dma_start3A_637 = tpu.memref_slice %arg3[%add3A_628] : memref<320000xi32, #tpu.memory_space<hbm>> -> memref<80xi32, #tpu.memory_space<hbm>>
          tpu.enqueue_dma source(%dma_start3A_637 : memref<80xi32, #tpu.memory_space<hbm>>) target(%dma_start3A_636 : memref<80xi32, #tpu.memory_space<vmem>>) target_semaphore(%arg24 : memref<!tpu.dma_semaphore, #tpu.memory_space<semaphore_mem>>)
          %dma_start3A_638 = arith.constant 0 : i32
          %dma_start3A_639 = arith.constant 0 : i32
          %dma_start3A_640 = tpu.memref_slice %arg14[%dma_start3A_638, %dma_start3A_639] : memref<2x80xi32, #tpu.memory_space<vmem>> -> memref<1x80xi32, #tpu.memory_space<vmem>>
          %dma_start3A_641 = tpu.memref_squeeze %dma_start3A_640 : memref<1x80xi32, #tpu.memory_space<vmem>> -> memref<80xi32, #tpu.memory_space<vmem>>
          %dma_start3A_642 = tpu.memref_slice %arg4[%add3A_628] : memref<320000xi32, #tpu.memory_space<hbm>> -> memref<80xi32, #tpu.memory_space<hbm>>
          %dma_start3A_643 = arith.constant 0 : i32
          %dma_start3A_644 = tpu.memref_slice %arg14[%dma_start3A_638, %dma_start3A_643] : memref<2x80xi32, #tpu.memory_space<vmem>> -> memref<1x80xi32, #tpu.memory_space<vmem>>
          %dma_start3A_645 = tpu.memref_squeeze %dma_start3A_644 : memref<1x80xi32, #tpu.memory_space<vmem>> -> memref<80xi32, #tpu.memory_space<vmem>>
          %dma_start3A_646 = tpu.memref_slice %arg4[%add3A_628] : memref<320000xi32, #tpu.memory_space<hbm>> -> memref<80xi32, #tpu.memory_space<hbm>>
          tpu.enqueue_dma source(%dma_start3A_646 : memref<80xi32, #tpu.memory_space<hbm>>) target(%dma_start3A_645 : memref<80xi32, #tpu.memory_space<vmem>>) target_semaphore(%arg24 : memref<!tpu.dma_semaphore, #tpu.memory_space<semaphore_mem>>)
          %mul3A_647 = arith.constant 160 : i32
          %mul3A_648 = arith.muli %add3A_567, %mul3A_647 : i32
          %add3A_649 = arith.constant 80 : i32
          %add3A_650 = arith.addi %mul3A_648, %add3A_649 : i32
          %dma_start3A_651 = arith.constant 1 : i32
          %dma_start3A_652 = arith.constant 0 : i32
          %dma_start3A_653 = tpu.memref_slice %arg10[%dma_start3A_651, %dma_start3A_652] : memref<2x80xi32, #tpu.memory_space<vmem>> -> memref<1x80xi32, #tpu.memory_space<vmem>>
          %dma_start3A_654 = tpu.memref_squeeze %dma_start3A_653 : memref<1x80xi32, #tpu.memory_space<vmem>> -> memref<80xi32, #tpu.memory_space<vmem>>
          %dma_start3A_655 = tpu.memref_slice %arg3[%add3A_650] : memref<320000xi32, #tpu.memory_space<hbm>> -> memref<80xi32, #tpu.memory_space<hbm>>
          %dma_start3A_656 = arith.constant 0 : i32
          %dma_start3A_657 = tpu.memref_slice %arg10[%dma_start3A_651, %dma_start3A_656] : memref<2x80xi32, #tpu.memory_space<vmem>> -> memref<1x80xi32, #tpu.memory_space<vmem>>
          %dma_start3A_658 = tpu.memref_squeeze %dma_start3A_657 : memref<1x80xi32, #tpu.memory_space<vmem>> -> memref<80xi32, #tpu.memory_space<vmem>>
          %dma_start3A_659 = tpu.memref_slice %arg3[%add3A_650] : memref<320000xi32, #tpu.memory_space<hbm>> -> memref<80xi32, #tpu.memory_space<hbm>>
          tpu.enqueue_dma source(%dma_start3A_659 : memref<80xi32, #tpu.memory_space<hbm>>) target(%dma_start3A_658 : memref<80xi32, #tpu.memory_space<vmem>>) target_semaphore(%arg24 : memref<!tpu.dma_semaphore, #tpu.memory_space<semaphore_mem>>)
          %dma_start3A_660 = arith.constant 1 : i32
          %dma_start3A_661 = arith.constant 0 : i32
          %dma_start3A_662 = tpu.memref_slice %arg14[%dma_start3A_660, %dma_start3A_661] : memref<2x80xi32, #tpu.memory_space<vmem>> -> memref<1x80xi32, #tpu.memory_space<vmem>>
          %dma_start3A_663 = tpu.memref_squeeze %dma_start3A_662 : memref<1x80xi32, #tpu.memory_space<vmem>> -> memref<80xi32, #tpu.memory_space<vmem>>
          %dma_start3A_664 = tpu.memref_slice %arg4[%add3A_650] : memref<320000xi32, #tpu.memory_space<hbm>> -> memref<80xi32, #tpu.memory_space<hbm>>
          %dma_start3A_665 = arith.constant 0 : i32
          %dma_start3A_666 = tpu.memref_slice %arg14[%dma_start3A_660, %dma_start3A_665] : memref<2x80xi32, #tpu.memory_space<vmem>> -> memref<1x80xi32, #tpu.memory_space<vmem>>
          %dma_start3A_667 = tpu.memref_squeeze %dma_start3A_666 : memref<1x80xi32, #tpu.memory_space<vmem>> -> memref<80xi32, #tpu.memory_space<vmem>>
          %dma_start3A_668 = tpu.memref_slice %arg4[%add3A_650] : memref<320000xi32, #tpu.memory_space<hbm>> -> memref<80xi32, #tpu.memory_space<hbm>>
          tpu.enqueue_dma source(%dma_start3A_668 : memref<80xi32, #tpu.memory_space<hbm>>) target(%dma_start3A_667 : memref<80xi32, #tpu.memory_space<vmem>>) target_semaphore(%arg24 : memref<!tpu.dma_semaphore, #tpu.memory_space<semaphore_mem>>)
        } else {
        }
        %dma_wait3A_573 = arith.constant 0 : i32
        %dma_wait3A_574 = arith.constant 0 : i32
        %dma_wait3A_575 = arith.constant 0 : i32
        %dma_wait3A_576 = tpu.memref_slice %arg18[%dma_wait3A_574, %dma_wait3A_575] : memref<160x128xf32, #tpu.memory_space<vmem>> -> memref<80x128xf32, #tpu.memory_space<vmem>>
        %dma_wait3A_577 = arith.constant 0 : i32
        %dma_wait3A_578 = tpu.memref_slice %arg12[%dma_wait3A_573, %dma_wait3A_577] : memref<2x80xi32, #tpu.memory_space<vmem>> -> memref<1x80xi32, #tpu.memory_space<vmem>>
        %dma_wait3A_579 = tpu.memref_squeeze %dma_wait3A_578 : memref<1x80xi32, #tpu.memory_space<vmem>> -> memref<80xi32, #tpu.memory_space<vmem>>
        %dma_wait3A_580 = arith.constant 0 : i32
        %dma_wait3A_581 = arith.constant 0 : i32
        %dma_wait3A_582 = tpu.memref_slice %arg2[%dma_wait3A_580, %dma_wait3A_581] : memref<10000x128xf32, #tpu.memory_space<hbm>> -> memref<10000x128xf32, #tpu.memory_space<hbm>>
        tpu.wait_indirect_dma semaphore(%arg29 : memref<!tpu.dma_semaphore, #tpu.memory_space<semaphore_mem>>) src(%dma_wait3A_582 : memref<10000x128xf32, #tpu.memory_space<hbm>>) dst(%dma_wait3A_576 : memref<80x128xf32, #tpu.memory_space<vmem>>)
        %dma_start3A_583 = arith.constant 0 : i32
        %dma_start3A_584 = arith.constant 0 : i32
        %dma_start3A_585 = arith.constant 0 : i32
        %dma_start3A_586 = tpu.memref_slice %arg18[%dma_start3A_584, %dma_start3A_585] : memref<160x128xf32, #tpu.memory_space<vmem>> -> memref<80x128xf32, #tpu.memory_space<vmem>>
        %dma_start3A_587 = arith.constant 0 : i32
        %dma_start3A_588 = tpu.memref_slice %arg16[%dma_start3A_583, %dma_start3A_587] : memref<2x80xi32, #tpu.memory_space<vmem>> -> memref<1x80xi32, #tpu.memory_space<vmem>>
        %dma_start3A_589 = tpu.memref_squeeze %dma_start3A_588 : memref<1x80xi32, #tpu.memory_space<vmem>> -> memref<80xi32, #tpu.memory_space<vmem>>
        %dma_start3A_590 = arith.constant 0 : i32
        %dma_start3A_591 = arith.constant 0 : i32
        %dma_start3A_592 = tpu.memref_slice %arg21[%dma_start3A_590, %dma_start3A_591] : memref<10000x128xf32, #tpu.memory_space<vmem_shared>> -> memref<10000x128xf32, #tpu.memory_space<vmem_shared>>
        tpu.enqueue_indirect_dma source(%dma_start3A_586 : memref<80x128xf32, #tpu.memory_space<vmem>>) target(%dma_start3A_592 : memref<10000x128xf32, #tpu.memory_space<vmem_shared>>) offsets(%dma_start3A_589 : memref<80xi32, #tpu.memory_space<vmem>>) semaphore(%arg32 : memref<!tpu.dma_semaphore, #tpu.memory_space<semaphore_mem>>) {add = true}
        %dma_start3A_593 = arith.constant 0 : i32
        %dma_start3A_594 = arith.constant 0 : i32
        %dma_start3A_595 = tpu.memref_slice %arg16[%dma_start3A_593, %dma_start3A_594] : memref<2x80xi32, #tpu.memory_space<vmem>> -> memref<1x80xi32, #tpu.memory_space<vmem>>
        %dma_start3A_596 = tpu.memref_squeeze %dma_start3A_595 : memref<1x80xi32, #tpu.memory_space<vmem>> -> memref<80xi32, #tpu.memory_space<vmem>>
        %dma_start3A_597 = arith.constant 0 : i32
        %dma_start3A_598 = tpu.memref_slice %arg22[%dma_start3A_597] : memref<10000xf32, #tpu.memory_space<vmem_shared>> -> memref<10000xf32, #tpu.memory_space<vmem_shared>>
        tpu.enqueue_indirect_dma source(%arg19 : memref<80xf32, #tpu.memory_space<vmem>>) target(%dma_start3A_598 : memref<10000xf32, #tpu.memory_space<vmem_shared>>) offsets(%dma_start3A_596 : memref<80xi32, #tpu.memory_space<vmem>>) semaphore(%arg32 : memref<!tpu.dma_semaphore, #tpu.memory_space<semaphore_mem>>) {add = true}
        %dma_wait3A_599 = arith.constant 1 : i32
        %dma_wait3A_600 = arith.constant 80 : i32
        %dma_wait3A_601 = arith.constant 0 : i32
        %dma_wait3A_602 = tpu.memref_slice %arg18[%dma_wait3A_600, %dma_wait3A_601] : memref<160x128xf32, #tpu.memory_space<vmem>> -> memref<80x128xf32, #tpu.memory_space<vmem>>
        %dma_wait3A_603 = arith.constant 0 : i32
        %dma_wait3A_604 = tpu.memref_slice %arg12[%dma_wait3A_599, %dma_wait3A_603] : memref<2x80xi32, #tpu.memory_space<vmem>> -> memref<1x80xi32, #tpu.memory_space<vmem>>
        %dma_wait3A_605 = tpu.memref_squeeze %dma_wait3A_604 : memref<1x80xi32, #tpu.memory_space<vmem>> -> memref<80xi32, #tpu.memory_space<vmem>>
        %dma_wait3A_606 = arith.constant 0 : i32
        %dma_wait3A_607 = arith.constant 0 : i32
        %dma_wait3A_608 = tpu.memref_slice %arg2[%dma_wait3A_606, %dma_wait3A_607] : memref<10000x128xf32, #tpu.memory_space<hbm>> -> memref<10000x128xf32, #tpu.memory_space<hbm>>
        tpu.wait_indirect_dma semaphore(%arg30 : memref<!tpu.dma_semaphore, #tpu.memory_space<semaphore_mem>>) src(%dma_wait3A_608 : memref<10000x128xf32, #tpu.memory_space<hbm>>) dst(%dma_wait3A_602 : memref<80x128xf32, #tpu.memory_space<vmem>>)
        %dma_start3A_609 = arith.constant 1 : i32
        %dma_start3A_610 = arith.constant 80 : i32
        %dma_start3A_611 = arith.constant 0 : i32
        %dma_start3A_612 = tpu.memref_slice %arg18[%dma_start3A_610, %dma_start3A_611] : memref<160x128xf32, #tpu.memory_space<vmem>> -> memref<80x128xf32, #tpu.memory_space<vmem>>
        %dma_start3A_613 = arith.constant 0 : i32
        %dma_start3A_614 = tpu.memref_slice %arg16[%dma_start3A_609, %dma_start3A_613] : memref<2x80xi32, #tpu.memory_space<vmem>> -> memref<1x80xi32, #tpu.memory_space<vmem>>
        %dma_start3A_615 = tpu.memref_squeeze %dma_start3A_614 : memref<1x80xi32, #tpu.memory_space<vmem>> -> memref<80xi32, #tpu.memory_space<vmem>>
        %dma_start3A_616 = arith.constant 0 : i32
        %dma_start3A_617 = arith.constant 0 : i32
        %dma_start3A_618 = tpu.memref_slice %arg21[%dma_start3A_616, %dma_start3A_617] : memref<10000x128xf32, #tpu.memory_space<vmem_shared>> -> memref<10000x128xf32, #tpu.memory_space<vmem_shared>>
        tpu.enqueue_indirect_dma source(%dma_start3A_612 : memref<80x128xf32, #tpu.memory_space<vmem>>) target(%dma_start3A_618 : memref<10000x128xf32, #tpu.memory_space<vmem_shared>>) offsets(%dma_start3A_615 : memref<80xi32, #tpu.memory_space<vmem>>) semaphore(%arg32 : memref<!tpu.dma_semaphore, #tpu.memory_space<semaphore_mem>>) {add = true}
        %dma_start3A_619 = arith.constant 1 : i32
        %dma_start3A_620 = arith.constant 0 : i32
        %dma_start3A_621 = tpu.memref_slice %arg16[%dma_start3A_619, %dma_start3A_620] : memref<2x80xi32, #tpu.memory_space<vmem>> -> memref<1x80xi32, #tpu.memory_space<vmem>>
        %dma_start3A_622 = tpu.memref_squeeze %dma_start3A_621 : memref<1x80xi32, #tpu.memory_space<vmem>> -> memref<80xi32, #tpu.memory_space<vmem>>
        %dma_start3A_623 = arith.constant 0 : i32
        %dma_start3A_624 = tpu.memref_slice %arg22[%dma_start3A_623] : memref<10000xf32, #tpu.memory_space<vmem_shared>> -> memref<10000xf32, #tpu.memory_space<vmem_shared>>
        tpu.enqueue_indirect_dma source(%arg19 : memref<80xf32, #tpu.memory_space<vmem>>) target(%dma_start3A_624 : memref<10000xf32, #tpu.memory_space<vmem_shared>>) offsets(%dma_start3A_622 : memref<80xi32, #tpu.memory_space<vmem>>) semaphore(%arg32 : memref<!tpu.dma_semaphore, #tpu.memory_space<semaphore_mem>>) {add = true}
      } else {
      }
    }
    %scan3A_364 = arith.constant 16 : i32
    %dma_wait3A = arith.constant 0 : i32
    %dma_wait3A_365 = arith.constant 0 : i32
    %dma_wait3A_366 = arith.constant 0 : i32
    %dma_wait3A_367 = tpu.memref_slice %arg17[%dma_wait3A_365, %dma_wait3A_366] : memref<160x128xf32, #tpu.memory_space<vmem>> -> memref<80x128xf32, #tpu.memory_space<vmem>>
    %dma_wait3A_368 = arith.constant 0 : i32
    %dma_wait3A_369 = tpu.memref_slice %arg13[%dma_wait3A, %dma_wait3A_368] : memref<2x80xi32, #tpu.memory_space<vmem>> -> memref<1x80xi32, #tpu.memory_space<vmem>>
    %dma_wait3A_370 = tpu.memref_squeeze %dma_wait3A_369 : memref<1x80xi32, #tpu.memory_space<vmem>> -> memref<80xi32, #tpu.memory_space<vmem>>
    %dma_wait3A_371 = arith.constant 0 : i32
    %dma_wait3A_372 = arith.constant 0 : i32
    %dma_wait3A_373 = tpu.memref_slice %arg21[%dma_wait3A_371, %dma_wait3A_372] : memref<10000x128xf32, #tpu.memory_space<vmem_shared>> -> memref<10000x128xf32, #tpu.memory_space<vmem_shared>>
    tpu.wait_indirect_dma semaphore(%arg31 : memref<!tpu.dma_semaphore, #tpu.memory_space<semaphore_mem>>) src(%dma_wait3A_367 : memref<80x128xf32, #tpu.memory_space<vmem>>) dst(%dma_wait3A_373 : memref<10000x128xf32, #tpu.memory_space<vmem_shared>>)
    %dma_wait3A_374 = arith.constant 0 : i32
    %dma_wait3A_375 = arith.constant 0 : i32
    %dma_wait3A_376 = tpu.memref_slice %arg13[%dma_wait3A_374, %dma_wait3A_375] : memref<2x80xi32, #tpu.memory_space<vmem>> -> memref<1x80xi32, #tpu.memory_space<vmem>>
    %dma_wait3A_377 = tpu.memref_squeeze %dma_wait3A_376 : memref<1x80xi32, #tpu.memory_space<vmem>> -> memref<80xi32, #tpu.memory_space<vmem>>
    %dma_wait3A_378 = arith.constant 0 : i32
    %dma_wait3A_379 = tpu.memref_slice %arg22[%dma_wait3A_378] : memref<10000xf32, #tpu.memory_space<vmem_shared>> -> memref<10000xf32, #tpu.memory_space<vmem_shared>>
    tpu.wait_indirect_dma semaphore(%arg31 : memref<!tpu.dma_semaphore, #tpu.memory_space<semaphore_mem>>) src(%arg19 : memref<80xf32, #tpu.memory_space<vmem>>) dst(%dma_wait3A_379 : memref<10000xf32, #tpu.memory_space<vmem_shared>>)
    %dma_wait3A_380 = arith.constant 1 : i32
    %dma_wait3A_381 = arith.constant 80 : i32
    %dma_wait3A_382 = arith.constant 0 : i32
    %dma_wait3A_383 = tpu.memref_slice %arg17[%dma_wait3A_381, %dma_wait3A_382] : memref<160x128xf32, #tpu.memory_space<vmem>> -> memref<80x128xf32, #tpu.memory_space<vmem>>
    %dma_wait3A_384 = arith.constant 0 : i32
    %dma_wait3A_385 = tpu.memref_slice %arg13[%dma_wait3A_380, %dma_wait3A_384] : memref<2x80xi32, #tpu.memory_space<vmem>> -> memref<1x80xi32, #tpu.memory_space<vmem>>
    %dma_wait3A_386 = tpu.memref_squeeze %dma_wait3A_385 : memref<1x80xi32, #tpu.memory_space<vmem>> -> memref<80xi32, #tpu.memory_space<vmem>>
    %dma_wait3A_387 = arith.constant 0 : i32
    %dma_wait3A_388 = arith.constant 0 : i32
    %dma_wait3A_389 = tpu.memref_slice %arg21[%dma_wait3A_387, %dma_wait3A_388] : memref<10000x128xf32, #tpu.memory_space<vmem_shared>> -> memref<10000x128xf32, #tpu.memory_space<vmem_shared>>
    tpu.wait_indirect_dma semaphore(%arg31 : memref<!tpu.dma_semaphore, #tpu.memory_space<semaphore_mem>>) src(%dma_wait3A_383 : memref<80x128xf32, #tpu.memory_space<vmem>>) dst(%dma_wait3A_389 : memref<10000x128xf32, #tpu.memory_space<vmem_shared>>)
    %dma_wait3A_390 = arith.constant 1 : i32
    %dma_wait3A_391 = arith.constant 0 : i32
    %dma_wait3A_392 = tpu.memref_slice %arg13[%dma_wait3A_390, %dma_wait3A_391] : memref<2x80xi32, #tpu.memory_space<vmem>> -> memref<1x80xi32, #tpu.memory_space<vmem>>
    %dma_wait3A_393 = tpu.memref_squeeze %dma_wait3A_392 : memref<1x80xi32, #tpu.memory_space<vmem>> -> memref<80xi32, #tpu.memory_space<vmem>>
    %dma_wait3A_394 = arith.constant 0 : i32
    %dma_wait3A_395 = tpu.memref_slice %arg22[%dma_wait3A_394] : memref<10000xf32, #tpu.memory_space<vmem_shared>> -> memref<10000xf32, #tpu.memory_space<vmem_shared>>
    tpu.wait_indirect_dma semaphore(%arg31 : memref<!tpu.dma_semaphore, #tpu.memory_space<semaphore_mem>>) src(%arg19 : memref<80xf32, #tpu.memory_space<vmem>>) dst(%dma_wait3A_395 : memref<10000xf32, #tpu.memory_space<vmem_shared>>)
    %dma_wait3A_396 = arith.constant 0 : i32
    %dma_wait3A_397 = arith.constant 0 : i32
    %dma_wait3A_398 = arith.constant 0 : i32
    %dma_wait3A_399 = tpu.memref_slice %arg18[%dma_wait3A_397, %dma_wait3A_398] : memref<160x128xf32, #tpu.memory_space<vmem>> -> memref<80x128xf32, #tpu.memory_space<vmem>>
    %dma_wait3A_400 = arith.constant 0 : i32
    %dma_wait3A_401 = tpu.memref_slice %arg13[%dma_wait3A_396, %dma_wait3A_400] : memref<2x80xi32, #tpu.memory_space<vmem>> -> memref<1x80xi32, #tpu.memory_space<vmem>>
    %dma_wait3A_402 = tpu.memref_squeeze %dma_wait3A_401 : memref<1x80xi32, #tpu.memory_space<vmem>> -> memref<80xi32, #tpu.memory_space<vmem>>
    %dma_wait3A_403 = arith.constant 0 : i32
    %dma_wait3A_404 = arith.constant 0 : i32
    %dma_wait3A_405 = tpu.memref_slice %arg21[%dma_wait3A_403, %dma_wait3A_404] : memref<10000x128xf32, #tpu.memory_space<vmem_shared>> -> memref<10000x128xf32, #tpu.memory_space<vmem_shared>>
    tpu.wait_indirect_dma semaphore(%arg32 : memref<!tpu.dma_semaphore, #tpu.memory_space<semaphore_mem>>) src(%dma_wait3A_399 : memref<80x128xf32, #tpu.memory_space<vmem>>) dst(%dma_wait3A_405 : memref<10000x128xf32, #tpu.memory_space<vmem_shared>>)
    %dma_wait3A_406 = arith.constant 0 : i32
    %dma_wait3A_407 = arith.constant 0 : i32
    %dma_wait3A_408 = tpu.memref_slice %arg13[%dma_wait3A_406, %dma_wait3A_407] : memref<2x80xi32, #tpu.memory_space<vmem>> -> memref<1x80xi32, #tpu.memory_space<vmem>>
    %dma_wait3A_409 = tpu.memref_squeeze %dma_wait3A_408 : memref<1x80xi32, #tpu.memory_space<vmem>> -> memref<80xi32, #tpu.memory_space<vmem>>
    %dma_wait3A_410 = arith.constant 0 : i32
    %dma_wait3A_411 = tpu.memref_slice %arg22[%dma_wait3A_410] : memref<10000xf32, #tpu.memory_space<vmem_shared>> -> memref<10000xf32, #tpu.memory_space<vmem_shared>>
    tpu.wait_indirect_dma semaphore(%arg32 : memref<!tpu.dma_semaphore, #tpu.memory_space<semaphore_mem>>) src(%arg19 : memref<80xf32, #tpu.memory_space<vmem>>) dst(%dma_wait3A_411 : memref<10000xf32, #tpu.memory_space<vmem_shared>>)
    %dma_wait3A_412 = arith.constant 1 : i32
    %dma_wait3A_413 = arith.constant 80 : i32
    %dma_wait3A_414 = arith.constant 0 : i32
    %dma_wait3A_415 = tpu.memref_slice %arg18[%dma_wait3A_413, %dma_wait3A_414] : memref<160x128xf32, #tpu.memory_space<vmem>> -> memref<80x128xf32, #tpu.memory_space<vmem>>
    %dma_wait3A_416 = arith.constant 0 : i32
    %dma_wait3A_417 = tpu.memref_slice %arg13[%dma_wait3A_412, %dma_wait3A_416] : memref<2x80xi32, #tpu.memory_space<vmem>> -> memref<1x80xi32, #tpu.memory_space<vmem>>
    %dma_wait3A_418 = tpu.memref_squeeze %dma_wait3A_417 : memref<1x80xi32, #tpu.memory_space<vmem>> -> memref<80xi32, #tpu.memory_space<vmem>>
    %dma_wait3A_419 = arith.constant 0 : i32
    %dma_wait3A_420 = arith.constant 0 : i32
    %dma_wait3A_421 = tpu.memref_slice %arg21[%dma_wait3A_419, %dma_wait3A_420] : memref<10000x128xf32, #tpu.memory_space<vmem_shared>> -> memref<10000x128xf32, #tpu.memory_space<vmem_shared>>
    tpu.wait_indirect_dma semaphore(%arg32 : memref<!tpu.dma_semaphore, #tpu.memory_space<semaphore_mem>>) src(%dma_wait3A_415 : memref<80x128xf32, #tpu.memory_space<vmem>>) dst(%dma_wait3A_421 : memref<10000x128xf32, #tpu.memory_space<vmem_shared>>)
    %dma_wait3A_422 = arith.constant 1 : i32
    %dma_wait3A_423 = arith.constant 0 : i32
    %dma_wait3A_424 = tpu.memref_slice %arg13[%dma_wait3A_422, %dma_wait3A_423] : memref<2x80xi32, #tpu.memory_space<vmem>> -> memref<1x80xi32, #tpu.memory_space<vmem>>
    %dma_wait3A_425 = tpu.memref_squeeze %dma_wait3A_424 : memref<1x80xi32, #tpu.memory_space<vmem>> -> memref<80xi32, #tpu.memory_space<vmem>>
    %dma_wait3A_426 = arith.constant 0 : i32
    %dma_wait3A_427 = tpu.memref_slice %arg22[%dma_wait3A_426] : memref<10000xf32, #tpu.memory_space<vmem_shared>> -> memref<10000xf32, #tpu.memory_space<vmem_shared>>
    tpu.wait_indirect_dma semaphore(%arg32 : memref<!tpu.dma_semaphore, #tpu.memory_space<semaphore_mem>>) src(%arg19 : memref<80xf32, #tpu.memory_space<vmem>>) dst(%dma_wait3A_427 : memref<10000xf32, #tpu.memory_space<vmem_shared>>)
    %barrier3A_428 = arith.constant 0 : index
    tpu.barrier barrier_id(%barrier3A_428)
    %mul3A_429 = arith.constant 624 : i32
    %mul3A_430 = arith.muli %arg1, %mul3A_429 : i32
    %mul3A_431 = arith.constant 624 : i32
    %mul3A_432 = arith.muli %arg1, %mul3A_431 : i32
    "tpu.region"() ({
      %run_scoped3A = tpu.sem_alloc : memref<!tpu.dma_semaphore, #tpu.memory_space<semaphore_mem>>
      %dma_start3A_450 = arith.constant 0 : i32
      %dma_start3A_451 = tpu.memref_slice %arg6[%arg0, %mul3A_432, %dma_start3A_450] : memref<2x10000x128xf32, #tpu.memory_space<hbm>> -> memref<1x624x128xf32, #tpu.memory_space<hbm>>
      %dma_start3A_452 = tpu.memref_squeeze %dma_start3A_451 : memref<1x624x128xf32, #tpu.memory_space<hbm>> -> memref<624x128xf32, #tpu.memory_space<hbm>>
      %dma_start3A_453 = arith.constant 0 : i32
      %dma_start3A_454 = tpu.memref_slice %arg21[%mul3A_430, %dma_start3A_453] : memref<10000x128xf32, #tpu.memory_space<vmem_shared>> -> memref<624x128xf32, #tpu.memory_space<vmem_shared>>
      tpu.enqueue_dma source(%dma_start3A_454 : memref<624x128xf32, #tpu.memory_space<vmem_shared>>) target(%dma_start3A_452 : memref<624x128xf32, #tpu.memory_space<hbm>>) target_semaphore(%run_scoped3A : memref<!tpu.dma_semaphore, #tpu.memory_space<semaphore_mem>>)
      %dma_wait3A_455 = arith.constant 0 : i32
      %dma_wait3A_456 = tpu.memref_slice %arg6[%arg0, %mul3A_432, %dma_wait3A_455] : memref<2x10000x128xf32, #tpu.memory_space<hbm>> -> memref<1x624x128xf32, #tpu.memory_space<hbm>>
      %dma_wait3A_457 = tpu.memref_squeeze %dma_wait3A_456 : memref<1x624x128xf32, #tpu.memory_space<hbm>> -> memref<624x128xf32, #tpu.memory_space<hbm>>
      %dma_wait3A_458 = arith.constant 0 : i32
      %dma_wait3A_459 = tpu.memref_slice %arg21[%mul3A_430, %dma_wait3A_458] : memref<10000x128xf32, #tpu.memory_space<vmem_shared>> -> memref<624x128xf32, #tpu.memory_space<vmem_shared>>
      tpu.wait_dma2 semaphore(%run_scoped3A : memref<!tpu.dma_semaphore, #tpu.memory_space<semaphore_mem>>) src(%dma_wait3A_459 : memref<624x128xf32, #tpu.memory_space<vmem_shared>>) dst(%dma_wait3A_457 : memref<624x128xf32, #tpu.memory_space<hbm>>)
      tpu.yield
    }) : () -> ()
    %mul3A_433 = arith.constant 624 : i32
    %mul3A_434 = arith.muli %arg1, %mul3A_433 : i32
    "tpu.region"() ({
      %run_scoped3A = tpu.sem_alloc : memref<!tpu.dma_semaphore, #tpu.memory_space<semaphore_mem>>
      %dma_start3A_450 = tpu.memref_slice %arg22[%mul3A_434] : memref<10000xf32, #tpu.memory_space<vmem_shared>> -> memref<624xf32, #tpu.memory_space<vmem_shared>>
      %dma_start3A_451 = tpu.memref_slice %arg22[%mul3A_434] : memref<10000xf32, #tpu.memory_space<vmem_shared>> -> memref<624xf32, #tpu.memory_space<vmem_shared>>
      tpu.enqueue_dma source(%dma_start3A_451 : memref<624xf32, #tpu.memory_space<vmem_shared>>) target(%arg20 : memref<624xf32, #tpu.memory_space<vmem>>) target_semaphore(%run_scoped3A : memref<!tpu.dma_semaphore, #tpu.memory_space<semaphore_mem>>)
      %dma_wait3A_452 = tpu.memref_slice %arg22[%mul3A_434] : memref<10000xf32, #tpu.memory_space<vmem_shared>> -> memref<624xf32, #tpu.memory_space<vmem_shared>>
      %dma_wait3A_453 = tpu.memref_slice %arg22[%mul3A_434] : memref<10000xf32, #tpu.memory_space<vmem_shared>> -> memref<624xf32, #tpu.memory_space<vmem_shared>>
      tpu.wait_dma2 semaphore(%run_scoped3A : memref<!tpu.dma_semaphore, #tpu.memory_space<semaphore_mem>>) src(%dma_wait3A_453 : memref<624xf32, #tpu.memory_space<vmem_shared>>) dst(%arg20 : memref<624xf32, #tpu.memory_space<vmem>>)
      tpu.yield
    }) : () -> ()
    %eq3A_435 = arith.constant 0 : i32
    %eq3A_436 = arith.cmpi eq, %arg0, %eq3A_435 : i32
    %convert_element_type3A_437 = arith.extui %eq3A_436 : i1 to i32
    %cond3A_438 = arith.constant 0 : i32
    %cond3A_439 = arith.cmpi ne, %convert_element_type3A_437, %cond3A_438 : i32
    scf.if %cond3A_439 {
      %mul3A_450 = arith.constant 624 : i32
      %mul3A_451 = arith.muli %arg1, %mul3A_450 : i32
      "tpu.region"() ({
        %run_scoped3A = tpu.sem_alloc : memref<!tpu.dma_semaphore, #tpu.memory_space<semaphore_mem>>
        %dma_start3A_452 = tpu.memref_slice %arg7[%mul3A_451] : memref<10000xf32, #tpu.memory_space<hbm>> -> memref<624xf32, #tpu.memory_space<hbm>>
        %dma_start3A_453 = tpu.memref_slice %arg7[%mul3A_451] : memref<10000xf32, #tpu.memory_space<hbm>> -> memref<624xf32, #tpu.memory_space<hbm>>
        tpu.enqueue_dma source(%arg20 : memref<624xf32, #tpu.memory_space<vmem>>) target(%dma_start3A_453 : memref<624xf32, #tpu.memory_space<hbm>>) target_semaphore(%run_scoped3A : memref<!tpu.dma_semaphore, #tpu.memory_space<semaphore_mem>>)
        %dma_wait3A_454 = tpu.memref_slice %arg7[%mul3A_451] : memref<10000xf32, #tpu.memory_space<hbm>> -> memref<624xf32, #tpu.memory_space<hbm>>
        %dma_wait3A_455 = tpu.memref_slice %arg7[%mul3A_451] : memref<10000xf32, #tpu.memory_space<hbm>> -> memref<624xf32, #tpu.memory_space<hbm>>
        tpu.wait_dma2 semaphore(%run_scoped3A : memref<!tpu.dma_semaphore, #tpu.memory_space<semaphore_mem>>) src(%arg20 : memref<624xf32, #tpu.memory_space<vmem>>) dst(%dma_wait3A_455 : memref<624xf32, #tpu.memory_space<hbm>>)
        tpu.yield
      }) : () -> ()
    } else {
    }
    %eq3A_440 = arith.constant 1 : i32
    %eq3A_441 = arith.cmpi eq, %arg0, %eq3A_440 : i32
    %convert_element_type3A_442 = arith.extui %eq3A_441 : i1 to i32
    %cond3A_443 = arith.constant 0 : i32
    %cond3A_444 = arith.cmpi ne, %convert_element_type3A_442, %cond3A_443 : i32
    scf.if %cond3A_444 {
      %mul3A_450 = arith.constant 624 : i32
      %mul3A_451 = arith.muli %arg1, %mul3A_450 : i32
      "tpu.region"() ({
        %run_scoped3A = tpu.sem_alloc : memref<!tpu.dma_semaphore, #tpu.memory_space<semaphore_mem>>
        %dma_start3A_452 = tpu.memref_slice %arg8[%mul3A_451] : memref<10000xf32, #tpu.memory_space<hbm>> -> memref<624xf32, #tpu.memory_space<hbm>>
        %dma_start3A_453 = tpu.memref_slice %arg8[%mul3A_451] : memref<10000xf32, #tpu.memory_space<hbm>> -> memref<624xf32, #tpu.memory_space<hbm>>
        tpu.enqueue_dma source(%arg20 : memref<624xf32, #tpu.memory_space<vmem>>) target(%dma_start3A_453 : memref<624xf32, #tpu.memory_space<hbm>>) target_semaphore(%run_scoped3A : memref<!tpu.dma_semaphore, #tpu.memory_space<semaphore_mem>>)
        %dma_wait3A_454 = tpu.memref_slice %arg8[%mul3A_451] : memref<10000xf32, #tpu.memory_space<hbm>> -> memref<624xf32, #tpu.memory_space<hbm>>
        %dma_wait3A_455 = tpu.memref_slice %arg8[%mul3A_451] : memref<10000xf32, #tpu.memory_space<hbm>> -> memref<624xf32, #tpu.memory_space<hbm>>
        tpu.wait_dma2 semaphore(%run_scoped3A : memref<!tpu.dma_semaphore, #tpu.memory_space<semaphore_mem>>) src(%arg20 : memref<624xf32, #tpu.memory_space<vmem>>) dst(%dma_wait3A_455 : memref<624xf32, #tpu.memory_space<hbm>>)
        tpu.yield
      }) : () -> ()
    } else {
    }
    %eq3A_445 = arith.constant 0 : i32
    %eq3A_446 = arith.cmpi eq, %arg1, %eq3A_445 : i32
    %convert_element_type3A_447 = arith.extui %eq3A_446 : i1 to i32
    %cond3A_448 = arith.constant 0 : i32
    %cond3A_449 = arith.cmpi ne, %convert_element_type3A_447, %cond3A_448 : i32
    scf.if %cond3A_449 {
      "tpu.region"() ({
        %run_scoped3A = tpu.sem_alloc : memref<!tpu.dma_semaphore, #tpu.memory_space<semaphore_mem>>
        %dma_start3A_460 = arith.constant 9984 : i32
        %dma_start3A_461 = arith.constant 0 : i32
        %dma_start3A_462 = tpu.memref_slice %arg6[%arg0, %dma_start3A_460, %dma_start3A_461] : memref<2x10000x128xf32, #tpu.memory_space<hbm>> -> memref<1x16x128xf32, #tpu.memory_space<hbm>>
        %dma_start3A_463 = tpu.memref_squeeze %dma_start3A_462 : memref<1x16x128xf32, #tpu.memory_space<hbm>> -> memref<16x128xf32, #tpu.memory_space<hbm>>
        %dma_start3A_464 = arith.constant 9984 : i32
        %dma_start3A_465 = arith.constant 0 : i32
        %dma_start3A_466 = tpu.memref_slice %arg21[%dma_start3A_464, %dma_start3A_465] : memref<10000x128xf32, #tpu.memory_space<vmem_shared>> -> memref<16x128xf32, #tpu.memory_space<vmem_shared>>
        tpu.enqueue_dma source(%dma_start3A_466 : memref<16x128xf32, #tpu.memory_space<vmem_shared>>) target(%dma_start3A_463 : memref<16x128xf32, #tpu.memory_space<hbm>>) target_semaphore(%run_scoped3A : memref<!tpu.dma_semaphore, #tpu.memory_space<semaphore_mem>>)
        %dma_wait3A_467 = arith.constant 9984 : i32
        %dma_wait3A_468 = arith.constant 0 : i32
        %dma_wait3A_469 = tpu.memref_slice %arg6[%arg0, %dma_wait3A_467, %dma_wait3A_468] : memref<2x10000x128xf32, #tpu.memory_space<hbm>> -> memref<1x16x128xf32, #tpu.memory_space<hbm>>
        %dma_wait3A_470 = tpu.memref_squeeze %dma_wait3A_469 : memref<1x16x128xf32, #tpu.memory_space<hbm>> -> memref<16x128xf32, #tpu.memory_space<hbm>>
        %dma_wait3A_471 = arith.constant 9984 : i32
        %dma_wait3A_472 = arith.constant 0 : i32
        %dma_wait3A_473 = tpu.memref_slice %arg21[%dma_wait3A_471, %dma_wait3A_472] : memref<10000x128xf32, #tpu.memory_space<vmem_shared>> -> memref<16x128xf32, #tpu.memory_space<vmem_shared>>
        tpu.wait_dma2 semaphore(%run_scoped3A : memref<!tpu.dma_semaphore, #tpu.memory_space<semaphore_mem>>) src(%dma_wait3A_473 : memref<16x128xf32, #tpu.memory_space<vmem_shared>>) dst(%dma_wait3A_470 : memref<16x128xf32, #tpu.memory_space<hbm>>)
        tpu.yield
      }) : () -> ()
      "tpu.region"() ({
        %run_scoped3A = tpu.sem_alloc : memref<!tpu.dma_semaphore, #tpu.memory_space<semaphore_mem>>
        %dma_start3A_460 = arith.constant 0 : i32
        %dma_start3A_461 = tpu.memref_slice %arg20[%dma_start3A_460] : memref<624xf32, #tpu.memory_space<vmem>> -> memref<16xf32, #tpu.memory_space<vmem>>
        %dma_start3A_462 = arith.constant 9984 : i32
        %dma_start3A_463 = tpu.memref_slice %arg22[%dma_start3A_462] : memref<10000xf32, #tpu.memory_space<vmem_shared>> -> memref<16xf32, #tpu.memory_space<vmem_shared>>
        %dma_start3A_464 = arith.constant 0 : i32
        %dma_start3A_465 = tpu.memref_slice %arg20[%dma_start3A_464] : memref<624xf32, #tpu.memory_space<vmem>> -> memref<16xf32, #tpu.memory_space<vmem>>
        %dma_start3A_466 = arith.constant 9984 : i32
        %dma_start3A_467 = tpu.memref_slice %arg22[%dma_start3A_466] : memref<10000xf32, #tpu.memory_space<vmem_shared>> -> memref<16xf32, #tpu.memory_space<vmem_shared>>
        tpu.enqueue_dma source(%dma_start3A_467 : memref<16xf32, #tpu.memory_space<vmem_shared>>) target(%dma_start3A_465 : memref<16xf32, #tpu.memory_space<vmem>>) target_semaphore(%run_scoped3A : memref<!tpu.dma_semaphore, #tpu.memory_space<semaphore_mem>>)
        %dma_wait3A_468 = arith.constant 0 : i32
        %dma_wait3A_469 = tpu.memref_slice %arg20[%dma_wait3A_468] : memref<624xf32, #tpu.memory_space<vmem>> -> memref<16xf32, #tpu.memory_space<vmem>>
        %dma_wait3A_470 = arith.constant 9984 : i32
        %dma_wait3A_471 = tpu.memref_slice %arg22[%dma_wait3A_470] : memref<10000xf32, #tpu.memory_space<vmem_shared>> -> memref<16xf32, #tpu.memory_space<vmem_shared>>
        %dma_wait3A_472 = arith.constant 0 : i32
        %dma_wait3A_473 = tpu.memref_slice %arg20[%dma_wait3A_472] : memref<624xf32, #tpu.memory_space<vmem>> -> memref<16xf32, #tpu.memory_space<vmem>>
        %dma_wait3A_474 = arith.constant 9984 : i32
        %dma_wait3A_475 = tpu.memref_slice %arg22[%dma_wait3A_474] : memref<10000xf32, #tpu.memory_space<vmem_shared>> -> memref<16xf32, #tpu.memory_space<vmem_shared>>
        tpu.wait_dma2 semaphore(%run_scoped3A : memref<!tpu.dma_semaphore, #tpu.memory_space<semaphore_mem>>) src(%dma_wait3A_475 : memref<16xf32, #tpu.memory_space<vmem_shared>>) dst(%dma_wait3A_473 : memref<16xf32, #tpu.memory_space<vmem>>)
        tpu.yield
      }) : () -> ()
      %eq3A_450 = arith.constant 0 : i32
      %eq3A_451 = arith.cmpi eq, %arg0, %eq3A_450 : i32
      %convert_element_type3A_452 = arith.extui %eq3A_451 : i1 to i32
      %cond3A_453 = arith.constant 0 : i32
      %cond3A_454 = arith.cmpi ne, %convert_element_type3A_452, %cond3A_453 : i32
      scf.if %cond3A_454 {
        "tpu.region"() ({
          %run_scoped3A = tpu.sem_alloc : memref<!tpu.dma_semaphore, #tpu.memory_space<semaphore_mem>>
          %dma_start3A_460 = arith.constant 0 : i32
          %dma_start3A_461 = tpu.memref_slice %arg20[%dma_start3A_460] : memref<624xf32, #tpu.memory_space<vmem>> -> memref<16xf32, #tpu.memory_space<vmem>>
          %dma_start3A_462 = arith.constant 9984 : i32
          %dma_start3A_463 = tpu.memref_slice %arg7[%dma_start3A_462] : memref<10000xf32, #tpu.memory_space<hbm>> -> memref<16xf32, #tpu.memory_space<hbm>>
          %dma_start3A_464 = arith.constant 9984 : i32
          %dma_start3A_465 = tpu.memref_slice %arg7[%dma_start3A_464] : memref<10000xf32, #tpu.memory_space<hbm>> -> memref<16xf32, #tpu.memory_space<hbm>>
          %dma_start3A_466 = arith.constant 0 : i32
          %dma_start3A_467 = tpu.memref_slice %arg20[%dma_start3A_466] : memref<624xf32, #tpu.memory_space<vmem>> -> memref<16xf32, #tpu.memory_space<vmem>>
          tpu.enqueue_dma source(%dma_start3A_467 : memref<16xf32, #tpu.memory_space<vmem>>) target(%dma_start3A_465 : memref<16xf32, #tpu.memory_space<hbm>>) target_semaphore(%run_scoped3A : memref<!tpu.dma_semaphore, #tpu.memory_space<semaphore_mem>>)
          %dma_wait3A_468 = arith.constant 0 : i32
          %dma_wait3A_469 = tpu.memref_slice %arg20[%dma_wait3A_468] : memref<624xf32, #tpu.memory_space<vmem>> -> memref<16xf32, #tpu.memory_space<vmem>>
          %dma_wait3A_470 = arith.constant 9984 : i32
          %dma_wait3A_471 = tpu.memref_slice %arg7[%dma_wait3A_470] : memref<10000xf32, #tpu.memory_space<hbm>> -> memref<16xf32, #tpu.memory_space<hbm>>
          %dma_wait3A_472 = arith.constant 9984 : i32
          %dma_wait3A_473 = tpu.memref_slice %arg7[%dma_wait3A_472] : memref<10000xf32, #tpu.memory_space<hbm>> -> memref<16xf32, #tpu.memory_space<hbm>>
          %dma_wait3A_474 = arith.constant 0 : i32
          %dma_wait3A_475 = tpu.memref_slice %arg20[%dma_wait3A_474] : memref<624xf32, #tpu.memory_space<vmem>> -> memref<16xf32, #tpu.memory_space<vmem>>
          tpu.wait_dma2 semaphore(%run_scoped3A : memref<!tpu.dma_semaphore, #tpu.memory_space<semaphore_mem>>) src(%dma_wait3A_475 : memref<16xf32, #tpu.memory_space<vmem>>) dst(%dma_wait3A_473 : memref<16xf32, #tpu.memory_space<hbm>>)
          tpu.yield
        }) : () -> ()
      } else {
      }
      %eq3A_455 = arith.constant 1 : i32
      %eq3A_456 = arith.cmpi eq, %arg0, %eq3A_455 : i32
      %convert_element_type3A_457 = arith.extui %eq3A_456 : i1 to i32
      %cond3A_458 = arith.constant 0 : i32
      %cond3A_459 = arith.cmpi ne, %convert_element_type3A_457, %cond3A_458 : i32
      scf.if %cond3A_459 {
        "tpu.region"() ({
          %run_scoped3A = tpu.sem_alloc : memref<!tpu.dma_semaphore, #tpu.memory_space<semaphore_mem>>
          %dma_start3A_460 = arith.constant 0 : i32
          %dma_start3A_461 = tpu.memref_slice %arg20[%dma_start3A_460] : memref<624xf32, #tpu.memory_space<vmem>> -> memref<16xf32, #tpu.memory_space<vmem>>
          %dma_start3A_462 = arith.constant 9984 : i32
          %dma_start3A_463 = tpu.memref_slice %arg8[%dma_start3A_462] : memref<10000xf32, #tpu.memory_space<hbm>> -> memref<16xf32, #tpu.memory_space<hbm>>
          %dma_start3A_464 = arith.constant 9984 : i32
          %dma_start3A_465 = tpu.memref_slice %arg8[%dma_start3A_464] : memref<10000xf32, #tpu.memory_space<hbm>> -> memref<16xf32, #tpu.memory_space<hbm>>
          %dma_start3A_466 = arith.constant 0 : i32
          %dma_start3A_467 = tpu.memref_slice %arg20[%dma_start3A_466] : memref<624xf32, #tpu.memory_space<vmem>> -> memref<16xf32, #tpu.memory_space<vmem>>
          tpu.enqueue_dma source(%dma_start3A_467 : memref<16xf32, #tpu.memory_space<vmem>>) target(%dma_start3A_465 : memref<16xf32, #tpu.memory_space<hbm>>) target_semaphore(%run_scoped3A : memref<!tpu.dma_semaphore, #tpu.memory_space<semaphore_mem>>)
          %dma_wait3A_468 = arith.constant 0 : i32
          %dma_wait3A_469 = tpu.memref_slice %arg20[%dma_wait3A_468] : memref<624xf32, #tpu.memory_space<vmem>> -> memref<16xf32, #tpu.memory_space<vmem>>
          %dma_wait3A_470 = arith.constant 9984 : i32
          %dma_wait3A_471 = tpu.memref_slice %arg8[%dma_wait3A_470] : memref<10000xf32, #tpu.memory_space<hbm>> -> memref<16xf32, #tpu.memory_space<hbm>>
          %dma_wait3A_472 = arith.constant 9984 : i32
          %dma_wait3A_473 = tpu.memref_slice %arg8[%dma_wait3A_472] : memref<10000xf32, #tpu.memory_space<hbm>> -> memref<16xf32, #tpu.memory_space<hbm>>
          %dma_wait3A_474 = arith.constant 0 : i32
          %dma_wait3A_475 = tpu.memref_slice %arg20[%dma_wait3A_474] : memref<624xf32, #tpu.memory_space<vmem>> -> memref<16xf32, #tpu.memory_space<vmem>>
          tpu.wait_dma2 semaphore(%run_scoped3A : memref<!tpu.dma_semaphore, #tpu.memory_space<semaphore_mem>>) src(%dma_wait3A_475 : memref<16xf32, #tpu.memory_space<vmem>>) dst(%dma_wait3A_473 : memref<16xf32, #tpu.memory_space<hbm>>)
          tpu.yield
        }) : () -> ()
      } else {
      }
    } else {
    }
    return
  }
}

#map = affine_map<(d0, d1) -> (0, 0)>
#map1 = affine_map<(d0, d1) -> (0)>
#map2 = affine_map<(d0, d1) -> (0, 0, 0)>
module attributes {stable_mosaic.version = 14 : i64} {
  func.func @_sc_hop_body(%arg0: i32, %arg1: i32, %arg2: memref<10000x128xf32, #tpu.memory_space<hbm>>, %arg3: memref<320000xi32, #tpu.memory_space<hbm>>, %arg4: memref<320000xi32, #tpu.memory_space<hbm>>, %arg5: memref<10000x128xf32, #tpu.memory_space<hbm>>, %arg6: memref<2x10000x128xf32, #tpu.memory_space<hbm>>, %arg7: memref<10000xf32, #tpu.memory_space<hbm>>, %arg8: memref<10000xf32, #tpu.memory_space<hbm>>, %arg9: memref<2x80xi32, #tpu.memory_space<vmem>>, %arg10: memref<2x80xi32, #tpu.memory_space<vmem>>, %arg11: memref<2x80xi32, #tpu.memory_space<vmem>>, %arg12: memref<2x80xi32, #tpu.memory_space<vmem>>, %arg13: memref<2x80xi32, #tpu.memory_space<vmem>>, %arg14: memref<2x80xi32, #tpu.memory_space<vmem>>, %arg15: memref<2x80xi32, #tpu.memory_space<vmem>>, %arg16: memref<2x80xi32, #tpu.memory_space<vmem>>, %arg17: memref<160x128xf32, #tpu.memory_space<vmem>>, %arg18: memref<160x128xf32, #tpu.memory_space<vmem>>, %arg19: memref<80xf32, #tpu.memory_space<vmem>>, %arg20: memref<624xf32, #tpu.memory_space<vmem>>, %arg21: memref<10000x128xf32, #tpu.memory_space<vmem_shared>>, %arg22: memref<10000xf32, #tpu.memory_space<vmem_shared>>, %arg23: memref<!tpu.dma_semaphore, #tpu.memory_space<semaphore_mem>>, %arg24: memref<!tpu.dma_semaphore, #tpu.memory_space<semaphore_mem>>, %arg25: memref<!tpu.dma_semaphore, #tpu.memory_space<semaphore_mem>>, %arg26: memref<!tpu.dma_semaphore, #tpu.memory_space<semaphore_mem>>, %arg27: memref<!tpu.dma_semaphore, #tpu.memory_space<semaphore_mem>>, %arg28: memref<!tpu.dma_semaphore, #tpu.memory_space<semaphore_mem>>, %arg29: memref<!tpu.dma_semaphore, #tpu.memory_space<semaphore_mem>>, %arg30: memref<!tpu.dma_semaphore, #tpu.memory_space<semaphore_mem>>, %arg31: memref<!tpu.dma_semaphore, #tpu.memory_space<semaphore_mem>>, %arg32: memref<!tpu.dma_semaphore, #tpu.memory_space<semaphore_mem>>) attributes {dimension_semantics = [#tpu.dimension_semantics<core_parallel>, #tpu.dimension_semantics<subcore_parallel>], iteration_bounds = array<i64: 2, 16>, scalar_prefetch = 0 : i64, scratch_operands = 24 : i64, tpu.core_type = #tpu.core_type<sc_vector_subcore>, window_params = [{transform_indices = #map}, {transform_indices = #map1}, {transform_indices = #map1}, {transform_indices = #map}, {transform_indices = #map2}, {transform_indices = #map1}, {transform_indices = #map1}]} {
    %mul3A = arith.constant 2 : i32
    %mul3A_0 = arith.muli %arg1, %mul3A : i32
    %add3A = arith.addi %mul3A_0, %arg0 : i32
    %broadcast_in_dim3A = arith.constant 1.000000e+00 : f32
    %broadcast_in_dim3A_1 = vector.broadcast %broadcast_in_dim3A : f32 to vector<16xf32>
    %swap3A = arith.constant 0 : index
    %swap3A_2 = tpu.vector_load %arg19[%swap3A] {strides = array<i32>} : memref<80xf32, #tpu.memory_space<vmem>>, vector<16xf32>,
    %swap3A_3 = vector.shape_cast %swap3A_2 : vector<16xf32> to vector<16xf32>
    %swap3A_4 = vector.shape_cast %broadcast_in_dim3A_1 : vector<16xf32> to vector<16xf32>
    tpu.vector_store %arg19[%swap3A], %swap3A_4 {strides = array<i32>} : memref<80xf32, #tpu.memory_space<vmem>>, vector<16xf32>,
    %broadcast_in_dim3A_5 = arith.constant 1.000000e+00 : f32
    %broadcast_in_dim3A_6 = vector.broadcast %broadcast_in_dim3A_5 : f32 to vector<16xf32>
    %swap3A_7 = arith.constant 16 : index
    %swap3A_8 = tpu.vector_load %arg19[%swap3A_7] {strides = array<i32>} : memref<80xf32, #tpu.memory_space<vmem>>, vector<16xf32>,
    %swap3A_9 = vector.shape_cast %swap3A_8 : vector<16xf32> to vector<16xf32>
    %swap3A_10 = vector.shape_cast %broadcast_in_dim3A_6 : vector<16xf32> to vector<16xf32>
    tpu.vector_store %arg19[%swap3A_7], %swap3A_10 {strides = array<i32>} : memref<80xf32, #tpu.memory_space<vmem>>, vector<16xf32>,
    %broadcast_in_dim3A_11 = arith.constant 1.000000e+00 : f32
    %broadcast_in_dim3A_12 = vector.broadcast %broadcast_in_dim3A_11 : f32 to vector<16xf32>
    %swap3A_13 = arith.constant 32 : index
    %swap3A_14 = tpu.vector_load %arg19[%swap3A_13] {strides = array<i32>} : memref<80xf32, #tpu.memory_space<vmem>>, vector<16xf32>,
    %swap3A_15 = vector.shape_cast %swap3A_14 : vector<16xf32> to vector<16xf32>
    %swap3A_16 = vector.shape_cast %broadcast_in_dim3A_12 : vector<16xf32> to vector<16xf32>
    tpu.vector_store %arg19[%swap3A_13], %swap3A_16 {strides = array<i32>} : memref<80xf32, #tpu.memory_space<vmem>>, vector<16xf32>,
    %broadcast_in_dim3A_17 = arith.constant 1.000000e+00 : f32
    %broadcast_in_dim3A_18 = vector.broadcast %broadcast_in_dim3A_17 : f32 to vector<16xf32>
    %swap3A_19 = arith.constant 48 : index
    %swap3A_20 = tpu.vector_load %arg19[%swap3A_19] {strides = array<i32>} : memref<80xf32, #tpu.memory_space<vmem>>, vector<16xf32>,
    %swap3A_21 = vector.shape_cast %swap3A_20 : vector<16xf32> to vector<16xf32>
    %swap3A_22 = vector.shape_cast %broadcast_in_dim3A_18 : vector<16xf32> to vector<16xf32>
    tpu.vector_store %arg19[%swap3A_19], %swap3A_22 {strides = array<i32>} : memref<80xf32, #tpu.memory_space<vmem>>, vector<16xf32>,
    %broadcast_in_dim3A_23 = arith.constant 1.000000e+00 : f32
    %broadcast_in_dim3A_24 = vector.broadcast %broadcast_in_dim3A_23 : f32 to vector<16xf32>
    %swap3A_25 = arith.constant 64 : index
    %swap3A_26 = tpu.vector_load %arg19[%swap3A_25] {strides = array<i32>} : memref<80xf32, #tpu.memory_space<vmem>>, vector<16xf32>,
    %swap3A_27 = vector.shape_cast %swap3A_26 : vector<16xf32> to vector<16xf32>
    %swap3A_28 = vector.shape_cast %broadcast_in_dim3A_24 : vector<16xf32> to vector<16xf32>
    tpu.vector_store %arg19[%swap3A_25], %swap3A_28 {strides = array<i32>} : memref<80xf32, #tpu.memory_space<vmem>>, vector<16xf32>,
    %broadcast_in_dim3A_29 = arith.constant 0.000000e+00 : f32
    %broadcast_in_dim3A_30 = vector.broadcast %broadcast_in_dim3A_29 : f32 to vector<16xf32>
    %swap3A_31 = arith.constant 0 : index
    %swap3A_32 = tpu.vector_load %arg20[%swap3A_31] {strides = array<i32>} : memref<624xf32, #tpu.memory_space<vmem>>, vector<16xf32>,
    %swap3A_33 = vector.shape_cast %swap3A_32 : vector<16xf32> to vector<16xf32>
    %swap3A_34 = vector.shape_cast %broadcast_in_dim3A_30 : vector<16xf32> to vector<16xf32>
    tpu.vector_store %arg20[%swap3A_31], %swap3A_34 {strides = array<i32>} : memref<624xf32, #tpu.memory_space<vmem>>, vector<16xf32>,
    %broadcast_in_dim3A_35 = arith.constant 0.000000e+00 : f32
    %broadcast_in_dim3A_36 = vector.broadcast %broadcast_in_dim3A_35 : f32 to vector<16xf32>
    %swap3A_37 = arith.constant 16 : index
    %swap3A_38 = tpu.vector_load %arg20[%swap3A_37] {strides = array<i32>} : memref<624xf32, #tpu.memory_space<vmem>>, vector<16xf32>,
    %swap3A_39 = vector.shape_cast %swap3A_38 : vector<16xf32> to vector<16xf32>
    %swap3A_40 = vector.shape_cast %broadcast_in_dim3A_36 : vector<16xf32> to vector<16xf32>
    tpu.vector_store %arg20[%swap3A_37], %swap3A_40 {strides = array<i32>} : memref<624xf32, #tpu.memory_space<vmem>>, vector<16xf32>,
    %broadcast_in_dim3A_41 = arith.constant 0.000000e+00 : f32
    %broadcast_in_dim3A_42 = vector.broadcast %broadcast_in_dim3A_41 : f32 to vector<16xf32>
    %swap3A_43 = arith.constant 32 : index
    %swap3A_44 = tpu.vector_load %arg20[%swap3A_43] {strides = array<i32>} : memref<624xf32, #tpu.memory_space<vmem>>, vector<16xf32>,
    %swap3A_45 = vector.shape_cast %swap3A_44 : vector<16xf32> to vector<16xf32>
    %swap3A_46 = vector.shape_cast %broadcast_in_dim3A_42 : vector<16xf32> to vector<16xf32>
    tpu.vector_store %arg20[%swap3A_43], %swap3A_46 {strides = array<i32>} : memref<624xf32, #tpu.memory_space<vmem>>, vector<16xf32>,
    %broadcast_in_dim3A_47 = arith.constant 0.000000e+00 : f32
    %broadcast_in_dim3A_48 = vector.broadcast %broadcast_in_dim3A_47 : f32 to vector<16xf32>
    %swap3A_49 = arith.constant 48 : index
    %swap3A_50 = tpu.vector_load %arg20[%swap3A_49] {strides = array<i32>} : memref<624xf32, #tpu.memory_space<vmem>>, vector<16xf32>,
    %swap3A_51 = vector.shape_cast %swap3A_50 : vector<16xf32> to vector<16xf32>
    %swap3A_52 = vector.shape_cast %broadcast_in_dim3A_48 : vector<16xf32> to vector<16xf32>
    tpu.vector_store %arg20[%swap3A_49], %swap3A_52 {strides = array<i32>} : memref<624xf32, #tpu.memory_space<vmem>>, vector<16xf32>,
    %broadcast_in_dim3A_53 = arith.constant 0.000000e+00 : f32
    %broadcast_in_dim3A_54 = vector.broadcast %broadcast_in_dim3A_53 : f32 to vector<16xf32>
    %swap3A_55 = arith.constant 64 : index
    %swap3A_56 = tpu.vector_load %arg20[%swap3A_55] {strides = array<i32>} : memref<624xf32, #tpu.memory_space<vmem>>, vector<16xf32>,
    %swap3A_57 = vector.shape_cast %swap3A_56 : vector<16xf32> to vector<16xf32>
    %swap3A_58 = vector.shape_cast %broadcast_in_dim3A_54 : vector<16xf32> to vector<16xf32>
    tpu.vector_store %arg20[%swap3A_55], %swap3A_58 {strides = array<i32>} : memref<624xf32, #tpu.memory_space<vmem>>, vector<16xf32>,
    %broadcast_in_dim3A_59 = arith.constant 0.000000e+00 : f32
    %broadcast_in_dim3A_60 = vector.broadcast %broadcast_in_dim3A_59 : f32 to vector<16xf32>
    %swap3A_61 = arith.constant 80 : index
    %swap3A_62 = tpu.vector_load %arg20[%swap3A_61] {strides = array<i32>} : memref<624xf32, #tpu.memory_space<vmem>>, vector<16xf32>,
    %swap3A_63 = vector.shape_cast %swap3A_62 : vector<16xf32> to vector<16xf32>
    %swap3A_64 = vector.shape_cast %broadcast_in_dim3A_60 : vector<16xf32> to vector<16xf32>
    tpu.vector_store %arg20[%swap3A_61], %swap3A_64 {strides = array<i32>} : memref<624xf32, #tpu.memory_space<vmem>>, vector<16xf32>,
    %broadcast_in_dim3A_65 = arith.constant 0.000000e+00 : f32
    %broadcast_in_dim3A_66 = vector.broadcast %broadcast_in_dim3A_65 : f32 to vector<16xf32>
    %swap3A_67 = arith.constant 96 : index
    %swap3A_68 = tpu.vector_load %arg20[%swap3A_67] {strides = array<i32>} : memref<624xf32, #tpu.memory_space<vmem>>, vector<16xf32>,
    %swap3A_69 = vector.shape_cast %swap3A_68 : vector<16xf32> to vector<16xf32>
    %swap3A_70 = vector.shape_cast %broadcast_in_dim3A_66 : vector<16xf32> to vector<16xf32>
    tpu.vector_store %arg20[%swap3A_67], %swap3A_70 {strides = array<i32>} : memref<624xf32, #tpu.memory_space<vmem>>, vector<16xf32>,
    %broadcast_in_dim3A_71 = arith.constant 0.000000e+00 : f32
    %broadcast_in_dim3A_72 = vector.broadcast %broadcast_in_dim3A_71 : f32 to vector<16xf32>
    %swap3A_73 = arith.constant 112 : index
    %swap3A_74 = tpu.vector_load %arg20[%swap3A_73] {strides = array<i32>} : memref<624xf32, #tpu.memory_space<vmem>>, vector<16xf32>,
    %swap3A_75 = vector.shape_cast %swap3A_74 : vector<16xf32> to vector<16xf32>
    %swap3A_76 = vector.shape_cast %broadcast_in_dim3A_72 : vector<16xf32> to vector<16xf32>
    tpu.vector_store %arg20[%swap3A_73], %swap3A_76 {strides = array<i32>} : memref<624xf32, #tpu.memory_space<vmem>>, vector<16xf32>,
    %broadcast_in_dim3A_77 = arith.constant 0.000000e+00 : f32
    %broadcast_in_dim3A_78 = vector.broadcast %broadcast_in_dim3A_77 : f32 to vector<16xf32>
    %swap3A_79 = arith.constant 128 : index
    %swap3A_80 = tpu.vector_load %arg20[%swap3A_79] {strides = array<i32>} : memref<624xf32, #tpu.memory_space<vmem>>, vector<16xf32>,
    %swap3A_81 = vector.shape_cast %swap3A_80 : vector<16xf32> to vector<16xf32>
    %swap3A_82 = vector.shape_cast %broadcast_in_dim3A_78 : vector<16xf32> to vector<16xf32>
    tpu.vector_store %arg20[%swap3A_79], %swap3A_82 {strides = array<i32>} : memref<624xf32, #tpu.memory_space<vmem>>, vector<16xf32>,
    %broadcast_in_dim3A_83 = arith.constant 0.000000e+00 : f32
    %broadcast_in_dim3A_84 = vector.broadcast %broadcast_in_dim3A_83 : f32 to vector<16xf32>
    %swap3A_85 = arith.constant 144 : index
    %swap3A_86 = tpu.vector_load %arg20[%swap3A_85] {strides = array<i32>} : memref<624xf32, #tpu.memory_space<vmem>>, vector<16xf32>,
    %swap3A_87 = vector.shape_cast %swap3A_86 : vector<16xf32> to vector<16xf32>
    %swap3A_88 = vector.shape_cast %broadcast_in_dim3A_84 : vector<16xf32> to vector<16xf32>
    tpu.vector_store %arg20[%swap3A_85], %swap3A_88 {strides = array<i32>} : memref<624xf32, #tpu.memory_space<vmem>>, vector<16xf32>,
    %broadcast_in_dim3A_89 = arith.constant 0.000000e+00 : f32
    %broadcast_in_dim3A_90 = vector.broadcast %broadcast_in_dim3A_89 : f32 to vector<16xf32>
    %swap3A_91 = arith.constant 160 : index
    %swap3A_92 = tpu.vector_load %arg20[%swap3A_91] {strides = array<i32>} : memref<624xf32, #tpu.memory_space<vmem>>, vector<16xf32>,
    %swap3A_93 = vector.shape_cast %swap3A_92 : vector<16xf32> to vector<16xf32>
    %swap3A_94 = vector.shape_cast %broadcast_in_dim3A_90 : vector<16xf32> to vector<16xf32>
    tpu.vector_store %arg20[%swap3A_91], %swap3A_94 {strides = array<i32>} : memref<624xf32, #tpu.memory_space<vmem>>, vector<16xf32>,
    %broadcast_in_dim3A_95 = arith.constant 0.000000e+00 : f32
    %broadcast_in_dim3A_96 = vector.broadcast %broadcast_in_dim3A_95 : f32 to vector<16xf32>
    %swap3A_97 = arith.constant 176 : index
    %swap3A_98 = tpu.vector_load %arg20[%swap3A_97] {strides = array<i32>} : memref<624xf32, #tpu.memory_space<vmem>>, vector<16xf32>,
    %swap3A_99 = vector.shape_cast %swap3A_98 : vector<16xf32> to vector<16xf32>
    %swap3A_100 = vector.shape_cast %broadcast_in_dim3A_96 : vector<16xf32> to vector<16xf32>
    tpu.vector_store %arg20[%swap3A_97], %swap3A_100 {strides = array<i32>} : memref<624xf32, #tpu.memory_space<vmem>>, vector<16xf32>,
    %broadcast_in_dim3A_101 = arith.constant 0.000000e+00 : f32
    %broadcast_in_dim3A_102 = vector.broadcast %broadcast_in_dim3A_101 : f32 to vector<16xf32>
    %swap3A_103 = arith.constant 192 : index
    %swap3A_104 = tpu.vector_load %arg20[%swap3A_103] {strides = array<i32>} : memref<624xf32, #tpu.memory_space<vmem>>, vector<16xf32>,
    %swap3A_105 = vector.shape_cast %swap3A_104 : vector<16xf32> to vector<16xf32>
    %swap3A_106 = vector.shape_cast %broadcast_in_dim3A_102 : vector<16xf32> to vector<16xf32>
    tpu.vector_store %arg20[%swap3A_103], %swap3A_106 {strides = array<i32>} : memref<624xf32, #tpu.memory_space<vmem>>, vector<16xf32>,
    %broadcast_in_dim3A_107 = arith.constant 0.000000e+00 : f32
    %broadcast_in_dim3A_108 = vector.broadcast %broadcast_in_dim3A_107 : f32 to vector<16xf32>
    %swap3A_109 = arith.constant 208 : index
    %swap3A_110 = tpu.vector_load %arg20[%swap3A_109] {strides = array<i32>} : memref<624xf32, #tpu.memory_space<vmem>>, vector<16xf32>,
    %swap3A_111 = vector.shape_cast %swap3A_110 : vector<16xf32> to vector<16xf32>
    %swap3A_112 = vector.shape_cast %broadcast_in_dim3A_108 : vector<16xf32> to vector<16xf32>
    tpu.vector_store %arg20[%swap3A_109], %swap3A_112 {strides = array<i32>} : memref<624xf32, #tpu.memory_space<vmem>>, vector<16xf32>,
    %broadcast_in_dim3A_113 = arith.constant 0.000000e+00 : f32
    %broadcast_in_dim3A_114 = vector.broadcast %broadcast_in_dim3A_113 : f32 to vector<16xf32>
    %swap3A_115 = arith.constant 224 : index
    %swap3A_116 = tpu.vector_load %arg20[%swap3A_115] {strides = array<i32>} : memref<624xf32, #tpu.memory_space<vmem>>, vector<16xf32>,
    %swap3A_117 = vector.shape_cast %swap3A_116 : vector<16xf32> to vector<16xf32>
    %swap3A_118 = vector.shape_cast %broadcast_in_dim3A_114 : vector<16xf32> to vector<16xf32>
    tpu.vector_store %arg20[%swap3A_115], %swap3A_118 {strides = array<i32>} : memref<624xf32, #tpu.memory_space<vmem>>, vector<16xf32>,
    %broadcast_in_dim3A_119 = arith.constant 0.000000e+00 : f32
    %broadcast_in_dim3A_120 = vector.broadcast %broadcast_in_dim3A_119 : f32 to vector<16xf32>
    %swap3A_121 = arith.constant 240 : index
    %swap3A_122 = tpu.vector_load %arg20[%swap3A_121] {strides = array<i32>} : memref<624xf32, #tpu.memory_space<vmem>>, vector<16xf32>,
    %swap3A_123 = vector.shape_cast %swap3A_122 : vector<16xf32> to vector<16xf32>
    %swap3A_124 = vector.shape_cast %broadcast_in_dim3A_120 : vector<16xf32> to vector<16xf32>
    tpu.vector_store %arg20[%swap3A_121], %swap3A_124 {strides = array<i32>} : memref<624xf32, #tpu.memory_space<vmem>>, vector<16xf32>,
    %broadcast_in_dim3A_125 = arith.constant 0.000000e+00 : f32
    %broadcast_in_dim3A_126 = vector.broadcast %broadcast_in_dim3A_125 : f32 to vector<16xf32>
    %swap3A_127 = arith.constant 256 : index
    %swap3A_128 = tpu.vector_load %arg20[%swap3A_127] {strides = array<i32>} : memref<624xf32, #tpu.memory_space<vmem>>, vector<16xf32>,
    %swap3A_129 = vector.shape_cast %swap3A_128 : vector<16xf32> to vector<16xf32>
    %swap3A_130 = vector.shape_cast %broadcast_in_dim3A_126 : vector<16xf32> to vector<16xf32>
    tpu.vector_store %arg20[%swap3A_127], %swap3A_130 {strides = array<i32>} : memref<624xf32, #tpu.memory_space<vmem>>, vector<16xf32>,
    %broadcast_in_dim3A_131 = arith.constant 0.000000e+00 : f32
    %broadcast_in_dim3A_132 = vector.broadcast %broadcast_in_dim3A_131 : f32 to vector<16xf32>
    %swap3A_133 = arith.constant 272 : index
    %swap3A_134 = tpu.vector_load %arg20[%swap3A_133] {strides = array<i32>} : memref<624xf32, #tpu.memory_space<vmem>>, vector<16xf32>,
    %swap3A_135 = vector.shape_cast %swap3A_134 : vector<16xf32> to vector<16xf32>
    %swap3A_136 = vector.shape_cast %broadcast_in_dim3A_132 : vector<16xf32> to vector<16xf32>
    tpu.vector_store %arg20[%swap3A_133], %swap3A_136 {strides = array<i32>} : memref<624xf32, #tpu.memory_space<vmem>>, vector<16xf32>,
    %broadcast_in_dim3A_137 = arith.constant 0.000000e+00 : f32
    %broadcast_in_dim3A_138 = vector.broadcast %broadcast_in_dim3A_137 : f32 to vector<16xf32>
    %swap3A_139 = arith.constant 288 : index
    %swap3A_140 = tpu.vector_load %arg20[%swap3A_139] {strides = array<i32>} : memref<624xf32, #tpu.memory_space<vmem>>, vector<16xf32>,
    %swap3A_141 = vector.shape_cast %swap3A_140 : vector<16xf32> to vector<16xf32>
    %swap3A_142 = vector.shape_cast %broadcast_in_dim3A_138 : vector<16xf32> to vector<16xf32>
    tpu.vector_store %arg20[%swap3A_139], %swap3A_142 {strides = array<i32>} : memref<624xf32, #tpu.memory_space<vmem>>, vector<16xf32>,
    %broadcast_in_dim3A_143 = arith.constant 0.000000e+00 : f32
    %broadcast_in_dim3A_144 = vector.broadcast %broadcast_in_dim3A_143 : f32 to vector<16xf32>
    %swap3A_145 = arith.constant 304 : index
    %swap3A_146 = tpu.vector_load %arg20[%swap3A_145] {strides = array<i32>} : memref<624xf32, #tpu.memory_space<vmem>>, vector<16xf32>,
    %swap3A_147 = vector.shape_cast %swap3A_146 : vector<16xf32> to vector<16xf32>
    %swap3A_148 = vector.shape_cast %broadcast_in_dim3A_144 : vector<16xf32> to vector<16xf32>
    tpu.vector_store %arg20[%swap3A_145], %swap3A_148 {strides = array<i32>} : memref<624xf32, #tpu.memory_space<vmem>>, vector<16xf32>,
    %broadcast_in_dim3A_149 = arith.constant 0.000000e+00 : f32
    %broadcast_in_dim3A_150 = vector.broadcast %broadcast_in_dim3A_149 : f32 to vector<16xf32>
    %swap3A_151 = arith.constant 320 : index
    %swap3A_152 = tpu.vector_load %arg20[%swap3A_151] {strides = array<i32>} : memref<624xf32, #tpu.memory_space<vmem>>, vector<16xf32>,
    %swap3A_153 = vector.shape_cast %swap3A_152 : vector<16xf32> to vector<16xf32>
    %swap3A_154 = vector.shape_cast %broadcast_in_dim3A_150 : vector<16xf32> to vector<16xf32>
    tpu.vector_store %arg20[%swap3A_151], %swap3A_154 {strides = array<i32>} : memref<624xf32, #tpu.memory_space<vmem>>, vector<16xf32>,
    %broadcast_in_dim3A_155 = arith.constant 0.000000e+00 : f32
    %broadcast_in_dim3A_156 = vector.broadcast %broadcast_in_dim3A_155 : f32 to vector<16xf32>
    %swap3A_157 = arith.constant 336 : index
    %swap3A_158 = tpu.vector_load %arg20[%swap3A_157] {strides = array<i32>} : memref<624xf32, #tpu.memory_space<vmem>>, vector<16xf32>,
    %swap3A_159 = vector.shape_cast %swap3A_158 : vector<16xf32> to vector<16xf32>
    %swap3A_160 = vector.shape_cast %broadcast_in_dim3A_156 : vector<16xf32> to vector<16xf32>
    tpu.vector_store %arg20[%swap3A_157], %swap3A_160 {strides = array<i32>} : memref<624xf32, #tpu.memory_space<vmem>>, vector<16xf32>,
    %broadcast_in_dim3A_161 = arith.constant 0.000000e+00 : f32
    %broadcast_in_dim3A_162 = vector.broadcast %broadcast_in_dim3A_161 : f32 to vector<16xf32>
    %swap3A_163 = arith.constant 352 : index
    %swap3A_164 = tpu.vector_load %arg20[%swap3A_163] {strides = array<i32>} : memref<624xf32, #tpu.memory_space<vmem>>, vector<16xf32>,
    %swap3A_165 = vector.shape_cast %swap3A_164 : vector<16xf32> to vector<16xf32>
    %swap3A_166 = vector.shape_cast %broadcast_in_dim3A_162 : vector<16xf32> to vector<16xf32>
    tpu.vector_store %arg20[%swap3A_163], %swap3A_166 {strides = array<i32>} : memref<624xf32, #tpu.memory_space<vmem>>, vector<16xf32>,
    %broadcast_in_dim3A_167 = arith.constant 0.000000e+00 : f32
    %broadcast_in_dim3A_168 = vector.broadcast %broadcast_in_dim3A_167 : f32 to vector<16xf32>
    %swap3A_169 = arith.constant 368 : index
    %swap3A_170 = tpu.vector_load %arg20[%swap3A_169] {strides = array<i32>} : memref<624xf32, #tpu.memory_space<vmem>>, vector<16xf32>,
    %swap3A_171 = vector.shape_cast %swap3A_170 : vector<16xf32> to vector<16xf32>
    %swap3A_172 = vector.shape_cast %broadcast_in_dim3A_168 : vector<16xf32> to vector<16xf32>
    tpu.vector_store %arg20[%swap3A_169], %swap3A_172 {strides = array<i32>} : memref<624xf32, #tpu.memory_space<vmem>>, vector<16xf32>,
    %broadcast_in_dim3A_173 = arith.constant 0.000000e+00 : f32
    %broadcast_in_dim3A_174 = vector.broadcast %broadcast_in_dim3A_173 : f32 to vector<16xf32>
    %swap3A_175 = arith.constant 384 : index
    %swap3A_176 = tpu.vector_load %arg20[%swap3A_175] {strides = array<i32>} : memref<624xf32, #tpu.memory_space<vmem>>, vector<16xf32>,
    %swap3A_177 = vector.shape_cast %swap3A_176 : vector<16xf32> to vector<16xf32>
    %swap3A_178 = vector.shape_cast %broadcast_in_dim3A_174 : vector<16xf32> to vector<16xf32>
    tpu.vector_store %arg20[%swap3A_175], %swap3A_178 {strides = array<i32>} : memref<624xf32, #tpu.memory_space<vmem>>, vector<16xf32>,
    %broadcast_in_dim3A_179 = arith.constant 0.000000e+00 : f32
    %broadcast_in_dim3A_180 = vector.broadcast %broadcast_in_dim3A_179 : f32 to vector<16xf32>
    %swap3A_181 = arith.constant 400 : index
    %swap3A_182 = tpu.vector_load %arg20[%swap3A_181] {strides = array<i32>} : memref<624xf32, #tpu.memory_space<vmem>>, vector<16xf32>,
    %swap3A_183 = vector.shape_cast %swap3A_182 : vector<16xf32> to vector<16xf32>
    %swap3A_184 = vector.shape_cast %broadcast_in_dim3A_180 : vector<16xf32> to vector<16xf32>
    tpu.vector_store %arg20[%swap3A_181], %swap3A_184 {strides = array<i32>} : memref<624xf32, #tpu.memory_space<vmem>>, vector<16xf32>,
    %broadcast_in_dim3A_185 = arith.constant 0.000000e+00 : f32
    %broadcast_in_dim3A_186 = vector.broadcast %broadcast_in_dim3A_185 : f32 to vector<16xf32>
    %swap3A_187 = arith.constant 416 : index
    %swap3A_188 = tpu.vector_load %arg20[%swap3A_187] {strides = array<i32>} : memref<624xf32, #tpu.memory_space<vmem>>, vector<16xf32>,
    %swap3A_189 = vector.shape_cast %swap3A_188 : vector<16xf32> to vector<16xf32>
    %swap3A_190 = vector.shape_cast %broadcast_in_dim3A_186 : vector<16xf32> to vector<16xf32>
    tpu.vector_store %arg20[%swap3A_187], %swap3A_190 {strides = array<i32>} : memref<624xf32, #tpu.memory_space<vmem>>, vector<16xf32>,
    %broadcast_in_dim3A_191 = arith.constant 0.000000e+00 : f32
    %broadcast_in_dim3A_192 = vector.broadcast %broadcast_in_dim3A_191 : f32 to vector<16xf32>
    %swap3A_193 = arith.constant 432 : index
    %swap3A_194 = tpu.vector_load %arg20[%swap3A_193] {strides = array<i32>} : memref<624xf32, #tpu.memory_space<vmem>>, vector<16xf32>,
    %swap3A_195 = vector.shape_cast %swap3A_194 : vector<16xf32> to vector<16xf32>
    %swap3A_196 = vector.shape_cast %broadcast_in_dim3A_192 : vector<16xf32> to vector<16xf32>
    tpu.vector_store %arg20[%swap3A_193], %swap3A_196 {strides = array<i32>} : memref<624xf32, #tpu.memory_space<vmem>>, vector<16xf32>,
    %broadcast_in_dim3A_197 = arith.constant 0.000000e+00 : f32
    %broadcast_in_dim3A_198 = vector.broadcast %broadcast_in_dim3A_197 : f32 to vector<16xf32>
    %swap3A_199 = arith.constant 448 : index
    %swap3A_200 = tpu.vector_load %arg20[%swap3A_199] {strides = array<i32>} : memref<624xf32, #tpu.memory_space<vmem>>, vector<16xf32>,
    %swap3A_201 = vector.shape_cast %swap3A_200 : vector<16xf32> to vector<16xf32>
    %swap3A_202 = vector.shape_cast %broadcast_in_dim3A_198 : vector<16xf32> to vector<16xf32>
    tpu.vector_store %arg20[%swap3A_199], %swap3A_202 {strides = array<i32>} : memref<624xf32, #tpu.memory_space<vmem>>, vector<16xf32>,
    %broadcast_in_dim3A_203 = arith.constant 0.000000e+00 : f32
    %broadcast_in_dim3A_204 = vector.broadcast %broadcast_in_dim3A_203 : f32 to vector<16xf32>
    %swap3A_205 = arith.constant 464 : index
    %swap3A_206 = tpu.vector_load %arg20[%swap3A_205] {strides = array<i32>} : memref<624xf32, #tpu.memory_space<vmem>>, vector<16xf32>,
    %swap3A_207 = vector.shape_cast %swap3A_206 : vector<16xf32> to vector<16xf32>
    %swap3A_208 = vector.shape_cast %broadcast_in_dim3A_204 : vector<16xf32> to vector<16xf32>
    tpu.vector_store %arg20[%swap3A_205], %swap3A_208 {strides = array<i32>} : memref<624xf32, #tpu.memory_space<vmem>>, vector<16xf32>,
    %broadcast_in_dim3A_209 = arith.constant 0.000000e+00 : f32
    %broadcast_in_dim3A_210 = vector.broadcast %broadcast_in_dim3A_209 : f32 to vector<16xf32>
    %swap3A_211 = arith.constant 480 : index
    %swap3A_212 = tpu.vector_load %arg20[%swap3A_211] {strides = array<i32>} : memref<624xf32, #tpu.memory_space<vmem>>, vector<16xf32>,
    %swap3A_213 = vector.shape_cast %swap3A_212 : vector<16xf32> to vector<16xf32>
    %swap3A_214 = vector.shape_cast %broadcast_in_dim3A_210 : vector<16xf32> to vector<16xf32>
    tpu.vector_store %arg20[%swap3A_211], %swap3A_214 {strides = array<i32>} : memref<624xf32, #tpu.memory_space<vmem>>, vector<16xf32>,
    %broadcast_in_dim3A_215 = arith.constant 0.000000e+00 : f32
    %broadcast_in_dim3A_216 = vector.broadcast %broadcast_in_dim3A_215 : f32 to vector<16xf32>
    %swap3A_217 = arith.constant 496 : index
    %swap3A_218 = tpu.vector_load %arg20[%swap3A_217] {strides = array<i32>} : memref<624xf32, #tpu.memory_space<vmem>>, vector<16xf32>,
    %swap3A_219 = vector.shape_cast %swap3A_218 : vector<16xf32> to vector<16xf32>
    %swap3A_220 = vector.shape_cast %broadcast_in_dim3A_216 : vector<16xf32> to vector<16xf32>
    tpu.vector_store %arg20[%swap3A_217], %swap3A_220 {strides = array<i32>} : memref<624xf32, #tpu.memory_space<vmem>>, vector<16xf32>,
    %broadcast_in_dim3A_221 = arith.constant 0.000000e+00 : f32
    %broadcast_in_dim3A_222 = vector.broadcast %broadcast_in_dim3A_221 : f32 to vector<16xf32>
    %swap3A_223 = arith.constant 512 : index
    %swap3A_224 = tpu.vector_load %arg20[%swap3A_223] {strides = array<i32>} : memref<624xf32, #tpu.memory_space<vmem>>, vector<16xf32>,
    %swap3A_225 = vector.shape_cast %swap3A_224 : vector<16xf32> to vector<16xf32>
    %swap3A_226 = vector.shape_cast %broadcast_in_dim3A_222 : vector<16xf32> to vector<16xf32>
    tpu.vector_store %arg20[%swap3A_223], %swap3A_226 {strides = array<i32>} : memref<624xf32, #tpu.memory_space<vmem>>, vector<16xf32>,
    %broadcast_in_dim3A_227 = arith.constant 0.000000e+00 : f32
    %broadcast_in_dim3A_228 = vector.broadcast %broadcast_in_dim3A_227 : f32 to vector<16xf32>
    %swap3A_229 = arith.constant 528 : index
    %swap3A_230 = tpu.vector_load %arg20[%swap3A_229] {strides = array<i32>} : memref<624xf32, #tpu.memory_space<vmem>>, vector<16xf32>,
    %swap3A_231 = vector.shape_cast %swap3A_230 : vector<16xf32> to vector<16xf32>
    %swap3A_232 = vector.shape_cast %broadcast_in_dim3A_228 : vector<16xf32> to vector<16xf32>
    tpu.vector_store %arg20[%swap3A_229], %swap3A_232 {strides = array<i32>} : memref<624xf32, #tpu.memory_space<vmem>>, vector<16xf32>,
    %broadcast_in_dim3A_233 = arith.constant 0.000000e+00 : f32
    %broadcast_in_dim3A_234 = vector.broadcast %broadcast_in_dim3A_233 : f32 to vector<16xf32>
    %swap3A_235 = arith.constant 544 : index
    %swap3A_236 = tpu.vector_load %arg20[%swap3A_235] {strides = array<i32>} : memref<624xf32, #tpu.memory_space<vmem>>, vector<16xf32>,
    %swap3A_237 = vector.shape_cast %swap3A_236 : vector<16xf32> to vector<16xf32>
    %swap3A_238 = vector.shape_cast %broadcast_in_dim3A_234 : vector<16xf32> to vector<16xf32>
    tpu.vector_store %arg20[%swap3A_235], %swap3A_238 {strides = array<i32>} : memref<624xf32, #tpu.memory_space<vmem>>, vector<16xf32>,
    %broadcast_in_dim3A_239 = arith.constant 0.000000e+00 : f32
    %broadcast_in_dim3A_240 = vector.broadcast %broadcast_in_dim3A_239 : f32 to vector<16xf32>
    %swap3A_241 = arith.constant 560 : index
    %swap3A_242 = tpu.vector_load %arg20[%swap3A_241] {strides = array<i32>} : memref<624xf32, #tpu.memory_space<vmem>>, vector<16xf32>,
    %swap3A_243 = vector.shape_cast %swap3A_242 : vector<16xf32> to vector<16xf32>
    %swap3A_244 = vector.shape_cast %broadcast_in_dim3A_240 : vector<16xf32> to vector<16xf32>
    tpu.vector_store %arg20[%swap3A_241], %swap3A_244 {strides = array<i32>} : memref<624xf32, #tpu.memory_space<vmem>>, vector<16xf32>,
    %broadcast_in_dim3A_245 = arith.constant 0.000000e+00 : f32
    %broadcast_in_dim3A_246 = vector.broadcast %broadcast_in_dim3A_245 : f32 to vector<16xf32>
    %swap3A_247 = arith.constant 576 : index
    %swap3A_248 = tpu.vector_load %arg20[%swap3A_247] {strides = array<i32>} : memref<624xf32, #tpu.memory_space<vmem>>, vector<16xf32>,
    %swap3A_249 = vector.shape_cast %swap3A_248 : vector<16xf32> to vector<16xf32>
    %swap3A_250 = vector.shape_cast %broadcast_in_dim3A_246 : vector<16xf32> to vector<16xf32>
    tpu.vector_store %arg20[%swap3A_247], %swap3A_250 {strides = array<i32>} : memref<624xf32, #tpu.memory_space<vmem>>, vector<16xf32>,
    %broadcast_in_dim3A_251 = arith.constant 0.000000e+00 : f32
    %broadcast_in_dim3A_252 = vector.broadcast %broadcast_in_dim3A_251 : f32 to vector<16xf32>
    %swap3A_253 = arith.constant 592 : index
    %swap3A_254 = tpu.vector_load %arg20[%swap3A_253] {strides = array<i32>} : memref<624xf32, #tpu.memory_space<vmem>>, vector<16xf32>,
    %swap3A_255 = vector.shape_cast %swap3A_254 : vector<16xf32> to vector<16xf32>
    %swap3A_256 = vector.shape_cast %broadcast_in_dim3A_252 : vector<16xf32> to vector<16xf32>
    tpu.vector_store %arg20[%swap3A_253], %swap3A_256 {strides = array<i32>} : memref<624xf32, #tpu.memory_space<vmem>>, vector<16xf32>,
    %broadcast_in_dim3A_257 = arith.constant 0.000000e+00 : f32
    %broadcast_in_dim3A_258 = vector.broadcast %broadcast_in_dim3A_257 : f32 to vector<16xf32>
    %swap3A_259 = arith.constant 608 : index
    %swap3A_260 = tpu.vector_load %arg20[%swap3A_259] {strides = array<i32>} : memref<624xf32, #tpu.memory_space<vmem>>, vector<16xf32>,
    %swap3A_261 = vector.shape_cast %swap3A_260 : vector<16xf32> to vector<16xf32>
    %swap3A_262 = vector.shape_cast %broadcast_in_dim3A_258 : vector<16xf32> to vector<16xf32>
    tpu.vector_store %arg20[%swap3A_259], %swap3A_262 {strides = array<i32>} : memref<624xf32, #tpu.memory_space<vmem>>, vector<16xf32>,
    %mul3A_263 = arith.constant 624 : i32
    %mul3A_264 = arith.muli %arg1, %mul3A_263 : i32
    %mul3A_265 = arith.constant 624 : i32
    %mul3A_266 = arith.muli %arg1, %mul3A_265 : i32
    "tpu.region"() ({
      %run_scoped3A = tpu.sem_alloc : memref<!tpu.dma_semaphore, #tpu.memory_space<semaphore_mem>>
      %dma_start3A_450 = arith.constant 0 : i32
      %dma_start3A_451 = tpu.memref_slice %arg21[%mul3A_266, %dma_start3A_450] : memref<10000x128xf32, #tpu.memory_space<vmem_shared>> -> memref<624x128xf32, #tpu.memory_space<vmem_shared>>
      %dma_start3A_452 = arith.constant 0 : i32
      %dma_start3A_453 = tpu.memref_slice %arg5[%mul3A_264, %dma_start3A_452] : memref<10000x128xf32, #tpu.memory_space<hbm>> -> memref<624x128xf32, #tpu.memory_space<hbm>>
      tpu.enqueue_dma source(%dma_start3A_453 : memref<624x128xf32, #tpu.memory_space<hbm>>) target(%dma_start3A_451 : memref<624x128xf32, #tpu.memory_space<vmem_shared>>) target_semaphore(%run_scoped3A : memref<!tpu.dma_semaphore, #tpu.memory_space<semaphore_mem>>)
      %dma_wait3A_454 = arith.constant 0 : i32
      %dma_wait3A_455 = tpu.memref_slice %arg21[%mul3A_266, %dma_wait3A_454] : memref<10000x128xf32, #tpu.memory_space<vmem_shared>> -> memref<624x128xf32, #tpu.memory_space<vmem_shared>>
      %dma_wait3A_456 = arith.constant 0 : i32
      %dma_wait3A_457 = tpu.memref_slice %arg5[%mul3A_264, %dma_wait3A_456] : memref<10000x128xf32, #tpu.memory_space<hbm>> -> memref<624x128xf32, #tpu.memory_space<hbm>>
      tpu.wait_dma2 semaphore(%run_scoped3A : memref<!tpu.dma_semaphore, #tpu.memory_space<semaphore_mem>>) src(%dma_wait3A_457 : memref<624x128xf32, #tpu.memory_space<hbm>>) dst(%dma_wait3A_455 : memref<624x128xf32, #tpu.memory_space<vmem_shared>>)
      tpu.yield
    }) : () -> ()
    %mul3A_267 = arith.constant 624 : i32
    %mul3A_268 = arith.muli %arg1, %mul3A_267 : i32
    "tpu.region"() ({
      %run_scoped3A = tpu.sem_alloc : memref<!tpu.dma_semaphore, #tpu.memory_space<semaphore_mem>>
      %dma_start3A_450 = tpu.memref_slice %arg22[%mul3A_268] : memref<10000xf32, #tpu.memory_space<vmem_shared>> -> memref<624xf32, #tpu.memory_space<vmem_shared>>
      %dma_start3A_451 = tpu.memref_slice %arg22[%mul3A_268] : memref<10000xf32, #tpu.memory_space<vmem_shared>> -> memref<624xf32, #tpu.memory_space<vmem_shared>>
      tpu.enqueue_dma source(%arg20 : memref<624xf32, #tpu.memory_space<vmem>>) target(%dma_start3A_451 : memref<624xf32, #tpu.memory_space<vmem_shared>>) target_semaphore(%run_scoped3A : memref<!tpu.dma_semaphore, #tpu.memory_space<semaphore_mem>>)
      %dma_wait3A_452 = tpu.memref_slice %arg22[%mul3A_268] : memref<10000xf32, #tpu.memory_space<vmem_shared>> -> memref<624xf32, #tpu.memory_space<vmem_shared>>
      %dma_wait3A_453 = tpu.memref_slice %arg22[%mul3A_268] : memref<10000xf32, #tpu.memory_space<vmem_shared>> -> memref<624xf32, #tpu.memory_space<vmem_shared>>
      tpu.wait_dma2 semaphore(%run_scoped3A : memref<!tpu.dma_semaphore, #tpu.memory_space<semaphore_mem>>) src(%arg20 : memref<624xf32, #tpu.memory_space<vmem>>) dst(%dma_wait3A_453 : memref<624xf32, #tpu.memory_space<vmem_shared>>)
      tpu.yield
    }) : () -> ()
    %eq3A = arith.constant 0 : i32
    %eq3A_269 = arith.cmpi eq, %arg1, %eq3A : i32
    %convert_element_type3A = arith.extui %eq3A_269 : i1 to i32
    %cond3A = arith.constant 0 : i32
    %cond3A_270 = arith.cmpi ne, %convert_element_type3A, %cond3A : i32
    scf.if %cond3A_270 {
      "tpu.region"() ({
        %run_scoped3A = tpu.sem_alloc : memref<!tpu.dma_semaphore, #tpu.memory_space<semaphore_mem>>
        %dma_start3A_450 = arith.constant 9984 : i32
        %dma_start3A_451 = arith.constant 0 : i32
        %dma_start3A_452 = tpu.memref_slice %arg21[%dma_start3A_450, %dma_start3A_451] : memref<10000x128xf32, #tpu.memory_space<vmem_shared>> -> memref<16x128xf32, #tpu.memory_space<vmem_shared>>
        %dma_start3A_453 = arith.constant 9984 : i32
        %dma_start3A_454 = arith.constant 0 : i32
        %dma_start3A_455 = tpu.memref_slice %arg5[%dma_start3A_453, %dma_start3A_454] : memref<10000x128xf32, #tpu.memory_space<hbm>> -> memref<16x128xf32, #tpu.memory_space<hbm>>
        tpu.enqueue_dma source(%dma_start3A_455 : memref<16x128xf32, #tpu.memory_space<hbm>>) target(%dma_start3A_452 : memref<16x128xf32, #tpu.memory_space<vmem_shared>>) target_semaphore(%run_scoped3A : memref<!tpu.dma_semaphore, #tpu.memory_space<semaphore_mem>>)
        %dma_wait3A_456 = arith.constant 9984 : i32
        %dma_wait3A_457 = arith.constant 0 : i32
        %dma_wait3A_458 = tpu.memref_slice %arg21[%dma_wait3A_456, %dma_wait3A_457] : memref<10000x128xf32, #tpu.memory_space<vmem_shared>> -> memref<16x128xf32, #tpu.memory_space<vmem_shared>>
        %dma_wait3A_459 = arith.constant 9984 : i32
        %dma_wait3A_460 = arith.constant 0 : i32
        %dma_wait3A_461 = tpu.memref_slice %arg5[%dma_wait3A_459, %dma_wait3A_460] : memref<10000x128xf32, #tpu.memory_space<hbm>> -> memref<16x128xf32, #tpu.memory_space<hbm>>
        tpu.wait_dma2 semaphore(%run_scoped3A : memref<!tpu.dma_semaphore, #tpu.memory_space<semaphore_mem>>) src(%dma_wait3A_461 : memref<16x128xf32, #tpu.memory_space<hbm>>) dst(%dma_wait3A_458 : memref<16x128xf32, #tpu.memory_space<vmem_shared>>)
        tpu.yield
      }) : () -> ()
      "tpu.region"() ({
        %run_scoped3A = tpu.sem_alloc : memref<!tpu.dma_semaphore, #tpu.memory_space<semaphore_mem>>
        %dma_start3A_450 = arith.constant 0 : i32
        %dma_start3A_451 = tpu.memref_slice %arg20[%dma_start3A_450] : memref<624xf32, #tpu.memory_space<vmem>> -> memref<16xf32, #tpu.memory_space<vmem>>
        %dma_start3A_452 = arith.constant 9984 : i32
        %dma_start3A_453 = tpu.memref_slice %arg22[%dma_start3A_452] : memref<10000xf32, #tpu.memory_space<vmem_shared>> -> memref<16xf32, #tpu.memory_space<vmem_shared>>
        %dma_start3A_454 = arith.constant 9984 : i32
        %dma_start3A_455 = tpu.memref_slice %arg22[%dma_start3A_454] : memref<10000xf32, #tpu.memory_space<vmem_shared>> -> memref<16xf32, #tpu.memory_space<vmem_shared>>
        %dma_start3A_456 = arith.constant 0 : i32
        %dma_start3A_457 = tpu.memref_slice %arg20[%dma_start3A_456] : memref<624xf32, #tpu.memory_space<vmem>> -> memref<16xf32, #tpu.memory_space<vmem>>
        tpu.enqueue_dma source(%dma_start3A_457 : memref<16xf32, #tpu.memory_space<vmem>>) target(%dma_start3A_455 : memref<16xf32, #tpu.memory_space<vmem_shared>>) target_semaphore(%run_scoped3A : memref<!tpu.dma_semaphore, #tpu.memory_space<semaphore_mem>>)
        %dma_wait3A_458 = arith.constant 0 : i32
        %dma_wait3A_459 = tpu.memref_slice %arg20[%dma_wait3A_458] : memref<624xf32, #tpu.memory_space<vmem>> -> memref<16xf32, #tpu.memory_space<vmem>>
        %dma_wait3A_460 = arith.constant 9984 : i32
        %dma_wait3A_461 = tpu.memref_slice %arg22[%dma_wait3A_460] : memref<10000xf32, #tpu.memory_space<vmem_shared>> -> memref<16xf32, #tpu.memory_space<vmem_shared>>
        %dma_wait3A_462 = arith.constant 9984 : i32
        %dma_wait3A_463 = tpu.memref_slice %arg22[%dma_wait3A_462] : memref<10000xf32, #tpu.memory_space<vmem_shared>> -> memref<16xf32, #tpu.memory_space<vmem_shared>>
        %dma_wait3A_464 = arith.constant 0 : i32
        %dma_wait3A_465 = tpu.memref_slice %arg20[%dma_wait3A_464] : memref<624xf32, #tpu.memory_space<vmem>> -> memref<16xf32, #tpu.memory_space<vmem>>
        tpu.wait_dma2 semaphore(%run_scoped3A : memref<!tpu.dma_semaphore, #tpu.memory_space<semaphore_mem>>) src(%dma_wait3A_465 : memref<16xf32, #tpu.memory_space<vmem>>) dst(%dma_wait3A_463 : memref<16xf32, #tpu.memory_space<vmem_shared>>)
        tpu.yield
      }) : () -> ()
    } else {
    }
    %mul3A_271 = arith.constant 160 : i32
    %mul3A_272 = arith.muli %add3A, %mul3A_271 : i32
    %add3A_273 = arith.constant 0 : i32
    %add3A_274 = arith.addi %mul3A_272, %add3A_273 : i32
    %dma_start3A = arith.constant 0 : i32
    %dma_start3A_275 = arith.constant 0 : i32
    %dma_start3A_276 = tpu.memref_slice %arg9[%dma_start3A, %dma_start3A_275] : memref<2x80xi32, #tpu.memory_space<vmem>> -> memref<1x80xi32, #tpu.memory_space<vmem>>
    %dma_start3A_277 = tpu.memref_squeeze %dma_start3A_276 : memref<1x80xi32, #tpu.memory_space<vmem>> -> memref<80xi32, #tpu.memory_space<vmem>>
    %dma_start3A_278 = tpu.memref_slice %arg3[%add3A_274] : memref<320000xi32, #tpu.memory_space<hbm>> -> memref<80xi32, #tpu.memory_space<hbm>>
    %dma_start3A_279 = arith.constant 0 : i32
    %dma_start3A_280 = tpu.memref_slice %arg9[%dma_start3A, %dma_start3A_279] : memref<2x80xi32, #tpu.memory_space<vmem>> -> memref<1x80xi32, #tpu.memory_space<vmem>>
    %dma_start3A_281 = tpu.memref_squeeze %dma_start3A_280 : memref<1x80xi32, #tpu.memory_space<vmem>> -> memref<80xi32, #tpu.memory_space<vmem>>
    %dma_start3A_282 = tpu.memref_slice %arg3[%add3A_274] : memref<320000xi32, #tpu.memory_space<hbm>> -> memref<80xi32, #tpu.memory_space<hbm>>
    tpu.enqueue_dma source(%dma_start3A_282 : memref<80xi32, #tpu.memory_space<hbm>>) target(%dma_start3A_281 : memref<80xi32, #tpu.memory_space<vmem>>) target_semaphore(%arg23 : memref<!tpu.dma_semaphore, #tpu.memory_space<semaphore_mem>>)
    %dma_start3A_283 = arith.constant 0 : i32
    %dma_start3A_284 = arith.constant 0 : i32
    %dma_start3A_285 = tpu.memref_slice %arg13[%dma_start3A_283, %dma_start3A_284] : memref<2x80xi32, #tpu.memory_space<vmem>> -> memref<1x80xi32, #tpu.memory_space<vmem>>
    %dma_start3A_286 = tpu.memref_squeeze %dma_start3A_285 : memref<1x80xi32, #tpu.memory_space<vmem>> -> memref<80xi32, #tpu.memory_space<vmem>>
    %dma_start3A_287 = tpu.memref_slice %arg4[%add3A_274] : memref<320000xi32, #tpu.memory_space<hbm>> -> memref<80xi32, #tpu.memory_space<hbm>>
    %dma_start3A_288 = arith.constant 0 : i32
    %dma_start3A_289 = tpu.memref_slice %arg13[%dma_start3A_283, %dma_start3A_288] : memref<2x80xi32, #tpu.memory_space<vmem>> -> memref<1x80xi32, #tpu.memory_space<vmem>>
    %dma_start3A_290 = tpu.memref_squeeze %dma_start3A_289 : memref<1x80xi32, #tpu.memory_space<vmem>> -> memref<80xi32, #tpu.memory_space<vmem>>
    %dma_start3A_291 = tpu.memref_slice %arg4[%add3A_274] : memref<320000xi32, #tpu.memory_space<hbm>> -> memref<80xi32, #tpu.memory_space<hbm>>
    tpu.enqueue_dma source(%dma_start3A_291 : memref<80xi32, #tpu.memory_space<hbm>>) target(%dma_start3A_290 : memref<80xi32, #tpu.memory_space<vmem>>) target_semaphore(%arg23 : memref<!tpu.dma_semaphore, #tpu.memory_space<semaphore_mem>>)
    %mul3A_292 = arith.constant 160 : i32
    %mul3A_293 = arith.muli %add3A, %mul3A_292 : i32
    %add3A_294 = arith.constant 80 : i32
    %add3A_295 = arith.addi %mul3A_293, %add3A_294 : i32
    %dma_start3A_296 = arith.constant 1 : i32
    %dma_start3A_297 = arith.constant 0 : i32
    %dma_start3A_298 = tpu.memref_slice %arg9[%dma_start3A_296, %dma_start3A_297] : memref<2x80xi32, #tpu.memory_space<vmem>> -> memref<1x80xi32, #tpu.memory_space<vmem>>
    %dma_start3A_299 = tpu.memref_squeeze %dma_start3A_298 : memref<1x80xi32, #tpu.memory_space<vmem>> -> memref<80xi32, #tpu.memory_space<vmem>>
    %dma_start3A_300 = tpu.memref_slice %arg3[%add3A_295] : memref<320000xi32, #tpu.memory_space<hbm>> -> memref<80xi32, #tpu.memory_space<hbm>>
    %dma_start3A_301 = arith.constant 0 : i32
    %dma_start3A_302 = tpu.memref_slice %arg9[%dma_start3A_296, %dma_start3A_301] : memref<2x80xi32, #tpu.memory_space<vmem>> -> memref<1x80xi32, #tpu.memory_space<vmem>>
    %dma_start3A_303 = tpu.memref_squeeze %dma_start3A_302 : memref<1x80xi32, #tpu.memory_space<vmem>> -> memref<80xi32, #tpu.memory_space<vmem>>
    %dma_start3A_304 = tpu.memref_slice %arg3[%add3A_295] : memref<320000xi32, #tpu.memory_space<hbm>> -> memref<80xi32, #tpu.memory_space<hbm>>
    tpu.enqueue_dma source(%dma_start3A_304 : memref<80xi32, #tpu.memory_space<hbm>>) target(%dma_start3A_303 : memref<80xi32, #tpu.memory_space<vmem>>) target_semaphore(%arg23 : memref<!tpu.dma_semaphore, #tpu.memory_space<semaphore_mem>>)
    %dma_start3A_305 = arith.constant 1 : i32
    %dma_start3A_306 = arith.constant 0 : i32
    %dma_start3A_307 = tpu.memref_slice %arg13[%dma_start3A_305, %dma_start3A_306] : memref<2x80xi32, #tpu.memory_space<vmem>> -> memref<1x80xi32, #tpu.memory_space<vmem>>
    %dma_start3A_308 = tpu.memref_squeeze %dma_start3A_307 : memref<1x80xi32, #tpu.memory_space<vmem>> -> memref<80xi32, #tpu.memory_space<vmem>>
    %dma_start3A_309 = tpu.memref_slice %arg4[%add3A_295] : memref<320000xi32, #tpu.memory_space<hbm>> -> memref<80xi32, #tpu.memory_space<hbm>>
    %dma_start3A_310 = arith.constant 0 : i32
    %dma_start3A_311 = tpu.memref_slice %arg13[%dma_start3A_305, %dma_start3A_310] : memref<2x80xi32, #tpu.memory_space<vmem>> -> memref<1x80xi32, #tpu.memory_space<vmem>>
    %dma_start3A_312 = tpu.memref_squeeze %dma_start3A_311 : memref<1x80xi32, #tpu.memory_space<vmem>> -> memref<80xi32, #tpu.memory_space<vmem>>
    %dma_start3A_313 = tpu.memref_slice %arg4[%add3A_295] : memref<320000xi32, #tpu.memory_space<hbm>> -> memref<80xi32, #tpu.memory_space<hbm>>
    tpu.enqueue_dma source(%dma_start3A_313 : memref<80xi32, #tpu.memory_space<hbm>>) target(%dma_start3A_312 : memref<80xi32, #tpu.memory_space<vmem>>) target_semaphore(%arg23 : memref<!tpu.dma_semaphore, #tpu.memory_space<semaphore_mem>>)
    %add3A_314 = arith.constant 32 : i32
    %add3A_315 = arith.addi %add3A, %add3A_314 : i32
    %mul3A_316 = arith.constant 160 : i32
    %mul3A_317 = arith.muli %add3A_315, %mul3A_316 : i32
    %add3A_318 = arith.constant 0 : i32
    %add3A_319 = arith.addi %mul3A_317, %add3A_318 : i32
    %dma_start3A_320 = arith.constant 0 : i32
    %dma_start3A_321 = arith.constant 0 : i32
    %dma_start3A_322 = tpu.memref_slice %arg10[%dma_start3A_320, %dma_start3A_321] : memref<2x80xi32, #tpu.memory_space<vmem>> -> memref<1x80xi32, #tpu.memory_space<vmem>>
    %dma_start3A_323 = tpu.memref_squeeze %dma_start3A_322 : memref<1x80xi32, #tpu.memory_space<vmem>> -> memref<80xi32, #tpu.memory_space<vmem>>
    %dma_start3A_324 = tpu.memref_slice %arg3[%add3A_319] : memref<320000xi32, #tpu.memory_space<hbm>> -> memref<80xi32, #tpu.memory_space<hbm>>
    %dma_start3A_325 = arith.constant 0 : i32
    %dma_start3A_326 = tpu.memref_slice %arg10[%dma_start3A_320, %dma_start3A_325] : memref<2x80xi32, #tpu.memory_space<vmem>> -> memref<1x80xi32, #tpu.memory_space<vmem>>
    %dma_start3A_327 = tpu.memref_squeeze %dma_start3A_326 : memref<1x80xi32, #tpu.memory_space<vmem>> -> memref<80xi32, #tpu.memory_space<vmem>>
    %dma_start3A_328 = tpu.memref_slice %arg3[%add3A_319] : memref<320000xi32, #tpu.memory_space<hbm>> -> memref<80xi32, #tpu.memory_space<hbm>>
    tpu.enqueue_dma source(%dma_start3A_328 : memref<80xi32, #tpu.memory_space<hbm>>) target(%dma_start3A_327 : memref<80xi32, #tpu.memory_space<vmem>>) target_semaphore(%arg24 : memref<!tpu.dma_semaphore, #tpu.memory_space<semaphore_mem>>)
    %dma_start3A_329 = arith.constant 0 : i32
    %dma_start3A_330 = arith.constant 0 : i32
    %dma_start3A_331 = tpu.memref_slice %arg14[%dma_start3A_329, %dma_start3A_330] : memref<2x80xi32, #tpu.memory_space<vmem>> -> memref<1x80xi32, #tpu.memory_space<vmem>>
    %dma_start3A_332 = tpu.memref_squeeze %dma_start3A_331 : memref<1x80xi32, #tpu.memory_space<vmem>> -> memref<80xi32, #tpu.memory_space<vmem>>
    %dma_start3A_333 = tpu.memref_slice %arg4[%add3A_319] : memref<320000xi32, #tpu.memory_space<hbm>> -> memref<80xi32, #tpu.memory_space<hbm>>
    %dma_start3A_334 = arith.constant 0 : i32
    %dma_start3A_335 = tpu.memref_slice %arg14[%dma_start3A_329, %dma_start3A_334] : memref<2x80xi32, #tpu.memory_space<vmem>> -> memref<1x80xi32, #tpu.memory_space<vmem>>
    %dma_start3A_336 = tpu.memref_squeeze %dma_start3A_335 : memref<1x80xi32, #tpu.memory_space<vmem>> -> memref<80xi32, #tpu.memory_space<vmem>>
    %dma_start3A_337 = tpu.memref_slice %arg4[%add3A_319] : memref<320000xi32, #tpu.memory_space<hbm>> -> memref<80xi32, #tpu.memory_space<hbm>>
    tpu.enqueue_dma source(%dma_start3A_337 : memref<80xi32, #tpu.memory_space<hbm>>) target(%dma_start3A_336 : memref<80xi32, #tpu.memory_space<vmem>>) target_semaphore(%arg24 : memref<!tpu.dma_semaphore, #tpu.memory_space<semaphore_mem>>)
    %mul3A_338 = arith.constant 160 : i32
    %mul3A_339 = arith.muli %add3A_315, %mul3A_338 : i32
    %add3A_340 = arith.constant 80 : i32
    %add3A_341 = arith.addi %mul3A_339, %add3A_340 : i32
    %dma_start3A_342 = arith.constant 1 : i32
    %dma_start3A_343 = arith.constant 0 : i32
    %dma_start3A_344 = tpu.memref_slice %arg10[%dma_start3A_342, %dma_start3A_343] : memref<2x80xi32, #tpu.memory_space<vmem>> -> memref<1x80xi32, #tpu.memory_space<vmem>>
    %dma_start3A_345 = tpu.memref_squeeze %dma_start3A_344 : memref<1x80xi32, #tpu.memory_space<vmem>> -> memref<80xi32, #tpu.memory_space<vmem>>
    %dma_start3A_346 = tpu.memref_slice %arg3[%add3A_341] : memref<320000xi32, #tpu.memory_space<hbm>> -> memref<80xi32, #tpu.memory_space<hbm>>
    %dma_start3A_347 = arith.constant 0 : i32
    %dma_start3A_348 = tpu.memref_slice %arg10[%dma_start3A_342, %dma_start3A_347] : memref<2x80xi32, #tpu.memory_space<vmem>> -> memref<1x80xi32, #tpu.memory_space<vmem>>
    %dma_start3A_349 = tpu.memref_squeeze %dma_start3A_348 : memref<1x80xi32, #tpu.memory_space<vmem>> -> memref<80xi32, #tpu.memory_space<vmem>>
    %dma_start3A_350 = tpu.memref_slice %arg3[%add3A_341] : memref<320000xi32, #tpu.memory_space<hbm>> -> memref<80xi32, #tpu.memory_space<hbm>>
    tpu.enqueue_dma source(%dma_start3A_350 : memref<80xi32, #tpu.memory_space<hbm>>) target(%dma_start3A_349 : memref<80xi32, #tpu.memory_space<vmem>>) target_semaphore(%arg24 : memref<!tpu.dma_semaphore, #tpu.memory_space<semaphore_mem>>)
    %dma_start3A_351 = arith.constant 1 : i32
    %dma_start3A_352 = arith.constant 0 : i32
    %dma_start3A_353 = tpu.memref_slice %arg14[%dma_start3A_351, %dma_start3A_352] : memref<2x80xi32, #tpu.memory_space<vmem>> -> memref<1x80xi32, #tpu.memory_space<vmem>>
    %dma_start3A_354 = tpu.memref_squeeze %dma_start3A_353 : memref<1x80xi32, #tpu.memory_space<vmem>> -> memref<80xi32, #tpu.memory_space<vmem>>
    %dma_start3A_355 = tpu.memref_slice %arg4[%add3A_341] : memref<320000xi32, #tpu.memory_space<hbm>> -> memref<80xi32, #tpu.memory_space<hbm>>
    %dma_start3A_356 = arith.constant 0 : i32
    %dma_start3A_357 = tpu.memref_slice %arg14[%dma_start3A_351, %dma_start3A_356] : memref<2x80xi32, #tpu.memory_space<vmem>> -> memref<1x80xi32, #tpu.memory_space<vmem>>
    %dma_start3A_358 = tpu.memref_squeeze %dma_start3A_357 : memref<1x80xi32, #tpu.memory_space<vmem>> -> memref<80xi32, #tpu.memory_space<vmem>>
    %dma_start3A_359 = tpu.memref_slice %arg4[%add3A_341] : memref<320000xi32, #tpu.memory_space<hbm>> -> memref<80xi32, #tpu.memory_space<hbm>>
    tpu.enqueue_dma source(%dma_start3A_359 : memref<80xi32, #tpu.memory_space<hbm>>) target(%dma_start3A_358 : memref<80xi32, #tpu.memory_space<vmem>>) target_semaphore(%arg24 : memref<!tpu.dma_semaphore, #tpu.memory_space<semaphore_mem>>)
    %barrier3A = arith.constant 0 : index
    tpu.barrier barrier_id(%barrier3A)
    %scan3A = arith.constant 0 : i32
    %scan3A_360 = arith.constant 0 : i32
    %scan3A_361 = arith.constant 16 : i32
    %scan3A_362 = arith.addi %scan3A_360, %scan3A_361 : i32
    %scan3A_363 = arith.constant 1 : i32
    scf.for %scan3A_450 = %scan3A_360 to %scan3A_362 step %scan3A_363  : i32 {
      %mul3A_451 = arith.constant 4 : i32
      %mul3A_452 = arith.muli %scan3A_450, %mul3A_451 : i32
      %add3A_453 = arith.constant 0 : i32
      %add3A_454 = arith.addi %mul3A_452, %add3A_453 : i32
      %mul3A_455 = arith.constant 32 : i32
      %mul3A_456 = arith.muli %add3A_454, %mul3A_455 : i32
      %add3A_457 = arith.addi %add3A, %mul3A_456 : i32
      %lt3A = arith.constant 2000 : i32
      %lt3A_458 = arith.cmpi slt, %add3A_457, %lt3A : i32
      %convert_element_type3A_459 = arith.extui %lt3A_458 : i1 to i32
      %cond3A_460 = arith.constant 0 : i32
      %cond3A_461 = arith.cmpi ne, %convert_element_type3A_459, %cond3A_460 : i32
      scf.if %cond3A_461 {
        %mul3A_498 = arith.constant 160 : i32
        %mul3A_499 = arith.muli %add3A_457, %mul3A_498 : i32
        %add3A_500 = arith.constant 0 : i32
        %add3A_501 = arith.addi %mul3A_499, %add3A_500 : i32
        %dma_wait3A_502 = arith.constant 0 : i32
        %dma_wait3A_503 = arith.constant 0 : i32
        %dma_wait3A_504 = tpu.memref_slice %arg9[%dma_wait3A_502, %dma_wait3A_503] : memref<2x80xi32, #tpu.memory_space<vmem>> -> memref<1x80xi32, #tpu.memory_space<vmem>>
        %dma_wait3A_505 = tpu.memref_squeeze %dma_wait3A_504 : memref<1x80xi32, #tpu.memory_space<vmem>> -> memref<80xi32, #tpu.memory_space<vmem>>
        %dma_wait3A_506 = tpu.memref_slice %arg3[%add3A_501] : memref<320000xi32, #tpu.memory_space<hbm>> -> memref<80xi32, #tpu.memory_space<hbm>>
        %dma_wait3A_507 = arith.constant 0 : i32
        %dma_wait3A_508 = tpu.memref_slice %arg9[%dma_wait3A_502, %dma_wait3A_507] : memref<2x80xi32, #tpu.memory_space<vmem>> -> memref<1x80xi32, #tpu.memory_space<vmem>>
        %dma_wait3A_509 = tpu.memref_squeeze %dma_wait3A_508 : memref<1x80xi32, #tpu.memory_space<vmem>> -> memref<80xi32, #tpu.memory_space<vmem>>
        %dma_wait3A_510 = tpu.memref_slice %arg3[%add3A_501] : memref<320000xi32, #tpu.memory_space<hbm>> -> memref<80xi32, #tpu.memory_space<hbm>>
        tpu.wait_dma2 semaphore(%arg23 : memref<!tpu.dma_semaphore, #tpu.memory_space<semaphore_mem>>) src(%dma_wait3A_510 : memref<80xi32, #tpu.memory_space<hbm>>) dst(%dma_wait3A_509 : memref<80xi32, #tpu.memory_space<vmem>>)
        %dma_wait3A_511 = arith.constant 0 : i32
        %dma_wait3A_512 = arith.constant 0 : i32
        %dma_wait3A_513 = tpu.memref_slice %arg13[%dma_wait3A_511, %dma_wait3A_512] : memref<2x80xi32, #tpu.memory_space<vmem>> -> memref<1x80xi32, #tpu.memory_space<vmem>>
        %dma_wait3A_514 = tpu.memref_squeeze %dma_wait3A_513 : memref<1x80xi32, #tpu.memory_space<vmem>> -> memref<80xi32, #tpu.memory_space<vmem>>
        %dma_wait3A_515 = tpu.memref_slice %arg4[%add3A_501] : memref<320000xi32, #tpu.memory_space<hbm>> -> memref<80xi32, #tpu.memory_space<hbm>>
        %dma_wait3A_516 = arith.constant 0 : i32
        %dma_wait3A_517 = tpu.memref_slice %arg13[%dma_wait3A_511, %dma_wait3A_516] : memref<2x80xi32, #tpu.memory_space<vmem>> -> memref<1x80xi32, #tpu.memory_space<vmem>>
        %dma_wait3A_518 = tpu.memref_squeeze %dma_wait3A_517 : memref<1x80xi32, #tpu.memory_space<vmem>> -> memref<80xi32, #tpu.memory_space<vmem>>
        %dma_wait3A_519 = tpu.memref_slice %arg4[%add3A_501] : memref<320000xi32, #tpu.memory_space<hbm>> -> memref<80xi32, #tpu.memory_space<hbm>>
        tpu.wait_dma2 semaphore(%arg23 : memref<!tpu.dma_semaphore, #tpu.memory_space<semaphore_mem>>) src(%dma_wait3A_519 : memref<80xi32, #tpu.memory_space<hbm>>) dst(%dma_wait3A_518 : memref<80xi32, #tpu.memory_space<vmem>>)
        %mul3A_520 = arith.constant 160 : i32
        %mul3A_521 = arith.muli %add3A_457, %mul3A_520 : i32
        %add3A_522 = arith.constant 80 : i32
        %add3A_523 = arith.addi %mul3A_521, %add3A_522 : i32
        %dma_wait3A_524 = arith.constant 1 : i32
        %dma_wait3A_525 = arith.constant 0 : i32
        %dma_wait3A_526 = tpu.memref_slice %arg9[%dma_wait3A_524, %dma_wait3A_525] : memref<2x80xi32, #tpu.memory_space<vmem>> -> memref<1x80xi32, #tpu.memory_space<vmem>>
        %dma_wait3A_527 = tpu.memref_squeeze %dma_wait3A_526 : memref<1x80xi32, #tpu.memory_space<vmem>> -> memref<80xi32, #tpu.memory_space<vmem>>
        %dma_wait3A_528 = tpu.memref_slice %arg3[%add3A_523] : memref<320000xi32, #tpu.memory_space<hbm>> -> memref<80xi32, #tpu.memory_space<hbm>>
        %dma_wait3A_529 = arith.constant 0 : i32
        %dma_wait3A_530 = tpu.memref_slice %arg9[%dma_wait3A_524, %dma_wait3A_529] : memref<2x80xi32, #tpu.memory_space<vmem>> -> memref<1x80xi32, #tpu.memory_space<vmem>>
        %dma_wait3A_531 = tpu.memref_squeeze %dma_wait3A_530 : memref<1x80xi32, #tpu.memory_space<vmem>> -> memref<80xi32, #tpu.memory_space<vmem>>
        %dma_wait3A_532 = tpu.memref_slice %arg3[%add3A_523] : memref<320000xi32, #tpu.memory_space<hbm>> -> memref<80xi32, #tpu.memory_space<hbm>>
        tpu.wait_dma2 semaphore(%arg23 : memref<!tpu.dma_semaphore, #tpu.memory_space<semaphore_mem>>) src(%dma_wait3A_532 : memref<80xi32, #tpu.memory_space<hbm>>) dst(%dma_wait3A_531 : memref<80xi32, #tpu.memory_space<vmem>>)
        %dma_wait3A_533 = arith.constant 1 : i32
        %dma_wait3A_534 = arith.constant 0 : i32
        %dma_wait3A_535 = tpu.memref_slice %arg13[%dma_wait3A_533, %dma_wait3A_534] : memref<2x80xi32, #tpu.memory_space<vmem>> -> memref<1x80xi32, #tpu.memory_space<vmem>>
        %dma_wait3A_536 = tpu.memref_squeeze %dma_wait3A_535 : memref<1x80xi32, #tpu.memory_space<vmem>> -> memref<80xi32, #tpu.memory_space<vmem>>
        %dma_wait3A_537 = tpu.memref_slice %arg4[%add3A_523] : memref<320000xi32, #tpu.memory_space<hbm>> -> memref<80xi32, #tpu.memory_space<hbm>>
        %dma_wait3A_538 = arith.constant 0 : i32
        %dma_wait3A_539 = tpu.memref_slice %arg13[%dma_wait3A_533, %dma_wait3A_538] : memref<2x80xi32, #tpu.memory_space<vmem>> -> memref<1x80xi32, #tpu.memory_space<vmem>>
        %dma_wait3A_540 = tpu.memref_squeeze %dma_wait3A_539 : memref<1x80xi32, #tpu.memory_space<vmem>> -> memref<80xi32, #tpu.memory_space<vmem>>
        %dma_wait3A_541 = tpu.memref_slice %arg4[%add3A_523] : memref<320000xi32, #tpu.memory_space<hbm>> -> memref<80xi32, #tpu.memory_space<hbm>>
        tpu.wait_dma2 semaphore(%arg23 : memref<!tpu.dma_semaphore, #tpu.memory_space<semaphore_mem>>) src(%dma_wait3A_541 : memref<80xi32, #tpu.memory_space<hbm>>) dst(%dma_wait3A_540 : memref<80xi32, #tpu.memory_space<vmem>>)
        %ge3A = arith.constant 2 : i32
        %ge3A_542 = arith.cmpi sge, %add3A_454, %ge3A : i32
        %convert_element_type3A_543 = arith.extui %ge3A_542 : i1 to i32
        %cond3A_544 = arith.constant 0 : i32
        %cond3A_545 = arith.cmpi ne, %convert_element_type3A_543, %cond3A_544 : i32
        scf.if %cond3A_545 {
          %dma_wait3A_625 = arith.constant 0 : i32
          %dma_wait3A_626 = arith.constant 0 : i32
          %dma_wait3A_627 = arith.constant 0 : i32
          %dma_wait3A_628 = tpu.memref_slice %arg17[%dma_wait3A_626, %dma_wait3A_627] : memref<160x128xf32, #tpu.memory_space<vmem>> -> memref<80x128xf32, #tpu.memory_space<vmem>>
          %dma_wait3A_629 = arith.constant 0 : i32
          %dma_wait3A_630 = tpu.memref_slice %arg13[%dma_wait3A_625, %dma_wait3A_629] : memref<2x80xi32, #tpu.memory_space<vmem>> -> memref<1x80xi32, #tpu.memory_space<vmem>>
          %dma_wait3A_631 = tpu.memref_squeeze %dma_wait3A_630 : memref<1x80xi32, #tpu.memory_space<vmem>> -> memref<80xi32, #tpu.memory_space<vmem>>
          %dma_wait3A_632 = arith.constant 0 : i32
          %dma_wait3A_633 = arith.constant 0 : i32
          %dma_wait3A_634 = tpu.memref_slice %arg21[%dma_wait3A_632, %dma_wait3A_633] : memref<10000x128xf32, #tpu.memory_space<vmem_shared>> -> memref<10000x128xf32, #tpu.memory_space<vmem_shared>>
          tpu.wait_indirect_dma semaphore(%arg31 : memref<!tpu.dma_semaphore, #tpu.memory_space<semaphore_mem>>) src(%dma_wait3A_628 : memref<80x128xf32, #tpu.memory_space<vmem>>) dst(%dma_wait3A_634 : memref<10000x128xf32, #tpu.memory_space<vmem_shared>>)
          %dma_wait3A_635 = arith.constant 0 : i32
          %dma_wait3A_636 = arith.constant 0 : i32
          %dma_wait3A_637 = tpu.memref_slice %arg13[%dma_wait3A_635, %dma_wait3A_636] : memref<2x80xi32, #tpu.memory_space<vmem>> -> memref<1x80xi32, #tpu.memory_space<vmem>>
          %dma_wait3A_638 = tpu.memref_squeeze %dma_wait3A_637 : memref<1x80xi32, #tpu.memory_space<vmem>> -> memref<80xi32, #tpu.memory_space<vmem>>
          %dma_wait3A_639 = arith.constant 0 : i32
          %dma_wait3A_640 = tpu.memref_slice %arg22[%dma_wait3A_639] : memref<10000xf32, #tpu.memory_space<vmem_shared>> -> memref<10000xf32, #tpu.memory_space<vmem_shared>>
          tpu.wait_indirect_dma semaphore(%arg31 : memref<!tpu.dma_semaphore, #tpu.memory_space<semaphore_mem>>) src(%arg19 : memref<80xf32, #tpu.memory_space<vmem>>) dst(%dma_wait3A_640 : memref<10000xf32, #tpu.memory_space<vmem_shared>>)
          %dma_wait3A_641 = arith.constant 1 : i32
          %dma_wait3A_642 = arith.constant 80 : i32
          %dma_wait3A_643 = arith.constant 0 : i32
          %dma_wait3A_644 = tpu.memref_slice %arg17[%dma_wait3A_642, %dma_wait3A_643] : memref<160x128xf32, #tpu.memory_space<vmem>> -> memref<80x128xf32, #tpu.memory_space<vmem>>
          %dma_wait3A_645 = arith.constant 0 : i32
          %dma_wait3A_646 = tpu.memref_slice %arg13[%dma_wait3A_641, %dma_wait3A_645] : memref<2x80xi32, #tpu.memory_space<vmem>> -> memref<1x80xi32, #tpu.memory_space<vmem>>
          %dma_wait3A_647 = tpu.memref_squeeze %dma_wait3A_646 : memref<1x80xi32, #tpu.memory_space<vmem>> -> memref<80xi32, #tpu.memory_space<vmem>>
          %dma_wait3A_648 = arith.constant 0 : i32
          %dma_wait3A_649 = arith.constant 0 : i32
          %dma_wait3A_650 = tpu.memref_slice %arg21[%dma_wait3A_648, %dma_wait3A_649] : memref<10000x128xf32, #tpu.memory_space<vmem_shared>> -> memref<10000x128xf32, #tpu.memory_space<vmem_shared>>
          tpu.wait_indirect_dma semaphore(%arg31 : memref<!tpu.dma_semaphore, #tpu.memory_space<semaphore_mem>>) src(%dma_wait3A_644 : memref<80x128xf32, #tpu.memory_space<vmem>>) dst(%dma_wait3A_650 : memref<10000x128xf32, #tpu.memory_space<vmem_shared>>)
          %dma_wait3A_651 = arith.constant 1 : i32
          %dma_wait3A_652 = arith.constant 0 : i32
          %dma_wait3A_653 = tpu.memref_slice %arg13[%dma_wait3A_651, %dma_wait3A_652] : memref<2x80xi32, #tpu.memory_space<vmem>> -> memref<1x80xi32, #tpu.memory_space<vmem>>
          %dma_wait3A_654 = tpu.memref_squeeze %dma_wait3A_653 : memref<1x80xi32, #tpu.memory_space<vmem>> -> memref<80xi32, #tpu.memory_space<vmem>>
          %dma_wait3A_655 = arith.constant 0 : i32
          %dma_wait3A_656 = tpu.memref_slice %arg22[%dma_wait3A_655] : memref<10000xf32, #tpu.memory_space<vmem_shared>> -> memref<10000xf32, #tpu.memory_space<vmem_shared>>
          tpu.wait_indirect_dma semaphore(%arg31 : memref<!tpu.dma_semaphore, #tpu.memory_space<semaphore_mem>>) src(%arg19 : memref<80xf32, #tpu.memory_space<vmem>>) dst(%dma_wait3A_656 : memref<10000xf32, #tpu.memory_space<vmem_shared>>)
        } else {
        }
        %dma_start3A_546 = arith.constant 0 : i32
        %dma_start3A_547 = arith.constant 0 : i32
        %dma_start3A_548 = arith.constant 0 : i32
        %dma_start3A_549 = tpu.memref_slice %arg17[%dma_start3A_547, %dma_start3A_548] : memref<160x128xf32, #tpu.memory_space<vmem>> -> memref<80x128xf32, #tpu.memory_space<vmem>>
        %dma_start3A_550 = arith.constant 0 : i32
        %dma_start3A_551 = tpu.memref_slice %arg9[%dma_start3A_546, %dma_start3A_550] : memref<2x80xi32, #tpu.memory_space<vmem>> -> memref<1x80xi32, #tpu.memory_space<vmem>>
        %dma_start3A_552 = tpu.memref_squeeze %dma_start3A_551 : memref<1x80xi32, #tpu.memory_space<vmem>> -> memref<80xi32, #tpu.memory_space<vmem>>
        %dma_start3A_553 = arith.constant 0 : i32
        %dma_start3A_554 = arith.constant 0 : i32
        %dma_start3A_555 = tpu.memref_slice %arg2[%dma_start3A_553, %dma_start3A_554] : memref<10000x128xf32, #tpu.memory_space<hbm>> -> memref<10000x128xf32, #tpu.memory_space<hbm>>
        tpu.enqueue_indirect_dma source(%dma_start3A_555 : memref<10000x128xf32, #tpu.memory_space<hbm>>) target(%dma_start3A_549 : memref<80x128xf32, #tpu.memory_space<vmem>>) offsets(%dma_start3A_552 : memref<80xi32, #tpu.memory_space<vmem>>) semaphore(%arg27 : memref<!tpu.dma_semaphore, #tpu.memory_space<semaphore_mem>>)
        %dma_start3A_556 = arith.constant 1 : i32
        %dma_start3A_557 = arith.constant 80 : i32
        %dma_start3A_558 = arith.constant 0 : i32
        %dma_start3A_559 = tpu.memref_slice %arg17[%dma_start3A_557, %dma_start3A_558] : memref<160x128xf32, #tpu.memory_space<vmem>> -> memref<80x128xf32, #tpu.memory_space<vmem>>
        %dma_start3A_560 = arith.constant 0 : i32
        %dma_start3A_561 = tpu.memref_slice %arg9[%dma_start3A_556, %dma_start3A_560] : memref<2x80xi32, #tpu.memory_space<vmem>> -> memref<1x80xi32, #tpu.memory_space<vmem>>
        %dma_start3A_562 = tpu.memref_squeeze %dma_start3A_561 : memref<1x80xi32, #tpu.memory_space<vmem>> -> memref<80xi32, #tpu.memory_space<vmem>>
        %dma_start3A_563 = arith.constant 0 : i32
        %dma_start3A_564 = arith.constant 0 : i32
        %dma_start3A_565 = tpu.memref_slice %arg2[%dma_start3A_563, %dma_start3A_564] : memref<10000x128xf32, #tpu.memory_space<hbm>> -> memref<10000x128xf32, #tpu.memory_space<hbm>>
        tpu.enqueue_indirect_dma source(%dma_start3A_565 : memref<10000x128xf32, #tpu.memory_space<hbm>>) target(%dma_start3A_559 : memref<80x128xf32, #tpu.memory_space<vmem>>) offsets(%dma_start3A_562 : memref<80xi32, #tpu.memory_space<vmem>>) semaphore(%arg28 : memref<!tpu.dma_semaphore, #tpu.memory_space<semaphore_mem>>)
        %add3A_566 = arith.constant 64 : i32
        %add3A_567 = arith.addi %add3A_457, %add3A_566 : i32
        %lt3A_568 = arith.constant 2000 : i32
        %lt3A_569 = arith.cmpi slt, %add3A_567, %lt3A_568 : i32
        %convert_element_type3A_570 = arith.extui %lt3A_569 : i1 to i32
        %cond3A_571 = arith.constant 0 : i32
        %cond3A_572 = arith.cmpi ne, %convert_element_type3A_570, %cond3A_571 : i32
        scf.if %cond3A_572 {
          %mul3A_625 = arith.constant 160 : i32
          %mul3A_626 = arith.muli %add3A_567, %mul3A_625 : i32
          %add3A_627 = arith.constant 0 : i32
          %add3A_628 = arith.addi %mul3A_626, %add3A_627 : i32
          %dma_start3A_629 = arith.constant 0 : i32
          %dma_start3A_630 = arith.constant 0 : i32
          %dma_start3A_631 = tpu.memref_slice %arg11[%dma_start3A_629, %dma_start3A_630] : memref<2x80xi32, #tpu.memory_space<vmem>> -> memref<1x80xi32, #tpu.memory_space<vmem>>
          %dma_start3A_632 = tpu.memref_squeeze %dma_start3A_631 : memref<1x80xi32, #tpu.memory_space<vmem>> -> memref<80xi32, #tpu.memory_space<vmem>>
          %dma_start3A_633 = tpu.memref_slice %arg3[%add3A_628] : memref<320000xi32, #tpu.memory_space<hbm>> -> memref<80xi32, #tpu.memory_space<hbm>>
          %dma_start3A_634 = arith.constant 0 : i32
          %dma_start3A_635 = tpu.memref_slice %arg11[%dma_start3A_629, %dma_start3A_634] : memref<2x80xi32, #tpu.memory_space<vmem>> -> memref<1x80xi32, #tpu.memory_space<vmem>>
          %dma_start3A_636 = tpu.memref_squeeze %dma_start3A_635 : memref<1x80xi32, #tpu.memory_space<vmem>> -> memref<80xi32, #tpu.memory_space<vmem>>
          %dma_start3A_637 = tpu.memref_slice %arg3[%add3A_628] : memref<320000xi32, #tpu.memory_space<hbm>> -> memref<80xi32, #tpu.memory_space<hbm>>
          tpu.enqueue_dma source(%dma_start3A_637 : memref<80xi32, #tpu.memory_space<hbm>>) target(%dma_start3A_636 : memref<80xi32, #tpu.memory_space<vmem>>) target_semaphore(%arg25 : memref<!tpu.dma_semaphore, #tpu.memory_space<semaphore_mem>>)
          %dma_start3A_638 = arith.constant 0 : i32
          %dma_start3A_639 = arith.constant 0 : i32
          %dma_start3A_640 = tpu.memref_slice %arg15[%dma_start3A_638, %dma_start3A_639] : memref<2x80xi32, #tpu.memory_space<vmem>> -> memref<1x80xi32, #tpu.memory_space<vmem>>
          %dma_start3A_641 = tpu.memref_squeeze %dma_start3A_640 : memref<1x80xi32, #tpu.memory_space<vmem>> -> memref<80xi32, #tpu.memory_space<vmem>>
          %dma_start3A_642 = tpu.memref_slice %arg4[%add3A_628] : memref<320000xi32, #tpu.memory_space<hbm>> -> memref<80xi32, #tpu.memory_space<hbm>>
          %dma_start3A_643 = arith.constant 0 : i32
          %dma_start3A_644 = tpu.memref_slice %arg15[%dma_start3A_638, %dma_start3A_643] : memref<2x80xi32, #tpu.memory_space<vmem>> -> memref<1x80xi32, #tpu.memory_space<vmem>>
          %dma_start3A_645 = tpu.memref_squeeze %dma_start3A_644 : memref<1x80xi32, #tpu.memory_space<vmem>> -> memref<80xi32, #tpu.memory_space<vmem>>
          %dma_start3A_646 = tpu.memref_slice %arg4[%add3A_628] : memref<320000xi32, #tpu.memory_space<hbm>> -> memref<80xi32, #tpu.memory_space<hbm>>
          tpu.enqueue_dma source(%dma_start3A_646 : memref<80xi32, #tpu.memory_space<hbm>>) target(%dma_start3A_645 : memref<80xi32, #tpu.memory_space<vmem>>) target_semaphore(%arg25 : memref<!tpu.dma_semaphore, #tpu.memory_space<semaphore_mem>>)
          %mul3A_647 = arith.constant 160 : i32
          %mul3A_648 = arith.muli %add3A_567, %mul3A_647 : i32
          %add3A_649 = arith.constant 80 : i32
          %add3A_650 = arith.addi %mul3A_648, %add3A_649 : i32
          %dma_start3A_651 = arith.constant 1 : i32
          %dma_start3A_652 = arith.constant 0 : i32
          %dma_start3A_653 = tpu.memref_slice %arg11[%dma_start3A_651, %dma_start3A_652] : memref<2x80xi32, #tpu.memory_space<vmem>> -> memref<1x80xi32, #tpu.memory_space<vmem>>
          %dma_start3A_654 = tpu.memref_squeeze %dma_start3A_653 : memref<1x80xi32, #tpu.memory_space<vmem>> -> memref<80xi32, #tpu.memory_space<vmem>>
          %dma_start3A_655 = tpu.memref_slice %arg3[%add3A_650] : memref<320000xi32, #tpu.memory_space<hbm>> -> memref<80xi32, #tpu.memory_space<hbm>>
          %dma_start3A_656 = arith.constant 0 : i32
          %dma_start3A_657 = tpu.memref_slice %arg11[%dma_start3A_651, %dma_start3A_656] : memref<2x80xi32, #tpu.memory_space<vmem>> -> memref<1x80xi32, #tpu.memory_space<vmem>>
          %dma_start3A_658 = tpu.memref_squeeze %dma_start3A_657 : memref<1x80xi32, #tpu.memory_space<vmem>> -> memref<80xi32, #tpu.memory_space<vmem>>
          %dma_start3A_659 = tpu.memref_slice %arg3[%add3A_650] : memref<320000xi32, #tpu.memory_space<hbm>> -> memref<80xi32, #tpu.memory_space<hbm>>
          tpu.enqueue_dma source(%dma_start3A_659 : memref<80xi32, #tpu.memory_space<hbm>>) target(%dma_start3A_658 : memref<80xi32, #tpu.memory_space<vmem>>) target_semaphore(%arg25 : memref<!tpu.dma_semaphore, #tpu.memory_space<semaphore_mem>>)
          %dma_start3A_660 = arith.constant 1 : i32
          %dma_start3A_661 = arith.constant 0 : i32
          %dma_start3A_662 = tpu.memref_slice %arg15[%dma_start3A_660, %dma_start3A_661] : memref<2x80xi32, #tpu.memory_space<vmem>> -> memref<1x80xi32, #tpu.memory_space<vmem>>
          %dma_start3A_663 = tpu.memref_squeeze %dma_start3A_662 : memref<1x80xi32, #tpu.memory_space<vmem>> -> memref<80xi32, #tpu.memory_space<vmem>>
          %dma_start3A_664 = tpu.memref_slice %arg4[%add3A_650] : memref<320000xi32, #tpu.memory_space<hbm>> -> memref<80xi32, #tpu.memory_space<hbm>>
          %dma_start3A_665 = arith.constant 0 : i32
          %dma_start3A_666 = tpu.memref_slice %arg15[%dma_start3A_660, %dma_start3A_665] : memref<2x80xi32, #tpu.memory_space<vmem>> -> memref<1x80xi32, #tpu.memory_space<vmem>>
          %dma_start3A_667 = tpu.memref_squeeze %dma_start3A_666 : memref<1x80xi32, #tpu.memory_space<vmem>> -> memref<80xi32, #tpu.memory_space<vmem>>
          %dma_start3A_668 = tpu.memref_slice %arg4[%add3A_650] : memref<320000xi32, #tpu.memory_space<hbm>> -> memref<80xi32, #tpu.memory_space<hbm>>
          tpu.enqueue_dma source(%dma_start3A_668 : memref<80xi32, #tpu.memory_space<hbm>>) target(%dma_start3A_667 : memref<80xi32, #tpu.memory_space<vmem>>) target_semaphore(%arg25 : memref<!tpu.dma_semaphore, #tpu.memory_space<semaphore_mem>>)
        } else {
        }
        %dma_wait3A_573 = arith.constant 0 : i32
        %dma_wait3A_574 = arith.constant 0 : i32
        %dma_wait3A_575 = arith.constant 0 : i32
        %dma_wait3A_576 = tpu.memref_slice %arg17[%dma_wait3A_574, %dma_wait3A_575] : memref<160x128xf32, #tpu.memory_space<vmem>> -> memref<80x128xf32, #tpu.memory_space<vmem>>
        %dma_wait3A_577 = arith.constant 0 : i32
        %dma_wait3A_578 = tpu.memref_slice %arg9[%dma_wait3A_573, %dma_wait3A_577] : memref<2x80xi32, #tpu.memory_space<vmem>> -> memref<1x80xi32, #tpu.memory_space<vmem>>
        %dma_wait3A_579 = tpu.memref_squeeze %dma_wait3A_578 : memref<1x80xi32, #tpu.memory_space<vmem>> -> memref<80xi32, #tpu.memory_space<vmem>>
        %dma_wait3A_580 = arith.constant 0 : i32
        %dma_wait3A_581 = arith.constant 0 : i32
        %dma_wait3A_582 = tpu.memref_slice %arg2[%dma_wait3A_580, %dma_wait3A_581] : memref<10000x128xf32, #tpu.memory_space<hbm>> -> memref<10000x128xf32, #tpu.memory_space<hbm>>
        tpu.wait_indirect_dma semaphore(%arg27 : memref<!tpu.dma_semaphore, #tpu.memory_space<semaphore_mem>>) src(%dma_wait3A_582 : memref<10000x128xf32, #tpu.memory_space<hbm>>) dst(%dma_wait3A_576 : memref<80x128xf32, #tpu.memory_space<vmem>>)
        %dma_start3A_583 = arith.constant 0 : i32
        %dma_start3A_584 = arith.constant 0 : i32
        %dma_start3A_585 = arith.constant 0 : i32
        %dma_start3A_586 = tpu.memref_slice %arg17[%dma_start3A_584, %dma_start3A_585] : memref<160x128xf32, #tpu.memory_space<vmem>> -> memref<80x128xf32, #tpu.memory_space<vmem>>
        %dma_start3A_587 = arith.constant 0 : i32
        %dma_start3A_588 = tpu.memref_slice %arg13[%dma_start3A_583, %dma_start3A_587] : memref<2x80xi32, #tpu.memory_space<vmem>> -> memref<1x80xi32, #tpu.memory_space<vmem>>
        %dma_start3A_589 = tpu.memref_squeeze %dma_start3A_588 : memref<1x80xi32, #tpu.memory_space<vmem>> -> memref<80xi32, #tpu.memory_space<vmem>>
        %dma_start3A_590 = arith.constant 0 : i32
        %dma_start3A_591 = arith.constant 0 : i32
        %dma_start3A_592 = tpu.memref_slice %arg21[%dma_start3A_590, %dma_start3A_591] : memref<10000x128xf32, #tpu.memory_space<vmem_shared>> -> memref<10000x128xf32, #tpu.memory_space<vmem_shared>>
        tpu.enqueue_indirect_dma source(%dma_start3A_586 : memref<80x128xf32, #tpu.memory_space<vmem>>) target(%dma_start3A_592 : memref<10000x128xf32, #tpu.memory_space<vmem_shared>>) offsets(%dma_start3A_589 : memref<80xi32, #tpu.memory_space<vmem>>) semaphore(%arg31 : memref<!tpu.dma_semaphore, #tpu.memory_space<semaphore_mem>>) {add = true}
        %dma_start3A_593 = arith.constant 0 : i32
        %dma_start3A_594 = arith.constant 0 : i32
        %dma_start3A_595 = tpu.memref_slice %arg13[%dma_start3A_593, %dma_start3A_594] : memref<2x80xi32, #tpu.memory_space<vmem>> -> memref<1x80xi32, #tpu.memory_space<vmem>>
        %dma_start3A_596 = tpu.memref_squeeze %dma_start3A_595 : memref<1x80xi32, #tpu.memory_space<vmem>> -> memref<80xi32, #tpu.memory_space<vmem>>
        %dma_start3A_597 = arith.constant 0 : i32
        %dma_start3A_598 = tpu.memref_slice %arg22[%dma_start3A_597] : memref<10000xf32, #tpu.memory_space<vmem_shared>> -> memref<10000xf32, #tpu.memory_space<vmem_shared>>
        tpu.enqueue_indirect_dma source(%arg19 : memref<80xf32, #tpu.memory_space<vmem>>) target(%dma_start3A_598 : memref<10000xf32, #tpu.memory_space<vmem_shared>>) offsets(%dma_start3A_596 : memref<80xi32, #tpu.memory_space<vmem>>) semaphore(%arg31 : memref<!tpu.dma_semaphore, #tpu.memory_space<semaphore_mem>>) {add = true}
        %dma_wait3A_599 = arith.constant 1 : i32
        %dma_wait3A_600 = arith.constant 80 : i32
        %dma_wait3A_601 = arith.constant 0 : i32
        %dma_wait3A_602 = tpu.memref_slice %arg17[%dma_wait3A_600, %dma_wait3A_601] : memref<160x128xf32, #tpu.memory_space<vmem>> -> memref<80x128xf32, #tpu.memory_space<vmem>>
        %dma_wait3A_603 = arith.constant 0 : i32
        %dma_wait3A_604 = tpu.memref_slice %arg9[%dma_wait3A_599, %dma_wait3A_603] : memref<2x80xi32, #tpu.memory_space<vmem>> -> memref<1x80xi32, #tpu.memory_space<vmem>>
        %dma_wait3A_605 = tpu.memref_squeeze %dma_wait3A_604 : memref<1x80xi32, #tpu.memory_space<vmem>> -> memref<80xi32, #tpu.memory_space<vmem>>
        %dma_wait3A_606 = arith.constant 0 : i32
        %dma_wait3A_607 = arith.constant 0 : i32
        %dma_wait3A_608 = tpu.memref_slice %arg2[%dma_wait3A_606, %dma_wait3A_607] : memref<10000x128xf32, #tpu.memory_space<hbm>> -> memref<10000x128xf32, #tpu.memory_space<hbm>>
        tpu.wait_indirect_dma semaphore(%arg28 : memref<!tpu.dma_semaphore, #tpu.memory_space<semaphore_mem>>) src(%dma_wait3A_608 : memref<10000x128xf32, #tpu.memory_space<hbm>>) dst(%dma_wait3A_602 : memref<80x128xf32, #tpu.memory_space<vmem>>)
        %dma_start3A_609 = arith.constant 1 : i32
        %dma_start3A_610 = arith.constant 80 : i32
        %dma_start3A_611 = arith.constant 0 : i32
        %dma_start3A_612 = tpu.memref_slice %arg17[%dma_start3A_610, %dma_start3A_611] : memref<160x128xf32, #tpu.memory_space<vmem>> -> memref<80x128xf32, #tpu.memory_space<vmem>>
        %dma_start3A_613 = arith.constant 0 : i32
        %dma_start3A_614 = tpu.memref_slice %arg13[%dma_start3A_609, %dma_start3A_613] : memref<2x80xi32, #tpu.memory_space<vmem>> -> memref<1x80xi32, #tpu.memory_space<vmem>>
        %dma_start3A_615 = tpu.memref_squeeze %dma_start3A_614 : memref<1x80xi32, #tpu.memory_space<vmem>> -> memref<80xi32, #tpu.memory_space<vmem>>
        %dma_start3A_616 = arith.constant 0 : i32
        %dma_start3A_617 = arith.constant 0 : i32
        %dma_start3A_618 = tpu.memref_slice %arg21[%dma_start3A_616, %dma_start3A_617] : memref<10000x128xf32, #tpu.memory_space<vmem_shared>> -> memref<10000x128xf32, #tpu.memory_space<vmem_shared>>
        tpu.enqueue_indirect_dma source(%dma_start3A_612 : memref<80x128xf32, #tpu.memory_space<vmem>>) target(%dma_start3A_618 : memref<10000x128xf32, #tpu.memory_space<vmem_shared>>) offsets(%dma_start3A_615 : memref<80xi32, #tpu.memory_space<vmem>>) semaphore(%arg31 : memref<!tpu.dma_semaphore, #tpu.memory_space<semaphore_mem>>) {add = true}
        %dma_start3A_619 = arith.constant 1 : i32
        %dma_start3A_620 = arith.constant 0 : i32
        %dma_start3A_621 = tpu.memref_slice %arg13[%dma_start3A_619, %dma_start3A_620] : memref<2x80xi32, #tpu.memory_space<vmem>> -> memref<1x80xi32, #tpu.memory_space<vmem>>
        %dma_start3A_622 = tpu.memref_squeeze %dma_start3A_621 : memref<1x80xi32, #tpu.memory_space<vmem>> -> memref<80xi32, #tpu.memory_space<vmem>>
        %dma_start3A_623 = arith.constant 0 : i32
        %dma_start3A_624 = tpu.memref_slice %arg22[%dma_start3A_623] : memref<10000xf32, #tpu.memory_space<vmem_shared>> -> memref<10000xf32, #tpu.memory_space<vmem_shared>>
        tpu.enqueue_indirect_dma source(%arg19 : memref<80xf32, #tpu.memory_space<vmem>>) target(%dma_start3A_624 : memref<10000xf32, #tpu.memory_space<vmem_shared>>) offsets(%dma_start3A_622 : memref<80xi32, #tpu.memory_space<vmem>>) semaphore(%arg31 : memref<!tpu.dma_semaphore, #tpu.memory_space<semaphore_mem>>) {add = true}
      } else {
      }
      %mul3A_462 = arith.constant 4 : i32
      %mul3A_463 = arith.muli %scan3A_450, %mul3A_462 : i32
      %add3A_464 = arith.constant 1 : i32
      %add3A_465 = arith.addi %mul3A_463, %add3A_464 : i32
      %mul3A_466 = arith.constant 32 : i32
      %mul3A_467 = arith.muli %add3A_465, %mul3A_466 : i32
      %add3A_468 = arith.addi %add3A, %mul3A_467 : i32
      %lt3A_469 = arith.constant 2000 : i32
      %lt3A_470 = arith.cmpi slt, %add3A_468, %lt3A_469 : i32
      %convert_element_type3A_471 = arith.extui %lt3A_470 : i1 to i32
      %cond3A_472 = arith.constant 0 : i32
      %cond3A_473 = arith.cmpi ne, %convert_element_type3A_471, %cond3A_472 : i32
      scf.if %cond3A_473 {
        %mul3A_498 = arith.constant 160 : i32
        %mul3A_499 = arith.muli %add3A_468, %mul3A_498 : i32
        %add3A_500 = arith.constant 0 : i32
        %add3A_501 = arith.addi %mul3A_499, %add3A_500 : i32
        %dma_wait3A_502 = arith.constant 0 : i32
        %dma_wait3A_503 = arith.constant 0 : i32
        %dma_wait3A_504 = tpu.memref_slice %arg10[%dma_wait3A_502, %dma_wait3A_503] : memref<2x80xi32, #tpu.memory_space<vmem>> -> memref<1x80xi32, #tpu.memory_space<vmem>>
        %dma_wait3A_505 = tpu.memref_squeeze %dma_wait3A_504 : memref<1x80xi32, #tpu.memory_space<vmem>> -> memref<80xi32, #tpu.memory_space<vmem>>
        %dma_wait3A_506 = tpu.memref_slice %arg3[%add3A_501] : memref<320000xi32, #tpu.memory_space<hbm>> -> memref<80xi32, #tpu.memory_space<hbm>>
        %dma_wait3A_507 = arith.constant 0 : i32
        %dma_wait3A_508 = tpu.memref_slice %arg10[%dma_wait3A_502, %dma_wait3A_507] : memref<2x80xi32, #tpu.memory_space<vmem>> -> memref<1x80xi32, #tpu.memory_space<vmem>>
        %dma_wait3A_509 = tpu.memref_squeeze %dma_wait3A_508 : memref<1x80xi32, #tpu.memory_space<vmem>> -> memref<80xi32, #tpu.memory_space<vmem>>
        %dma_wait3A_510 = tpu.memref_slice %arg3[%add3A_501] : memref<320000xi32, #tpu.memory_space<hbm>> -> memref<80xi32, #tpu.memory_space<hbm>>
        tpu.wait_dma2 semaphore(%arg24 : memref<!tpu.dma_semaphore, #tpu.memory_space<semaphore_mem>>) src(%dma_wait3A_510 : memref<80xi32, #tpu.memory_space<hbm>>) dst(%dma_wait3A_509 : memref<80xi32, #tpu.memory_space<vmem>>)
        %dma_wait3A_511 = arith.constant 0 : i32
        %dma_wait3A_512 = arith.constant 0 : i32
        %dma_wait3A_513 = tpu.memref_slice %arg14[%dma_wait3A_511, %dma_wait3A_512] : memref<2x80xi32, #tpu.memory_space<vmem>> -> memref<1x80xi32, #tpu.memory_space<vmem>>
        %dma_wait3A_514 = tpu.memref_squeeze %dma_wait3A_513 : memref<1x80xi32, #tpu.memory_space<vmem>> -> memref<80xi32, #tpu.memory_space<vmem>>
        %dma_wait3A_515 = tpu.memref_slice %arg4[%add3A_501] : memref<320000xi32, #tpu.memory_space<hbm>> -> memref<80xi32, #tpu.memory_space<hbm>>
        %dma_wait3A_516 = arith.constant 0 : i32
        %dma_wait3A_517 = tpu.memref_slice %arg14[%dma_wait3A_511, %dma_wait3A_516] : memref<2x80xi32, #tpu.memory_space<vmem>> -> memref<1x80xi32, #tpu.memory_space<vmem>>
        %dma_wait3A_518 = tpu.memref_squeeze %dma_wait3A_517 : memref<1x80xi32, #tpu.memory_space<vmem>> -> memref<80xi32, #tpu.memory_space<vmem>>
        %dma_wait3A_519 = tpu.memref_slice %arg4[%add3A_501] : memref<320000xi32, #tpu.memory_space<hbm>> -> memref<80xi32, #tpu.memory_space<hbm>>
        tpu.wait_dma2 semaphore(%arg24 : memref<!tpu.dma_semaphore, #tpu.memory_space<semaphore_mem>>) src(%dma_wait3A_519 : memref<80xi32, #tpu.memory_space<hbm>>) dst(%dma_wait3A_518 : memref<80xi32, #tpu.memory_space<vmem>>)
        %mul3A_520 = arith.constant 160 : i32
        %mul3A_521 = arith.muli %add3A_468, %mul3A_520 : i32
        %add3A_522 = arith.constant 80 : i32
        %add3A_523 = arith.addi %mul3A_521, %add3A_522 : i32
        %dma_wait3A_524 = arith.constant 1 : i32
        %dma_wait3A_525 = arith.constant 0 : i32
        %dma_wait3A_526 = tpu.memref_slice %arg10[%dma_wait3A_524, %dma_wait3A_525] : memref<2x80xi32, #tpu.memory_space<vmem>> -> memref<1x80xi32, #tpu.memory_space<vmem>>
        %dma_wait3A_527 = tpu.memref_squeeze %dma_wait3A_526 : memref<1x80xi32, #tpu.memory_space<vmem>> -> memref<80xi32, #tpu.memory_space<vmem>>
        %dma_wait3A_528 = tpu.memref_slice %arg3[%add3A_523] : memref<320000xi32, #tpu.memory_space<hbm>> -> memref<80xi32, #tpu.memory_space<hbm>>
        %dma_wait3A_529 = arith.constant 0 : i32
        %dma_wait3A_530 = tpu.memref_slice %arg10[%dma_wait3A_524, %dma_wait3A_529] : memref<2x80xi32, #tpu.memory_space<vmem>> -> memref<1x80xi32, #tpu.memory_space<vmem>>
        %dma_wait3A_531 = tpu.memref_squeeze %dma_wait3A_530 : memref<1x80xi32, #tpu.memory_space<vmem>> -> memref<80xi32, #tpu.memory_space<vmem>>
        %dma_wait3A_532 = tpu.memref_slice %arg3[%add3A_523] : memref<320000xi32, #tpu.memory_space<hbm>> -> memref<80xi32, #tpu.memory_space<hbm>>
        tpu.wait_dma2 semaphore(%arg24 : memref<!tpu.dma_semaphore, #tpu.memory_space<semaphore_mem>>) src(%dma_wait3A_532 : memref<80xi32, #tpu.memory_space<hbm>>) dst(%dma_wait3A_531 : memref<80xi32, #tpu.memory_space<vmem>>)
        %dma_wait3A_533 = arith.constant 1 : i32
        %dma_wait3A_534 = arith.constant 0 : i32
        %dma_wait3A_535 = tpu.memref_slice %arg14[%dma_wait3A_533, %dma_wait3A_534] : memref<2x80xi32, #tpu.memory_space<vmem>> -> memref<1x80xi32, #tpu.memory_space<vmem>>
        %dma_wait3A_536 = tpu.memref_squeeze %dma_wait3A_535 : memref<1x80xi32, #tpu.memory_space<vmem>> -> memref<80xi32, #tpu.memory_space<vmem>>
        %dma_wait3A_537 = tpu.memref_slice %arg4[%add3A_523] : memref<320000xi32, #tpu.memory_space<hbm>> -> memref<80xi32, #tpu.memory_space<hbm>>
        %dma_wait3A_538 = arith.constant 0 : i32
        %dma_wait3A_539 = tpu.memref_slice %arg14[%dma_wait3A_533, %dma_wait3A_538] : memref<2x80xi32, #tpu.memory_space<vmem>> -> memref<1x80xi32, #tpu.memory_space<vmem>>
        %dma_wait3A_540 = tpu.memref_squeeze %dma_wait3A_539 : memref<1x80xi32, #tpu.memory_space<vmem>> -> memref<80xi32, #tpu.memory_space<vmem>>
        %dma_wait3A_541 = tpu.memref_slice %arg4[%add3A_523] : memref<320000xi32, #tpu.memory_space<hbm>> -> memref<80xi32, #tpu.memory_space<hbm>>
        tpu.wait_dma2 semaphore(%arg24 : memref<!tpu.dma_semaphore, #tpu.memory_space<semaphore_mem>>) src(%dma_wait3A_541 : memref<80xi32, #tpu.memory_space<hbm>>) dst(%dma_wait3A_540 : memref<80xi32, #tpu.memory_space<vmem>>)
        %ge3A = arith.constant 2 : i32
        %ge3A_542 = arith.cmpi sge, %add3A_465, %ge3A : i32
        %convert_element_type3A_543 = arith.extui %ge3A_542 : i1 to i32
        %cond3A_544 = arith.constant 0 : i32
        %cond3A_545 = arith.cmpi ne, %convert_element_type3A_543, %cond3A_544 : i32
        scf.if %cond3A_545 {
          %dma_wait3A_625 = arith.constant 0 : i32
          %dma_wait3A_626 = arith.constant 0 : i32
          %dma_wait3A_627 = arith.constant 0 : i32
          %dma_wait3A_628 = tpu.memref_slice %arg18[%dma_wait3A_626, %dma_wait3A_627] : memref<160x128xf32, #tpu.memory_space<vmem>> -> memref<80x128xf32, #tpu.memory_space<vmem>>
          %dma_wait3A_629 = arith.constant 0 : i32
          %dma_wait3A_630 = tpu.memref_slice %arg13[%dma_wait3A_625, %dma_wait3A_629] : memref<2x80xi32, #tpu.memory_space<vmem>> -> memref<1x80xi32, #tpu.memory_space<vmem>>
          %dma_wait3A_631 = tpu.memref_squeeze %dma_wait3A_630 : memref<1x80xi32, #tpu.memory_space<vmem>> -> memref<80xi32, #tpu.memory_space<vmem>>
          %dma_wait3A_632 = arith.constant 0 : i32
          %dma_wait3A_633 = arith.constant 0 : i32
          %dma_wait3A_634 = tpu.memref_slice %arg21[%dma_wait3A_632, %dma_wait3A_633] : memref<10000x128xf32, #tpu.memory_space<vmem_shared>> -> memref<10000x128xf32, #tpu.memory_space<vmem_shared>>
          tpu.wait_indirect_dma semaphore(%arg32 : memref<!tpu.dma_semaphore, #tpu.memory_space<semaphore_mem>>) src(%dma_wait3A_628 : memref<80x128xf32, #tpu.memory_space<vmem>>) dst(%dma_wait3A_634 : memref<10000x128xf32, #tpu.memory_space<vmem_shared>>)
          %dma_wait3A_635 = arith.constant 0 : i32
          %dma_wait3A_636 = arith.constant 0 : i32
          %dma_wait3A_637 = tpu.memref_slice %arg13[%dma_wait3A_635, %dma_wait3A_636] : memref<2x80xi32, #tpu.memory_space<vmem>> -> memref<1x80xi32, #tpu.memory_space<vmem>>
          %dma_wait3A_638 = tpu.memref_squeeze %dma_wait3A_637 : memref<1x80xi32, #tpu.memory_space<vmem>> -> memref<80xi32, #tpu.memory_space<vmem>>
          %dma_wait3A_639 = arith.constant 0 : i32
          %dma_wait3A_640 = tpu.memref_slice %arg22[%dma_wait3A_639] : memref<10000xf32, #tpu.memory_space<vmem_shared>> -> memref<10000xf32, #tpu.memory_space<vmem_shared>>
          tpu.wait_indirect_dma semaphore(%arg32 : memref<!tpu.dma_semaphore, #tpu.memory_space<semaphore_mem>>) src(%arg19 : memref<80xf32, #tpu.memory_space<vmem>>) dst(%dma_wait3A_640 : memref<10000xf32, #tpu.memory_space<vmem_shared>>)
          %dma_wait3A_641 = arith.constant 1 : i32
          %dma_wait3A_642 = arith.constant 80 : i32
          %dma_wait3A_643 = arith.constant 0 : i32
          %dma_wait3A_644 = tpu.memref_slice %arg18[%dma_wait3A_642, %dma_wait3A_643] : memref<160x128xf32, #tpu.memory_space<vmem>> -> memref<80x128xf32, #tpu.memory_space<vmem>>
          %dma_wait3A_645 = arith.constant 0 : i32
          %dma_wait3A_646 = tpu.memref_slice %arg13[%dma_wait3A_641, %dma_wait3A_645] : memref<2x80xi32, #tpu.memory_space<vmem>> -> memref<1x80xi32, #tpu.memory_space<vmem>>
          %dma_wait3A_647 = tpu.memref_squeeze %dma_wait3A_646 : memref<1x80xi32, #tpu.memory_space<vmem>> -> memref<80xi32, #tpu.memory_space<vmem>>
          %dma_wait3A_648 = arith.constant 0 : i32
          %dma_wait3A_649 = arith.constant 0 : i32
          %dma_wait3A_650 = tpu.memref_slice %arg21[%dma_wait3A_648, %dma_wait3A_649] : memref<10000x128xf32, #tpu.memory_space<vmem_shared>> -> memref<10000x128xf32, #tpu.memory_space<vmem_shared>>
          tpu.wait_indirect_dma semaphore(%arg32 : memref<!tpu.dma_semaphore, #tpu.memory_space<semaphore_mem>>) src(%dma_wait3A_644 : memref<80x128xf32, #tpu.memory_space<vmem>>) dst(%dma_wait3A_650 : memref<10000x128xf32, #tpu.memory_space<vmem_shared>>)
          %dma_wait3A_651 = arith.constant 1 : i32
          %dma_wait3A_652 = arith.constant 0 : i32
          %dma_wait3A_653 = tpu.memref_slice %arg13[%dma_wait3A_651, %dma_wait3A_652] : memref<2x80xi32, #tpu.memory_space<vmem>> -> memref<1x80xi32, #tpu.memory_space<vmem>>
          %dma_wait3A_654 = tpu.memref_squeeze %dma_wait3A_653 : memref<1x80xi32, #tpu.memory_space<vmem>> -> memref<80xi32, #tpu.memory_space<vmem>>
          %dma_wait3A_655 = arith.constant 0 : i32
          %dma_wait3A_656 = tpu.memref_slice %arg22[%dma_wait3A_655] : memref<10000xf32, #tpu.memory_space<vmem_shared>> -> memref<10000xf32, #tpu.memory_space<vmem_shared>>
          tpu.wait_indirect_dma semaphore(%arg32 : memref<!tpu.dma_semaphore, #tpu.memory_space<semaphore_mem>>) src(%arg19 : memref<80xf32, #tpu.memory_space<vmem>>) dst(%dma_wait3A_656 : memref<10000xf32, #tpu.memory_space<vmem_shared>>)
        } else {
        }
        %dma_start3A_546 = arith.constant 0 : i32
        %dma_start3A_547 = arith.constant 0 : i32
        %dma_start3A_548 = arith.constant 0 : i32
        %dma_start3A_549 = tpu.memref_slice %arg18[%dma_start3A_547, %dma_start3A_548] : memref<160x128xf32, #tpu.memory_space<vmem>> -> memref<80x128xf32, #tpu.memory_space<vmem>>
        %dma_start3A_550 = arith.constant 0 : i32
        %dma_start3A_551 = tpu.memref_slice %arg10[%dma_start3A_546, %dma_start3A_550] : memref<2x80xi32, #tpu.memory_space<vmem>> -> memref<1x80xi32, #tpu.memory_space<vmem>>
        %dma_start3A_552 = tpu.memref_squeeze %dma_start3A_551 : memref<1x80xi32, #tpu.memory_space<vmem>> -> memref<80xi32, #tpu.memory_space<vmem>>
        %dma_start3A_553 = arith.constant 0 : i32
        %dma_start3A_554 = arith.constant 0 : i32
        %dma_start3A_555 = tpu.memref_slice %arg2[%dma_start3A_553, %dma_start3A_554] : memref<10000x128xf32, #tpu.memory_space<hbm>> -> memref<10000x128xf32, #tpu.memory_space<hbm>>
        tpu.enqueue_indirect_dma source(%dma_start3A_555 : memref<10000x128xf32, #tpu.memory_space<hbm>>) target(%dma_start3A_549 : memref<80x128xf32, #tpu.memory_space<vmem>>) offsets(%dma_start3A_552 : memref<80xi32, #tpu.memory_space<vmem>>) semaphore(%arg29 : memref<!tpu.dma_semaphore, #tpu.memory_space<semaphore_mem>>)
        %dma_start3A_556 = arith.constant 1 : i32
        %dma_start3A_557 = arith.constant 80 : i32
        %dma_start3A_558 = arith.constant 0 : i32
        %dma_start3A_559 = tpu.memref_slice %arg18[%dma_start3A_557, %dma_start3A_558] : memref<160x128xf32, #tpu.memory_space<vmem>> -> memref<80x128xf32, #tpu.memory_space<vmem>>
        %dma_start3A_560 = arith.constant 0 : i32
        %dma_start3A_561 = tpu.memref_slice %arg10[%dma_start3A_556, %dma_start3A_560] : memref<2x80xi32, #tpu.memory_space<vmem>> -> memref<1x80xi32, #tpu.memory_space<vmem>>
        %dma_start3A_562 = tpu.memref_squeeze %dma_start3A_561 : memref<1x80xi32, #tpu.memory_space<vmem>> -> memref<80xi32, #tpu.memory_space<vmem>>
        %dma_start3A_563 = arith.constant 0 : i32
        %dma_start3A_564 = arith.constant 0 : i32
        %dma_start3A_565 = tpu.memref_slice %arg2[%dma_start3A_563, %dma_start3A_564] : memref<10000x128xf32, #tpu.memory_space<hbm>> -> memref<10000x128xf32, #tpu.memory_space<hbm>>
        tpu.enqueue_indirect_dma source(%dma_start3A_565 : memref<10000x128xf32, #tpu.memory_space<hbm>>) target(%dma_start3A_559 : memref<80x128xf32, #tpu.memory_space<vmem>>) offsets(%dma_start3A_562 : memref<80xi32, #tpu.memory_space<vmem>>) semaphore(%arg30 : memref<!tpu.dma_semaphore, #tpu.memory_space<semaphore_mem>>)
        %add3A_566 = arith.constant 64 : i32
        %add3A_567 = arith.addi %add3A_468, %add3A_566 : i32
        %lt3A_568 = arith.constant 2000 : i32
        %lt3A_569 = arith.cmpi slt, %add3A_567, %lt3A_568 : i32
        %convert_element_type3A_570 = arith.extui %lt3A_569 : i1 to i32
        %cond3A_571 = arith.constant 0 : i32
        %cond3A_572 = arith.cmpi ne, %convert_element_type3A_570, %cond3A_571 : i32
        scf.if %cond3A_572 {
          %mul3A_625 = arith.constant 160 : i32
          %mul3A_626 = arith.muli %add3A_567, %mul3A_625 : i32
          %add3A_627 = arith.constant 0 : i32
          %add3A_628 = arith.addi %mul3A_626, %add3A_627 : i32
          %dma_start3A_629 = arith.constant 0 : i32
          %dma_start3A_630 = arith.constant 0 : i32
          %dma_start3A_631 = tpu.memref_slice %arg12[%dma_start3A_629, %dma_start3A_630] : memref<2x80xi32, #tpu.memory_space<vmem>> -> memref<1x80xi32, #tpu.memory_space<vmem>>
          %dma_start3A_632 = tpu.memref_squeeze %dma_start3A_631 : memref<1x80xi32, #tpu.memory_space<vmem>> -> memref<80xi32, #tpu.memory_space<vmem>>
          %dma_start3A_633 = tpu.memref_slice %arg3[%add3A_628] : memref<320000xi32, #tpu.memory_space<hbm>> -> memref<80xi32, #tpu.memory_space<hbm>>
          %dma_start3A_634 = arith.constant 0 : i32
          %dma_start3A_635 = tpu.memref_slice %arg12[%dma_start3A_629, %dma_start3A_634] : memref<2x80xi32, #tpu.memory_space<vmem>> -> memref<1x80xi32, #tpu.memory_space<vmem>>
          %dma_start3A_636 = tpu.memref_squeeze %dma_start3A_635 : memref<1x80xi32, #tpu.memory_space<vmem>> -> memref<80xi32, #tpu.memory_space<vmem>>
          %dma_start3A_637 = tpu.memref_slice %arg3[%add3A_628] : memref<320000xi32, #tpu.memory_space<hbm>> -> memref<80xi32, #tpu.memory_space<hbm>>
          tpu.enqueue_dma source(%dma_start3A_637 : memref<80xi32, #tpu.memory_space<hbm>>) target(%dma_start3A_636 : memref<80xi32, #tpu.memory_space<vmem>>) target_semaphore(%arg26 : memref<!tpu.dma_semaphore, #tpu.memory_space<semaphore_mem>>)
          %dma_start3A_638 = arith.constant 0 : i32
          %dma_start3A_639 = arith.constant 0 : i32
          %dma_start3A_640 = tpu.memref_slice %arg16[%dma_start3A_638, %dma_start3A_639] : memref<2x80xi32, #tpu.memory_space<vmem>> -> memref<1x80xi32, #tpu.memory_space<vmem>>
          %dma_start3A_641 = tpu.memref_squeeze %dma_start3A_640 : memref<1x80xi32, #tpu.memory_space<vmem>> -> memref<80xi32, #tpu.memory_space<vmem>>
          %dma_start3A_642 = tpu.memref_slice %arg4[%add3A_628] : memref<320000xi32, #tpu.memory_space<hbm>> -> memref<80xi32, #tpu.memory_space<hbm>>
          %dma_start3A_643 = arith.constant 0 : i32
          %dma_start3A_644 = tpu.memref_slice %arg16[%dma_start3A_638, %dma_start3A_643] : memref<2x80xi32, #tpu.memory_space<vmem>> -> memref<1x80xi32, #tpu.memory_space<vmem>>
          %dma_start3A_645 = tpu.memref_squeeze %dma_start3A_644 : memref<1x80xi32, #tpu.memory_space<vmem>> -> memref<80xi32, #tpu.memory_space<vmem>>
          %dma_start3A_646 = tpu.memref_slice %arg4[%add3A_628] : memref<320000xi32, #tpu.memory_space<hbm>> -> memref<80xi32, #tpu.memory_space<hbm>>
          tpu.enqueue_dma source(%dma_start3A_646 : memref<80xi32, #tpu.memory_space<hbm>>) target(%dma_start3A_645 : memref<80xi32, #tpu.memory_space<vmem>>) target_semaphore(%arg26 : memref<!tpu.dma_semaphore, #tpu.memory_space<semaphore_mem>>)
          %mul3A_647 = arith.constant 160 : i32
          %mul3A_648 = arith.muli %add3A_567, %mul3A_647 : i32
          %add3A_649 = arith.constant 80 : i32
          %add3A_650 = arith.addi %mul3A_648, %add3A_649 : i32
          %dma_start3A_651 = arith.constant 1 : i32
          %dma_start3A_652 = arith.constant 0 : i32
          %dma_start3A_653 = tpu.memref_slice %arg12[%dma_start3A_651, %dma_start3A_652] : memref<2x80xi32, #tpu.memory_space<vmem>> -> memref<1x80xi32, #tpu.memory_space<vmem>>
          %dma_start3A_654 = tpu.memref_squeeze %dma_start3A_653 : memref<1x80xi32, #tpu.memory_space<vmem>> -> memref<80xi32, #tpu.memory_space<vmem>>
          %dma_start3A_655 = tpu.memref_slice %arg3[%add3A_650] : memref<320000xi32, #tpu.memory_space<hbm>> -> memref<80xi32, #tpu.memory_space<hbm>>
          %dma_start3A_656 = arith.constant 0 : i32
          %dma_start3A_657 = tpu.memref_slice %arg12[%dma_start3A_651, %dma_start3A_656] : memref<2x80xi32, #tpu.memory_space<vmem>> -> memref<1x80xi32, #tpu.memory_space<vmem>>
          %dma_start3A_658 = tpu.memref_squeeze %dma_start3A_657 : memref<1x80xi32, #tpu.memory_space<vmem>> -> memref<80xi32, #tpu.memory_space<vmem>>
          %dma_start3A_659 = tpu.memref_slice %arg3[%add3A_650] : memref<320000xi32, #tpu.memory_space<hbm>> -> memref<80xi32, #tpu.memory_space<hbm>>
          tpu.enqueue_dma source(%dma_start3A_659 : memref<80xi32, #tpu.memory_space<hbm>>) target(%dma_start3A_658 : memref<80xi32, #tpu.memory_space<vmem>>) target_semaphore(%arg26 : memref<!tpu.dma_semaphore, #tpu.memory_space<semaphore_mem>>)
          %dma_start3A_660 = arith.constant 1 : i32
          %dma_start3A_661 = arith.constant 0 : i32
          %dma_start3A_662 = tpu.memref_slice %arg16[%dma_start3A_660, %dma_start3A_661] : memref<2x80xi32, #tpu.memory_space<vmem>> -> memref<1x80xi32, #tpu.memory_space<vmem>>
          %dma_start3A_663 = tpu.memref_squeeze %dma_start3A_662 : memref<1x80xi32, #tpu.memory_space<vmem>> -> memref<80xi32, #tpu.memory_space<vmem>>
          %dma_start3A_664 = tpu.memref_slice %arg4[%add3A_650] : memref<320000xi32, #tpu.memory_space<hbm>> -> memref<80xi32, #tpu.memory_space<hbm>>
          %dma_start3A_665 = arith.constant 0 : i32
          %dma_start3A_666 = tpu.memref_slice %arg16[%dma_start3A_660, %dma_start3A_665] : memref<2x80xi32, #tpu.memory_space<vmem>> -> memref<1x80xi32, #tpu.memory_space<vmem>>
          %dma_start3A_667 = tpu.memref_squeeze %dma_start3A_666 : memref<1x80xi32, #tpu.memory_space<vmem>> -> memref<80xi32, #tpu.memory_space<vmem>>
          %dma_start3A_668 = tpu.memref_slice %arg4[%add3A_650] : memref<320000xi32, #tpu.memory_space<hbm>> -> memref<80xi32, #tpu.memory_space<hbm>>
          tpu.enqueue_dma source(%dma_start3A_668 : memref<80xi32, #tpu.memory_space<hbm>>) target(%dma_start3A_667 : memref<80xi32, #tpu.memory_space<vmem>>) target_semaphore(%arg26 : memref<!tpu.dma_semaphore, #tpu.memory_space<semaphore_mem>>)
        } else {
        }
        %dma_wait3A_573 = arith.constant 0 : i32
        %dma_wait3A_574 = arith.constant 0 : i32
        %dma_wait3A_575 = arith.constant 0 : i32
        %dma_wait3A_576 = tpu.memref_slice %arg18[%dma_wait3A_574, %dma_wait3A_575] : memref<160x128xf32, #tpu.memory_space<vmem>> -> memref<80x128xf32, #tpu.memory_space<vmem>>
        %dma_wait3A_577 = arith.constant 0 : i32
        %dma_wait3A_578 = tpu.memref_slice %arg10[%dma_wait3A_573, %dma_wait3A_577] : memref<2x80xi32, #tpu.memory_space<vmem>> -> memref<1x80xi32, #tpu.memory_space<vmem>>
        %dma_wait3A_579 = tpu.memref_squeeze %dma_wait3A_578 : memref<1x80xi32, #tpu.memory_space<vmem>> -> memref<80xi32, #tpu.memory_space<vmem>>
        %dma_wait3A_580 = arith.constant 0 : i32
        %dma_wait3A_581 = arith.constant 0 : i32
        %dma_wait3A_582 = tpu.memref_slice %arg2[%dma_wait3A_580, %dma_wait3A_581] : memref<10000x128xf32, #tpu.memory_space<hbm>> -> memref<10000x128xf32, #tpu.memory_space<hbm>>
        tpu.wait_indirect_dma semaphore(%arg29 : memref<!tpu.dma_semaphore, #tpu.memory_space<semaphore_mem>>) src(%dma_wait3A_582 : memref<10000x128xf32, #tpu.memory_space<hbm>>) dst(%dma_wait3A_576 : memref<80x128xf32, #tpu.memory_space<vmem>>)
        %dma_start3A_583 = arith.constant 0 : i32
        %dma_start3A_584 = arith.constant 0 : i32
        %dma_start3A_585 = arith.constant 0 : i32
        %dma_start3A_586 = tpu.memref_slice %arg18[%dma_start3A_584, %dma_start3A_585] : memref<160x128xf32, #tpu.memory_space<vmem>> -> memref<80x128xf32, #tpu.memory_space<vmem>>
        %dma_start3A_587 = arith.constant 0 : i32
        %dma_start3A_588 = tpu.memref_slice %arg14[%dma_start3A_583, %dma_start3A_587] : memref<2x80xi32, #tpu.memory_space<vmem>> -> memref<1x80xi32, #tpu.memory_space<vmem>>
        %dma_start3A_589 = tpu.memref_squeeze %dma_start3A_588 : memref<1x80xi32, #tpu.memory_space<vmem>> -> memref<80xi32, #tpu.memory_space<vmem>>
        %dma_start3A_590 = arith.constant 0 : i32
        %dma_start3A_591 = arith.constant 0 : i32
        %dma_start3A_592 = tpu.memref_slice %arg21[%dma_start3A_590, %dma_start3A_591] : memref<10000x128xf32, #tpu.memory_space<vmem_shared>> -> memref<10000x128xf32, #tpu.memory_space<vmem_shared>>
        tpu.enqueue_indirect_dma source(%dma_start3A_586 : memref<80x128xf32, #tpu.memory_space<vmem>>) target(%dma_start3A_592 : memref<10000x128xf32, #tpu.memory_space<vmem_shared>>) offsets(%dma_start3A_589 : memref<80xi32, #tpu.memory_space<vmem>>) semaphore(%arg32 : memref<!tpu.dma_semaphore, #tpu.memory_space<semaphore_mem>>) {add = true}
        %dma_start3A_593 = arith.constant 0 : i32
        %dma_start3A_594 = arith.constant 0 : i32
        %dma_start3A_595 = tpu.memref_slice %arg14[%dma_start3A_593, %dma_start3A_594] : memref<2x80xi32, #tpu.memory_space<vmem>> -> memref<1x80xi32, #tpu.memory_space<vmem>>
        %dma_start3A_596 = tpu.memref_squeeze %dma_start3A_595 : memref<1x80xi32, #tpu.memory_space<vmem>> -> memref<80xi32, #tpu.memory_space<vmem>>
        %dma_start3A_597 = arith.constant 0 : i32
        %dma_start3A_598 = tpu.memref_slice %arg22[%dma_start3A_597] : memref<10000xf32, #tpu.memory_space<vmem_shared>> -> memref<10000xf32, #tpu.memory_space<vmem_shared>>
        tpu.enqueue_indirect_dma source(%arg19 : memref<80xf32, #tpu.memory_space<vmem>>) target(%dma_start3A_598 : memref<10000xf32, #tpu.memory_space<vmem_shared>>) offsets(%dma_start3A_596 : memref<80xi32, #tpu.memory_space<vmem>>) semaphore(%arg32 : memref<!tpu.dma_semaphore, #tpu.memory_space<semaphore_mem>>) {add = true}
        %dma_wait3A_599 = arith.constant 1 : i32
        %dma_wait3A_600 = arith.constant 80 : i32
        %dma_wait3A_601 = arith.constant 0 : i32
        %dma_wait3A_602 = tpu.memref_slice %arg18[%dma_wait3A_600, %dma_wait3A_601] : memref<160x128xf32, #tpu.memory_space<vmem>> -> memref<80x128xf32, #tpu.memory_space<vmem>>
        %dma_wait3A_603 = arith.constant 0 : i32
        %dma_wait3A_604 = tpu.memref_slice %arg10[%dma_wait3A_599, %dma_wait3A_603] : memref<2x80xi32, #tpu.memory_space<vmem>> -> memref<1x80xi32, #tpu.memory_space<vmem>>
        %dma_wait3A_605 = tpu.memref_squeeze %dma_wait3A_604 : memref<1x80xi32, #tpu.memory_space<vmem>> -> memref<80xi32, #tpu.memory_space<vmem>>
        %dma_wait3A_606 = arith.constant 0 : i32
        %dma_wait3A_607 = arith.constant 0 : i32
        %dma_wait3A_608 = tpu.memref_slice %arg2[%dma_wait3A_606, %dma_wait3A_607] : memref<10000x128xf32, #tpu.memory_space<hbm>> -> memref<10000x128xf32, #tpu.memory_space<hbm>>
        tpu.wait_indirect_dma semaphore(%arg30 : memref<!tpu.dma_semaphore, #tpu.memory_space<semaphore_mem>>) src(%dma_wait3A_608 : memref<10000x128xf32, #tpu.memory_space<hbm>>) dst(%dma_wait3A_602 : memref<80x128xf32, #tpu.memory_space<vmem>>)
        %dma_start3A_609 = arith.constant 1 : i32
        %dma_start3A_610 = arith.constant 80 : i32
        %dma_start3A_611 = arith.constant 0 : i32
        %dma_start3A_612 = tpu.memref_slice %arg18[%dma_start3A_610, %dma_start3A_611] : memref<160x128xf32, #tpu.memory_space<vmem>> -> memref<80x128xf32, #tpu.memory_space<vmem>>
        %dma_start3A_613 = arith.constant 0 : i32
        %dma_start3A_614 = tpu.memref_slice %arg14[%dma_start3A_609, %dma_start3A_613] : memref<2x80xi32, #tpu.memory_space<vmem>> -> memref<1x80xi32, #tpu.memory_space<vmem>>
        %dma_start3A_615 = tpu.memref_squeeze %dma_start3A_614 : memref<1x80xi32, #tpu.memory_space<vmem>> -> memref<80xi32, #tpu.memory_space<vmem>>
        %dma_start3A_616 = arith.constant 0 : i32
        %dma_start3A_617 = arith.constant 0 : i32
        %dma_start3A_618 = tpu.memref_slice %arg21[%dma_start3A_616, %dma_start3A_617] : memref<10000x128xf32, #tpu.memory_space<vmem_shared>> -> memref<10000x128xf32, #tpu.memory_space<vmem_shared>>
        tpu.enqueue_indirect_dma source(%dma_start3A_612 : memref<80x128xf32, #tpu.memory_space<vmem>>) target(%dma_start3A_618 : memref<10000x128xf32, #tpu.memory_space<vmem_shared>>) offsets(%dma_start3A_615 : memref<80xi32, #tpu.memory_space<vmem>>) semaphore(%arg32 : memref<!tpu.dma_semaphore, #tpu.memory_space<semaphore_mem>>) {add = true}
        %dma_start3A_619 = arith.constant 1 : i32
        %dma_start3A_620 = arith.constant 0 : i32
        %dma_start3A_621 = tpu.memref_slice %arg14[%dma_start3A_619, %dma_start3A_620] : memref<2x80xi32, #tpu.memory_space<vmem>> -> memref<1x80xi32, #tpu.memory_space<vmem>>
        %dma_start3A_622 = tpu.memref_squeeze %dma_start3A_621 : memref<1x80xi32, #tpu.memory_space<vmem>> -> memref<80xi32, #tpu.memory_space<vmem>>
        %dma_start3A_623 = arith.constant 0 : i32
        %dma_start3A_624 = tpu.memref_slice %arg22[%dma_start3A_623] : memref<10000xf32, #tpu.memory_space<vmem_shared>> -> memref<10000xf32, #tpu.memory_space<vmem_shared>>
        tpu.enqueue_indirect_dma source(%arg19 : memref<80xf32, #tpu.memory_space<vmem>>) target(%dma_start3A_624 : memref<10000xf32, #tpu.memory_space<vmem_shared>>) offsets(%dma_start3A_622 : memref<80xi32, #tpu.memory_space<vmem>>) semaphore(%arg32 : memref<!tpu.dma_semaphore, #tpu.memory_space<semaphore_mem>>) {add = true}
      } else {
      }
      %mul3A_474 = arith.constant 4 : i32
      %mul3A_475 = arith.muli %scan3A_450, %mul3A_474 : i32
      %add3A_476 = arith.constant 2 : i32
      %add3A_477 = arith.addi %mul3A_475, %add3A_476 : i32
      %mul3A_478 = arith.constant 32 : i32
      %mul3A_479 = arith.muli %add3A_477, %mul3A_478 : i32
      %add3A_480 = arith.addi %add3A, %mul3A_479 : i32
      %lt3A_481 = arith.constant 2000 : i32
      %lt3A_482 = arith.cmpi slt, %add3A_480, %lt3A_481 : i32
      %convert_element_type3A_483 = arith.extui %lt3A_482 : i1 to i32
      %cond3A_484 = arith.constant 0 : i32
      %cond3A_485 = arith.cmpi ne, %convert_element_type3A_483, %cond3A_484 : i32
      scf.if %cond3A_485 {
        %mul3A_498 = arith.constant 160 : i32
        %mul3A_499 = arith.muli %add3A_480, %mul3A_498 : i32
        %add3A_500 = arith.constant 0 : i32
        %add3A_501 = arith.addi %mul3A_499, %add3A_500 : i32
        %dma_wait3A_502 = arith.constant 0 : i32
        %dma_wait3A_503 = arith.constant 0 : i32
        %dma_wait3A_504 = tpu.memref_slice %arg11[%dma_wait3A_502, %dma_wait3A_503] : memref<2x80xi32, #tpu.memory_space<vmem>> -> memref<1x80xi32, #tpu.memory_space<vmem>>
        %dma_wait3A_505 = tpu.memref_squeeze %dma_wait3A_504 : memref<1x80xi32, #tpu.memory_space<vmem>> -> memref<80xi32, #tpu.memory_space<vmem>>
        %dma_wait3A_506 = tpu.memref_slice %arg3[%add3A_501] : memref<320000xi32, #tpu.memory_space<hbm>> -> memref<80xi32, #tpu.memory_space<hbm>>
        %dma_wait3A_507 = arith.constant 0 : i32
        %dma_wait3A_508 = tpu.memref_slice %arg11[%dma_wait3A_502, %dma_wait3A_507] : memref<2x80xi32, #tpu.memory_space<vmem>> -> memref<1x80xi32, #tpu.memory_space<vmem>>
        %dma_wait3A_509 = tpu.memref_squeeze %dma_wait3A_508 : memref<1x80xi32, #tpu.memory_space<vmem>> -> memref<80xi32, #tpu.memory_space<vmem>>
        %dma_wait3A_510 = tpu.memref_slice %arg3[%add3A_501] : memref<320000xi32, #tpu.memory_space<hbm>> -> memref<80xi32, #tpu.memory_space<hbm>>
        tpu.wait_dma2 semaphore(%arg25 : memref<!tpu.dma_semaphore, #tpu.memory_space<semaphore_mem>>) src(%dma_wait3A_510 : memref<80xi32, #tpu.memory_space<hbm>>) dst(%dma_wait3A_509 : memref<80xi32, #tpu.memory_space<vmem>>)
        %dma_wait3A_511 = arith.constant 0 : i32
        %dma_wait3A_512 = arith.constant 0 : i32
        %dma_wait3A_513 = tpu.memref_slice %arg15[%dma_wait3A_511, %dma_wait3A_512] : memref<2x80xi32, #tpu.memory_space<vmem>> -> memref<1x80xi32, #tpu.memory_space<vmem>>
        %dma_wait3A_514 = tpu.memref_squeeze %dma_wait3A_513 : memref<1x80xi32, #tpu.memory_space<vmem>> -> memref<80xi32, #tpu.memory_space<vmem>>
        %dma_wait3A_515 = tpu.memref_slice %arg4[%add3A_501] : memref<320000xi32, #tpu.memory_space<hbm>> -> memref<80xi32, #tpu.memory_space<hbm>>
        %dma_wait3A_516 = arith.constant 0 : i32
        %dma_wait3A_517 = tpu.memref_slice %arg15[%dma_wait3A_511, %dma_wait3A_516] : memref<2x80xi32, #tpu.memory_space<vmem>> -> memref<1x80xi32, #tpu.memory_space<vmem>>
        %dma_wait3A_518 = tpu.memref_squeeze %dma_wait3A_517 : memref<1x80xi32, #tpu.memory_space<vmem>> -> memref<80xi32, #tpu.memory_space<vmem>>
        %dma_wait3A_519 = tpu.memref_slice %arg4[%add3A_501] : memref<320000xi32, #tpu.memory_space<hbm>> -> memref<80xi32, #tpu.memory_space<hbm>>
        tpu.wait_dma2 semaphore(%arg25 : memref<!tpu.dma_semaphore, #tpu.memory_space<semaphore_mem>>) src(%dma_wait3A_519 : memref<80xi32, #tpu.memory_space<hbm>>) dst(%dma_wait3A_518 : memref<80xi32, #tpu.memory_space<vmem>>)
        %mul3A_520 = arith.constant 160 : i32
        %mul3A_521 = arith.muli %add3A_480, %mul3A_520 : i32
        %add3A_522 = arith.constant 80 : i32
        %add3A_523 = arith.addi %mul3A_521, %add3A_522 : i32
        %dma_wait3A_524 = arith.constant 1 : i32
        %dma_wait3A_525 = arith.constant 0 : i32
        %dma_wait3A_526 = tpu.memref_slice %arg11[%dma_wait3A_524, %dma_wait3A_525] : memref<2x80xi32, #tpu.memory_space<vmem>> -> memref<1x80xi32, #tpu.memory_space<vmem>>
        %dma_wait3A_527 = tpu.memref_squeeze %dma_wait3A_526 : memref<1x80xi32, #tpu.memory_space<vmem>> -> memref<80xi32, #tpu.memory_space<vmem>>
        %dma_wait3A_528 = tpu.memref_slice %arg3[%add3A_523] : memref<320000xi32, #tpu.memory_space<hbm>> -> memref<80xi32, #tpu.memory_space<hbm>>
        %dma_wait3A_529 = arith.constant 0 : i32
        %dma_wait3A_530 = tpu.memref_slice %arg11[%dma_wait3A_524, %dma_wait3A_529] : memref<2x80xi32, #tpu.memory_space<vmem>> -> memref<1x80xi32, #tpu.memory_space<vmem>>
        %dma_wait3A_531 = tpu.memref_squeeze %dma_wait3A_530 : memref<1x80xi32, #tpu.memory_space<vmem>> -> memref<80xi32, #tpu.memory_space<vmem>>
        %dma_wait3A_532 = tpu.memref_slice %arg3[%add3A_523] : memref<320000xi32, #tpu.memory_space<hbm>> -> memref<80xi32, #tpu.memory_space<hbm>>
        tpu.wait_dma2 semaphore(%arg25 : memref<!tpu.dma_semaphore, #tpu.memory_space<semaphore_mem>>) src(%dma_wait3A_532 : memref<80xi32, #tpu.memory_space<hbm>>) dst(%dma_wait3A_531 : memref<80xi32, #tpu.memory_space<vmem>>)
        %dma_wait3A_533 = arith.constant 1 : i32
        %dma_wait3A_534 = arith.constant 0 : i32
        %dma_wait3A_535 = tpu.memref_slice %arg15[%dma_wait3A_533, %dma_wait3A_534] : memref<2x80xi32, #tpu.memory_space<vmem>> -> memref<1x80xi32, #tpu.memory_space<vmem>>
        %dma_wait3A_536 = tpu.memref_squeeze %dma_wait3A_535 : memref<1x80xi32, #tpu.memory_space<vmem>> -> memref<80xi32, #tpu.memory_space<vmem>>
        %dma_wait3A_537 = tpu.memref_slice %arg4[%add3A_523] : memref<320000xi32, #tpu.memory_space<hbm>> -> memref<80xi32, #tpu.memory_space<hbm>>
        %dma_wait3A_538 = arith.constant 0 : i32
        %dma_wait3A_539 = tpu.memref_slice %arg15[%dma_wait3A_533, %dma_wait3A_538] : memref<2x80xi32, #tpu.memory_space<vmem>> -> memref<1x80xi32, #tpu.memory_space<vmem>>
        %dma_wait3A_540 = tpu.memref_squeeze %dma_wait3A_539 : memref<1x80xi32, #tpu.memory_space<vmem>> -> memref<80xi32, #tpu.memory_space<vmem>>
        %dma_wait3A_541 = tpu.memref_slice %arg4[%add3A_523] : memref<320000xi32, #tpu.memory_space<hbm>> -> memref<80xi32, #tpu.memory_space<hbm>>
        tpu.wait_dma2 semaphore(%arg25 : memref<!tpu.dma_semaphore, #tpu.memory_space<semaphore_mem>>) src(%dma_wait3A_541 : memref<80xi32, #tpu.memory_space<hbm>>) dst(%dma_wait3A_540 : memref<80xi32, #tpu.memory_space<vmem>>)
        %ge3A = arith.constant 2 : i32
        %ge3A_542 = arith.cmpi sge, %add3A_477, %ge3A : i32
        %convert_element_type3A_543 = arith.extui %ge3A_542 : i1 to i32
        %cond3A_544 = arith.constant 0 : i32
        %cond3A_545 = arith.cmpi ne, %convert_element_type3A_543, %cond3A_544 : i32
        scf.if %cond3A_545 {
          %dma_wait3A_625 = arith.constant 0 : i32
          %dma_wait3A_626 = arith.constant 0 : i32
          %dma_wait3A_627 = arith.constant 0 : i32
          %dma_wait3A_628 = tpu.memref_slice %arg17[%dma_wait3A_626, %dma_wait3A_627] : memref<160x128xf32, #tpu.memory_space<vmem>> -> memref<80x128xf32, #tpu.memory_space<vmem>>
          %dma_wait3A_629 = arith.constant 0 : i32
          %dma_wait3A_630 = tpu.memref_slice %arg13[%dma_wait3A_625, %dma_wait3A_629] : memref<2x80xi32, #tpu.memory_space<vmem>> -> memref<1x80xi32, #tpu.memory_space<vmem>>
          %dma_wait3A_631 = tpu.memref_squeeze %dma_wait3A_630 : memref<1x80xi32, #tpu.memory_space<vmem>> -> memref<80xi32, #tpu.memory_space<vmem>>
          %dma_wait3A_632 = arith.constant 0 : i32
          %dma_wait3A_633 = arith.constant 0 : i32
          %dma_wait3A_634 = tpu.memref_slice %arg21[%dma_wait3A_632, %dma_wait3A_633] : memref<10000x128xf32, #tpu.memory_space<vmem_shared>> -> memref<10000x128xf32, #tpu.memory_space<vmem_shared>>
          tpu.wait_indirect_dma semaphore(%arg31 : memref<!tpu.dma_semaphore, #tpu.memory_space<semaphore_mem>>) src(%dma_wait3A_628 : memref<80x128xf32, #tpu.memory_space<vmem>>) dst(%dma_wait3A_634 : memref<10000x128xf32, #tpu.memory_space<vmem_shared>>)
          %dma_wait3A_635 = arith.constant 0 : i32
          %dma_wait3A_636 = arith.constant 0 : i32
          %dma_wait3A_637 = tpu.memref_slice %arg13[%dma_wait3A_635, %dma_wait3A_636] : memref<2x80xi32, #tpu.memory_space<vmem>> -> memref<1x80xi32, #tpu.memory_space<vmem>>
          %dma_wait3A_638 = tpu.memref_squeeze %dma_wait3A_637 : memref<1x80xi32, #tpu.memory_space<vmem>> -> memref<80xi32, #tpu.memory_space<vmem>>
          %dma_wait3A_639 = arith.constant 0 : i32
          %dma_wait3A_640 = tpu.memref_slice %arg22[%dma_wait3A_639] : memref<10000xf32, #tpu.memory_space<vmem_shared>> -> memref<10000xf32, #tpu.memory_space<vmem_shared>>
          tpu.wait_indirect_dma semaphore(%arg31 : memref<!tpu.dma_semaphore, #tpu.memory_space<semaphore_mem>>) src(%arg19 : memref<80xf32, #tpu.memory_space<vmem>>) dst(%dma_wait3A_640 : memref<10000xf32, #tpu.memory_space<vmem_shared>>)
          %dma_wait3A_641 = arith.constant 1 : i32
          %dma_wait3A_642 = arith.constant 80 : i32
          %dma_wait3A_643 = arith.constant 0 : i32
          %dma_wait3A_644 = tpu.memref_slice %arg17[%dma_wait3A_642, %dma_wait3A_643] : memref<160x128xf32, #tpu.memory_space<vmem>> -> memref<80x128xf32, #tpu.memory_space<vmem>>
          %dma_wait3A_645 = arith.constant 0 : i32
          %dma_wait3A_646 = tpu.memref_slice %arg13[%dma_wait3A_641, %dma_wait3A_645] : memref<2x80xi32, #tpu.memory_space<vmem>> -> memref<1x80xi32, #tpu.memory_space<vmem>>
          %dma_wait3A_647 = tpu.memref_squeeze %dma_wait3A_646 : memref<1x80xi32, #tpu.memory_space<vmem>> -> memref<80xi32, #tpu.memory_space<vmem>>
          %dma_wait3A_648 = arith.constant 0 : i32
          %dma_wait3A_649 = arith.constant 0 : i32
          %dma_wait3A_650 = tpu.memref_slice %arg21[%dma_wait3A_648, %dma_wait3A_649] : memref<10000x128xf32, #tpu.memory_space<vmem_shared>> -> memref<10000x128xf32, #tpu.memory_space<vmem_shared>>
          tpu.wait_indirect_dma semaphore(%arg31 : memref<!tpu.dma_semaphore, #tpu.memory_space<semaphore_mem>>) src(%dma_wait3A_644 : memref<80x128xf32, #tpu.memory_space<vmem>>) dst(%dma_wait3A_650 : memref<10000x128xf32, #tpu.memory_space<vmem_shared>>)
          %dma_wait3A_651 = arith.constant 1 : i32
          %dma_wait3A_652 = arith.constant 0 : i32
          %dma_wait3A_653 = tpu.memref_slice %arg13[%dma_wait3A_651, %dma_wait3A_652] : memref<2x80xi32, #tpu.memory_space<vmem>> -> memref<1x80xi32, #tpu.memory_space<vmem>>
          %dma_wait3A_654 = tpu.memref_squeeze %dma_wait3A_653 : memref<1x80xi32, #tpu.memory_space<vmem>> -> memref<80xi32, #tpu.memory_space<vmem>>
          %dma_wait3A_655 = arith.constant 0 : i32
          %dma_wait3A_656 = tpu.memref_slice %arg22[%dma_wait3A_655] : memref<10000xf32, #tpu.memory_space<vmem_shared>> -> memref<10000xf32, #tpu.memory_space<vmem_shared>>
          tpu.wait_indirect_dma semaphore(%arg31 : memref<!tpu.dma_semaphore, #tpu.memory_space<semaphore_mem>>) src(%arg19 : memref<80xf32, #tpu.memory_space<vmem>>) dst(%dma_wait3A_656 : memref<10000xf32, #tpu.memory_space<vmem_shared>>)
        } else {
        }
        %dma_start3A_546 = arith.constant 0 : i32
        %dma_start3A_547 = arith.constant 0 : i32
        %dma_start3A_548 = arith.constant 0 : i32
        %dma_start3A_549 = tpu.memref_slice %arg17[%dma_start3A_547, %dma_start3A_548] : memref<160x128xf32, #tpu.memory_space<vmem>> -> memref<80x128xf32, #tpu.memory_space<vmem>>
        %dma_start3A_550 = arith.constant 0 : i32
        %dma_start3A_551 = tpu.memref_slice %arg11[%dma_start3A_546, %dma_start3A_550] : memref<2x80xi32, #tpu.memory_space<vmem>> -> memref<1x80xi32, #tpu.memory_space<vmem>>
        %dma_start3A_552 = tpu.memref_squeeze %dma_start3A_551 : memref<1x80xi32, #tpu.memory_space<vmem>> -> memref<80xi32, #tpu.memory_space<vmem>>
        %dma_start3A_553 = arith.constant 0 : i32
        %dma_start3A_554 = arith.constant 0 : i32
        %dma_start3A_555 = tpu.memref_slice %arg2[%dma_start3A_553, %dma_start3A_554] : memref<10000x128xf32, #tpu.memory_space<hbm>> -> memref<10000x128xf32, #tpu.memory_space<hbm>>
        tpu.enqueue_indirect_dma source(%dma_start3A_555 : memref<10000x128xf32, #tpu.memory_space<hbm>>) target(%dma_start3A_549 : memref<80x128xf32, #tpu.memory_space<vmem>>) offsets(%dma_start3A_552 : memref<80xi32, #tpu.memory_space<vmem>>) semaphore(%arg27 : memref<!tpu.dma_semaphore, #tpu.memory_space<semaphore_mem>>)
        %dma_start3A_556 = arith.constant 1 : i32
        %dma_start3A_557 = arith.constant 80 : i32
        %dma_start3A_558 = arith.constant 0 : i32
        %dma_start3A_559 = tpu.memref_slice %arg17[%dma_start3A_557, %dma_start3A_558] : memref<160x128xf32, #tpu.memory_space<vmem>> -> memref<80x128xf32, #tpu.memory_space<vmem>>
        %dma_start3A_560 = arith.constant 0 : i32
        %dma_start3A_561 = tpu.memref_slice %arg11[%dma_start3A_556, %dma_start3A_560] : memref<2x80xi32, #tpu.memory_space<vmem>> -> memref<1x80xi32, #tpu.memory_space<vmem>>
        %dma_start3A_562 = tpu.memref_squeeze %dma_start3A_561 : memref<1x80xi32, #tpu.memory_space<vmem>> -> memref<80xi32, #tpu.memory_space<vmem>>
        %dma_start3A_563 = arith.constant 0 : i32
        %dma_start3A_564 = arith.constant 0 : i32
        %dma_start3A_565 = tpu.memref_slice %arg2[%dma_start3A_563, %dma_start3A_564] : memref<10000x128xf32, #tpu.memory_space<hbm>> -> memref<10000x128xf32, #tpu.memory_space<hbm>>
        tpu.enqueue_indirect_dma source(%dma_start3A_565 : memref<10000x128xf32, #tpu.memory_space<hbm>>) target(%dma_start3A_559 : memref<80x128xf32, #tpu.memory_space<vmem>>) offsets(%dma_start3A_562 : memref<80xi32, #tpu.memory_space<vmem>>) semaphore(%arg28 : memref<!tpu.dma_semaphore, #tpu.memory_space<semaphore_mem>>)
        %add3A_566 = arith.constant 64 : i32
        %add3A_567 = arith.addi %add3A_480, %add3A_566 : i32
        %lt3A_568 = arith.constant 2000 : i32
        %lt3A_569 = arith.cmpi slt, %add3A_567, %lt3A_568 : i32
        %convert_element_type3A_570 = arith.extui %lt3A_569 : i1 to i32
        %cond3A_571 = arith.constant 0 : i32
        %cond3A_572 = arith.cmpi ne, %convert_element_type3A_570, %cond3A_571 : i32
        scf.if %cond3A_572 {
          %mul3A_625 = arith.constant 160 : i32
          %mul3A_626 = arith.muli %add3A_567, %mul3A_625 : i32
          %add3A_627 = arith.constant 0 : i32
          %add3A_628 = arith.addi %mul3A_626, %add3A_627 : i32
          %dma_start3A_629 = arith.constant 0 : i32
          %dma_start3A_630 = arith.constant 0 : i32
          %dma_start3A_631 = tpu.memref_slice %arg9[%dma_start3A_629, %dma_start3A_630] : memref<2x80xi32, #tpu.memory_space<vmem>> -> memref<1x80xi32, #tpu.memory_space<vmem>>
          %dma_start3A_632 = tpu.memref_squeeze %dma_start3A_631 : memref<1x80xi32, #tpu.memory_space<vmem>> -> memref<80xi32, #tpu.memory_space<vmem>>
          %dma_start3A_633 = tpu.memref_slice %arg3[%add3A_628] : memref<320000xi32, #tpu.memory_space<hbm>> -> memref<80xi32, #tpu.memory_space<hbm>>
          %dma_start3A_634 = arith.constant 0 : i32
          %dma_start3A_635 = tpu.memref_slice %arg9[%dma_start3A_629, %dma_start3A_634] : memref<2x80xi32, #tpu.memory_space<vmem>> -> memref<1x80xi32, #tpu.memory_space<vmem>>
          %dma_start3A_636 = tpu.memref_squeeze %dma_start3A_635 : memref<1x80xi32, #tpu.memory_space<vmem>> -> memref<80xi32, #tpu.memory_space<vmem>>
          %dma_start3A_637 = tpu.memref_slice %arg3[%add3A_628] : memref<320000xi32, #tpu.memory_space<hbm>> -> memref<80xi32, #tpu.memory_space<hbm>>
          tpu.enqueue_dma source(%dma_start3A_637 : memref<80xi32, #tpu.memory_space<hbm>>) target(%dma_start3A_636 : memref<80xi32, #tpu.memory_space<vmem>>) target_semaphore(%arg23 : memref<!tpu.dma_semaphore, #tpu.memory_space<semaphore_mem>>)
          %dma_start3A_638 = arith.constant 0 : i32
          %dma_start3A_639 = arith.constant 0 : i32
          %dma_start3A_640 = tpu.memref_slice %arg13[%dma_start3A_638, %dma_start3A_639] : memref<2x80xi32, #tpu.memory_space<vmem>> -> memref<1x80xi32, #tpu.memory_space<vmem>>
          %dma_start3A_641 = tpu.memref_squeeze %dma_start3A_640 : memref<1x80xi32, #tpu.memory_space<vmem>> -> memref<80xi32, #tpu.memory_space<vmem>>
          %dma_start3A_642 = tpu.memref_slice %arg4[%add3A_628] : memref<320000xi32, #tpu.memory_space<hbm>> -> memref<80xi32, #tpu.memory_space<hbm>>
          %dma_start3A_643 = arith.constant 0 : i32
          %dma_start3A_644 = tpu.memref_slice %arg13[%dma_start3A_638, %dma_start3A_643] : memref<2x80xi32, #tpu.memory_space<vmem>> -> memref<1x80xi32, #tpu.memory_space<vmem>>
          %dma_start3A_645 = tpu.memref_squeeze %dma_start3A_644 : memref<1x80xi32, #tpu.memory_space<vmem>> -> memref<80xi32, #tpu.memory_space<vmem>>
          %dma_start3A_646 = tpu.memref_slice %arg4[%add3A_628] : memref<320000xi32, #tpu.memory_space<hbm>> -> memref<80xi32, #tpu.memory_space<hbm>>
          tpu.enqueue_dma source(%dma_start3A_646 : memref<80xi32, #tpu.memory_space<hbm>>) target(%dma_start3A_645 : memref<80xi32, #tpu.memory_space<vmem>>) target_semaphore(%arg23 : memref<!tpu.dma_semaphore, #tpu.memory_space<semaphore_mem>>)
          %mul3A_647 = arith.constant 160 : i32
          %mul3A_648 = arith.muli %add3A_567, %mul3A_647 : i32
          %add3A_649 = arith.constant 80 : i32
          %add3A_650 = arith.addi %mul3A_648, %add3A_649 : i32
          %dma_start3A_651 = arith.constant 1 : i32
          %dma_start3A_652 = arith.constant 0 : i32
          %dma_start3A_653 = tpu.memref_slice %arg9[%dma_start3A_651, %dma_start3A_652] : memref<2x80xi32, #tpu.memory_space<vmem>> -> memref<1x80xi32, #tpu.memory_space<vmem>>
          %dma_start3A_654 = tpu.memref_squeeze %dma_start3A_653 : memref<1x80xi32, #tpu.memory_space<vmem>> -> memref<80xi32, #tpu.memory_space<vmem>>
          %dma_start3A_655 = tpu.memref_slice %arg3[%add3A_650] : memref<320000xi32, #tpu.memory_space<hbm>> -> memref<80xi32, #tpu.memory_space<hbm>>
          %dma_start3A_656 = arith.constant 0 : i32
          %dma_start3A_657 = tpu.memref_slice %arg9[%dma_start3A_651, %dma_start3A_656] : memref<2x80xi32, #tpu.memory_space<vmem>> -> memref<1x80xi32, #tpu.memory_space<vmem>>
          %dma_start3A_658 = tpu.memref_squeeze %dma_start3A_657 : memref<1x80xi32, #tpu.memory_space<vmem>> -> memref<80xi32, #tpu.memory_space<vmem>>
          %dma_start3A_659 = tpu.memref_slice %arg3[%add3A_650] : memref<320000xi32, #tpu.memory_space<hbm>> -> memref<80xi32, #tpu.memory_space<hbm>>
          tpu.enqueue_dma source(%dma_start3A_659 : memref<80xi32, #tpu.memory_space<hbm>>) target(%dma_start3A_658 : memref<80xi32, #tpu.memory_space<vmem>>) target_semaphore(%arg23 : memref<!tpu.dma_semaphore, #tpu.memory_space<semaphore_mem>>)
          %dma_start3A_660 = arith.constant 1 : i32
          %dma_start3A_661 = arith.constant 0 : i32
          %dma_start3A_662 = tpu.memref_slice %arg13[%dma_start3A_660, %dma_start3A_661] : memref<2x80xi32, #tpu.memory_space<vmem>> -> memref<1x80xi32, #tpu.memory_space<vmem>>
          %dma_start3A_663 = tpu.memref_squeeze %dma_start3A_662 : memref<1x80xi32, #tpu.memory_space<vmem>> -> memref<80xi32, #tpu.memory_space<vmem>>
          %dma_start3A_664 = tpu.memref_slice %arg4[%add3A_650] : memref<320000xi32, #tpu.memory_space<hbm>> -> memref<80xi32, #tpu.memory_space<hbm>>
          %dma_start3A_665 = arith.constant 0 : i32
          %dma_start3A_666 = tpu.memref_slice %arg13[%dma_start3A_660, %dma_start3A_665] : memref<2x80xi32, #tpu.memory_space<vmem>> -> memref<1x80xi32, #tpu.memory_space<vmem>>
          %dma_start3A_667 = tpu.memref_squeeze %dma_start3A_666 : memref<1x80xi32, #tpu.memory_space<vmem>> -> memref<80xi32, #tpu.memory_space<vmem>>
          %dma_start3A_668 = tpu.memref_slice %arg4[%add3A_650] : memref<320000xi32, #tpu.memory_space<hbm>> -> memref<80xi32, #tpu.memory_space<hbm>>
          tpu.enqueue_dma source(%dma_start3A_668 : memref<80xi32, #tpu.memory_space<hbm>>) target(%dma_start3A_667 : memref<80xi32, #tpu.memory_space<vmem>>) target_semaphore(%arg23 : memref<!tpu.dma_semaphore, #tpu.memory_space<semaphore_mem>>)
        } else {
        }
        %dma_wait3A_573 = arith.constant 0 : i32
        %dma_wait3A_574 = arith.constant 0 : i32
        %dma_wait3A_575 = arith.constant 0 : i32
        %dma_wait3A_576 = tpu.memref_slice %arg17[%dma_wait3A_574, %dma_wait3A_575] : memref<160x128xf32, #tpu.memory_space<vmem>> -> memref<80x128xf32, #tpu.memory_space<vmem>>
        %dma_wait3A_577 = arith.constant 0 : i32
        %dma_wait3A_578 = tpu.memref_slice %arg11[%dma_wait3A_573, %dma_wait3A_577] : memref<2x80xi32, #tpu.memory_space<vmem>> -> memref<1x80xi32, #tpu.memory_space<vmem>>
        %dma_wait3A_579 = tpu.memref_squeeze %dma_wait3A_578 : memref<1x80xi32, #tpu.memory_space<vmem>> -> memref<80xi32, #tpu.memory_space<vmem>>
        %dma_wait3A_580 = arith.constant 0 : i32
        %dma_wait3A_581 = arith.constant 0 : i32
        %dma_wait3A_582 = tpu.memref_slice %arg2[%dma_wait3A_580, %dma_wait3A_581] : memref<10000x128xf32, #tpu.memory_space<hbm>> -> memref<10000x128xf32, #tpu.memory_space<hbm>>
        tpu.wait_indirect_dma semaphore(%arg27 : memref<!tpu.dma_semaphore, #tpu.memory_space<semaphore_mem>>) src(%dma_wait3A_582 : memref<10000x128xf32, #tpu.memory_space<hbm>>) dst(%dma_wait3A_576 : memref<80x128xf32, #tpu.memory_space<vmem>>)
        %dma_start3A_583 = arith.constant 0 : i32
        %dma_start3A_584 = arith.constant 0 : i32
        %dma_start3A_585 = arith.constant 0 : i32
        %dma_start3A_586 = tpu.memref_slice %arg17[%dma_start3A_584, %dma_start3A_585] : memref<160x128xf32, #tpu.memory_space<vmem>> -> memref<80x128xf32, #tpu.memory_space<vmem>>
        %dma_start3A_587 = arith.constant 0 : i32
        %dma_start3A_588 = tpu.memref_slice %arg15[%dma_start3A_583, %dma_start3A_587] : memref<2x80xi32, #tpu.memory_space<vmem>> -> memref<1x80xi32, #tpu.memory_space<vmem>>
        %dma_start3A_589 = tpu.memref_squeeze %dma_start3A_588 : memref<1x80xi32, #tpu.memory_space<vmem>> -> memref<80xi32, #tpu.memory_space<vmem>>
        %dma_start3A_590 = arith.constant 0 : i32
        %dma_start3A_591 = arith.constant 0 : i32
        %dma_start3A_592 = tpu.memref_slice %arg21[%dma_start3A_590, %dma_start3A_591] : memref<10000x128xf32, #tpu.memory_space<vmem_shared>> -> memref<10000x128xf32, #tpu.memory_space<vmem_shared>>
        tpu.enqueue_indirect_dma source(%dma_start3A_586 : memref<80x128xf32, #tpu.memory_space<vmem>>) target(%dma_start3A_592 : memref<10000x128xf32, #tpu.memory_space<vmem_shared>>) offsets(%dma_start3A_589 : memref<80xi32, #tpu.memory_space<vmem>>) semaphore(%arg31 : memref<!tpu.dma_semaphore, #tpu.memory_space<semaphore_mem>>) {add = true}
        %dma_start3A_593 = arith.constant 0 : i32
        %dma_start3A_594 = arith.constant 0 : i32
        %dma_start3A_595 = tpu.memref_slice %arg15[%dma_start3A_593, %dma_start3A_594] : memref<2x80xi32, #tpu.memory_space<vmem>> -> memref<1x80xi32, #tpu.memory_space<vmem>>
        %dma_start3A_596 = tpu.memref_squeeze %dma_start3A_595 : memref<1x80xi32, #tpu.memory_space<vmem>> -> memref<80xi32, #tpu.memory_space<vmem>>
        %dma_start3A_597 = arith.constant 0 : i32
        %dma_start3A_598 = tpu.memref_slice %arg22[%dma_start3A_597] : memref<10000xf32, #tpu.memory_space<vmem_shared>> -> memref<10000xf32, #tpu.memory_space<vmem_shared>>
        tpu.enqueue_indirect_dma source(%arg19 : memref<80xf32, #tpu.memory_space<vmem>>) target(%dma_start3A_598 : memref<10000xf32, #tpu.memory_space<vmem_shared>>) offsets(%dma_start3A_596 : memref<80xi32, #tpu.memory_space<vmem>>) semaphore(%arg31 : memref<!tpu.dma_semaphore, #tpu.memory_space<semaphore_mem>>) {add = true}
        %dma_wait3A_599 = arith.constant 1 : i32
        %dma_wait3A_600 = arith.constant 80 : i32
        %dma_wait3A_601 = arith.constant 0 : i32
        %dma_wait3A_602 = tpu.memref_slice %arg17[%dma_wait3A_600, %dma_wait3A_601] : memref<160x128xf32, #tpu.memory_space<vmem>> -> memref<80x128xf32, #tpu.memory_space<vmem>>
        %dma_wait3A_603 = arith.constant 0 : i32
        %dma_wait3A_604 = tpu.memref_slice %arg11[%dma_wait3A_599, %dma_wait3A_603] : memref<2x80xi32, #tpu.memory_space<vmem>> -> memref<1x80xi32, #tpu.memory_space<vmem>>
        %dma_wait3A_605 = tpu.memref_squeeze %dma_wait3A_604 : memref<1x80xi32, #tpu.memory_space<vmem>> -> memref<80xi32, #tpu.memory_space<vmem>>
        %dma_wait3A_606 = arith.constant 0 : i32
        %dma_wait3A_607 = arith.constant 0 : i32
        %dma_wait3A_608 = tpu.memref_slice %arg2[%dma_wait3A_606, %dma_wait3A_607] : memref<10000x128xf32, #tpu.memory_space<hbm>> -> memref<10000x128xf32, #tpu.memory_space<hbm>>
        tpu.wait_indirect_dma semaphore(%arg28 : memref<!tpu.dma_semaphore, #tpu.memory_space<semaphore_mem>>) src(%dma_wait3A_608 : memref<10000x128xf32, #tpu.memory_space<hbm>>) dst(%dma_wait3A_602 : memref<80x128xf32, #tpu.memory_space<vmem>>)
        %dma_start3A_609 = arith.constant 1 : i32
        %dma_start3A_610 = arith.constant 80 : i32
        %dma_start3A_611 = arith.constant 0 : i32
        %dma_start3A_612 = tpu.memref_slice %arg17[%dma_start3A_610, %dma_start3A_611] : memref<160x128xf32, #tpu.memory_space<vmem>> -> memref<80x128xf32, #tpu.memory_space<vmem>>
        %dma_start3A_613 = arith.constant 0 : i32
        %dma_start3A_614 = tpu.memref_slice %arg15[%dma_start3A_609, %dma_start3A_613] : memref<2x80xi32, #tpu.memory_space<vmem>> -> memref<1x80xi32, #tpu.memory_space<vmem>>
        %dma_start3A_615 = tpu.memref_squeeze %dma_start3A_614 : memref<1x80xi32, #tpu.memory_space<vmem>> -> memref<80xi32, #tpu.memory_space<vmem>>
        %dma_start3A_616 = arith.constant 0 : i32
        %dma_start3A_617 = arith.constant 0 : i32
        %dma_start3A_618 = tpu.memref_slice %arg21[%dma_start3A_616, %dma_start3A_617] : memref<10000x128xf32, #tpu.memory_space<vmem_shared>> -> memref<10000x128xf32, #tpu.memory_space<vmem_shared>>
        tpu.enqueue_indirect_dma source(%dma_start3A_612 : memref<80x128xf32, #tpu.memory_space<vmem>>) target(%dma_start3A_618 : memref<10000x128xf32, #tpu.memory_space<vmem_shared>>) offsets(%dma_start3A_615 : memref<80xi32, #tpu.memory_space<vmem>>) semaphore(%arg31 : memref<!tpu.dma_semaphore, #tpu.memory_space<semaphore_mem>>) {add = true}
        %dma_start3A_619 = arith.constant 1 : i32
        %dma_start3A_620 = arith.constant 0 : i32
        %dma_start3A_621 = tpu.memref_slice %arg15[%dma_start3A_619, %dma_start3A_620] : memref<2x80xi32, #tpu.memory_space<vmem>> -> memref<1x80xi32, #tpu.memory_space<vmem>>
        %dma_start3A_622 = tpu.memref_squeeze %dma_start3A_621 : memref<1x80xi32, #tpu.memory_space<vmem>> -> memref<80xi32, #tpu.memory_space<vmem>>
        %dma_start3A_623 = arith.constant 0 : i32
        %dma_start3A_624 = tpu.memref_slice %arg22[%dma_start3A_623] : memref<10000xf32, #tpu.memory_space<vmem_shared>> -> memref<10000xf32, #tpu.memory_space<vmem_shared>>
        tpu.enqueue_indirect_dma source(%arg19 : memref<80xf32, #tpu.memory_space<vmem>>) target(%dma_start3A_624 : memref<10000xf32, #tpu.memory_space<vmem_shared>>) offsets(%dma_start3A_622 : memref<80xi32, #tpu.memory_space<vmem>>) semaphore(%arg31 : memref<!tpu.dma_semaphore, #tpu.memory_space<semaphore_mem>>) {add = true}
      } else {
      }
      %mul3A_486 = arith.constant 4 : i32
      %mul3A_487 = arith.muli %scan3A_450, %mul3A_486 : i32
      %add3A_488 = arith.constant 3 : i32
      %add3A_489 = arith.addi %mul3A_487, %add3A_488 : i32
      %mul3A_490 = arith.constant 32 : i32
      %mul3A_491 = arith.muli %add3A_489, %mul3A_490 : i32
      %add3A_492 = arith.addi %add3A, %mul3A_491 : i32
      %lt3A_493 = arith.constant 2000 : i32
      %lt3A_494 = arith.cmpi slt, %add3A_492, %lt3A_493 : i32
      %convert_element_type3A_495 = arith.extui %lt3A_494 : i1 to i32
      %cond3A_496 = arith.constant 0 : i32
      %cond3A_497 = arith.cmpi ne, %convert_element_type3A_495, %cond3A_496 : i32
      scf.if %cond3A_497 {
        %mul3A_498 = arith.constant 160 : i32
        %mul3A_499 = arith.muli %add3A_492, %mul3A_498 : i32
        %add3A_500 = arith.constant 0 : i32
        %add3A_501 = arith.addi %mul3A_499, %add3A_500 : i32
        %dma_wait3A_502 = arith.constant 0 : i32
        %dma_wait3A_503 = arith.constant 0 : i32
        %dma_wait3A_504 = tpu.memref_slice %arg12[%dma_wait3A_502, %dma_wait3A_503] : memref<2x80xi32, #tpu.memory_space<vmem>> -> memref<1x80xi32, #tpu.memory_space<vmem>>
        %dma_wait3A_505 = tpu.memref_squeeze %dma_wait3A_504 : memref<1x80xi32, #tpu.memory_space<vmem>> -> memref<80xi32, #tpu.memory_space<vmem>>
        %dma_wait3A_506 = tpu.memref_slice %arg3[%add3A_501] : memref<320000xi32, #tpu.memory_space<hbm>> -> memref<80xi32, #tpu.memory_space<hbm>>
        %dma_wait3A_507 = arith.constant 0 : i32
        %dma_wait3A_508 = tpu.memref_slice %arg12[%dma_wait3A_502, %dma_wait3A_507] : memref<2x80xi32, #tpu.memory_space<vmem>> -> memref<1x80xi32, #tpu.memory_space<vmem>>
        %dma_wait3A_509 = tpu.memref_squeeze %dma_wait3A_508 : memref<1x80xi32, #tpu.memory_space<vmem>> -> memref<80xi32, #tpu.memory_space<vmem>>
        %dma_wait3A_510 = tpu.memref_slice %arg3[%add3A_501] : memref<320000xi32, #tpu.memory_space<hbm>> -> memref<80xi32, #tpu.memory_space<hbm>>
        tpu.wait_dma2 semaphore(%arg26 : memref<!tpu.dma_semaphore, #tpu.memory_space<semaphore_mem>>) src(%dma_wait3A_510 : memref<80xi32, #tpu.memory_space<hbm>>) dst(%dma_wait3A_509 : memref<80xi32, #tpu.memory_space<vmem>>)
        %dma_wait3A_511 = arith.constant 0 : i32
        %dma_wait3A_512 = arith.constant 0 : i32
        %dma_wait3A_513 = tpu.memref_slice %arg16[%dma_wait3A_511, %dma_wait3A_512] : memref<2x80xi32, #tpu.memory_space<vmem>> -> memref<1x80xi32, #tpu.memory_space<vmem>>
        %dma_wait3A_514 = tpu.memref_squeeze %dma_wait3A_513 : memref<1x80xi32, #tpu.memory_space<vmem>> -> memref<80xi32, #tpu.memory_space<vmem>>
        %dma_wait3A_515 = tpu.memref_slice %arg4[%add3A_501] : memref<320000xi32, #tpu.memory_space<hbm>> -> memref<80xi32, #tpu.memory_space<hbm>>
        %dma_wait3A_516 = arith.constant 0 : i32
        %dma_wait3A_517 = tpu.memref_slice %arg16[%dma_wait3A_511, %dma_wait3A_516] : memref<2x80xi32, #tpu.memory_space<vmem>> -> memref<1x80xi32, #tpu.memory_space<vmem>>
        %dma_wait3A_518 = tpu.memref_squeeze %dma_wait3A_517 : memref<1x80xi32, #tpu.memory_space<vmem>> -> memref<80xi32, #tpu.memory_space<vmem>>
        %dma_wait3A_519 = tpu.memref_slice %arg4[%add3A_501] : memref<320000xi32, #tpu.memory_space<hbm>> -> memref<80xi32, #tpu.memory_space<hbm>>
        tpu.wait_dma2 semaphore(%arg26 : memref<!tpu.dma_semaphore, #tpu.memory_space<semaphore_mem>>) src(%dma_wait3A_519 : memref<80xi32, #tpu.memory_space<hbm>>) dst(%dma_wait3A_518 : memref<80xi32, #tpu.memory_space<vmem>>)
        %mul3A_520 = arith.constant 160 : i32
        %mul3A_521 = arith.muli %add3A_492, %mul3A_520 : i32
        %add3A_522 = arith.constant 80 : i32
        %add3A_523 = arith.addi %mul3A_521, %add3A_522 : i32
        %dma_wait3A_524 = arith.constant 1 : i32
        %dma_wait3A_525 = arith.constant 0 : i32
        %dma_wait3A_526 = tpu.memref_slice %arg12[%dma_wait3A_524, %dma_wait3A_525] : memref<2x80xi32, #tpu.memory_space<vmem>> -> memref<1x80xi32, #tpu.memory_space<vmem>>
        %dma_wait3A_527 = tpu.memref_squeeze %dma_wait3A_526 : memref<1x80xi32, #tpu.memory_space<vmem>> -> memref<80xi32, #tpu.memory_space<vmem>>
        %dma_wait3A_528 = tpu.memref_slice %arg3[%add3A_523] : memref<320000xi32, #tpu.memory_space<hbm>> -> memref<80xi32, #tpu.memory_space<hbm>>
        %dma_wait3A_529 = arith.constant 0 : i32
        %dma_wait3A_530 = tpu.memref_slice %arg12[%dma_wait3A_524, %dma_wait3A_529] : memref<2x80xi32, #tpu.memory_space<vmem>> -> memref<1x80xi32, #tpu.memory_space<vmem>>
        %dma_wait3A_531 = tpu.memref_squeeze %dma_wait3A_530 : memref<1x80xi32, #tpu.memory_space<vmem>> -> memref<80xi32, #tpu.memory_space<vmem>>
        %dma_wait3A_532 = tpu.memref_slice %arg3[%add3A_523] : memref<320000xi32, #tpu.memory_space<hbm>> -> memref<80xi32, #tpu.memory_space<hbm>>
        tpu.wait_dma2 semaphore(%arg26 : memref<!tpu.dma_semaphore, #tpu.memory_space<semaphore_mem>>) src(%dma_wait3A_532 : memref<80xi32, #tpu.memory_space<hbm>>) dst(%dma_wait3A_531 : memref<80xi32, #tpu.memory_space<vmem>>)
        %dma_wait3A_533 = arith.constant 1 : i32
        %dma_wait3A_534 = arith.constant 0 : i32
        %dma_wait3A_535 = tpu.memref_slice %arg16[%dma_wait3A_533, %dma_wait3A_534] : memref<2x80xi32, #tpu.memory_space<vmem>> -> memref<1x80xi32, #tpu.memory_space<vmem>>
        %dma_wait3A_536 = tpu.memref_squeeze %dma_wait3A_535 : memref<1x80xi32, #tpu.memory_space<vmem>> -> memref<80xi32, #tpu.memory_space<vmem>>
        %dma_wait3A_537 = tpu.memref_slice %arg4[%add3A_523] : memref<320000xi32, #tpu.memory_space<hbm>> -> memref<80xi32, #tpu.memory_space<hbm>>
        %dma_wait3A_538 = arith.constant 0 : i32
        %dma_wait3A_539 = tpu.memref_slice %arg16[%dma_wait3A_533, %dma_wait3A_538] : memref<2x80xi32, #tpu.memory_space<vmem>> -> memref<1x80xi32, #tpu.memory_space<vmem>>
        %dma_wait3A_540 = tpu.memref_squeeze %dma_wait3A_539 : memref<1x80xi32, #tpu.memory_space<vmem>> -> memref<80xi32, #tpu.memory_space<vmem>>
        %dma_wait3A_541 = tpu.memref_slice %arg4[%add3A_523] : memref<320000xi32, #tpu.memory_space<hbm>> -> memref<80xi32, #tpu.memory_space<hbm>>
        tpu.wait_dma2 semaphore(%arg26 : memref<!tpu.dma_semaphore, #tpu.memory_space<semaphore_mem>>) src(%dma_wait3A_541 : memref<80xi32, #tpu.memory_space<hbm>>) dst(%dma_wait3A_540 : memref<80xi32, #tpu.memory_space<vmem>>)
        %ge3A = arith.constant 2 : i32
        %ge3A_542 = arith.cmpi sge, %add3A_489, %ge3A : i32
        %convert_element_type3A_543 = arith.extui %ge3A_542 : i1 to i32
        %cond3A_544 = arith.constant 0 : i32
        %cond3A_545 = arith.cmpi ne, %convert_element_type3A_543, %cond3A_544 : i32
        scf.if %cond3A_545 {
          %dma_wait3A_625 = arith.constant 0 : i32
          %dma_wait3A_626 = arith.constant 0 : i32
          %dma_wait3A_627 = arith.constant 0 : i32
          %dma_wait3A_628 = tpu.memref_slice %arg18[%dma_wait3A_626, %dma_wait3A_627] : memref<160x128xf32, #tpu.memory_space<vmem>> -> memref<80x128xf32, #tpu.memory_space<vmem>>
          %dma_wait3A_629 = arith.constant 0 : i32
          %dma_wait3A_630 = tpu.memref_slice %arg13[%dma_wait3A_625, %dma_wait3A_629] : memref<2x80xi32, #tpu.memory_space<vmem>> -> memref<1x80xi32, #tpu.memory_space<vmem>>
          %dma_wait3A_631 = tpu.memref_squeeze %dma_wait3A_630 : memref<1x80xi32, #tpu.memory_space<vmem>> -> memref<80xi32, #tpu.memory_space<vmem>>
          %dma_wait3A_632 = arith.constant 0 : i32
          %dma_wait3A_633 = arith.constant 0 : i32
          %dma_wait3A_634 = tpu.memref_slice %arg21[%dma_wait3A_632, %dma_wait3A_633] : memref<10000x128xf32, #tpu.memory_space<vmem_shared>> -> memref<10000x128xf32, #tpu.memory_space<vmem_shared>>
          tpu.wait_indirect_dma semaphore(%arg32 : memref<!tpu.dma_semaphore, #tpu.memory_space<semaphore_mem>>) src(%dma_wait3A_628 : memref<80x128xf32, #tpu.memory_space<vmem>>) dst(%dma_wait3A_634 : memref<10000x128xf32, #tpu.memory_space<vmem_shared>>)
          %dma_wait3A_635 = arith.constant 0 : i32
          %dma_wait3A_636 = arith.constant 0 : i32
          %dma_wait3A_637 = tpu.memref_slice %arg13[%dma_wait3A_635, %dma_wait3A_636] : memref<2x80xi32, #tpu.memory_space<vmem>> -> memref<1x80xi32, #tpu.memory_space<vmem>>
          %dma_wait3A_638 = tpu.memref_squeeze %dma_wait3A_637 : memref<1x80xi32, #tpu.memory_space<vmem>> -> memref<80xi32, #tpu.memory_space<vmem>>
          %dma_wait3A_639 = arith.constant 0 : i32
          %dma_wait3A_640 = tpu.memref_slice %arg22[%dma_wait3A_639] : memref<10000xf32, #tpu.memory_space<vmem_shared>> -> memref<10000xf32, #tpu.memory_space<vmem_shared>>
          tpu.wait_indirect_dma semaphore(%arg32 : memref<!tpu.dma_semaphore, #tpu.memory_space<semaphore_mem>>) src(%arg19 : memref<80xf32, #tpu.memory_space<vmem>>) dst(%dma_wait3A_640 : memref<10000xf32, #tpu.memory_space<vmem_shared>>)
          %dma_wait3A_641 = arith.constant 1 : i32
          %dma_wait3A_642 = arith.constant 80 : i32
          %dma_wait3A_643 = arith.constant 0 : i32
          %dma_wait3A_644 = tpu.memref_slice %arg18[%dma_wait3A_642, %dma_wait3A_643] : memref<160x128xf32, #tpu.memory_space<vmem>> -> memref<80x128xf32, #tpu.memory_space<vmem>>
          %dma_wait3A_645 = arith.constant 0 : i32
          %dma_wait3A_646 = tpu.memref_slice %arg13[%dma_wait3A_641, %dma_wait3A_645] : memref<2x80xi32, #tpu.memory_space<vmem>> -> memref<1x80xi32, #tpu.memory_space<vmem>>
          %dma_wait3A_647 = tpu.memref_squeeze %dma_wait3A_646 : memref<1x80xi32, #tpu.memory_space<vmem>> -> memref<80xi32, #tpu.memory_space<vmem>>
          %dma_wait3A_648 = arith.constant 0 : i32
          %dma_wait3A_649 = arith.constant 0 : i32
          %dma_wait3A_650 = tpu.memref_slice %arg21[%dma_wait3A_648, %dma_wait3A_649] : memref<10000x128xf32, #tpu.memory_space<vmem_shared>> -> memref<10000x128xf32, #tpu.memory_space<vmem_shared>>
          tpu.wait_indirect_dma semaphore(%arg32 : memref<!tpu.dma_semaphore, #tpu.memory_space<semaphore_mem>>) src(%dma_wait3A_644 : memref<80x128xf32, #tpu.memory_space<vmem>>) dst(%dma_wait3A_650 : memref<10000x128xf32, #tpu.memory_space<vmem_shared>>)
          %dma_wait3A_651 = arith.constant 1 : i32
          %dma_wait3A_652 = arith.constant 0 : i32
          %dma_wait3A_653 = tpu.memref_slice %arg13[%dma_wait3A_651, %dma_wait3A_652] : memref<2x80xi32, #tpu.memory_space<vmem>> -> memref<1x80xi32, #tpu.memory_space<vmem>>
          %dma_wait3A_654 = tpu.memref_squeeze %dma_wait3A_653 : memref<1x80xi32, #tpu.memory_space<vmem>> -> memref<80xi32, #tpu.memory_space<vmem>>
          %dma_wait3A_655 = arith.constant 0 : i32
          %dma_wait3A_656 = tpu.memref_slice %arg22[%dma_wait3A_655] : memref<10000xf32, #tpu.memory_space<vmem_shared>> -> memref<10000xf32, #tpu.memory_space<vmem_shared>>
          tpu.wait_indirect_dma semaphore(%arg32 : memref<!tpu.dma_semaphore, #tpu.memory_space<semaphore_mem>>) src(%arg19 : memref<80xf32, #tpu.memory_space<vmem>>) dst(%dma_wait3A_656 : memref<10000xf32, #tpu.memory_space<vmem_shared>>)
        } else {
        }
        %dma_start3A_546 = arith.constant 0 : i32
        %dma_start3A_547 = arith.constant 0 : i32
        %dma_start3A_548 = arith.constant 0 : i32
        %dma_start3A_549 = tpu.memref_slice %arg18[%dma_start3A_547, %dma_start3A_548] : memref<160x128xf32, #tpu.memory_space<vmem>> -> memref<80x128xf32, #tpu.memory_space<vmem>>
        %dma_start3A_550 = arith.constant 0 : i32
        %dma_start3A_551 = tpu.memref_slice %arg12[%dma_start3A_546, %dma_start3A_550] : memref<2x80xi32, #tpu.memory_space<vmem>> -> memref<1x80xi32, #tpu.memory_space<vmem>>
        %dma_start3A_552 = tpu.memref_squeeze %dma_start3A_551 : memref<1x80xi32, #tpu.memory_space<vmem>> -> memref<80xi32, #tpu.memory_space<vmem>>
        %dma_start3A_553 = arith.constant 0 : i32
        %dma_start3A_554 = arith.constant 0 : i32
        %dma_start3A_555 = tpu.memref_slice %arg2[%dma_start3A_553, %dma_start3A_554] : memref<10000x128xf32, #tpu.memory_space<hbm>> -> memref<10000x128xf32, #tpu.memory_space<hbm>>
        tpu.enqueue_indirect_dma source(%dma_start3A_555 : memref<10000x128xf32, #tpu.memory_space<hbm>>) target(%dma_start3A_549 : memref<80x128xf32, #tpu.memory_space<vmem>>) offsets(%dma_start3A_552 : memref<80xi32, #tpu.memory_space<vmem>>) semaphore(%arg29 : memref<!tpu.dma_semaphore, #tpu.memory_space<semaphore_mem>>)
        %dma_start3A_556 = arith.constant 1 : i32
        %dma_start3A_557 = arith.constant 80 : i32
        %dma_start3A_558 = arith.constant 0 : i32
        %dma_start3A_559 = tpu.memref_slice %arg18[%dma_start3A_557, %dma_start3A_558] : memref<160x128xf32, #tpu.memory_space<vmem>> -> memref<80x128xf32, #tpu.memory_space<vmem>>
        %dma_start3A_560 = arith.constant 0 : i32
        %dma_start3A_561 = tpu.memref_slice %arg12[%dma_start3A_556, %dma_start3A_560] : memref<2x80xi32, #tpu.memory_space<vmem>> -> memref<1x80xi32, #tpu.memory_space<vmem>>
        %dma_start3A_562 = tpu.memref_squeeze %dma_start3A_561 : memref<1x80xi32, #tpu.memory_space<vmem>> -> memref<80xi32, #tpu.memory_space<vmem>>
        %dma_start3A_563 = arith.constant 0 : i32
        %dma_start3A_564 = arith.constant 0 : i32
        %dma_start3A_565 = tpu.memref_slice %arg2[%dma_start3A_563, %dma_start3A_564] : memref<10000x128xf32, #tpu.memory_space<hbm>> -> memref<10000x128xf32, #tpu.memory_space<hbm>>
        tpu.enqueue_indirect_dma source(%dma_start3A_565 : memref<10000x128xf32, #tpu.memory_space<hbm>>) target(%dma_start3A_559 : memref<80x128xf32, #tpu.memory_space<vmem>>) offsets(%dma_start3A_562 : memref<80xi32, #tpu.memory_space<vmem>>) semaphore(%arg30 : memref<!tpu.dma_semaphore, #tpu.memory_space<semaphore_mem>>)
        %add3A_566 = arith.constant 64 : i32
        %add3A_567 = arith.addi %add3A_492, %add3A_566 : i32
        %lt3A_568 = arith.constant 2000 : i32
        %lt3A_569 = arith.cmpi slt, %add3A_567, %lt3A_568 : i32
        %convert_element_type3A_570 = arith.extui %lt3A_569 : i1 to i32
        %cond3A_571 = arith.constant 0 : i32
        %cond3A_572 = arith.cmpi ne, %convert_element_type3A_570, %cond3A_571 : i32
        scf.if %cond3A_572 {
          %mul3A_625 = arith.constant 160 : i32
          %mul3A_626 = arith.muli %add3A_567, %mul3A_625 : i32
          %add3A_627 = arith.constant 0 : i32
          %add3A_628 = arith.addi %mul3A_626, %add3A_627 : i32
          %dma_start3A_629 = arith.constant 0 : i32
          %dma_start3A_630 = arith.constant 0 : i32
          %dma_start3A_631 = tpu.memref_slice %arg10[%dma_start3A_629, %dma_start3A_630] : memref<2x80xi32, #tpu.memory_space<vmem>> -> memref<1x80xi32, #tpu.memory_space<vmem>>
          %dma_start3A_632 = tpu.memref_squeeze %dma_start3A_631 : memref<1x80xi32, #tpu.memory_space<vmem>> -> memref<80xi32, #tpu.memory_space<vmem>>
          %dma_start3A_633 = tpu.memref_slice %arg3[%add3A_628] : memref<320000xi32, #tpu.memory_space<hbm>> -> memref<80xi32, #tpu.memory_space<hbm>>
          %dma_start3A_634 = arith.constant 0 : i32
          %dma_start3A_635 = tpu.memref_slice %arg10[%dma_start3A_629, %dma_start3A_634] : memref<2x80xi32, #tpu.memory_space<vmem>> -> memref<1x80xi32, #tpu.memory_space<vmem>>
          %dma_start3A_636 = tpu.memref_squeeze %dma_start3A_635 : memref<1x80xi32, #tpu.memory_space<vmem>> -> memref<80xi32, #tpu.memory_space<vmem>>
          %dma_start3A_637 = tpu.memref_slice %arg3[%add3A_628] : memref<320000xi32, #tpu.memory_space<hbm>> -> memref<80xi32, #tpu.memory_space<hbm>>
          tpu.enqueue_dma source(%dma_start3A_637 : memref<80xi32, #tpu.memory_space<hbm>>) target(%dma_start3A_636 : memref<80xi32, #tpu.memory_space<vmem>>) target_semaphore(%arg24 : memref<!tpu.dma_semaphore, #tpu.memory_space<semaphore_mem>>)
          %dma_start3A_638 = arith.constant 0 : i32
          %dma_start3A_639 = arith.constant 0 : i32
          %dma_start3A_640 = tpu.memref_slice %arg14[%dma_start3A_638, %dma_start3A_639] : memref<2x80xi32, #tpu.memory_space<vmem>> -> memref<1x80xi32, #tpu.memory_space<vmem>>
          %dma_start3A_641 = tpu.memref_squeeze %dma_start3A_640 : memref<1x80xi32, #tpu.memory_space<vmem>> -> memref<80xi32, #tpu.memory_space<vmem>>
          %dma_start3A_642 = tpu.memref_slice %arg4[%add3A_628] : memref<320000xi32, #tpu.memory_space<hbm>> -> memref<80xi32, #tpu.memory_space<hbm>>
          %dma_start3A_643 = arith.constant 0 : i32
          %dma_start3A_644 = tpu.memref_slice %arg14[%dma_start3A_638, %dma_start3A_643] : memref<2x80xi32, #tpu.memory_space<vmem>> -> memref<1x80xi32, #tpu.memory_space<vmem>>
          %dma_start3A_645 = tpu.memref_squeeze %dma_start3A_644 : memref<1x80xi32, #tpu.memory_space<vmem>> -> memref<80xi32, #tpu.memory_space<vmem>>
          %dma_start3A_646 = tpu.memref_slice %arg4[%add3A_628] : memref<320000xi32, #tpu.memory_space<hbm>> -> memref<80xi32, #tpu.memory_space<hbm>>
          tpu.enqueue_dma source(%dma_start3A_646 : memref<80xi32, #tpu.memory_space<hbm>>) target(%dma_start3A_645 : memref<80xi32, #tpu.memory_space<vmem>>) target_semaphore(%arg24 : memref<!tpu.dma_semaphore, #tpu.memory_space<semaphore_mem>>)
          %mul3A_647 = arith.constant 160 : i32
          %mul3A_648 = arith.muli %add3A_567, %mul3A_647 : i32
          %add3A_649 = arith.constant 80 : i32
          %add3A_650 = arith.addi %mul3A_648, %add3A_649 : i32
          %dma_start3A_651 = arith.constant 1 : i32
          %dma_start3A_652 = arith.constant 0 : i32
          %dma_start3A_653 = tpu.memref_slice %arg10[%dma_start3A_651, %dma_start3A_652] : memref<2x80xi32, #tpu.memory_space<vmem>> -> memref<1x80xi32, #tpu.memory_space<vmem>>
          %dma_start3A_654 = tpu.memref_squeeze %dma_start3A_653 : memref<1x80xi32, #tpu.memory_space<vmem>> -> memref<80xi32, #tpu.memory_space<vmem>>
          %dma_start3A_655 = tpu.memref_slice %arg3[%add3A_650] : memref<320000xi32, #tpu.memory_space<hbm>> -> memref<80xi32, #tpu.memory_space<hbm>>
          %dma_start3A_656 = arith.constant 0 : i32
          %dma_start3A_657 = tpu.memref_slice %arg10[%dma_start3A_651, %dma_start3A_656] : memref<2x80xi32, #tpu.memory_space<vmem>> -> memref<1x80xi32, #tpu.memory_space<vmem>>
          %dma_start3A_658 = tpu.memref_squeeze %dma_start3A_657 : memref<1x80xi32, #tpu.memory_space<vmem>> -> memref<80xi32, #tpu.memory_space<vmem>>
          %dma_start3A_659 = tpu.memref_slice %arg3[%add3A_650] : memref<320000xi32, #tpu.memory_space<hbm>> -> memref<80xi32, #tpu.memory_space<hbm>>
          tpu.enqueue_dma source(%dma_start3A_659 : memref<80xi32, #tpu.memory_space<hbm>>) target(%dma_start3A_658 : memref<80xi32, #tpu.memory_space<vmem>>) target_semaphore(%arg24 : memref<!tpu.dma_semaphore, #tpu.memory_space<semaphore_mem>>)
          %dma_start3A_660 = arith.constant 1 : i32
          %dma_start3A_661 = arith.constant 0 : i32
          %dma_start3A_662 = tpu.memref_slice %arg14[%dma_start3A_660, %dma_start3A_661] : memref<2x80xi32, #tpu.memory_space<vmem>> -> memref<1x80xi32, #tpu.memory_space<vmem>>
          %dma_start3A_663 = tpu.memref_squeeze %dma_start3A_662 : memref<1x80xi32, #tpu.memory_space<vmem>> -> memref<80xi32, #tpu.memory_space<vmem>>
          %dma_start3A_664 = tpu.memref_slice %arg4[%add3A_650] : memref<320000xi32, #tpu.memory_space<hbm>> -> memref<80xi32, #tpu.memory_space<hbm>>
          %dma_start3A_665 = arith.constant 0 : i32
          %dma_start3A_666 = tpu.memref_slice %arg14[%dma_start3A_660, %dma_start3A_665] : memref<2x80xi32, #tpu.memory_space<vmem>> -> memref<1x80xi32, #tpu.memory_space<vmem>>
          %dma_start3A_667 = tpu.memref_squeeze %dma_start3A_666 : memref<1x80xi32, #tpu.memory_space<vmem>> -> memref<80xi32, #tpu.memory_space<vmem>>
          %dma_start3A_668 = tpu.memref_slice %arg4[%add3A_650] : memref<320000xi32, #tpu.memory_space<hbm>> -> memref<80xi32, #tpu.memory_space<hbm>>
          tpu.enqueue_dma source(%dma_start3A_668 : memref<80xi32, #tpu.memory_space<hbm>>) target(%dma_start3A_667 : memref<80xi32, #tpu.memory_space<vmem>>) target_semaphore(%arg24 : memref<!tpu.dma_semaphore, #tpu.memory_space<semaphore_mem>>)
        } else {
        }
        %dma_wait3A_573 = arith.constant 0 : i32
        %dma_wait3A_574 = arith.constant 0 : i32
        %dma_wait3A_575 = arith.constant 0 : i32
        %dma_wait3A_576 = tpu.memref_slice %arg18[%dma_wait3A_574, %dma_wait3A_575] : memref<160x128xf32, #tpu.memory_space<vmem>> -> memref<80x128xf32, #tpu.memory_space<vmem>>
        %dma_wait3A_577 = arith.constant 0 : i32
        %dma_wait3A_578 = tpu.memref_slice %arg12[%dma_wait3A_573, %dma_wait3A_577] : memref<2x80xi32, #tpu.memory_space<vmem>> -> memref<1x80xi32, #tpu.memory_space<vmem>>
        %dma_wait3A_579 = tpu.memref_squeeze %dma_wait3A_578 : memref<1x80xi32, #tpu.memory_space<vmem>> -> memref<80xi32, #tpu.memory_space<vmem>>
        %dma_wait3A_580 = arith.constant 0 : i32
        %dma_wait3A_581 = arith.constant 0 : i32
        %dma_wait3A_582 = tpu.memref_slice %arg2[%dma_wait3A_580, %dma_wait3A_581] : memref<10000x128xf32, #tpu.memory_space<hbm>> -> memref<10000x128xf32, #tpu.memory_space<hbm>>
        tpu.wait_indirect_dma semaphore(%arg29 : memref<!tpu.dma_semaphore, #tpu.memory_space<semaphore_mem>>) src(%dma_wait3A_582 : memref<10000x128xf32, #tpu.memory_space<hbm>>) dst(%dma_wait3A_576 : memref<80x128xf32, #tpu.memory_space<vmem>>)
        %dma_start3A_583 = arith.constant 0 : i32
        %dma_start3A_584 = arith.constant 0 : i32
        %dma_start3A_585 = arith.constant 0 : i32
        %dma_start3A_586 = tpu.memref_slice %arg18[%dma_start3A_584, %dma_start3A_585] : memref<160x128xf32, #tpu.memory_space<vmem>> -> memref<80x128xf32, #tpu.memory_space<vmem>>
        %dma_start3A_587 = arith.constant 0 : i32
        %dma_start3A_588 = tpu.memref_slice %arg16[%dma_start3A_583, %dma_start3A_587] : memref<2x80xi32, #tpu.memory_space<vmem>> -> memref<1x80xi32, #tpu.memory_space<vmem>>
        %dma_start3A_589 = tpu.memref_squeeze %dma_start3A_588 : memref<1x80xi32, #tpu.memory_space<vmem>> -> memref<80xi32, #tpu.memory_space<vmem>>
        %dma_start3A_590 = arith.constant 0 : i32
        %dma_start3A_591 = arith.constant 0 : i32
        %dma_start3A_592 = tpu.memref_slice %arg21[%dma_start3A_590, %dma_start3A_591] : memref<10000x128xf32, #tpu.memory_space<vmem_shared>> -> memref<10000x128xf32, #tpu.memory_space<vmem_shared>>
        tpu.enqueue_indirect_dma source(%dma_start3A_586 : memref<80x128xf32, #tpu.memory_space<vmem>>) target(%dma_start3A_592 : memref<10000x128xf32, #tpu.memory_space<vmem_shared>>) offsets(%dma_start3A_589 : memref<80xi32, #tpu.memory_space<vmem>>) semaphore(%arg32 : memref<!tpu.dma_semaphore, #tpu.memory_space<semaphore_mem>>) {add = true}
        %dma_start3A_593 = arith.constant 0 : i32
        %dma_start3A_594 = arith.constant 0 : i32
        %dma_start3A_595 = tpu.memref_slice %arg16[%dma_start3A_593, %dma_start3A_594] : memref<2x80xi32, #tpu.memory_space<vmem>> -> memref<1x80xi32, #tpu.memory_space<vmem>>
        %dma_start3A_596 = tpu.memref_squeeze %dma_start3A_595 : memref<1x80xi32, #tpu.memory_space<vmem>> -> memref<80xi32, #tpu.memory_space<vmem>>
        %dma_start3A_597 = arith.constant 0 : i32
        %dma_start3A_598 = tpu.memref_slice %arg22[%dma_start3A_597] : memref<10000xf32, #tpu.memory_space<vmem_shared>> -> memref<10000xf32, #tpu.memory_space<vmem_shared>>
        tpu.enqueue_indirect_dma source(%arg19 : memref<80xf32, #tpu.memory_space<vmem>>) target(%dma_start3A_598 : memref<10000xf32, #tpu.memory_space<vmem_shared>>) offsets(%dma_start3A_596 : memref<80xi32, #tpu.memory_space<vmem>>) semaphore(%arg32 : memref<!tpu.dma_semaphore, #tpu.memory_space<semaphore_mem>>) {add = true}
        %dma_wait3A_599 = arith.constant 1 : i32
        %dma_wait3A_600 = arith.constant 80 : i32
        %dma_wait3A_601 = arith.constant 0 : i32
        %dma_wait3A_602 = tpu.memref_slice %arg18[%dma_wait3A_600, %dma_wait3A_601] : memref<160x128xf32, #tpu.memory_space<vmem>> -> memref<80x128xf32, #tpu.memory_space<vmem>>
        %dma_wait3A_603 = arith.constant 0 : i32
        %dma_wait3A_604 = tpu.memref_slice %arg12[%dma_wait3A_599, %dma_wait3A_603] : memref<2x80xi32, #tpu.memory_space<vmem>> -> memref<1x80xi32, #tpu.memory_space<vmem>>
        %dma_wait3A_605 = tpu.memref_squeeze %dma_wait3A_604 : memref<1x80xi32, #tpu.memory_space<vmem>> -> memref<80xi32, #tpu.memory_space<vmem>>
        %dma_wait3A_606 = arith.constant 0 : i32
        %dma_wait3A_607 = arith.constant 0 : i32
        %dma_wait3A_608 = tpu.memref_slice %arg2[%dma_wait3A_606, %dma_wait3A_607] : memref<10000x128xf32, #tpu.memory_space<hbm>> -> memref<10000x128xf32, #tpu.memory_space<hbm>>
        tpu.wait_indirect_dma semaphore(%arg30 : memref<!tpu.dma_semaphore, #tpu.memory_space<semaphore_mem>>) src(%dma_wait3A_608 : memref<10000x128xf32, #tpu.memory_space<hbm>>) dst(%dma_wait3A_602 : memref<80x128xf32, #tpu.memory_space<vmem>>)
        %dma_start3A_609 = arith.constant 1 : i32
        %dma_start3A_610 = arith.constant 80 : i32
        %dma_start3A_611 = arith.constant 0 : i32
        %dma_start3A_612 = tpu.memref_slice %arg18[%dma_start3A_610, %dma_start3A_611] : memref<160x128xf32, #tpu.memory_space<vmem>> -> memref<80x128xf32, #tpu.memory_space<vmem>>
        %dma_start3A_613 = arith.constant 0 : i32
        %dma_start3A_614 = tpu.memref_slice %arg16[%dma_start3A_609, %dma_start3A_613] : memref<2x80xi32, #tpu.memory_space<vmem>> -> memref<1x80xi32, #tpu.memory_space<vmem>>
        %dma_start3A_615 = tpu.memref_squeeze %dma_start3A_614 : memref<1x80xi32, #tpu.memory_space<vmem>> -> memref<80xi32, #tpu.memory_space<vmem>>
        %dma_start3A_616 = arith.constant 0 : i32
        %dma_start3A_617 = arith.constant 0 : i32
        %dma_start3A_618 = tpu.memref_slice %arg21[%dma_start3A_616, %dma_start3A_617] : memref<10000x128xf32, #tpu.memory_space<vmem_shared>> -> memref<10000x128xf32, #tpu.memory_space<vmem_shared>>
        tpu.enqueue_indirect_dma source(%dma_start3A_612 : memref<80x128xf32, #tpu.memory_space<vmem>>) target(%dma_start3A_618 : memref<10000x128xf32, #tpu.memory_space<vmem_shared>>) offsets(%dma_start3A_615 : memref<80xi32, #tpu.memory_space<vmem>>) semaphore(%arg32 : memref<!tpu.dma_semaphore, #tpu.memory_space<semaphore_mem>>) {add = true}
        %dma_start3A_619 = arith.constant 1 : i32
        %dma_start3A_620 = arith.constant 0 : i32
        %dma_start3A_621 = tpu.memref_slice %arg16[%dma_start3A_619, %dma_start3A_620] : memref<2x80xi32, #tpu.memory_space<vmem>> -> memref<1x80xi32, #tpu.memory_space<vmem>>
        %dma_start3A_622 = tpu.memref_squeeze %dma_start3A_621 : memref<1x80xi32, #tpu.memory_space<vmem>> -> memref<80xi32, #tpu.memory_space<vmem>>
        %dma_start3A_623 = arith.constant 0 : i32
        %dma_start3A_624 = tpu.memref_slice %arg22[%dma_start3A_623] : memref<10000xf32, #tpu.memory_space<vmem_shared>> -> memref<10000xf32, #tpu.memory_space<vmem_shared>>
        tpu.enqueue_indirect_dma source(%arg19 : memref<80xf32, #tpu.memory_space<vmem>>) target(%dma_start3A_624 : memref<10000xf32, #tpu.memory_space<vmem_shared>>) offsets(%dma_start3A_622 : memref<80xi32, #tpu.memory_space<vmem>>) semaphore(%arg32 : memref<!tpu.dma_semaphore, #tpu.memory_space<semaphore_mem>>) {add = true}
      } else {
      }
    }
    %scan3A_364 = arith.constant 16 : i32
    %dma_wait3A = arith.constant 0 : i32
    %dma_wait3A_365 = arith.constant 0 : i32
    %dma_wait3A_366 = arith.constant 0 : i32
    %dma_wait3A_367 = tpu.memref_slice %arg17[%dma_wait3A_365, %dma_wait3A_366] : memref<160x128xf32, #tpu.memory_space<vmem>> -> memref<80x128xf32, #tpu.memory_space<vmem>>
    %dma_wait3A_368 = arith.constant 0 : i32
    %dma_wait3A_369 = tpu.memref_slice %arg13[%dma_wait3A, %dma_wait3A_368] : memref<2x80xi32, #tpu.memory_space<vmem>> -> memref<1x80xi32, #tpu.memory_space<vmem>>
    %dma_wait3A_370 = tpu.memref_squeeze %dma_wait3A_369 : memref<1x80xi32, #tpu.memory_space<vmem>> -> memref<80xi32, #tpu.memory_space<vmem>>
    %dma_wait3A_371 = arith.constant 0 : i32
    %dma_wait3A_372 = arith.constant 0 : i32
    %dma_wait3A_373 = tpu.memref_slice %arg21[%dma_wait3A_371, %dma_wait3A_372] : memref<10000x128xf32, #tpu.memory_space<vmem_shared>> -> memref<10000x128xf32, #tpu.memory_space<vmem_shared>>
    tpu.wait_indirect_dma semaphore(%arg31 : memref<!tpu.dma_semaphore, #tpu.memory_space<semaphore_mem>>) src(%dma_wait3A_367 : memref<80x128xf32, #tpu.memory_space<vmem>>) dst(%dma_wait3A_373 : memref<10000x128xf32, #tpu.memory_space<vmem_shared>>)
    %dma_wait3A_374 = arith.constant 0 : i32
    %dma_wait3A_375 = arith.constant 0 : i32
    %dma_wait3A_376 = tpu.memref_slice %arg13[%dma_wait3A_374, %dma_wait3A_375] : memref<2x80xi32, #tpu.memory_space<vmem>> -> memref<1x80xi32, #tpu.memory_space<vmem>>
    %dma_wait3A_377 = tpu.memref_squeeze %dma_wait3A_376 : memref<1x80xi32, #tpu.memory_space<vmem>> -> memref<80xi32, #tpu.memory_space<vmem>>
    %dma_wait3A_378 = arith.constant 0 : i32
    %dma_wait3A_379 = tpu.memref_slice %arg22[%dma_wait3A_378] : memref<10000xf32, #tpu.memory_space<vmem_shared>> -> memref<10000xf32, #tpu.memory_space<vmem_shared>>
    tpu.wait_indirect_dma semaphore(%arg31 : memref<!tpu.dma_semaphore, #tpu.memory_space<semaphore_mem>>) src(%arg19 : memref<80xf32, #tpu.memory_space<vmem>>) dst(%dma_wait3A_379 : memref<10000xf32, #tpu.memory_space<vmem_shared>>)
    %dma_wait3A_380 = arith.constant 1 : i32
    %dma_wait3A_381 = arith.constant 80 : i32
    %dma_wait3A_382 = arith.constant 0 : i32
    %dma_wait3A_383 = tpu.memref_slice %arg17[%dma_wait3A_381, %dma_wait3A_382] : memref<160x128xf32, #tpu.memory_space<vmem>> -> memref<80x128xf32, #tpu.memory_space<vmem>>
    %dma_wait3A_384 = arith.constant 0 : i32
    %dma_wait3A_385 = tpu.memref_slice %arg13[%dma_wait3A_380, %dma_wait3A_384] : memref<2x80xi32, #tpu.memory_space<vmem>> -> memref<1x80xi32, #tpu.memory_space<vmem>>
    %dma_wait3A_386 = tpu.memref_squeeze %dma_wait3A_385 : memref<1x80xi32, #tpu.memory_space<vmem>> -> memref<80xi32, #tpu.memory_space<vmem>>
    %dma_wait3A_387 = arith.constant 0 : i32
    %dma_wait3A_388 = arith.constant 0 : i32
    %dma_wait3A_389 = tpu.memref_slice %arg21[%dma_wait3A_387, %dma_wait3A_388] : memref<10000x128xf32, #tpu.memory_space<vmem_shared>> -> memref<10000x128xf32, #tpu.memory_space<vmem_shared>>
    tpu.wait_indirect_dma semaphore(%arg31 : memref<!tpu.dma_semaphore, #tpu.memory_space<semaphore_mem>>) src(%dma_wait3A_383 : memref<80x128xf32, #tpu.memory_space<vmem>>) dst(%dma_wait3A_389 : memref<10000x128xf32, #tpu.memory_space<vmem_shared>>)
    %dma_wait3A_390 = arith.constant 1 : i32
    %dma_wait3A_391 = arith.constant 0 : i32
    %dma_wait3A_392 = tpu.memref_slice %arg13[%dma_wait3A_390, %dma_wait3A_391] : memref<2x80xi32, #tpu.memory_space<vmem>> -> memref<1x80xi32, #tpu.memory_space<vmem>>
    %dma_wait3A_393 = tpu.memref_squeeze %dma_wait3A_392 : memref<1x80xi32, #tpu.memory_space<vmem>> -> memref<80xi32, #tpu.memory_space<vmem>>
    %dma_wait3A_394 = arith.constant 0 : i32
    %dma_wait3A_395 = tpu.memref_slice %arg22[%dma_wait3A_394] : memref<10000xf32, #tpu.memory_space<vmem_shared>> -> memref<10000xf32, #tpu.memory_space<vmem_shared>>
    tpu.wait_indirect_dma semaphore(%arg31 : memref<!tpu.dma_semaphore, #tpu.memory_space<semaphore_mem>>) src(%arg19 : memref<80xf32, #tpu.memory_space<vmem>>) dst(%dma_wait3A_395 : memref<10000xf32, #tpu.memory_space<vmem_shared>>)
    %dma_wait3A_396 = arith.constant 0 : i32
    %dma_wait3A_397 = arith.constant 0 : i32
    %dma_wait3A_398 = arith.constant 0 : i32
    %dma_wait3A_399 = tpu.memref_slice %arg18[%dma_wait3A_397, %dma_wait3A_398] : memref<160x128xf32, #tpu.memory_space<vmem>> -> memref<80x128xf32, #tpu.memory_space<vmem>>
    %dma_wait3A_400 = arith.constant 0 : i32
    %dma_wait3A_401 = tpu.memref_slice %arg13[%dma_wait3A_396, %dma_wait3A_400] : memref<2x80xi32, #tpu.memory_space<vmem>> -> memref<1x80xi32, #tpu.memory_space<vmem>>
    %dma_wait3A_402 = tpu.memref_squeeze %dma_wait3A_401 : memref<1x80xi32, #tpu.memory_space<vmem>> -> memref<80xi32, #tpu.memory_space<vmem>>
    %dma_wait3A_403 = arith.constant 0 : i32
    %dma_wait3A_404 = arith.constant 0 : i32
    %dma_wait3A_405 = tpu.memref_slice %arg21[%dma_wait3A_403, %dma_wait3A_404] : memref<10000x128xf32, #tpu.memory_space<vmem_shared>> -> memref<10000x128xf32, #tpu.memory_space<vmem_shared>>
    tpu.wait_indirect_dma semaphore(%arg32 : memref<!tpu.dma_semaphore, #tpu.memory_space<semaphore_mem>>) src(%dma_wait3A_399 : memref<80x128xf32, #tpu.memory_space<vmem>>) dst(%dma_wait3A_405 : memref<10000x128xf32, #tpu.memory_space<vmem_shared>>)
    %dma_wait3A_406 = arith.constant 0 : i32
    %dma_wait3A_407 = arith.constant 0 : i32
    %dma_wait3A_408 = tpu.memref_slice %arg13[%dma_wait3A_406, %dma_wait3A_407] : memref<2x80xi32, #tpu.memory_space<vmem>> -> memref<1x80xi32, #tpu.memory_space<vmem>>
    %dma_wait3A_409 = tpu.memref_squeeze %dma_wait3A_408 : memref<1x80xi32, #tpu.memory_space<vmem>> -> memref<80xi32, #tpu.memory_space<vmem>>
    %dma_wait3A_410 = arith.constant 0 : i32
    %dma_wait3A_411 = tpu.memref_slice %arg22[%dma_wait3A_410] : memref<10000xf32, #tpu.memory_space<vmem_shared>> -> memref<10000xf32, #tpu.memory_space<vmem_shared>>
    tpu.wait_indirect_dma semaphore(%arg32 : memref<!tpu.dma_semaphore, #tpu.memory_space<semaphore_mem>>) src(%arg19 : memref<80xf32, #tpu.memory_space<vmem>>) dst(%dma_wait3A_411 : memref<10000xf32, #tpu.memory_space<vmem_shared>>)
    %dma_wait3A_412 = arith.constant 1 : i32
    %dma_wait3A_413 = arith.constant 80 : i32
    %dma_wait3A_414 = arith.constant 0 : i32
    %dma_wait3A_415 = tpu.memref_slice %arg18[%dma_wait3A_413, %dma_wait3A_414] : memref<160x128xf32, #tpu.memory_space<vmem>> -> memref<80x128xf32, #tpu.memory_space<vmem>>
    %dma_wait3A_416 = arith.constant 0 : i32
    %dma_wait3A_417 = tpu.memref_slice %arg13[%dma_wait3A_412, %dma_wait3A_416] : memref<2x80xi32, #tpu.memory_space<vmem>> -> memref<1x80xi32, #tpu.memory_space<vmem>>
    %dma_wait3A_418 = tpu.memref_squeeze %dma_wait3A_417 : memref<1x80xi32, #tpu.memory_space<vmem>> -> memref<80xi32, #tpu.memory_space<vmem>>
    %dma_wait3A_419 = arith.constant 0 : i32
    %dma_wait3A_420 = arith.constant 0 : i32
    %dma_wait3A_421 = tpu.memref_slice %arg21[%dma_wait3A_419, %dma_wait3A_420] : memref<10000x128xf32, #tpu.memory_space<vmem_shared>> -> memref<10000x128xf32, #tpu.memory_space<vmem_shared>>
    tpu.wait_indirect_dma semaphore(%arg32 : memref<!tpu.dma_semaphore, #tpu.memory_space<semaphore_mem>>) src(%dma_wait3A_415 : memref<80x128xf32, #tpu.memory_space<vmem>>) dst(%dma_wait3A_421 : memref<10000x128xf32, #tpu.memory_space<vmem_shared>>)
    %dma_wait3A_422 = arith.constant 1 : i32
    %dma_wait3A_423 = arith.constant 0 : i32
    %dma_wait3A_424 = tpu.memref_slice %arg13[%dma_wait3A_422, %dma_wait3A_423] : memref<2x80xi32, #tpu.memory_space<vmem>> -> memref<1x80xi32, #tpu.memory_space<vmem>>
    %dma_wait3A_425 = tpu.memref_squeeze %dma_wait3A_424 : memref<1x80xi32, #tpu.memory_space<vmem>> -> memref<80xi32, #tpu.memory_space<vmem>>
    %dma_wait3A_426 = arith.constant 0 : i32
    %dma_wait3A_427 = tpu.memref_slice %arg22[%dma_wait3A_426] : memref<10000xf32, #tpu.memory_space<vmem_shared>> -> memref<10000xf32, #tpu.memory_space<vmem_shared>>
    tpu.wait_indirect_dma semaphore(%arg32 : memref<!tpu.dma_semaphore, #tpu.memory_space<semaphore_mem>>) src(%arg19 : memref<80xf32, #tpu.memory_space<vmem>>) dst(%dma_wait3A_427 : memref<10000xf32, #tpu.memory_space<vmem_shared>>)
    %barrier3A_428 = arith.constant 0 : index
    tpu.barrier barrier_id(%barrier3A_428)
    %mul3A_429 = arith.constant 624 : i32
    %mul3A_430 = arith.muli %arg1, %mul3A_429 : i32
    %mul3A_431 = arith.constant 624 : i32
    %mul3A_432 = arith.muli %arg1, %mul3A_431 : i32
    "tpu.region"() ({
      %run_scoped3A = tpu.sem_alloc : memref<!tpu.dma_semaphore, #tpu.memory_space<semaphore_mem>>
      %dma_start3A_450 = arith.constant 0 : i32
      %dma_start3A_451 = tpu.memref_slice %arg6[%arg0, %mul3A_432, %dma_start3A_450] : memref<2x10000x128xf32, #tpu.memory_space<hbm>> -> memref<1x624x128xf32, #tpu.memory_space<hbm>>
      %dma_start3A_452 = tpu.memref_squeeze %dma_start3A_451 : memref<1x624x128xf32, #tpu.memory_space<hbm>> -> memref<624x128xf32, #tpu.memory_space<hbm>>
      %dma_start3A_453 = arith.constant 0 : i32
      %dma_start3A_454 = tpu.memref_slice %arg21[%mul3A_430, %dma_start3A_453] : memref<10000x128xf32, #tpu.memory_space<vmem_shared>> -> memref<624x128xf32, #tpu.memory_space<vmem_shared>>
      tpu.enqueue_dma source(%dma_start3A_454 : memref<624x128xf32, #tpu.memory_space<vmem_shared>>) target(%dma_start3A_452 : memref<624x128xf32, #tpu.memory_space<hbm>>) target_semaphore(%run_scoped3A : memref<!tpu.dma_semaphore, #tpu.memory_space<semaphore_mem>>)
      %dma_wait3A_455 = arith.constant 0 : i32
      %dma_wait3A_456 = tpu.memref_slice %arg6[%arg0, %mul3A_432, %dma_wait3A_455] : memref<2x10000x128xf32, #tpu.memory_space<hbm>> -> memref<1x624x128xf32, #tpu.memory_space<hbm>>
      %dma_wait3A_457 = tpu.memref_squeeze %dma_wait3A_456 : memref<1x624x128xf32, #tpu.memory_space<hbm>> -> memref<624x128xf32, #tpu.memory_space<hbm>>
      %dma_wait3A_458 = arith.constant 0 : i32
      %dma_wait3A_459 = tpu.memref_slice %arg21[%mul3A_430, %dma_wait3A_458] : memref<10000x128xf32, #tpu.memory_space<vmem_shared>> -> memref<624x128xf32, #tpu.memory_space<vmem_shared>>
      tpu.wait_dma2 semaphore(%run_scoped3A : memref<!tpu.dma_semaphore, #tpu.memory_space<semaphore_mem>>) src(%dma_wait3A_459 : memref<624x128xf32, #tpu.memory_space<vmem_shared>>) dst(%dma_wait3A_457 : memref<624x128xf32, #tpu.memory_space<hbm>>)
      tpu.yield
    }) : () -> ()
    %mul3A_433 = arith.constant 624 : i32
    %mul3A_434 = arith.muli %arg1, %mul3A_433 : i32
    "tpu.region"() ({
      %run_scoped3A = tpu.sem_alloc : memref<!tpu.dma_semaphore, #tpu.memory_space<semaphore_mem>>
      %dma_start3A_450 = tpu.memref_slice %arg22[%mul3A_434] : memref<10000xf32, #tpu.memory_space<vmem_shared>> -> memref<624xf32, #tpu.memory_space<vmem_shared>>
      %dma_start3A_451 = tpu.memref_slice %arg22[%mul3A_434] : memref<10000xf32, #tpu.memory_space<vmem_shared>> -> memref<624xf32, #tpu.memory_space<vmem_shared>>
      tpu.enqueue_dma source(%dma_start3A_451 : memref<624xf32, #tpu.memory_space<vmem_shared>>) target(%arg20 : memref<624xf32, #tpu.memory_space<vmem>>) target_semaphore(%run_scoped3A : memref<!tpu.dma_semaphore, #tpu.memory_space<semaphore_mem>>)
      %dma_wait3A_452 = tpu.memref_slice %arg22[%mul3A_434] : memref<10000xf32, #tpu.memory_space<vmem_shared>> -> memref<624xf32, #tpu.memory_space<vmem_shared>>
      %dma_wait3A_453 = tpu.memref_slice %arg22[%mul3A_434] : memref<10000xf32, #tpu.memory_space<vmem_shared>> -> memref<624xf32, #tpu.memory_space<vmem_shared>>
      tpu.wait_dma2 semaphore(%run_scoped3A : memref<!tpu.dma_semaphore, #tpu.memory_space<semaphore_mem>>) src(%dma_wait3A_453 : memref<624xf32, #tpu.memory_space<vmem_shared>>) dst(%arg20 : memref<624xf32, #tpu.memory_space<vmem>>)
      tpu.yield
    }) : () -> ()
    %eq3A_435 = arith.constant 0 : i32
    %eq3A_436 = arith.cmpi eq, %arg0, %eq3A_435 : i32
    %convert_element_type3A_437 = arith.extui %eq3A_436 : i1 to i32
    %cond3A_438 = arith.constant 0 : i32
    %cond3A_439 = arith.cmpi ne, %convert_element_type3A_437, %cond3A_438 : i32
    scf.if %cond3A_439 {
      %mul3A_450 = arith.constant 624 : i32
      %mul3A_451 = arith.muli %arg1, %mul3A_450 : i32
      "tpu.region"() ({
        %run_scoped3A = tpu.sem_alloc : memref<!tpu.dma_semaphore, #tpu.memory_space<semaphore_mem>>
        %dma_start3A_452 = tpu.memref_slice %arg7[%mul3A_451] : memref<10000xf32, #tpu.memory_space<hbm>> -> memref<624xf32, #tpu.memory_space<hbm>>
        %dma_start3A_453 = tpu.memref_slice %arg7[%mul3A_451] : memref<10000xf32, #tpu.memory_space<hbm>> -> memref<624xf32, #tpu.memory_space<hbm>>
        tpu.enqueue_dma source(%arg20 : memref<624xf32, #tpu.memory_space<vmem>>) target(%dma_start3A_453 : memref<624xf32, #tpu.memory_space<hbm>>) target_semaphore(%run_scoped3A : memref<!tpu.dma_semaphore, #tpu.memory_space<semaphore_mem>>)
        %dma_wait3A_454 = tpu.memref_slice %arg7[%mul3A_451] : memref<10000xf32, #tpu.memory_space<hbm>> -> memref<624xf32, #tpu.memory_space<hbm>>
        %dma_wait3A_455 = tpu.memref_slice %arg7[%mul3A_451] : memref<10000xf32, #tpu.memory_space<hbm>> -> memref<624xf32, #tpu.memory_space<hbm>>
        tpu.wait_dma2 semaphore(%run_scoped3A : memref<!tpu.dma_semaphore, #tpu.memory_space<semaphore_mem>>) src(%arg20 : memref<624xf32, #tpu.memory_space<vmem>>) dst(%dma_wait3A_455 : memref<624xf32, #tpu.memory_space<hbm>>)
        tpu.yield
      }) : () -> ()
    } else {
    }
    %eq3A_440 = arith.constant 1 : i32
    %eq3A_441 = arith.cmpi eq, %arg0, %eq3A_440 : i32
    %convert_element_type3A_442 = arith.extui %eq3A_441 : i1 to i32
    %cond3A_443 = arith.constant 0 : i32
    %cond3A_444 = arith.cmpi ne, %convert_element_type3A_442, %cond3A_443 : i32
    scf.if %cond3A_444 {
      %mul3A_450 = arith.constant 624 : i32
      %mul3A_451 = arith.muli %arg1, %mul3A_450 : i32
      "tpu.region"() ({
        %run_scoped3A = tpu.sem_alloc : memref<!tpu.dma_semaphore, #tpu.memory_space<semaphore_mem>>
        %dma_start3A_452 = tpu.memref_slice %arg8[%mul3A_451] : memref<10000xf32, #tpu.memory_space<hbm>> -> memref<624xf32, #tpu.memory_space<hbm>>
        %dma_start3A_453 = tpu.memref_slice %arg8[%mul3A_451] : memref<10000xf32, #tpu.memory_space<hbm>> -> memref<624xf32, #tpu.memory_space<hbm>>
        tpu.enqueue_dma source(%arg20 : memref<624xf32, #tpu.memory_space<vmem>>) target(%dma_start3A_453 : memref<624xf32, #tpu.memory_space<hbm>>) target_semaphore(%run_scoped3A : memref<!tpu.dma_semaphore, #tpu.memory_space<semaphore_mem>>)
        %dma_wait3A_454 = tpu.memref_slice %arg8[%mul3A_451] : memref<10000xf32, #tpu.memory_space<hbm>> -> memref<624xf32, #tpu.memory_space<hbm>>
        %dma_wait3A_455 = tpu.memref_slice %arg8[%mul3A_451] : memref<10000xf32, #tpu.memory_space<hbm>> -> memref<624xf32, #tpu.memory_space<hbm>>
        tpu.wait_dma2 semaphore(%run_scoped3A : memref<!tpu.dma_semaphore, #tpu.memory_space<semaphore_mem>>) src(%arg20 : memref<624xf32, #tpu.memory_space<vmem>>) dst(%dma_wait3A_455 : memref<624xf32, #tpu.memory_space<hbm>>)
        tpu.yield
      }) : () -> ()
    } else {
    }
    %eq3A_445 = arith.constant 0 : i32
    %eq3A_446 = arith.cmpi eq, %arg1, %eq3A_445 : i32
    %convert_element_type3A_447 = arith.extui %eq3A_446 : i1 to i32
    %cond3A_448 = arith.constant 0 : i32
    %cond3A_449 = arith.cmpi ne, %convert_element_type3A_447, %cond3A_448 : i32
    scf.if %cond3A_449 {
      "tpu.region"() ({
        %run_scoped3A = tpu.sem_alloc : memref<!tpu.dma_semaphore, #tpu.memory_space<semaphore_mem>>
        %dma_start3A_460 = arith.constant 9984 : i32
        %dma_start3A_461 = arith.constant 0 : i32
        %dma_start3A_462 = tpu.memref_slice %arg6[%arg0, %dma_start3A_460, %dma_start3A_461] : memref<2x10000x128xf32, #tpu.memory_space<hbm>> -> memref<1x16x128xf32, #tpu.memory_space<hbm>>
        %dma_start3A_463 = tpu.memref_squeeze %dma_start3A_462 : memref<1x16x128xf32, #tpu.memory_space<hbm>> -> memref<16x128xf32, #tpu.memory_space<hbm>>
        %dma_start3A_464 = arith.constant 9984 : i32
        %dma_start3A_465 = arith.constant 0 : i32
        %dma_start3A_466 = tpu.memref_slice %arg21[%dma_start3A_464, %dma_start3A_465] : memref<10000x128xf32, #tpu.memory_space<vmem_shared>> -> memref<16x128xf32, #tpu.memory_space<vmem_shared>>
        tpu.enqueue_dma source(%dma_start3A_466 : memref<16x128xf32, #tpu.memory_space<vmem_shared>>) target(%dma_start3A_463 : memref<16x128xf32, #tpu.memory_space<hbm>>) target_semaphore(%run_scoped3A : memref<!tpu.dma_semaphore, #tpu.memory_space<semaphore_mem>>)
        %dma_wait3A_467 = arith.constant 9984 : i32
        %dma_wait3A_468 = arith.constant 0 : i32
        %dma_wait3A_469 = tpu.memref_slice %arg6[%arg0, %dma_wait3A_467, %dma_wait3A_468] : memref<2x10000x128xf32, #tpu.memory_space<hbm>> -> memref<1x16x128xf32, #tpu.memory_space<hbm>>
        %dma_wait3A_470 = tpu.memref_squeeze %dma_wait3A_469 : memref<1x16x128xf32, #tpu.memory_space<hbm>> -> memref<16x128xf32, #tpu.memory_space<hbm>>
        %dma_wait3A_471 = arith.constant 9984 : i32
        %dma_wait3A_472 = arith.constant 0 : i32
        %dma_wait3A_473 = tpu.memref_slice %arg21[%dma_wait3A_471, %dma_wait3A_472] : memref<10000x128xf32, #tpu.memory_space<vmem_shared>> -> memref<16x128xf32, #tpu.memory_space<vmem_shared>>
        tpu.wait_dma2 semaphore(%run_scoped3A : memref<!tpu.dma_semaphore, #tpu.memory_space<semaphore_mem>>) src(%dma_wait3A_473 : memref<16x128xf32, #tpu.memory_space<vmem_shared>>) dst(%dma_wait3A_470 : memref<16x128xf32, #tpu.memory_space<hbm>>)
        tpu.yield
      }) : () -> ()
      "tpu.region"() ({
        %run_scoped3A = tpu.sem_alloc : memref<!tpu.dma_semaphore, #tpu.memory_space<semaphore_mem>>
        %dma_start3A_460 = arith.constant 0 : i32
        %dma_start3A_461 = tpu.memref_slice %arg20[%dma_start3A_460] : memref<624xf32, #tpu.memory_space<vmem>> -> memref<16xf32, #tpu.memory_space<vmem>>
        %dma_start3A_462 = arith.constant 9984 : i32
        %dma_start3A_463 = tpu.memref_slice %arg22[%dma_start3A_462] : memref<10000xf32, #tpu.memory_space<vmem_shared>> -> memref<16xf32, #tpu.memory_space<vmem_shared>>
        %dma_start3A_464 = arith.constant 0 : i32
        %dma_start3A_465 = tpu.memref_slice %arg20[%dma_start3A_464] : memref<624xf32, #tpu.memory_space<vmem>> -> memref<16xf32, #tpu.memory_space<vmem>>
        %dma_start3A_466 = arith.constant 9984 : i32
        %dma_start3A_467 = tpu.memref_slice %arg22[%dma_start3A_466] : memref<10000xf32, #tpu.memory_space<vmem_shared>> -> memref<16xf32, #tpu.memory_space<vmem_shared>>
        tpu.enqueue_dma source(%dma_start3A_467 : memref<16xf32, #tpu.memory_space<vmem_shared>>) target(%dma_start3A_465 : memref<16xf32, #tpu.memory_space<vmem>>) target_semaphore(%run_scoped3A : memref<!tpu.dma_semaphore, #tpu.memory_space<semaphore_mem>>)
        %dma_wait3A_468 = arith.constant 0 : i32
        %dma_wait3A_469 = tpu.memref_slice %arg20[%dma_wait3A_468] : memref<624xf32, #tpu.memory_space<vmem>> -> memref<16xf32, #tpu.memory_space<vmem>>
        %dma_wait3A_470 = arith.constant 9984 : i32
        %dma_wait3A_471 = tpu.memref_slice %arg22[%dma_wait3A_470] : memref<10000xf32, #tpu.memory_space<vmem_shared>> -> memref<16xf32, #tpu.memory_space<vmem_shared>>
        %dma_wait3A_472 = arith.constant 0 : i32
        %dma_wait3A_473 = tpu.memref_slice %arg20[%dma_wait3A_472] : memref<624xf32, #tpu.memory_space<vmem>> -> memref<16xf32, #tpu.memory_space<vmem>>
        %dma_wait3A_474 = arith.constant 9984 : i32
        %dma_wait3A_475 = tpu.memref_slice %arg22[%dma_wait3A_474] : memref<10000xf32, #tpu.memory_space<vmem_shared>> -> memref<16xf32, #tpu.memory_space<vmem_shared>>
        tpu.wait_dma2 semaphore(%run_scoped3A : memref<!tpu.dma_semaphore, #tpu.memory_space<semaphore_mem>>) src(%dma_wait3A_475 : memref<16xf32, #tpu.memory_space<vmem_shared>>) dst(%dma_wait3A_473 : memref<16xf32, #tpu.memory_space<vmem>>)
        tpu.yield
      }) : () -> ()
      %eq3A_450 = arith.constant 0 : i32
      %eq3A_451 = arith.cmpi eq, %arg0, %eq3A_450 : i32
      %convert_element_type3A_452 = arith.extui %eq3A_451 : i1 to i32
      %cond3A_453 = arith.constant 0 : i32
      %cond3A_454 = arith.cmpi ne, %convert_element_type3A_452, %cond3A_453 : i32
      scf.if %cond3A_454 {
        "tpu.region"() ({
          %run_scoped3A = tpu.sem_alloc : memref<!tpu.dma_semaphore, #tpu.memory_space<semaphore_mem>>
          %dma_start3A_460 = arith.constant 0 : i32
          %dma_start3A_461 = tpu.memref_slice %arg20[%dma_start3A_460] : memref<624xf32, #tpu.memory_space<vmem>> -> memref<16xf32, #tpu.memory_space<vmem>>
          %dma_start3A_462 = arith.constant 9984 : i32
          %dma_start3A_463 = tpu.memref_slice %arg7[%dma_start3A_462] : memref<10000xf32, #tpu.memory_space<hbm>> -> memref<16xf32, #tpu.memory_space<hbm>>
          %dma_start3A_464 = arith.constant 9984 : i32
          %dma_start3A_465 = tpu.memref_slice %arg7[%dma_start3A_464] : memref<10000xf32, #tpu.memory_space<hbm>> -> memref<16xf32, #tpu.memory_space<hbm>>
          %dma_start3A_466 = arith.constant 0 : i32
          %dma_start3A_467 = tpu.memref_slice %arg20[%dma_start3A_466] : memref<624xf32, #tpu.memory_space<vmem>> -> memref<16xf32, #tpu.memory_space<vmem>>
          tpu.enqueue_dma source(%dma_start3A_467 : memref<16xf32, #tpu.memory_space<vmem>>) target(%dma_start3A_465 : memref<16xf32, #tpu.memory_space<hbm>>) target_semaphore(%run_scoped3A : memref<!tpu.dma_semaphore, #tpu.memory_space<semaphore_mem>>)
          %dma_wait3A_468 = arith.constant 0 : i32
          %dma_wait3A_469 = tpu.memref_slice %arg20[%dma_wait3A_468] : memref<624xf32, #tpu.memory_space<vmem>> -> memref<16xf32, #tpu.memory_space<vmem>>
          %dma_wait3A_470 = arith.constant 9984 : i32
          %dma_wait3A_471 = tpu.memref_slice %arg7[%dma_wait3A_470] : memref<10000xf32, #tpu.memory_space<hbm>> -> memref<16xf32, #tpu.memory_space<hbm>>
          %dma_wait3A_472 = arith.constant 9984 : i32
          %dma_wait3A_473 = tpu.memref_slice %arg7[%dma_wait3A_472] : memref<10000xf32, #tpu.memory_space<hbm>> -> memref<16xf32, #tpu.memory_space<hbm>>
          %dma_wait3A_474 = arith.constant 0 : i32
          %dma_wait3A_475 = tpu.memref_slice %arg20[%dma_wait3A_474] : memref<624xf32, #tpu.memory_space<vmem>> -> memref<16xf32, #tpu.memory_space<vmem>>
          tpu.wait_dma2 semaphore(%run_scoped3A : memref<!tpu.dma_semaphore, #tpu.memory_space<semaphore_mem>>) src(%dma_wait3A_475 : memref<16xf32, #tpu.memory_space<vmem>>) dst(%dma_wait3A_473 : memref<16xf32, #tpu.memory_space<hbm>>)
          tpu.yield
        }) : () -> ()
      } else {
      }
      %eq3A_455 = arith.constant 1 : i32
      %eq3A_456 = arith.cmpi eq, %arg0, %eq3A_455 : i32
      %convert_element_type3A_457 = arith.extui %eq3A_456 : i1 to i32
      %cond3A_458 = arith.constant 0 : i32
      %cond3A_459 = arith.cmpi ne, %convert_element_type3A_457, %cond3A_458 : i32
      scf.if %cond3A_459 {
        "tpu.region"() ({
          %run_scoped3A = tpu.sem_alloc : memref<!tpu.dma_semaphore, #tpu.memory_space<semaphore_mem>>
          %dma_start3A_460 = arith.constant 0 : i32
          %dma_start3A_461 = tpu.memref_slice %arg20[%dma_start3A_460] : memref<624xf32, #tpu.memory_space<vmem>> -> memref<16xf32, #tpu.memory_space<vmem>>
          %dma_start3A_462 = arith.constant 9984 : i32
          %dma_start3A_463 = tpu.memref_slice %arg8[%dma_start3A_462] : memref<10000xf32, #tpu.memory_space<hbm>> -> memref<16xf32, #tpu.memory_space<hbm>>
          %dma_start3A_464 = arith.constant 9984 : i32
          %dma_start3A_465 = tpu.memref_slice %arg8[%dma_start3A_464] : memref<10000xf32, #tpu.memory_space<hbm>> -> memref<16xf32, #tpu.memory_space<hbm>>
          %dma_start3A_466 = arith.constant 0 : i32
          %dma_start3A_467 = tpu.memref_slice %arg20[%dma_start3A_466] : memref<624xf32, #tpu.memory_space<vmem>> -> memref<16xf32, #tpu.memory_space<vmem>>
          tpu.enqueue_dma source(%dma_start3A_467 : memref<16xf32, #tpu.memory_space<vmem>>) target(%dma_start3A_465 : memref<16xf32, #tpu.memory_space<hbm>>) target_semaphore(%run_scoped3A : memref<!tpu.dma_semaphore, #tpu.memory_space<semaphore_mem>>)
          %dma_wait3A_468 = arith.constant 0 : i32
          %dma_wait3A_469 = tpu.memref_slice %arg20[%dma_wait3A_468] : memref<624xf32, #tpu.memory_space<vmem>> -> memref<16xf32, #tpu.memory_space<vmem>>
          %dma_wait3A_470 = arith.constant 9984 : i32
          %dma_wait3A_471 = tpu.memref_slice %arg8[%dma_wait3A_470] : memref<10000xf32, #tpu.memory_space<hbm>> -> memref<16xf32, #tpu.memory_space<hbm>>
          %dma_wait3A_472 = arith.constant 9984 : i32
          %dma_wait3A_473 = tpu.memref_slice %arg8[%dma_wait3A_472] : memref<10000xf32, #tpu.memory_space<hbm>> -> memref<16xf32, #tpu.memory_space<hbm>>
          %dma_wait3A_474 = arith.constant 0 : i32
          %dma_wait3A_475 = tpu.memref_slice %arg20[%dma_wait3A_474] : memref<624xf32, #tpu.memory_space<vmem>> -> memref<16xf32, #tpu.memory_space<vmem>>
          tpu.wait_dma2 semaphore(%run_scoped3A : memref<!tpu.dma_semaphore, #tpu.memory_space<semaphore_mem>>) src(%dma_wait3A_475 : memref<16xf32, #tpu.memory_space<vmem>>) dst(%dma_wait3A_473 : memref<16xf32, #tpu.memory_space<hbm>>)
          tpu.yield
        }) : () -> ()
      } else {
      }
    } else {
    }
    return
  }
}

module attributes {stable_mosaic.version = 14 : i64} {
  func.func @_combine_body(%arg0: i32, %arg1: memref<2x2000x128xf32, #tpu.memory_space<vmem>>, %arg2: memref<2000x1xf32, #tpu.memory_space<vmem>>, %arg3: memref<2000x1xf32, #tpu.memory_space<vmem>>, %arg4: memref<2000x128xf32, #tpu.memory_space<vmem>>, %arg5: memref<4xf32, #tpu.memory_space<smem>>, %arg6: memref<2000x128xf32, #tpu.memory_space<vmem>>) attributes {dimension_semantics = [#tpu.dimension_semantics<arbitrary>], iteration_bounds = array<i64: 5>, scalar_prefetch = 0 : i64, scratch_operands = 0 : i64, tpu.core_type = #tpu.core_type<tc>, window_params = [{transform_indices = @transform_0, window_bounds = array<i64: 2, 2000, 128>}, {transform_indices = @transform_1, window_bounds = array<i64: 2000, 1>}, {transform_indices = @transform_2, window_bounds = array<i64: 2000, 1>}, {transform_indices = @transform_3, window_bounds = array<i64: 2000, 128>}, {transform_indices = @transform_4, window_bounds = array<i64: 4>}, {transform_indices = @transform_5, window_bounds = array<i64: 2000, 128>}]} {
    %get3A = arith.constant 0 : index
    %get3A_0 = memref.load %arg5[%get3A] : memref<4xf32, #tpu.memory_space<smem>>
    %get3A_1 = arith.constant 1 : index
    %get3A_2 = memref.load %arg5[%get3A_1] : memref<4xf32, #tpu.memory_space<smem>>
    %get3A_3 = arith.constant 2 : index
    %get3A_4 = memref.load %arg5[%get3A_3] : memref<4xf32, #tpu.memory_space<smem>>
    %get3A_5 = arith.constant 0 : index
    %get3A_6 = arith.constant 0 : index
    %get3A_7 = arith.constant 0 : index
    %get3A_8 = vector.load %arg1[%get3A_5, %get3A_6, %get3A_7] : memref<2x2000x128xf32, #tpu.memory_space<vmem>>, vector<1x2000x128xf32>
    %get3A_9 = vector.shape_cast %get3A_8 : vector<1x2000x128xf32> to vector<2000x128xf32>
    %get3A_10 = arith.constant 1 : index
    %get3A_11 = arith.constant 0 : index
    %get3A_12 = arith.constant 0 : index
    %get3A_13 = vector.load %arg1[%get3A_10, %get3A_11, %get3A_12] : memref<2x2000x128xf32, #tpu.memory_space<vmem>>, vector<1x2000x128xf32>
    %get3A_14 = vector.shape_cast %get3A_13 : vector<1x2000x128xf32> to vector<2000x128xf32>
    %add3A = arith.addf %get3A_9, %get3A_14 : vector<2000x128xf32>
    %get3A_15 = arith.constant 0 : index
    %get3A_16 = arith.constant 0 : index
    %get3A_17 = vector.load %arg2[%get3A_15, %get3A_16] : memref<2000x1xf32, #tpu.memory_space<vmem>>, vector<2000x1xf32>
    %get3A_18 = arith.constant 0 : index
    %get3A_19 = arith.constant 0 : index
    %get3A_20 = vector.load %arg3[%get3A_18, %get3A_19] : memref<2000x1xf32, #tpu.memory_space<vmem>>, vector<2000x1xf32>
    %add3A_21 = arith.addf %get3A_17, %get3A_20 : vector<2000x1xf32>
    %get3A_22 = arith.constant 0 : index
    %get3A_23 = arith.constant 0 : index
    %get3A_24 = vector.load %arg4[%get3A_22, %get3A_23] : memref<2000x128xf32, #tpu.memory_space<vmem>>, vector<2000x128xf32>
    %mul3A = vector.broadcast %get3A_0 : f32 to vector<2000x128xf32>
    %mul3A_25 = arith.mulf %mul3A, %add3A : vector<2000x128xf32>
    %mul3A_26 = vector.broadcast %add3A_21 : vector<2000x1xf32> to vector<2000x128xf32>
    %mul3A_27 = arith.mulf %mul3A_26, %get3A_24 : vector<2000x128xf32>
    %add3A_28 = arith.addf %mul3A_25, %mul3A_27 : vector<2000x128xf32>
    %gt3A = arith.constant 0.000000e+00 : f32
    %gt3A_29 = vector.broadcast %gt3A : f32 to vector<2000x1xf32>
    %gt3A_30 = arith.cmpf ogt, %add3A_21, %gt3A_29 : vector<2000x1xf32>
    %broadcast_in_dim3A = vector.shape_cast %gt3A_30 : vector<2000x1xi1> to vector<2000x1xi1>
    %broadcast_in_dim3A_31 = vector.broadcast %broadcast_in_dim3A : vector<2000x1xi1> to vector<2000x128xi1>
    %select_n3A = arith.select %broadcast_in_dim3A_31, %add3A_28, %get3A_24 : vector<2000x128xi1>, vector<2000x128xf32>
    %add3A_32 = arith.constant 1.000000e+00 : f32
    %add3A_33 = vector.broadcast %add3A_32 : f32 to vector<2000x128xf32>
    %add3A_34 = arith.addf %select_n3A, %add3A_33 : vector<2000x128xf32>
    %mul3A_35 = vector.broadcast %get3A_2 : f32 to vector<2000x128xf32>
    %mul3A_36 = arith.mulf %mul3A_35, %get3A_24 : vector<2000x128xf32>
    %add3A_37 = arith.addf %add3A_34, %mul3A_36 : vector<2000x128xf32>
    %mul3A_38 = vector.broadcast %get3A_4 : f32 to vector<2000x128xf32>
    %mul3A_39 = arith.mulf %mul3A_38, %add3A_37 : vector<2000x128xf32>
    %swap3A = arith.constant 0 : index
    %swap3A_40 = arith.constant 0 : index
    %swap3A_41 = vector.load %arg6[%swap3A, %swap3A_40] : memref<2000x128xf32, #tpu.memory_space<vmem>>, vector<2000x128xf32>
    tpu.vector_store %arg6[%swap3A, %swap3A_40], %mul3A_39 {strides = array<i32>} : memref<2000x128xf32, #tpu.memory_space<vmem>>, vector<2000x128xf32>,
    return
  }
  func.func @transform_0(%arg0: i32) -> (i32, i32, i32) {
    %c0_i32 = arith.constant 0 : i32
    %c0_i32_0 = arith.constant 0 : i32
    %c0_i32_1 = arith.constant 0 : i32
    return %c0_i32, %arg0, %c0_i32_0 : i32, i32, i32
  }
  func.func @transform_1(%arg0: i32) -> (i32, i32) {
    %c0_i32 = arith.constant 0 : i32
    %c0_i32_0 = arith.constant 0 : i32
    return %arg0, %c0_i32 : i32, i32
  }
  func.func @transform_2(%arg0: i32) -> (i32, i32) {
    %c0_i32 = arith.constant 0 : i32
    %c0_i32_0 = arith.constant 0 : i32
    return %arg0, %c0_i32 : i32, i32
  }
  func.func @transform_3(%arg0: i32) -> (i32, i32) {
    %c0_i32 = arith.constant 0 : i32
    %c0_i32_0 = arith.constant 0 : i32
    return %arg0, %c0_i32 : i32, i32
  }
  func.func @transform_4(%arg0: i32) -> i32 {
    %c0_i32 = arith.constant 0 : i32
    %c0_i32_0 = arith.constant 0 : i32
    return %c0_i32 : i32
  }
  func.func @transform_5(%arg0: i32) -> (i32, i32) {
    %c0_i32 = arith.constant 0 : i32
    %c0_i32_0 = arith.constant 0 : i32
    return %arg0, %c0_i32 : i32, i32
  }
}

module attributes {stable_mosaic.version = 14 : i64} {
  func.func @_final_body(%arg0: i32, %arg1: memref<2x2000x128xf32, #tpu.memory_space<vmem>>, %arg2: memref<2000x1xf32, #tpu.memory_space<vmem>>, %arg3: memref<2000x1xf32, #tpu.memory_space<vmem>>, %arg4: memref<2000x128xf32, #tpu.memory_space<vmem>>, %arg5: memref<2000x128xf32, #tpu.memory_space<vmem>>, %arg6: memref<4xf32, #tpu.memory_space<smem>>, %arg7: memref<128x128xf32, #tpu.memory_space<vmem>>, %arg8: memref<1x128xf32, #tpu.memory_space<vmem>>, %arg9: memref<2000x128xf32, #tpu.memory_space<vmem>>) attributes {dimension_semantics = [#tpu.dimension_semantics<arbitrary>], iteration_bounds = array<i64: 5>, scalar_prefetch = 0 : i64, scratch_operands = 0 : i64, tpu.core_type = #tpu.core_type<tc>, window_params = [{transform_indices = @transform_0, window_bounds = array<i64: 2, 2000, 128>}, {transform_indices = @transform_1, window_bounds = array<i64: 2000, 1>}, {transform_indices = @transform_2, window_bounds = array<i64: 2000, 1>}, {transform_indices = @transform_3, window_bounds = array<i64: 2000, 128>}, {transform_indices = @transform_4, window_bounds = array<i64: 2000, 128>}, {transform_indices = @transform_5, window_bounds = array<i64: 4>}, {pipeline_mode = #tpu.pipeline_mode<synchronous>, transform_indices = @transform_6, window_bounds = array<i64: 128, 128>}, {pipeline_mode = #tpu.pipeline_mode<synchronous>, transform_indices = @transform_7, window_bounds = array<i64: 1, 128>}, {transform_indices = @transform_8, window_bounds = array<i64: 2000, 128>}]} {
    %get3A = arith.constant 0 : index
    %get3A_0 = memref.load %arg6[%get3A] : memref<4xf32, #tpu.memory_space<smem>>
    %get3A_1 = arith.constant 1 : index
    %get3A_2 = memref.load %arg6[%get3A_1] : memref<4xf32, #tpu.memory_space<smem>>
    %get3A_3 = arith.constant 2 : index
    %get3A_4 = memref.load %arg6[%get3A_3] : memref<4xf32, #tpu.memory_space<smem>>
    %get3A_5 = arith.constant 0 : index
    %get3A_6 = arith.constant 0 : index
    %get3A_7 = arith.constant 0 : index
    %get3A_8 = vector.load %arg1[%get3A_5, %get3A_6, %get3A_7] : memref<2x2000x128xf32, #tpu.memory_space<vmem>>, vector<1x2000x128xf32>
    %get3A_9 = vector.shape_cast %get3A_8 : vector<1x2000x128xf32> to vector<2000x128xf32>
    %get3A_10 = arith.constant 1 : index
    %get3A_11 = arith.constant 0 : index
    %get3A_12 = arith.constant 0 : index
    %get3A_13 = vector.load %arg1[%get3A_10, %get3A_11, %get3A_12] : memref<2x2000x128xf32, #tpu.memory_space<vmem>>, vector<1x2000x128xf32>
    %get3A_14 = vector.shape_cast %get3A_13 : vector<1x2000x128xf32> to vector<2000x128xf32>
    %add3A = arith.addf %get3A_9, %get3A_14 : vector<2000x128xf32>
    %get3A_15 = arith.constant 0 : index
    %get3A_16 = arith.constant 0 : index
    %get3A_17 = vector.load %arg2[%get3A_15, %get3A_16] : memref<2000x1xf32, #tpu.memory_space<vmem>>, vector<2000x1xf32>
    %get3A_18 = arith.constant 0 : index
    %get3A_19 = arith.constant 0 : index
    %get3A_20 = vector.load %arg3[%get3A_18, %get3A_19] : memref<2000x1xf32, #tpu.memory_space<vmem>>, vector<2000x1xf32>
    %add3A_21 = arith.addf %get3A_17, %get3A_20 : vector<2000x1xf32>
    %get3A_22 = arith.constant 0 : index
    %get3A_23 = arith.constant 0 : index
    %get3A_24 = vector.load %arg4[%get3A_22, %get3A_23] : memref<2000x128xf32, #tpu.memory_space<vmem>>, vector<2000x128xf32>
    %mul3A = vector.broadcast %get3A_0 : f32 to vector<2000x128xf32>
    %mul3A_25 = arith.mulf %mul3A, %add3A : vector<2000x128xf32>
    %mul3A_26 = vector.broadcast %add3A_21 : vector<2000x1xf32> to vector<2000x128xf32>
    %mul3A_27 = arith.mulf %mul3A_26, %get3A_24 : vector<2000x128xf32>
    %add3A_28 = arith.addf %mul3A_25, %mul3A_27 : vector<2000x128xf32>
    %gt3A = arith.constant 0.000000e+00 : f32
    %gt3A_29 = vector.broadcast %gt3A : f32 to vector<2000x1xf32>
    %gt3A_30 = arith.cmpf ogt, %add3A_21, %gt3A_29 : vector<2000x1xf32>
    %broadcast_in_dim3A = vector.shape_cast %gt3A_30 : vector<2000x1xi1> to vector<2000x1xi1>
    %broadcast_in_dim3A_31 = vector.broadcast %broadcast_in_dim3A : vector<2000x1xi1> to vector<2000x128xi1>
    %select_n3A = arith.select %broadcast_in_dim3A_31, %add3A_28, %get3A_24 : vector<2000x128xi1>, vector<2000x128xf32>
    %add3A_32 = arith.constant 1.000000e+00 : f32
    %add3A_33 = vector.broadcast %add3A_32 : f32 to vector<2000x128xf32>
    %add3A_34 = arith.addf %select_n3A, %add3A_33 : vector<2000x128xf32>
    %mul3A_35 = vector.broadcast %get3A_2 : f32 to vector<2000x128xf32>
    %mul3A_36 = arith.mulf %mul3A_35, %get3A_24 : vector<2000x128xf32>
    %add3A_37 = arith.addf %add3A_34, %mul3A_36 : vector<2000x128xf32>
    %mul3A_38 = vector.broadcast %get3A_4 : f32 to vector<2000x128xf32>
    %mul3A_39 = arith.mulf %mul3A_38, %add3A_37 : vector<2000x128xf32>
    %get3A_40 = arith.constant 3 : index
    %get3A_41 = memref.load %arg6[%get3A_40] : memref<4xf32, #tpu.memory_space<smem>>
    %get3A_42 = arith.constant 0 : index
    %get3A_43 = arith.constant 0 : index
    %get3A_44 = vector.load %arg4[%get3A_42, %get3A_43] : memref<2000x128xf32, #tpu.memory_space<vmem>>, vector<2000x128xf32>
    %mul3A_45 = vector.broadcast %get3A_41 : f32 to vector<2000x128xf32>
    %mul3A_46 = arith.mulf %mul3A_45, %get3A_44 : vector<2000x128xf32>
    %get3A_47 = arith.constant 0 : index
    %get3A_48 = arith.constant 0 : index
    %get3A_49 = vector.load %arg5[%get3A_47, %get3A_48] : memref<2000x128xf32, #tpu.memory_space<vmem>>, vector<2000x128xf32>
    %add3A_50 = arith.addf %mul3A_46, %get3A_49 : vector<2000x128xf32>
    %add3A_51 = arith.addf %add3A_50, %mul3A_39 : vector<2000x128xf32>
    %get3A_52 = arith.constant 0 : index
    %get3A_53 = arith.constant 0 : index
    %get3A_54 = vector.load %arg7[%get3A_52, %get3A_53] : memref<128x128xf32, #tpu.memory_space<vmem>>, vector<128x128xf32>
    %dot_general3A = arith.constant dense<0.000000e+00> : vector<2000x128xf32>
    %dot_general3A_55 = tpu.matmul %add3A_51, %get3A_54, %dot_general3A {dimension_numbers = #tpu.dot_dimension_numbers<[1], [0], [0], [1], [0, 0, 1, 1], [], []>, transpose_lhs_hint = false} : vector<2000x128xf32>, vector<128x128xf32>, vector<2000x128xf32> -> vector<2000x128xf32>
    %get3A_56 = arith.constant 0 : index
    %get3A_57 = arith.constant 0 : index
    %get3A_58 = vector.load %arg8[%get3A_56, %get3A_57] : memref<1x128xf32, #tpu.memory_space<vmem>>, vector<1x128xf32>
    %add3A_59 = vector.broadcast %get3A_58 : vector<1x128xf32> to vector<2000x128xf32>
    %add3A_60 = arith.addf %dot_general3A_55, %add3A_59 : vector<2000x128xf32>
    %swap3A = arith.constant 0 : index
    %swap3A_61 = arith.constant 0 : index
    %swap3A_62 = vector.load %arg9[%swap3A, %swap3A_61] : memref<2000x128xf32, #tpu.memory_space<vmem>>, vector<2000x128xf32>
    tpu.vector_store %arg9[%swap3A, %swap3A_61], %add3A_60 {strides = array<i32>} : memref<2000x128xf32, #tpu.memory_space<vmem>>, vector<2000x128xf32>,
    return
  }
  func.func @transform_0(%arg0: i32) -> (i32, i32, i32) {
    %c0_i32 = arith.constant 0 : i32
    %c0_i32_0 = arith.constant 0 : i32
    %c0_i32_1 = arith.constant 0 : i32
    return %c0_i32, %arg0, %c0_i32_0 : i32, i32, i32
  }
  func.func @transform_1(%arg0: i32) -> (i32, i32) {
    %c0_i32 = arith.constant 0 : i32
    %c0_i32_0 = arith.constant 0 : i32
    return %arg0, %c0_i32 : i32, i32
  }
  func.func @transform_2(%arg0: i32) -> (i32, i32) {
    %c0_i32 = arith.constant 0 : i32
    %c0_i32_0 = arith.constant 0 : i32
    return %arg0, %c0_i32 : i32, i32
  }
  func.func @transform_3(%arg0: i32) -> (i32, i32) {
    %c0_i32 = arith.constant 0 : i32
    %c0_i32_0 = arith.constant 0 : i32
    return %arg0, %c0_i32 : i32, i32
  }
  func.func @transform_4(%arg0: i32) -> (i32, i32) {
    %c0_i32 = arith.constant 0 : i32
    %c0_i32_0 = arith.constant 0 : i32
    return %arg0, %c0_i32 : i32, i32
  }
  func.func @transform_5(%arg0: i32) -> i32 {
    %c0_i32 = arith.constant 0 : i32
    %c0_i32_0 = arith.constant 0 : i32
    return %c0_i32 : i32
  }
  func.func @transform_6(%arg0: i32) -> (i32, i32) {
    %c0_i32 = arith.constant 0 : i32
    %c0_i32_0 = arith.constant 0 : i32
    %c0_i32_1 = arith.constant 0 : i32
    return %c0_i32, %c0_i32_0 : i32, i32
  }
  func.func @transform_7(%arg0: i32) -> (i32, i32) {
    %c0_i32 = arith.constant 0 : i32
    %c0_i32_0 = arith.constant 0 : i32
    %c0_i32_1 = arith.constant 0 : i32
    return %c0_i32, %c0_i32_0 : i32, i32
  }
  func.func @transform_8(%arg0: i32) -> (i32, i32) {
    %c0_i32 = arith.constant 0 : i32
    %c0_i32_0 = arith.constant 0 : i32
    return %arg0, %c0_i32 : i32, i32
  }
}

</mosaic_0001>

<sc_bundles>
// kernel: kernel.6.cloned.1.call-start
scs
__scs_entry_jumppad:
0x0: {  	(pc) =	sbr.rel $0x88, $3  }
0x1: {  	(tag) =	ssettag $0x0;
	lr =	simm.s32 $0x1  }
0x2: {  	[smem:$0x3F96] =	sst lr;
	_ =	strace $0xD0000000  }
0x3: {  	_ = 	snop  }
0x4: {  	_ = 	snop  }
0x5: {  	_ = 	snop  }
0x6: {  	_ = 	snop  }
0x7: {  	_ = 	snop  }
__scs_overlays_trampoline_lowered:
0x8: {  	[smem:$0x3FA5] =	sst s0  }
0x9: {  	[smem:$0x3FA6] =	sst s1  }
0xa: {  	[smem:$0x3FA7] =	sst s2  }
0xb: {  	[smem:$0x3FA8] =	sst s3  }
0xc: {  	[smem:$0x3FA9] =	sst s4  }
0xd: {  	[smem:$0x3FAA] =	sst s5  }
0xe: {  	[smem:$0x3FAB] =	sst s6  }
0xf: {  	[smem:$0x3FAC] =	sst s7  }
0x10: {  	[smem:$0x3FAD] =	sst s8  }
0x11: {  	[smem:$0x3FAE] =	sst s9;
	s0 =	simm.s32 @!p0 $0x0  }
0x12: {  	s1 =	sld [smem:$0x3F94];
	s0 =	simm.s32 @p0 $0x1  }
0x13: {  	[smem:$0x3FAF] =	sst s0;
	s0 =	simm.s32 @!p1 $0x0  }
0x14: {  	s2 =	sld [smem:$0x3F93];
	s0 =	simm.s32 @p1 $0x1  }
0x15: {  	[smem:$0x3FB0] =	sst s0;
	s0 =	simm.s32 @!p2 $0x0  }
0x16: {  	s3 =	sld [smem:$0x3FDB];
	s0 =	simm.s32 @p2 $0x1  }
0x17: {  	s4 =	simm.s32 $0x1BF5;
	[smem:$0x3FB2] =	sst s0  }
0x18: {  	s0 =	sld [smem:$0x3F95];
	_ =	swait.ge [sflag:s4], $0x0  }
0x19: {  	s7 =	sld [smem:$0x3F96]  }
0x1a: {  	s8 =	sadd.s32 $0xFFFFE003, lr  }
0x1b: {  	s9 =	sadd.s32 $0xFFFFFEF7, lr;
	s5 =	simm.s32 $0xFFFFFFFF;
	p2 =	slt.u32 s8, $0xFFFFF086  }
0x1c: {  	p1 =	slt.u32 s9, $0xF7A;
	s5 =	simm.s32 @!p2 $0x0  }
0x1d: {  	s5 =	simm.s32 @p1 $0x1;
	p0 =	seq.s32 s7, s2  }
0x1e: {  	s7 =	smul.u32 @!p0 $0xF7A, s2;
	p2 =	seq.s32 @!p0 s5, $0x0  }
0x1f: {  	s9 =	smul.u32 $0xF7A, s1;
	s8 =	simm.s32 @!p0 $0x1BF5;
	p2 =	por !p2, p0  }
0x20: {  	[sflag:s8] =	ssyncset.s32 @!p0 $0xFFFFF086;
	s6 =	sadd.s32 @!p0 s3, s7;
	s7 =	simm.s32 @!p0 $0x108  }
0x21: {  	s3 =	sadd.s32 s3, s9;
	s6 =	sadd.s32 @!p0 $0x88, s6;
	s7 =	simm.s32 @p2 $0x1082  }
0x22: {  	[simem:s7], [sflag:s8] =	dma.local @!p0 [hbm:s6], $0xF7A  }
0x23: {  	s9 =	sor.u32 $0xD0000000, s2;
	s6 =	simm.s32 $0x108;
	_ =	swait.ge @!p0 [sflag:s8], $0x0  }
0x24: {  	s3 =	sadd.s32 $0x88, s3;
	s6 =	simm.s32 @!p1 $0x1082;
	[sflag:s4] =	ssyncset.s32 $0xFFFFF086  }
0x25: {  	[simem:s6], [sflag:s4] =	dma.local [hbm:s3], $0xF7A  }
0x26: {  	[smem:$0x3F96] =	sst s1;
	(tag) =	ssettag s2;
	_ =	strace s9  }
0x27: {  	s1 =	sld [smem:$0x3FA6]  }
0x28: {  	s2 =	sld [smem:$0x3FA7]  }
0x29: {  	s4 =	sld [smem:$0x3FA9]  }
0x2a: {  	p0 =	seq.s32 s5, $0x0;
	s5 =	sld [smem:$0x3FAA]  }
0x2b: {  	s6 =	sld [smem:$0x3FAB]  }
0x2c: {  	s7 =	sld [smem:$0x3FAC]  }
0x2d: {  	s3 =	simm.s32 $0x108;
	s8 =	sld [smem:$0x3FAD]  }
0x2e: {  	s3 =	simm.s32 @!p0 $0x1082;
	s9 =	sld [smem:$0x3FAE]  }
0x2f: {  	lr =	sadd.s32 s0, s3;
	s0 =	sld [smem:$0x3FA5]  }
0x30: {  	s3 =	sld [smem:$0x3FA8]  }
0x31: {  	[smem:$0x3FB1] =	sst s10  }
0x32: {  	s10 =	sld [smem:$0x3FAF];
	_ =	sdelay $0x3  }
0x33: {  	p0 =	seq.s32 s10, $0x1;
	s10 =	sld [smem:$0x3FB1];
	_ =	sdelay $0x3  }
0x34: {  	[smem:$0x3FB1] =	sst s10  }
0x35: {  	s10 =	sld [smem:$0x3FB0];
	_ =	sdelay $0x3  }
0x36: {  	p1 =	seq.s32 s10, $0x1;
	s10 =	sld [smem:$0x3FB1];
	_ =	sdelay $0x3  }
0x37: {  	[smem:$0x3FB1] =	sst s10  }
0x38: {  	s10 =	sld [smem:$0x3FB2]  }
0x39: {  	_ = 	snop;
	(pc) =	sbr.ind lr, $3  }
0x3a: {  	_ = 	snop  }
0x3b: {  	_ = 	snop  }
0x3c: {  	p2 =	seq.s32 s10, $0x1;
	s10 =	sld [smem:$0x3FB1]  }
0x3d: {  	_ =	shalt  }
0x3e: {  	_ =	shalt  }
0x3f: {  	_ =	shalt  }
0x40: {  	_ =	shalt  }
0x41: {  	_ =	shalt  }
0x42: {  	_ =	shalt  }
0x43: {  	_ =	shalt  }
0x44: {  	_ =	shalt  }
0x45: {  	_ =	shalt  }
0x46: {  	_ =	shalt  }
0x47: {  	_ =	shalt  }
0x48: {  	_ =	shalt  }
0x49: {  	_ =	shalt  }
0x4a: {  	_ =	shalt  }
0x4b: {  	_ =	shalt  }
0x4c: {  	_ =	shalt  }
0x4d: {  	_ =	shalt  }
0x4e: {  	_ =	shalt  }
0x4f: {  	_ =	shalt  }
0x50: {  	_ =	shalt  }
0x51: {  	_ =	shalt  }
0x52: {  	_ =	shalt  }
0x53: {  	_ =	shalt  }
0x54: {  	_ =	shalt  }
0x55: {  	_ =	shalt  }
0x56: {  	_ =	shalt  }
0x57: {  	_ =	shalt  }
0x58: {  	_ =	shalt  }
0x59: {  	_ =	shalt  }
0x5a: {  	_ =	shalt  }
0x5b: {  	_ =	shalt  }
0x5c: {  	_ =	shalt  }
0x5d: {  	_ =	shalt  }
0x5e: {  	_ =	shalt  }
0x5f: {  	_ =	shalt  }
0x60: {  	_ =	shalt  }
0x61: {  	_ =	shalt  }
0x62: {  	_ =	shalt  }
0x63: {  	_ =	shalt  }
0x64: {  	_ =	shalt  }
0x65: {  	_ =	shalt  }
0x66: {  	_ =	shalt  }
0x67: {  	_ =	shalt  }
0x68: {  	_ =	shalt  }
0x69: {  	_ =	shalt  }
0x6a: {  	_ =	shalt  }
0x6b: {  	_ =	shalt  }
0x6c: {  	_ =	shalt  }
0x6d: {  	_ =	shalt  }
0x6e: {  	_ =	shalt  }
0x6f: {  	_ =	shalt  }
0x70: {  	_ =	shalt  }
0x71: {  	_ =	shalt  }
0x72: {  	_ =	shalt  }
0x73: {  	_ =	shalt  }
0x74: {  	_ =	shalt  }
0x75: {  	_ =	shalt  }
0x76: {  	_ =	shalt  }
0x77: {  	_ =	shalt  }
0x78: {  	_ =	shalt  }
0x79: {  	_ =	shalt  }
0x7a: {  	_ =	shalt  }
0x7b: {  	_ =	shalt  }
0x7c: {  	_ =	shalt  }
0x7d: {  	_ =	shalt  }
0x7e: {  	_ =	shalt  }
0x7f: {  	_ =	shalt  }
0x80: {  	_ =	shalt  }
0x81: {  	_ =	shalt  }
0x82: {  	_ =	shalt  }
0x83: {  	_ =	shalt  }
0x84: {  	_ =	shalt  }
0x85: {  	_ =	shalt  }
0x86: {  	_ =	shalt  }
0x87: {  	_ =	shalt  }
.Lfunc_end0:
.L_simem_size_0:
called_computation_lowered:
.L_overlay_start_0:
0x88: {  	s2 =	sld [smem:$0x3FD9]  }
0x89: {  	s3 =	sld [smem:$0x3FFE];
	_ =	sdelay $0x1  }
0x8a: {  	s1 =	srdreg.scid  }
0x8b: {  	s0 =	sand.u32 $0x1, s1  }
0x8c: {  	s17 =	sshll.u32 s0, $0xA;
	s2 =	sadd.s32 s3, s2  }
0x8d: {  	s2 =	sadd.s32 s2, s17  }
0x8e: {  	[smem:$0x3FBD] =	sst s2  }
0x8f: {  	_ = 	snop  }
0x90: {  	s2 =	sld [smem:$0x3FC9]  }
0x91: {  	s18 =	sld [smem:$0x3FC8]  }
0x92: {  	s4 =	sld [smem:$0x3FC7]  }
0x93: {  	s5 =	sld [smem:$0x3FD0];
	(tm) =	ssettm $0x1  }
0x94: {  	s6 =	sld [smem:$0x3FFB];
	_ =	sdelay $0x3  }
0x95: {  	_ =	strace s6  }
0x96: {  	s6 =	sld [smem:$0x3FFC];
	_ =	sdelay $0x3  }
0x97: {  	_ =	strace s6  }
0x98: {  	s6 =	sld [smem:$0x3FFD];
	_ =	sdelay $0x3  }
0x99: {  	_ =	strace s6  }
0x9a: {  	_ =	strace $0x8FFFFFFF  }
0x9b: {  	s19 =	sld [smem:$0x3FDB];
	_ =	sdelay $0x1  }
0x9c: {  	s7 =	simm.s32 $_scs_section_size  }
0x9d: {  	s8 =	simm.s32 $_size__tile_overlayer_lowered;
	s9 =	simm.s32 $_tile_overlayer_lowered  }
0x9e: {  	s22 =	simm.s32 $0x1BFF;
	s21 =	sshll.u32 s9, $0x1;
	s6 =	sadd.s32 s7, s19  }
0x9f: {  	s10 =	simm.s32 $0x0;
	s20 =	sshll.u32 s8, $0x1;
	s8 =	sadd.s32 s21, s6  }
0xa0: {  	[timem:s10], [sflag:s22] =	dma.local [hbm:s8], s20  }
0xa1: {  	_ =	swait.ge [sflag:s22], s20  }
0xa2: {  	s7 =	ssub.s32 $0x0, s20;
	[sflag:s22] =	ssyncset.done $0x0  }
0xa3: {  	[sflag:s22] =	ssyncadd.s32 s7;
	_ =	sdelay $0x1  }
0xa4: {  	s23 =	simm.s32 $0x1B8B  }
0xa5: {  	_ =	swait.ge [sflag:s23], $0x1  }
0xa6: {  	[sflag:s23] =	ssyncset.done $0x0  }
0xa7: {  	s25 =	simm.s32 $0x1B8E;
	s24 =	sld [smem:$0x3FFE];
	[sflag:s23] =	ssyncadd.s32 $0xFFFFFFFF  }
0xa8: {  	s26 =	simm.s32 $execute0_lowered;
	[smem:$0x3FD2] =	sst s25  }
0xa9: {  	s8 =	sshll.u32 s26, $0x1;
	_ =	strace $0x80000046;
	[dreg:$0x1] =	wrdreg $0xFFFFFFFF  }
0xaa: {  	s28 =	simm.s32 $_size_execute0_lowered;
	s6 =	sadd.s32 s6, s8;
	[dreg:$0x0] =	wrdreg $0x0  }
0xab: {  	s8 =	sshll.u32 s28, $0x1;
	[dreg:$0x2] =	wrdreg s6  }
0xac: {  	[dreg:$0x3] =	wrdreg s8  }
0xad: {  	[dreg:$0x4] =	wrdreg $0xC0  }
0xae: {  	_ =	task [dreg:s10], $0x5FFFF  }
0xaf: {  	[dreg:$0x1] =	wrdreg $0xFFFFFFFF  }
0xb0: {  	[dreg:$0x0] =	wrdreg $0x60  }
0xb1: {  	[dreg:$0x2] =	wrdreg s2  }
0xb2: {  	[dreg:$0x3] =	wrdreg s18  }
0xb3: {  	[dreg:$0x4] =	wrdreg s4  }
0xb4: {  	[dreg:$0x5] =	wrdreg s5  }
0xb5: {  	[dreg:$0x6] =	wrdreg s24  }
0xb6: {  	[dreg:$0x7] =	wrdreg $0xAB000  }
0xb7: {  	[dreg:$0x8] =	wrdreg $0x1E3800  }
0xb8: {  	[dreg:$0x9] =	wrdreg $0x9  }
0xb9: {  	_ =	task.clear_ibuf [dreg:s10], $0xAFFFF;
	_ =	strace $0x90000046  }
0xba: {  	s29 =	simm.s32 $0x9;
	_ =	strace $0x80000048  }
0xbb: {  	_ =	swait.ge [sflag:s29], $0x1  }
0xbc: {  	[sflag:s29] =	ssyncadd.s32 $0xFFFFFFFF  }
0xbd: {  	_ =	strace $0x90000048  }
0xbe: {  	_ =	sfence  }
0xbf: {  	s30 =	sld [smem:$0x0];
	_ =	sdelay $0x2  }
0xc0: {  	s31 =	sshll.u32 s1, $0xD;
	s1 =	sshrl.u32 s1, $0x2  }
0xc1: {  	s3 =	sand.u32 $0x4000, s31;
	s1 =	sadd.s32 s1, s30  }
0xc2: {  	s0 =	sor.u32 s3, s0;
	s1 =	sshll.u32 s1, $0x11  }
0xc3: {  	s0 =	sor.u32 s1, s0  }
0xc4: {  	s0 =	sadd.s32 $0x8F2B, s0  }
0xc5: {  	[sflag:s0] =	ssyncadd.remote.s32 $0x1  }
0xc6: {  	_ =	sfence.sel $0xFFFF  }
0xc7: {  	[dreg:$0x0] =	wrdreg $0xFFFFFFFF;
	(pc) =	sbr.abs _section_cstart, $3  }
0xc8: {  	[dreg:$0x1] =	wrdreg $0xFFFFFFFF  }
0xc9: {  	_ =	task.clear_ibuf [dreg:s10], $0x2FFFF;
	_ =	strace $0x9FFFFFFF  }
0xca: {  	(tm) =	ssettm $0x7FFFFFFF  }
0xcb: {  	_ =	shalt  }
tec
execute0_lowered:
.L_overlay_start_1:
0x0: {  	(tag) =	ssettag $0x1  }
0x1: {  	s0 =	rddreg [dreg:$0x0]  }
0x2: {  	s17 =	rddreg [dreg:$0x1]  }
0x3: {  	s18 =	rddreg [dreg:$0x2]  }
0x4: {  	s1 =	rddreg [dreg:$0x3]  }
0x5: {  	s2 =	rddreg [dreg:$0x4]  }
0x6: {  	s4 =	rddreg [dreg:$0x5]  }
0x7: {  	s5 =	rddreg [dreg:$0x6];
	s21 =	simm.s32 $0x0;
	s6 =	stileid.u32  }
0x8: {  	s3 =	srdreg.scid;
	s29 =	simm.s32 $0x5800;
	s8 =	smul.u32 $0x270, s6  }
0x9: {  	s30 =	simm.s32 $0x8000;
	s31 =	simm.s32 $0x7;
	s11 =	smul.u32 $0x4E000, s6  }
0xa: {  	s28 =	simm.s32 $0x4;
	[smem:$0x7FF] =	sst s21;
	s13 =	smul.u32 $0x13800, s6  }
0xb: {  	s7 =	sadd.s32 $0x3E00, s2;
	s3 =	sand.u32 $0x1, s3;
	s22 =	smul.u32 $0x28, s6  }
0xc: {  	s10 =	sshll.u32 s6, $0x1;
	s15 =	sshll.u32 s6, $0x6;
	s16 =	smul.u32 $0x138800, s3  }
0xd: {  	_ =	strace $0x80000047;
	s25 =	sor.u32 $0x1C0B, s15;
	s15 =	smul.u32 $0x140, s6  }
0xe: {  	s9 =	ssub.s32 $0x2, s3;
	s10 =	sor.u32 s3, s10;
	s20 =	smul.u32 $0xA0, s3  }
0xf: {  	p0 =	seq.s32 s3, $0x0;
	s3 =	smul.u32 $0x14, s3;
	s12 =	sshrl.u32 s9, $0x1  }
0x10: {  	s11 =	sshrl.u32 s11, $0x2;
	s24 =	smul.u32 $0xA0, s10;
	s14 =	sshrl.u32 s13, $0x3  }
0x11: {  	[dreg:$0xa] =	wrdreg s25;
	s9 =	ssub.s32 s9, s12;
	s11 =	sadd.s32 s11, s4  }
0x12: {  	s26 =	sadd.s32 s1, s14;
	s1 =	sadd.s32 $0x27000, s1;
	[dreg:$0x8] =	wrdreg s11  }
0x13: {  	s14 =	sadd.s32 s13, s16;
	s19 =	sshrl.u32 s16, $0x3;
	[dreg:$0x9] =	wrdreg s26  }
0x14: {  	s13 =	sadd.s32 s22, s17;
	[dreg:$0xb] =	wrdreg s1;
	s1 =	sshrl.u32 s24, $0x3  }
0x15: {  	s11 =	sshrl.u32 s14, $0x3;
	s14 =	simm.s32 $0x3200;
	s24 =	sadd.s32 s22, s18  }
0x16: {  	s12 =	sadd.s32 s17, s1;
	s11 =	sadd.s32 s7, s11;
	s7 =	sadd.s32 s7, s19  }
0x17: {  	s14 =	simm.s32 @!p0 $0x3800;
	s26 =	sadd.s32 $0x280, s1;
	[dreg:$0xc] =	wrdreg s12  }
0x18: {  	p0 =	sne.s32 s6, $0x0;
	s19 =	sadd.s32 s8, s5;
	[dreg:$0xd] =	wrdreg s11  }
0x19: {  	s2 =	sadd.s32 s14, s2;
	s11 =	sadd.s32 s20, s15;
	s14 =	sadd.s32 s3, s24  }
0x1a: {  	s15 =	sadd.s32 s3, s13;
	s3 =	sadd.s32 s18, s26;
	[dreg:$0x15] =	wrdreg s19  }
0x1b: {  	s12 =	sadd.s32 $0xA, s1;
	s13 =	sadd.s32 s18, s1;
	[dreg:$0x11] =	wrdreg s3  }
0x1c: {  	s1 =	sadd.s32 $0x28A, s1;
	s22 =	sadd.s32 $0x27000, s7;
	[dreg:$0x12] =	wrdreg s13  }
0x1d: {  	s20 =	sshrl.u32 s8, $0x3;
	s23 =	sadd.s32 s17, s12;
	[dreg:$0x16] =	wrdreg s22  }
0x1e: {  	s12 =	sadd.s32 s18, s12;
	s16 =	sadd.s32 s17, s1;
	[dreg:$0xe] =	wrdreg s23  }
0x1f: {  	s1 =	sadd.s32 s18, s1;
	s24 =	sadd.s32 $0x4E0, s2;
	[dreg:$0xf] =	wrdreg s12  }
0x20: {  	s3 =	sor.u32 $0x60, s10;
	s6 =	sadd.s32 $0x6400, s11;
	[dreg:$0x13] =	wrdreg s16  }
0x21: {  	s8 =	sadd.s32 $0x3C50, s11;
	s13 =	sadd.s32 $0x5050, s11;
	[dreg:$0x14] =	wrdreg s1  }
0x22: {  	s19 =	sadd.s32 $0x2850, s11;
	s12 =	sadd.s32 s17, s26;
	[dreg:$0x19] =	wrdreg s24  }
0x23: {  	s23 =	smax.u32 s9, $0x1;
	s1 =	sadd.s32 s2, s20;
	[dreg:$0x1a] =	wrdreg s3  }
0x24: {  	s26 =	sadd.s32 $0x6450, s11;
	s2 =	sshrl.u32 s6, $0x3;
	[dreg:$0x10] =	wrdreg s12  }
0x25: {  	s9 =	sshrl.u32 s8, $0x3;
	s16 =	sshrl.u32 s13, $0x3;
	[dreg:$0x17] =	wrdreg s23  }
0x26: {  	s22 =	sshrl.u32 s19, $0x3;
	s8 =	sadd.s32 $0x2700, s5;
	[dreg:$0x18] =	wrdreg s1  }
0x27: {  	s13 =	simm.s32 $0xA880;
	s10 =	sadd.s32 s2, s18;
	[smem:$0x7FD] =	sst s8  }
0x28: {  	s3 =	simm.s32 $0x6;
	s2 =	sadd.s32 s2, s17;
	[dreg:$0x1d] =	wrdreg s10  }
0x29: {  	s19 =	simm.s32 $0x2;
	s12 =	sadd.s32 s9, s18;
	[dreg:$0x1e] =	wrdreg s2  }
0x2a: {  	s1 =	sshrl.u32 s26, $0x3;
	s20 =	sadd.s32 s16, s18;
	[dreg:$0x1f] =	wrdreg s12  }
0x2b: {  	s23 =	sadd.s32 $0x5000, s11;
	s24 =	sadd.s32 s22, s18;
	[smem:$0x7F7] =	sst s20  }
0x2c: {  	s26 =	sadd.s32 $0x138000, s4;
	s11 =	simm.s32 $0x9;
	[smem:$0x7F9] =	sst s23  }
0x2d: {  	s7 =	sadd.s32 s1, s18;
	s1 =	sadd.s32 s1, s17;
	[smem:$0x7FA] =	sst s24  }
0x2e: {  	[smem:$0x7FC] =	sst s26;
	s26 =	simm.s32 $0x480;
	s24 =	simm.s32 $0x580  }
0x2f: {  	s12 =	simm.s32 $0x1;
	s20 =	simm.s32 $0x50;
	s18 =	simm.s32 $0x3000  }
0x30: {  	s2 =	simm.s32 $0x8;
	s10 =	simm.s32 $0x3;
	[dreg:$0x1b] =	wrdreg s7  }
.Ltmp0:
0x31: {  	s23 =	simm.s32 $0xA;
	[dreg:$0x1c] =	wrdreg s1;
	(pc) =	sbr.rel .LBB2_1-.Ltmp0, $4  }
0x32: {  	s1 =	sadd.s32 s9, s17;
	s7 =	simm.s32 $0xB;
	s9 =	simm.s32 $0x5  }
0x33: {  	[smem:$0x7F6] =	sst s1;
	s1 =	sadd.s32 s16, s17;
	s16 =	simm.s32 $0x0  }
0x34: {  	[smem:$0x7F8] =	sst s1;
	s1 =	sadd.s32 s22, s17;
	s17 =	simm.s32 $0x500  }
0x35: {  	v0 =	vimm.f32 $1.000000000e+00;
	v1 =	vimm.f32 $0.0e+00;
	s22 =	simm.s32 $0x800;
	[smem:$0x7FB] =	sst s1;
	s1 =	simm.s32 $0xA800  }
.LBB2_7:
0x36: {  	_ =	swait.ge [sflag:s11], $0x2800  }
0x37: {  	[sflag:s11] =	ssyncset.done $0x0  }
0x38: {  	[sflag:s11] =	ssyncadd.s32 $0xFFFFD800  }
0x39: {  	_ =	swait.ge [sflag:s11], $0x50  }
0x3a: {  	[sflag:s11] =	ssyncset.done $0x0  }
0x3b: {  	[sflag:s11] =	ssyncadd.s32 $0xFFFFFFB0  }
0x3c: {  	_ =	swait.ge [sflag:s11], $0x2800  }
0x3d: {  	[sflag:s11] =	ssyncset.done $0x0  }
0x3e: {  	[sflag:s11] =	ssyncadd.s32 $0xFFFFD800  }
0x3f: {  	_ =	swait.ge [sflag:s11], $0x50  }
0x40: {  	[sflag:s11] =	ssyncset.done $0x0  }
0x41: {  	[sflag:s11] =	ssyncadd.s32 $0xFFFFFFB0  }
0x42: {  	_ =	swait.ge [sflag:s23], $0x2800  }
0x43: {  	[sflag:s23] =	ssyncset.done $0x0  }
0x44: {  	[sflag:s23] =	ssyncadd.s32 $0xFFFFD800  }
0x45: {  	_ =	swait.ge [sflag:s23], $0x50  }
0x46: {  	[sflag:s23] =	ssyncset.done $0x0  }
0x47: {  	[sflag:s23] =	ssyncadd.s32 $0xFFFFFFB0  }
0x48: {  	_ =	swait.ge [sflag:s23], $0x2800  }
0x49: {  	[sflag:s23] =	ssyncset.done $0x0  }
0x4a: {  	[sflag:s23] =	ssyncadd.s32 $0xFFFFD800  }
0x4b: {  	_ =	swait.ge [sflag:s23], $0x50  }
0x4c: {  	[sflag:s23] =	ssyncset.done $0x0  }
0x4d: {  	[sflag:s23] =	ssyncadd.s32 $0xFFFFFFB0  }
0x4e: {  	[bflag:$0x0] =	sbarrier.arrive $0xFFFF  }
0x4f: {  	s7 =	sld [smem:$0x7F4]  }
0x50: {  	s25 =	rddreg [dreg:$0xa]  }
0x51: {  	s6 =	rddreg [dreg:$0xd]  }
0x52: {  	[hbm:s6], [sflag:s25] =	dma.local [spmem:s7], $0x2700  }
0x53: {  	s7 =	simm.s32 $0xB  }
0x54: {  	_ =	swait.ge [sflag:s7], $0x2700  }
0x55: {  	[sflag:s7] =	ssyncset.done $0x0  }
0x56: {  	s8 =	simm.s32 $0xA880;
	s13 =	rddreg [dreg:$0x15];
	[sflag:s7] =	ssyncadd.s32 $0xFFFFD900  }
0x57: {  	[tilespmem:s8], [sflag:$0xB] =	stream.linear.gather [spmem:s13], $0x270, $0x38;
	[tilespmem:$0x1E5F8] =	vst v63  }
0x58: {  	_ =	swait.ge [sflag:s7], $0x270  }
0x59: {  	[sflag:s7] =	ssyncset.done $0x0  }
0x5a: {  	s16 =	rddreg [dreg:$0x18];
	[sflag:s7] =	ssyncadd.s32 $0xFFFFFD90  }
0x5b: {  	[hbm4b:s16+s21] =	stream.linear.scatter [tilespmem:s8], [sflag:$0xB], $0x270, $0x38;
	[tilespmem:$0x1E5F8] =	vst v63  }
0x5c: {  	_ =	swait.ge [sflag:s7], $0x270  }
0x5d: {  	[sflag:s7] =	ssyncset.done $0x0  }
0x5e: {  	[sflag:s7] =	ssyncadd.s32 $0xFFFFFD90;
	s7 =	sld [smem:$0x7F5];
	_ =	sdelay $0x1  }
0x5f: {  	s6 =	rddreg [dreg:$0x16]  }
0x60: {  	[hbm:s6], [sflag:s25] =	dma.local @!p0 [spmem:s7], $0x100  }
0x61: {  	s6 =	simm.s32 @!p0 $0xB  }
0x62: {  	_ =	swait.ge @!p0 [sflag:s6], $0x100  }
0x63: {  	s13 =	sld [smem:$0x7FD]  }
0x64: {  	[sflag:s6] =	ssyncset.done @!p0 $0x0  }
0x65: {  	s7 =	simm.s32 @!p0 $0xA880;
	[sflag:s6] =	ssyncadd.s32 @!p0 $0xFFFFFF00  }
0x66: {  	[tilespmem:s7], [sflag:$0xB] =	stream.linear.gather @!p0 [spmem:s13], $0x10, $0x38;
	[tilespmem:$0x1E5F8] =	vst v63  }
0x67: {  	_ =	swait.ge @!p0 [sflag:s6], $0x10  }
0x68: {  	[sflag:s6] =	ssyncset.done @!p0 $0x0  }
0x69: {  	s8 =	simm.s32 @!p0 $0x0;
	s16 =	rddreg [dreg:$0x19];
	[sflag:s6] =	ssyncadd.s32 @!p0 $0xFFFFFFF0  }
0x6a: {  	[hbm4b:s16+s8] =	stream.linear.scatter @!p0 [tilespmem:s7], [sflag:$0xB], $0x10, $0x38;
	[tilespmem:$0x1E5F8] =	vst v63  }
0x6b: {  	_ =	swait.ge @!p0 [sflag:s6], $0x10  }
0x6c: {  	s7 =	sld [smem:$0x7F3];
	_ =	sdelay $0x2  }
0x6d: {  	s16 =	sadd.s32 $0x1, s7;
	s7 =	rddreg [dreg:$0x17]  }
0x6e: {  	p1 =	sne.s32 s16, s7  }
.Ltmp1:
0x6f: {  	_ = 	snop;
	(pc) =	sbr.rel @!p1 .LBB2_8-.Ltmp1, $3  }
0x70: {  	_ =	sdelay $0x1  }
0x71: {  	s8 =	smov.u32 s13;
	[sflag:s6] =	ssyncset.done @!p0 $0x0  }
0x72: {  	s13 =	simm.s32 $0xA880;
	[sflag:s6] =	ssyncadd.s32 @!p0 $0xFFFFFFF0;
	s7 =	simm.s32 $0xB  }
.LBB2_1:
0x73: {  	[tilespmem:$0xA800] =	vst v0  }
0x74: {  	[tilespmem:$0xA810] =	vst v0  }
0x75: {  	[tilespmem:$0xA820] =	vst v0  }
0x76: {  	[tilespmem:$0xA830] =	vst v0  }
0x77: {  	[tilespmem:$0xA840] =	vst v0  }
0x78: {  	[tilespmem:$0xA880] =	vst v1  }
0x79: {  	[tilespmem:$0xA890] =	vst v1  }
0x7a: {  	[tilespmem:$0xA8A0] =	vst v1  }
0x7b: {  	[tilespmem:$0xA8B0] =	vst v1  }
0x7c: {  	[tilespmem:$0xA8C0] =	vst v1  }
0x7d: {  	[tilespmem:$0xA8D0] =	vst v1  }
0x7e: {  	[tilespmem:$0xA8E0] =	vst v1  }
0x7f: {  	[tilespmem:$0xA8F0] =	vst v1  }
0x80: {  	[tilespmem:$0xA900] =	vst v1  }
0x81: {  	[tilespmem:$0xA910] =	vst v1  }
0x82: {  	[tilespmem:$0xA920] =	vst v1  }
0x83: {  	[tilespmem:$0xA930] =	vst v1  }
0x84: {  	[tilespmem:$0xA940] =	vst v1  }
0x85: {  	[tilespmem:$0xA950] =	vst v1  }
0x86: {  	[tilespmem:$0xA960] =	vst v1  }
0x87: {  	[tilespmem:$0xA970] =	vst v1  }
0x88: {  	[tilespmem:$0xA980] =	vst v1  }
0x89: {  	[tilespmem:$0xA990] =	vst v1  }
0x8a: {  	[tilespmem:$0xA9A0] =	vst v1  }
0x8b: {  	[tilespmem:$0xA9B0] =	vst v1  }
0x8c: {  	[tilespmem:$0xA9C0] =	vst v1  }
0x8d: {  	[tilespmem:$0xA9D0] =	vst v1  }
0x8e: {  	[tilespmem:$0xA9E0] =	vst v1  }
0x8f: {  	[tilespmem:$0xA9F0] =	vst v1  }
0x90: {  	[tilespmem:$0xAA00] =	vst v1  }
0x91: {  	[tilespmem:$0xAA10] =	vst v1  }
0x92: {  	[tilespmem:$0xAA20] =	vst v1  }
0x93: {  	[tilespmem:$0xAA30] =	vst v1  }
0x94: {  	[tilespmem:$0xAA40] =	vst v1  }
0x95: {  	[tilespmem:$0xAA50] =	vst v1  }
0x96: {  	[tilespmem:$0xAA60] =	vst v1  }
0x97: {  	[tilespmem:$0xAA70] =	vst v1  }
0x98: {  	[tilespmem:$0xAA80] =	vst v1  }
0x99: {  	[tilespmem:$0xAA90] =	vst v1  }
0x9a: {  	[tilespmem:$0xAAA0] =	vst v1  }
0x9b: {  	[smem:$0x7F3] =	sst s16;
	[tilespmem:$0xAAB0] =	vst v1  }
0x9c: {  	[tilespmem:$0xAAC0] =	vst v1;
	s6 =	rddreg [dreg:$0x8]  }
0x9d: {  	[tilespmem:$0xAAD0] =	vst v1;
	s16 =	sshrl.u32 s6, $0x3;
	s6 =	rddreg [dreg:$0x9]  }
0x9e: {  	[tilespmem:$0xAAE0] =	vst v1;
	[smem:$0x7F4] =	sst s16  }
0x9f: {  	[spmem:s16], [sflag:s25] =	dma.local [hbm:s6], $0x2700  }
0xa0: {  	_ =	swait.ge [sflag:s7], $0x2700  }
0xa1: {  	[sflag:s7] =	ssyncset.done $0x0  }
0xa2: {  	s16 =	rddreg [dreg:$0x15];
	[sflag:s7] =	ssyncadd.s32 $0xFFFFD900  }
0xa3: {  	[spmem:s16] =	stream.linear.scatter [tilespmem:s13], [sflag:$0xB], $0x270, $0x38;
	[tilespmem:$0x1E5F8] =	vst v63  }
0xa4: {  	_ =	swait.ge [sflag:s7], $0x270  }
0xa5: {  	s6 =	sld [smem:$0x7FC];
	_ =	sdelay $0x1  }
0xa6: {  	[sflag:s7] =	ssyncset.done $0x0  }
0xa7: {  	[sflag:s7] =	ssyncadd.s32 $0xFFFFFD90;
	s7 =	sshrl.u32 @!p0 s6, $0x3;
	s6 =	rddreg [dreg:$0xb]  }
0xa8: {  	[smem:$0x7F5] =	sst s7  }
0xa9: {  	[spmem:s7], [sflag:s25] =	dma.local @!p0 [hbm:s6], $0x100  }
0xaa: {  	s6 =	simm.s32 @!p0 $0xB  }
0xab: {  	_ =	swait.ge @!p0 [sflag:s6], $0x100  }
0xac: {  	[sflag:s6] =	ssyncset.done @!p0 $0x0  }
0xad: {  	s7 =	simm.s32 @!p0 $0xA880;
	[sflag:s6] =	ssyncadd.s32 @!p0 $0xFFFFFF00  }
0xae: {  	[spmem:s8] =	stream.linear.scatter @!p0 [tilespmem:s7], [sflag:$0xB], $0x10, $0x38;
	[tilespmem:$0x1E5F8] =	vst v63  }
0xaf: {  	_ =	swait.ge @!p0 [sflag:s6], $0x10  }
0xb0: {  	[sflag:s6] =	ssyncset.done @!p0 $0x0  }
0xb1: {  	s7 =	rddreg [dreg:$0xc];
	[sflag:s6] =	ssyncadd.s32 @!p0 $0xFFFFFFF0  }
0xb2: {  	[tilespmem:s21], [sflag:$0x1] =	stream.linear.gather [hbm4b:s7+s21], $0x50, $0x38;
	[tilespmem:$0x1E5F8] =	vst v63  }
0xb3: {  	s13 =	simm.s32 $0x400;
	s8 =	rddreg [dreg:$0x12]  }
0xb4: {  	[tilespmem:s13], [sflag:$0x1] =	stream.linear.gather [hbm4b:s8+s21], $0x50, $0x38;
	[tilespmem:$0x1E5F8] =	vst v63  }
0xb5: {  	s25 =	simm.s32 $0x80;
	s16 =	rddreg [dreg:$0xe]  }
0xb6: {  	[tilespmem:s25], [sflag:$0x1] =	stream.linear.gather [hbm4b:s16+s21], $0x50, $0x38;
	[tilespmem:$0x1E5F8] =	vst v63  }
0xb7: {  	s7 =	rddreg [dreg:$0xf]  }
0xb8: {  	[tilespmem:s26], [sflag:$0x1] =	stream.linear.gather [hbm4b:s7+s21], $0x50, $0x38;
	[tilespmem:$0x1E5F8] =	vst v63  }
0xb9: {  	s8 =	rddreg [dreg:$0x10];
	s13 =	simm.s32 $0x100  }
0xba: {  	[tilespmem:s13], [sflag:$0x2] =	stream.linear.gather [hbm4b:s8+s21], $0x50, $0x38;
	[tilespmem:$0x1E5F8] =	vst v63  }
0xbb: {  	s16 =	rddreg [dreg:$0x11]  }
0xbc: {  	[tilespmem:s17], [sflag:$0x2] =	stream.linear.gather [hbm4b:s16+s21], $0x50, $0x38;
	[tilespmem:$0x1E5F8] =	vst v63  }
0xbd: {  	s25 =	simm.s32 $0x180;
	s17 =	rddreg [dreg:$0x13]  }
0xbe: {  	[tilespmem:s25], [sflag:$0x2] =	stream.linear.gather [hbm4b:s17+s21], $0x50, $0x38;
	[tilespmem:$0x1E5F8] =	vst v63  }
.Ltmp2:
0xbf: {  	s26 =	rddreg [dreg:$0x14];
	(pc) =	sbr.rel .LBB2_2-.Ltmp2, $4  }
0xc0: {  	[tilespmem:s24], [sflag:$0x2] =	stream.linear.gather [hbm4b:s26+s21], $0x50, $0x38;
	[tilespmem:$0x1E5F8] =	vst v63  }
0xc1: {  	[bflag:$0x0] =	sbarrier.arrive $0xFFFF  }
0xc2: {  	s6 =	sld [smem:$0x7F9]  }
0xc3: {  	s7 =	simm.s32 $0x0;
	s25 =	rddreg [dreg:$0x1a]  }
.LBB2_6:
0xc4: {  	s7 =	sadd.s32 $0xA00, s7  }
0xc5: {  	p1 =	sne.s32 s7, $0xA000  }
.Ltmp3:
0xc6: {  	_ = 	snop;
	(pc) =	sbr.rel @!p1 .LBB2_7-.Ltmp3, $2  }
0xc7: {  	_ =	sdelay $0x2  }
0xc8: {  	s25 =	sadd.s32 $0x80, s25;
	s21 =	simm.s32 $0x0;
	s6 =	sadd.s32 $0x5000, s6  }
.LBB2_2:
0xc9: {  	_ =	swait.ge [sflag:s12], $0x50  }
0xca: {  	[sflag:s12] =	ssyncset.done $0x0  }
0xcb: {  	[sflag:s12] =	ssyncadd.s32 $0xFFFFFFB0  }
0xcc: {  	_ =	swait.ge [sflag:s12], $0x50  }
0xcd: {  	[sflag:s12] =	ssyncset.done $0x0  }
0xce: {  	[sflag:s12] =	ssyncadd.s32 $0xFFFFFFB0  }
0xcf: {  	_ =	swait.ge [sflag:s12], $0x50  }
0xd0: {  	[sflag:s12] =	ssyncset.done $0x0  }
0xd1: {  	[sflag:s12] =	ssyncadd.s32 $0xFFFFFFB0  }
0xd2: {  	_ =	swait.ge [sflag:s12], $0x50  }
0xd3: {  	p1 =	seq.s32 s7, $0x0;
	[sflag:s12] =	ssyncset.done $0x0  }
0xd4: {  	s8 =	simm.s32 @!p1 $0x9;
	[sflag:s12] =	ssyncadd.s32 $0xFFFFFFB0  }
0xd5: {  	_ =	swait.ge @!p1 [sflag:s8], $0x2800  }
0xd6: {  	[sflag:s8] =	ssyncset.done @!p1 $0x0  }
0xd7: {  	[sflag:s8] =	ssyncadd.s32 @!p1 $0xFFFFD800  }
0xd8: {  	_ =	swait.ge @!p1 [sflag:s8], $0x50  }
0xd9: {  	[sflag:s8] =	ssyncset.done @!p1 $0x0  }
0xda: {  	[sflag:s8] =	ssyncadd.s32 @!p1 $0xFFFFFFB0  }
0xdb: {  	_ =	swait.ge @!p1 [sflag:s8], $0x2800  }
0xdc: {  	[sflag:s8] =	ssyncset.done @!p1 $0x0  }
0xdd: {  	[sflag:s8] =	ssyncadd.s32 @!p1 $0xFFFFD800  }
0xde: {  	_ =	swait.ge @!p1 [sflag:s8], $0x50  }
0xdf: {  	[sflag:s8] =	ssyncset.done @!p1 $0x0  }
0xe0: {  	[sflag:s8] =	ssyncadd.s32 @!p1 $0xFFFFFFB0;
	s8 =	sadd.s32 $0xFFFFFFE0, s25  }
0xe1: {  	[tilespmem:s22], [sflag:$0x5] =	stream.indirect.gather [hbm4b:s0+s20], $0x80, s21, s20, $0xb8;
	[tilespmem:$0x1E5F8] =	vst v63  }
0xe2: {  	s13 =	simm.s32 $0x80;
	p2 =	sgt.u32 s8, $0x7CF  }
0xe3: {  	[tilespmem:s18], [sflag:$0x6] =	stream.indirect.gather [hbm4b:s0+s20], $0x80, s13, s20, $0xb8;
	[tilespmem:$0x1E5F8] =	vst v63  }
0xe4: {  	s13 =	sadd.s32 @!p2 s7, s15  }
0xe5: {  	s16 =	simm.s32 @!p2 $0x0;
	s21 =	simm.s32 @!p2 $0x200;
	s13 =	sadd.s32 @!p2 $0x500, s13  }
0xe6: {  	[tilespmem:s21], [sflag:$0x3] =	stream.linear.gather @!p2 [hbm4b:s13+s16], $0x50, $0x38;
	[tilespmem:$0x1E5F8] =	vst v63  }
0xe7: {  	s13 =	sadd.s32 @!p2 s7, s14  }
0xe8: {  	s21 =	simm.s32 @!p2 $0x600;
	s13 =	sadd.s32 @!p2 $0x500, s13  }
0xe9: {  	[tilespmem:s21], [sflag:$0x3] =	stream.linear.gather @!p2 [hbm4b:s13+s16], $0x50, $0x38;
	[tilespmem:$0x1E5F8] =	vst v63  }
0xea: {  	s13 =	sld [smem:$0x7FB];
	_ =	sdelay $0x2  }
0xeb: {  	s21 =	simm.s32 @!p2 $0x280;
	s13 =	sadd.s32 @!p2 s7, s13  }
0xec: {  	[tilespmem:s21], [sflag:$0x3] =	stream.linear.gather @!p2 [hbm4b:s13+s16], $0x50, $0x38;
	[tilespmem:$0x1E5F8] =	vst v63  }
0xed: {  	s13 =	sld [smem:$0x7FA];
	_ =	sdelay $0x2  }
0xee: {  	s21 =	simm.s32 @!p2 $0x680;
	s13 =	sadd.s32 @!p2 s7, s13  }
0xef: {  	[tilespmem:s21], [sflag:$0x3] =	stream.linear.gather @!p2 [hbm4b:s13+s16], $0x50, $0x38;
	[tilespmem:$0x1E5F8] =	vst v63  }
0xf0: {  	_ =	swait.ge [sflag:s9], $0x2800  }
0xf1: {  	[sflag:s9] =	ssyncset.done $0x0  }
0xf2: {  	s16 =	simm.s32 $0x400;
	[sflag:s9] =	ssyncadd.s32 $0xFFFFD800  }
0xf3: {  	[spmem:s4] =	stream.indirect.scatter.add.f32 [tilespmem:s22], [sflag:$0x9], $0x80, s16, s20, $0xb8;
	[tilespmem:$0x1E5F8] =	vst v63  }
0xf4: {  	_ = 	snop  }
0xf5: {  	[spmem:s5] =	stream.indirect.scatter.add.f32 [tilespmem:s1], [sflag:$0x9], $0x1, s16, s20, $0xb8;
	[tilespmem:$0x1E5F8] =	vst v63  }
0xf6: {  	_ =	swait.ge [sflag:s3], $0x2800  }
0xf7: {  	[sflag:s3] =	ssyncset.done $0x0  }
0xf8: {  	s17 =	simm.s32 $0x480;
	[sflag:s3] =	ssyncadd.s32 $0xFFFFD800  }
0xf9: {  	[spmem:s4] =	stream.indirect.scatter.add.f32 [tilespmem:s18], [sflag:$0x9], $0x80, s17, s20, $0xb8;
	[tilespmem:$0x1E5F8] =	vst v63  }
0xfa: {  	_ = 	snop  }
0xfb: {  	[spmem:s5] =	stream.indirect.scatter.add.f32 [tilespmem:s1], [sflag:$0x9], $0x1, s17, s20, $0xb8;
	[tilespmem:$0x1E5F8] =	vst v63  }
0xfc: {  	_ =	swait.ge [sflag:s19], $0x50  }
0xfd: {  	[sflag:s19] =	ssyncset.done $0x0  }
0xfe: {  	[sflag:s19] =	ssyncadd.s32 $0xFFFFFFB0  }
0xff: {  	_ =	swait.ge [sflag:s19], $0x50  }
0x100: {  	[sflag:s19] =	ssyncset.done $0x0  }
0x101: {  	[sflag:s19] =	ssyncadd.s32 $0xFFFFFFB0  }
0x102: {  	_ =	swait.ge [sflag:s19], $0x50  }
0x103: {  	[sflag:s19] =	ssyncset.done $0x0  }
0x104: {  	[sflag:s19] =	ssyncadd.s32 $0xFFFFFFB0  }
0x105: {  	_ =	swait.ge [sflag:s19], $0x50  }
0x106: {  	[sflag:s19] =	ssyncset.done $0x0  }
0x107: {  	s13 =	simm.s32 @!p1 $0xA;
	[sflag:s19] =	ssyncadd.s32 $0xFFFFFFB0  }
0x108: {  	_ =	swait.ge @!p1 [sflag:s13], $0x2800  }
0x109: {  	[sflag:s13] =	ssyncset.done @!p1 $0x0  }
0x10a: {  	[sflag:s13] =	ssyncadd.s32 @!p1 $0xFFFFD800  }
0x10b: {  	_ =	swait.ge @!p1 [sflag:s13], $0x50  }
0x10c: {  	[sflag:s13] =	ssyncset.done @!p1 $0x0  }
0x10d: {  	[sflag:s13] =	ssyncadd.s32 @!p1 $0xFFFFFFB0  }
0x10e: {  	_ =	swait.ge @!p1 [sflag:s13], $0x2800  }
0x10f: {  	[sflag:s13] =	ssyncset.done @!p1 $0x0  }
0x110: {  	[sflag:s13] =	ssyncadd.s32 @!p1 $0xFFFFD800  }
0x111: {  	_ =	swait.ge @!p1 [sflag:s13], $0x50  }
0x112: {  	[sflag:s13] =	ssyncset.done @!p1 $0x0  }
0x113: {  	s21 =	simm.s32 $0x100;
	[sflag:s13] =	ssyncadd.s32 @!p1 $0xFFFFFFB0;
	p1 =	sgt.u32 s25, $0x7CF  }
0x114: {  	[tilespmem:s29], [sflag:$0x7] =	stream.indirect.gather [hbm4b:s0+s20], $0x80, s21, s20, $0xb8;
	[tilespmem:$0x1E5F8] =	vst v63  }
0x115: {  	s24 =	simm.s32 $0x180;
	s13 =	sadd.s32 @!p1 s7, s15  }
0x116: {  	[tilespmem:s30], [sflag:$0x8] =	stream.indirect.gather [hbm4b:s0+s20], $0x80, s24, s20, $0xb8;
	[tilespmem:$0x1E5F8] =	vst v63  }
0x117: {  	s16 =	simm.s32 @!p1 $0x0;
	s21 =	simm.s32 @!p1 $0x300;
	s13 =	sadd.s32 @!p1 $0x780, s13  }
0x118: {  	[tilespmem:s21], [sflag:$0x4] =	stream.linear.gather @!p1 [hbm4b:s13+s16], $0x50, $0x38;
	[tilespmem:$0x1E5F8] =	vst v63  }
0x119: {  	s13 =	sadd.s32 @!p1 s7, s14  }
0x11a: {  	s21 =	simm.s32 @!p1 $0x700;
	s13 =	sadd.s32 @!p1 $0x780, s13  }
0x11b: {  	[tilespmem:s21], [sflag:$0x4] =	stream.linear.gather @!p1 [hbm4b:s13+s16], $0x50, $0x38;
	[tilespmem:$0x1E5F8] =	vst v63  }
0x11c: {  	s13 =	sld [smem:$0x7F6];
	_ =	sdelay $0x2  }
0x11d: {  	s21 =	simm.s32 @!p1 $0x380;
	s13 =	sadd.s32 @!p1 s7, s13  }
0x11e: {  	[tilespmem:s21], [sflag:$0x4] =	stream.linear.gather @!p1 [hbm4b:s13+s16], $0x50, $0x38;
	[tilespmem:$0x1E5F8] =	vst v63  }
0x11f: {  	s13 =	rddreg [dreg:$0x1f]  }
0x120: {  	s21 =	simm.s32 @!p1 $0x780;
	s13 =	sadd.s32 @!p1 s7, s13  }
0x121: {  	[tilespmem:s21], [sflag:$0x4] =	stream.linear.gather @!p1 [hbm4b:s13+s16], $0x50, $0x38;
	[tilespmem:$0x1E5F8] =	vst v63  }
0x122: {  	_ =	swait.ge [sflag:s31], $0x2800  }
0x123: {  	[sflag:s31] =	ssyncset.done $0x0  }
0x124: {  	s16 =	simm.s32 $0x500;
	[sflag:s31] =	ssyncadd.s32 $0xFFFFD800  }
0x125: {  	[spmem:s4] =	stream.indirect.scatter.add.f32 [tilespmem:s29], [sflag:$0xA], $0x80, s16, s20, $0xb8;
	[tilespmem:$0x1E5F8] =	vst v63  }
0x126: {  	_ = 	snop  }
0x127: {  	[spmem:s5] =	stream.indirect.scatter.add.f32 [tilespmem:s1], [sflag:$0xA], $0x1, s16, s20, $0xb8;
	[tilespmem:$0x1E5F8] =	vst v63  }
0x128: {  	_ =	swait.ge [sflag:s2], $0x2800  }
.Ltmp4:
0x129: {  	[sflag:s2] =	ssyncset.done $0x0;
	(pc) =	sbr.rel @p2 .LBB2_4-.Ltmp4, $4  }
0x12a: {  	s21 =	simm.s32 $0x580;
	[sflag:s2] =	ssyncadd.s32 $0xFFFFD800  }
0x12b: {  	[spmem:s4] =	stream.indirect.scatter.add.f32 [tilespmem:s30], [sflag:$0xA], $0x80, s21, s20, $0xb8;
	[tilespmem:$0x1E5F8] =	vst v63  }
0x12c: {  	s26 =	simm.s32 $0x480;
	s17 =	simm.s32 $0x500;
	s24 =	simm.s32 $0x580  }
0x12d: {  	[spmem:s5] =	stream.indirect.scatter.add.f32 [tilespmem:s1], [sflag:$0xA], $0x1, s21, s20, $0xb8;
	[tilespmem:$0x1E5F8] =	vst v63  }
0x12e: {  	_ =	swait.ge [sflag:s10], $0x50  }
0x12f: {  	[sflag:s10] =	ssyncset.done $0x0  }
0x130: {  	[sflag:s10] =	ssyncadd.s32 $0xFFFFFFB0  }
0x131: {  	_ =	swait.ge [sflag:s10], $0x50  }
0x132: {  	[sflag:s10] =	ssyncset.done $0x0  }
0x133: {  	[sflag:s10] =	ssyncadd.s32 $0xFFFFFFB0  }
0x134: {  	_ =	swait.ge [sflag:s10], $0x50  }
0x135: {  	[sflag:s10] =	ssyncset.done $0x0  }
0x136: {  	[sflag:s10] =	ssyncadd.s32 $0xFFFFFFB0  }
0x137: {  	_ =	swait.ge [sflag:s10], $0x50  }
0x138: {  	[sflag:s10] =	ssyncset.done $0x0  }
0x139: {  	[sflag:s10] =	ssyncadd.s32 $0xFFFFFFB0  }
0x13a: {  	_ =	swait.ge [sflag:s11], $0x2800  }
0x13b: {  	[sflag:s11] =	ssyncset.done $0x0  }
0x13c: {  	[sflag:s11] =	ssyncadd.s32 $0xFFFFD800  }
0x13d: {  	_ =	swait.ge [sflag:s11], $0x50  }
0x13e: {  	[sflag:s11] =	ssyncset.done $0x0  }
0x13f: {  	[sflag:s11] =	ssyncadd.s32 $0xFFFFFFB0  }
0x140: {  	_ =	swait.ge [sflag:s11], $0x2800  }
0x141: {  	[sflag:s11] =	ssyncset.done $0x0  }
0x142: {  	[sflag:s11] =	ssyncadd.s32 $0xFFFFD800  }
0x143: {  	_ =	swait.ge [sflag:s11], $0x50  }
0x144: {  	[sflag:s11] =	ssyncset.done $0x0  }
0x145: {  	s13 =	simm.s32 $0x200;
	p2 =	sgt.u32 s8, $0x78F;
	[sflag:s11] =	ssyncadd.s32 $0xFFFFFFB0  }
0x146: {  	[tilespmem:s22], [sflag:$0x5] =	stream.indirect.gather [hbm4b:s0+s20], $0x80, s13, s20, $0xb8;
	[tilespmem:$0x1E5F8] =	vst v63  }
0x147: {  	s21 =	simm.s32 $0x280;
	s8 =	sshrl.u32 @!p2 s6, $0x3;
	s13 =	rddreg [dreg:$0x1]  }
0x148: {  	[tilespmem:s18], [sflag:$0x6] =	stream.indirect.gather [hbm4b:s0+s20], $0x80, s21, s20, $0xb8;
	[tilespmem:$0x1E5F8] =	vst v63  }
0x149: {  	s16 =	simm.s32 @!p2 $0x0;
	s13 =	sadd.s32 @!p2 s13, s8  }
0x14a: {  	[tilespmem:s16], [sflag:$0x1] =	stream.linear.gather @!p2 [hbm4b:s13+s16], $0x50, $0x38;
	[tilespmem:$0x1E5F8] =	vst v63  }
0x14b: {  	s13 =	rddreg [dreg:$0x2]  }
0x14c: {  	s8 =	sadd.s32 @!p2 s13, s8;
	s13 =	simm.s32 @!p2 $0x400  }
0x14d: {  	[tilespmem:s13], [sflag:$0x1] =	stream.linear.gather @!p2 [hbm4b:s8+s16], $0x50, $0x38;
	[tilespmem:$0x1E5F8] =	vst v63  }
0x14e: {  	s8 =	sld [smem:$0x7F8];
	_ =	sdelay $0x2  }
0x14f: {  	s13 =	simm.s32 @!p2 $0x80;
	s8 =	sadd.s32 @!p2 s7, s8  }
0x150: {  	[tilespmem:s13], [sflag:$0x1] =	stream.linear.gather @!p2 [hbm4b:s8+s16], $0x50, $0x38;
	[tilespmem:$0x1E5F8] =	vst v63  }
0x151: {  	s8 =	sld [smem:$0x7F7];
	_ =	sdelay $0x2  }
0x152: {  	s13 =	simm.s32 @!p2 $0x480;
	s8 =	sadd.s32 @!p2 s7, s8  }
0x153: {  	[tilespmem:s13], [sflag:$0x1] =	stream.linear.gather @!p2 [hbm4b:s8+s16], $0x50, $0x38;
	[tilespmem:$0x1E5F8] =	vst v63  }
0x154: {  	_ =	swait.ge [sflag:s9], $0x2800  }
0x155: {  	[sflag:s9] =	ssyncset.done $0x0  }
0x156: {  	s16 =	simm.s32 $0x600;
	[sflag:s9] =	ssyncadd.s32 $0xFFFFD800  }
0x157: {  	[spmem:s4] =	stream.indirect.scatter.add.f32 [tilespmem:s22], [sflag:$0x9], $0x80, s16, s20, $0xb8;
	[tilespmem:$0x1E5F8] =	vst v63  }
0x158: {  	_ = 	snop  }
0x159: {  	[spmem:s5] =	stream.indirect.scatter.add.f32 [tilespmem:s1], [sflag:$0x9], $0x1, s16, s20, $0xb8;
	[tilespmem:$0x1E5F8] =	vst v63  }
0x15a: {  	_ =	swait.ge [sflag:s3], $0x2800  }
0x15b: {  	[sflag:s3] =	ssyncset.done $0x0  }
0x15c: {  	s21 =	simm.s32 $0x680;
	[sflag:s3] =	ssyncadd.s32 $0xFFFFD800  }
0x15d: {  	[spmem:s4] =	stream.indirect.scatter.add.f32 [tilespmem:s18], [sflag:$0x9], $0x80, s21, s20, $0xb8;
	[tilespmem:$0x1E5F8] =	vst v63  }
0x15e: {  	_ = 	snop  }
0x15f: {  	[spmem:s5] =	stream.indirect.scatter.add.f32 [tilespmem:s1], [sflag:$0x9], $0x1, s21, s20, $0xb8;
	[tilespmem:$0x1E5F8] =	vst v63  }
.LBB2_4:
.Ltmp5:
0x160: {  	(pc) =	sbr.rel @p1 .LBB2_6-.Ltmp5, $1  }
0x161: {  	_ =	sdelay $0x3  }
0x162: {  	_ =	swait.ge [sflag:s28], $0x50  }
0x163: {  	[sflag:s28] =	ssyncset.done $0x0  }
0x164: {  	[sflag:s28] =	ssyncadd.s32 $0xFFFFFFB0  }
0x165: {  	_ =	swait.ge [sflag:s28], $0x50  }
0x166: {  	[sflag:s28] =	ssyncset.done $0x0  }
0x167: {  	[sflag:s28] =	ssyncadd.s32 $0xFFFFFFB0  }
0x168: {  	_ =	swait.ge [sflag:s28], $0x50  }
0x169: {  	[sflag:s28] =	ssyncset.done $0x0  }
0x16a: {  	[sflag:s28] =	ssyncadd.s32 $0xFFFFFFB0  }
0x16b: {  	_ =	swait.ge [sflag:s28], $0x50  }
0x16c: {  	[sflag:s28] =	ssyncset.done $0x0  }
0x16d: {  	[sflag:s28] =	ssyncadd.s32 $0xFFFFFFB0  }
0x16e: {  	_ =	swait.ge [sflag:s23], $0x2800  }
0x16f: {  	[sflag:s23] =	ssyncset.done $0x0  }
0x170: {  	[sflag:s23] =	ssyncadd.s32 $0xFFFFD800  }
0x171: {  	_ =	swait.ge [sflag:s23], $0x50  }
0x172: {  	[sflag:s23] =	ssyncset.done $0x0  }
0x173: {  	[sflag:s23] =	ssyncadd.s32 $0xFFFFFFB0  }
0x174: {  	_ =	swait.ge [sflag:s23], $0x2800  }
0x175: {  	[sflag:s23] =	ssyncset.done $0x0  }
0x176: {  	[sflag:s23] =	ssyncadd.s32 $0xFFFFD800  }
0x177: {  	_ =	swait.ge [sflag:s23], $0x50  }
0x178: {  	[sflag:s23] =	ssyncset.done $0x0  }
0x179: {  	s8 =	simm.s32 $0x300;
	[sflag:s23] =	ssyncadd.s32 $0xFFFFFFB0  }
0x17a: {  	[tilespmem:s29], [sflag:$0x7] =	stream.indirect.gather [hbm4b:s0+s20], $0x80, s8, s20, $0xb8;
	[tilespmem:$0x1E5F8] =	vst v63  }
0x17b: {  	s13 =	simm.s32 $0x380;
	p1 =	sgt.u32 s25, $0x78F;
	s8 =	rddreg [dreg:$0x1e]  }
0x17c: {  	[tilespmem:s30], [sflag:$0x8] =	stream.indirect.gather [hbm4b:s0+s20], $0x80, s13, s20, $0xb8;
	[tilespmem:$0x1E5F8] =	vst v63  }
0x17d: {  	s16 =	simm.s32 @!p1 $0x100;
	s8 =	sadd.s32 @!p1 s7, s8;
	s13 =	simm.s32 @!p1 $0x0  }
0x17e: {  	[tilespmem:s16], [sflag:$0x2] =	stream.linear.gather @!p1 [hbm4b:s8+s13], $0x50, $0x38;
	[tilespmem:$0x1E5F8] =	vst v63  }
0x17f: {  	s8 =	rddreg [dreg:$0x1d]  }
0x180: {  	s16 =	simm.s32 @!p1 $0x500;
	s8 =	sadd.s32 @!p1 s7, s8  }
0x181: {  	[tilespmem:s16], [sflag:$0x2] =	stream.linear.gather @!p1 [hbm4b:s8+s13], $0x50, $0x38;
	[tilespmem:$0x1E5F8] =	vst v63  }
0x182: {  	s8 =	rddreg [dreg:$0x1c]  }
0x183: {  	s16 =	simm.s32 @!p1 $0x180;
	s8 =	sadd.s32 @!p1 s7, s8  }
0x184: {  	[tilespmem:s16], [sflag:$0x2] =	stream.linear.gather @!p1 [hbm4b:s8+s13], $0x50, $0x38;
	[tilespmem:$0x1E5F8] =	vst v63  }
0x185: {  	s8 =	rddreg [dreg:$0x1b]  }
0x186: {  	s16 =	simm.s32 @!p1 $0x580;
	s8 =	sadd.s32 @!p1 s7, s8  }
0x187: {  	[tilespmem:s16], [sflag:$0x2] =	stream.linear.gather @!p1 [hbm4b:s8+s13], $0x50, $0x38;
	[tilespmem:$0x1E5F8] =	vst v63  }
0x188: {  	_ =	swait.ge [sflag:s31], $0x2800  }
0x189: {  	[sflag:s31] =	ssyncset.done $0x0  }
0x18a: {  	s16 =	simm.s32 $0x700;
	[sflag:s31] =	ssyncadd.s32 $0xFFFFD800  }
0x18b: {  	[spmem:s4] =	stream.indirect.scatter.add.f32 [tilespmem:s29], [sflag:$0xA], $0x80, s16, s20, $0xb8;
	[tilespmem:$0x1E5F8] =	vst v63  }
0x18c: {  	_ = 	snop  }
0x18d: {  	[spmem:s5] =	stream.indirect.scatter.add.f32 [tilespmem:s1], [sflag:$0xA], $0x1, s16, s20, $0xb8;
	[tilespmem:$0x1E5F8] =	vst v63  }
0x18e: {  	_ =	swait.ge [sflag:s2], $0x2800  }
.Ltmp6:
0x18f: {  	[sflag:s2] =	ssyncset.done $0x0;
	(pc) =	sbr.rel .LBB2_6-.Ltmp6, $4  }
0x190: {  	s21 =	simm.s32 $0x780;
	[sflag:s2] =	ssyncadd.s32 $0xFFFFD800  }
0x191: {  	[spmem:s4] =	stream.indirect.scatter.add.f32 [tilespmem:s30], [sflag:$0xA], $0x80, s21, s20, $0xb8;
	[tilespmem:$0x1E5F8] =	vst v63  }
0x192: {  	_ = 	snop  }
0x193: {  	[spmem:s5] =	stream.indirect.scatter.add.f32 [tilespmem:s1], [sflag:$0xA], $0x1, s21, s20, $0xb8;
	[tilespmem:$0x1E5F8] =	vst v63  }
.LBB2_8:
0x194: {  	_ =	sfence.sel $0x180000  }
0x195: {  	[bflag:$0x0] =	sbarrier.arrive $0xFFFF  }
0x196: {  	_ =	strace $0x90000047  }
0x197: {  	[bflag:$0x2] =	sbarrier.arrive $0xFFFF  }
0x198: {  	s0 =	rddreg [dreg:$0x7]  }
0x199: {  	s0 =	sadd.s32 @!p0 $0x100000, s0  }
0x19a: {  	[sflag:s0] =	ssyncadd.tile.s32 @!p0 $0x1;
	_ =	shalt  }
.Lfunc_end2:
_tile_overlayer_lowered:
.L_overlay_start_2:
0x19b: {  	(tag) =	ssettag $0x2  }
0x19c: {  	s0 =	rddreg [dreg:$0x0];
	s2 =	stileid.u32  }
0x19d: {  	s1 =	rddreg [dreg:$0x1];
	p0 =	sne.s32 s2, $0x0  }
0x19e: {  	s3 =	rddreg [dreg:$0x2];
	[bflag:$0x3] =	sbarrier.arrive $0xFFFF;
	s2 =	simm.s32 @!p0 $0x1C0B  }
0x19f: {  	[timem:s3], [sflag:s2] =	dma.local @!p0 [hbm:s0], s1  }
0x1a0: {  	s0 =	simm.s32 @!p0 $0xB  }
0x1a1: {  	_ =	swait.ge @!p0 [sflag:s0], s1  }
0x1a2: {  	s1 =	ssub.s32 @!p0 $0x0, s1;
	[sflag:s0] =	ssyncset.done @!p0 $0x0  }
0x1a3: {  	[sflag:s0] =	ssyncadd.s32 @!p0 s1  }
0x1a4: {  	[bflag:$0x3] =	sbarrier.arrive $0xFFFF  }
0x1a5: {  	_ =	shalt  }

// kernel: kernel.9.cloned.1.call-start
scs
__scs_entry_jumppad:
0x0: {  	(pc) =	sbr.rel $0x88, $3  }
0x1: {  	(tag) =	ssettag $0x0;
	lr =	simm.s32 $0x1  }
0x2: {  	[smem:$0x3F96] =	sst lr;
	_ =	strace $0xD0000000  }
0x3: {  	_ = 	snop  }
0x4: {  	_ = 	snop  }
0x5: {  	_ = 	snop  }
0x6: {  	_ = 	snop  }
0x7: {  	_ = 	snop  }
__scs_overlays_trampoline_lowered:
0x8: {  	[smem:$0x3FA5] =	sst s0  }
0x9: {  	[smem:$0x3FA6] =	sst s1  }
0xa: {  	[smem:$0x3FA7] =	sst s2  }
0xb: {  	[smem:$0x3FA8] =	sst s3  }
0xc: {  	[smem:$0x3FA9] =	sst s4  }
0xd: {  	[smem:$0x3FAA] =	sst s5  }
0xe: {  	[smem:$0x3FAB] =	sst s6  }
0xf: {  	[smem:$0x3FAC] =	sst s7  }
0x10: {  	[smem:$0x3FAD] =	sst s8  }
0x11: {  	[smem:$0x3FAE] =	sst s9;
	s0 =	simm.s32 @!p0 $0x0  }
0x12: {  	s1 =	sld [smem:$0x3F94];
	s0 =	simm.s32 @p0 $0x1  }
0x13: {  	[smem:$0x3FAF] =	sst s0;
	s0 =	simm.s32 @!p1 $0x0  }
0x14: {  	s2 =	sld [smem:$0x3F93];
	s0 =	simm.s32 @p1 $0x1  }
0x15: {  	[smem:$0x3FB0] =	sst s0;
	s0 =	simm.s32 @!p2 $0x0  }
0x16: {  	s3 =	sld [smem:$0x3FDB];
	s0 =	simm.s32 @p2 $0x1  }
0x17: {  	s4 =	simm.s32 $0x1BF5;
	[smem:$0x3FB2] =	sst s0  }
0x18: {  	s0 =	sld [smem:$0x3F95];
	_ =	swait.ge [sflag:s4], $0x0  }
0x19: {  	s7 =	sld [smem:$0x3F96]  }
0x1a: {  	s8 =	sadd.s32 $0xFFFFE003, lr  }
0x1b: {  	s9 =	sadd.s32 $0xFFFFFEF7, lr;
	s5 =	simm.s32 $0xFFFFFFFF;
	p2 =	slt.u32 s8, $0xFFFFF086  }
0x1c: {  	p1 =	slt.u32 s9, $0xF7A;
	s5 =	simm.s32 @!p2 $0x0  }
0x1d: {  	s5 =	simm.s32 @p1 $0x1;
	p0 =	seq.s32 s7, s2  }
0x1e: {  	s7 =	smul.u32 @!p0 $0xF7A, s2;
	p2 =	seq.s32 @!p0 s5, $0x0  }
0x1f: {  	s9 =	smul.u32 $0xF7A, s1;
	s8 =	simm.s32 @!p0 $0x1BF5;
	p2 =	por !p2, p0  }
0x20: {  	[sflag:s8] =	ssyncset.s32 @!p0 $0xFFFFF086;
	s6 =	sadd.s32 @!p0 s3, s7;
	s7 =	simm.s32 @!p0 $0x108  }
0x21: {  	s3 =	sadd.s32 s3, s9;
	s6 =	sadd.s32 @!p0 $0x88, s6;
	s7 =	simm.s32 @p2 $0x1082  }
0x22: {  	[simem:s7], [sflag:s8] =	dma.local @!p0 [hbm:s6], $0xF7A  }
0x23: {  	s9 =	sor.u32 $0xD0000000, s2;
	s6 =	simm.s32 $0x108;
	_ =	swait.ge @!p0 [sflag:s8], $0x0  }
0x24: {  	s3 =	sadd.s32 $0x88, s3;
	s6 =	simm.s32 @!p1 $0x1082;
	[sflag:s4] =	ssyncset.s32 $0xFFFFF086  }
0x25: {  	[simem:s6], [sflag:s4] =	dma.local [hbm:s3], $0xF7A  }
0x26: {  	[smem:$0x3F96] =	sst s1;
	(tag) =	ssettag s2;
	_ =	strace s9  }
0x27: {  	s1 =	sld [smem:$0x3FA6]  }
0x28: {  	s2 =	sld [smem:$0x3FA7]  }
0x29: {  	s4 =	sld [smem:$0x3FA9]  }
0x2a: {  	p0 =	seq.s32 s5, $0x0;
	s5 =	sld [smem:$0x3FAA]  }
0x2b: {  	s6 =	sld [smem:$0x3FAB]  }
0x2c: {  	s7 =	sld [smem:$0x3FAC]  }
0x2d: {  	s3 =	simm.s32 $0x108;
	s8 =	sld [smem:$0x3FAD]  }
0x2e: {  	s3 =	simm.s32 @!p0 $0x1082;
	s9 =	sld [smem:$0x3FAE]  }
0x2f: {  	lr =	sadd.s32 s0, s3;
	s0 =	sld [smem:$0x3FA5]  }
0x30: {  	s3 =	sld [smem:$0x3FA8]  }
0x31: {  	[smem:$0x3FB1] =	sst s10  }
0x32: {  	s10 =	sld [smem:$0x3FAF];
	_ =	sdelay $0x3  }
0x33: {  	p0 =	seq.s32 s10, $0x1;
	s10 =	sld [smem:$0x3FB1];
	_ =	sdelay $0x3  }
0x34: {  	[smem:$0x3FB1] =	sst s10  }
0x35: {  	s10 =	sld [smem:$0x3FB0];
	_ =	sdelay $0x3  }
0x36: {  	p1 =	seq.s32 s10, $0x1;
	s10 =	sld [smem:$0x3FB1];
	_ =	sdelay $0x3  }
0x37: {  	[smem:$0x3FB1] =	sst s10  }
0x38: {  	s10 =	sld [smem:$0x3FB2]  }
0x39: {  	_ = 	snop;
	(pc) =	sbr.ind lr, $3  }
0x3a: {  	_ = 	snop  }
0x3b: {  	_ = 	snop  }
0x3c: {  	p2 =	seq.s32 s10, $0x1;
	s10 =	sld [smem:$0x3FB1]  }
0x3d: {  	_ =	shalt  }
0x3e: {  	_ =	shalt  }
0x3f: {  	_ =	shalt  }
0x40: {  	_ =	shalt  }
0x41: {  	_ =	shalt  }
0x42: {  	_ =	shalt  }
0x43: {  	_ =	shalt  }
0x44: {  	_ =	shalt  }
0x45: {  	_ =	shalt  }
0x46: {  	_ =	shalt  }
0x47: {  	_ =	shalt  }
0x48: {  	_ =	shalt  }
0x49: {  	_ =	shalt  }
0x4a: {  	_ =	shalt  }
0x4b: {  	_ =	shalt  }
0x4c: {  	_ =	shalt  }
0x4d: {  	_ =	shalt  }
0x4e: {  	_ =	shalt  }
0x4f: {  	_ =	shalt  }
0x50: {  	_ =	shalt  }
0x51: {  	_ =	shalt  }
0x52: {  	_ =	shalt  }
0x53: {  	_ =	shalt  }
0x54: {  	_ =	shalt  }
0x55: {  	_ =	shalt  }
0x56: {  	_ =	shalt  }
0x57: {  	_ =	shalt  }
0x58: {  	_ =	shalt  }
0x59: {  	_ =	shalt  }
0x5a: {  	_ =	shalt  }
0x5b: {  	_ =	shalt  }
0x5c: {  	_ =	shalt  }
0x5d: {  	_ =	shalt  }
0x5e: {  	_ =	shalt  }
0x5f: {  	_ =	shalt  }
0x60: {  	_ =	shalt  }
0x61: {  	_ =	shalt  }
0x62: {  	_ =	shalt  }
0x63: {  	_ =	shalt  }
0x64: {  	_ =	shalt  }
0x65: {  	_ =	shalt  }
0x66: {  	_ =	shalt  }
0x67: {  	_ =	shalt  }
0x68: {  	_ =	shalt  }
0x69: {  	_ =	shalt  }
0x6a: {  	_ =	shalt  }
0x6b: {  	_ =	shalt  }
0x6c: {  	_ =	shalt  }
0x6d: {  	_ =	shalt  }
0x6e: {  	_ =	shalt  }
0x6f: {  	_ =	shalt  }
0x70: {  	_ =	shalt  }
0x71: {  	_ =	shalt  }
0x72: {  	_ =	shalt  }
0x73: {  	_ =	shalt  }
0x74: {  	_ =	shalt  }
0x75: {  	_ =	shalt  }
0x76: {  	_ =	shalt  }
0x77: {  	_ =	shalt  }
0x78: {  	_ =	shalt  }
0x79: {  	_ =	shalt  }
0x7a: {  	_ =	shalt  }
0x7b: {  	_ =	shalt  }
0x7c: {  	_ =	shalt  }
0x7d: {  	_ =	shalt  }
0x7e: {  	_ =	shalt  }
0x7f: {  	_ =	shalt  }
0x80: {  	_ =	shalt  }
0x81: {  	_ =	shalt  }
0x82: {  	_ =	shalt  }
0x83: {  	_ =	shalt  }
0x84: {  	_ =	shalt  }
0x85: {  	_ =	shalt  }
0x86: {  	_ =	shalt  }
0x87: {  	_ =	shalt  }
.Lfunc_end0:
.L_simem_size_0:
called_computation.1_lowered:
.L_overlay_start_0:
0x88: {  	s2 =	sld [smem:$0x3FD9]  }
0x89: {  	s3 =	sld [smem:$0x3FFE];
	_ =	sdelay $0x1  }
0x8a: {  	s1 =	srdreg.scid  }
0x8b: {  	s0 =	sand.u32 $0x1, s1  }
0x8c: {  	s17 =	sshll.u32 s0, $0xA;
	s2 =	sadd.s32 s3, s2  }
0x8d: {  	s2 =	sadd.s32 s2, s17  }
0x8e: {  	[smem:$0x3FBD] =	sst s2  }
0x8f: {  	_ = 	snop  }
0x90: {  	s2 =	sld [smem:$0x3FC6]  }
0x91: {  	s18 =	sld [smem:$0x3FC5]  }
0x92: {  	s4 =	sld [smem:$0x3FD0];
	(tm) =	ssettm $0x1  }
0x93: {  	s5 =	sld [smem:$0x3FFB];
	_ =	sdelay $0x3  }
0x94: {  	_ =	strace s5  }
0x95: {  	s5 =	sld [smem:$0x3FFC];
	_ =	sdelay $0x3  }
0x96: {  	_ =	strace s5  }
0x97: {  	s5 =	sld [smem:$0x3FFD];
	_ =	sdelay $0x3  }
0x98: {  	_ =	strace s5  }
0x99: {  	_ =	strace $0x8FFFFFFF  }
0x9a: {  	s19 =	sld [smem:$0x3FDB];
	_ =	sdelay $0x1  }
0x9b: {  	s6 =	simm.s32 $_scs_section_size  }
0x9c: {  	s7 =	simm.s32 $_size__tile_overlayer_lowered;
	s8 =	simm.s32 $_tile_overlayer_lowered  }
0x9d: {  	s22 =	simm.s32 $0x1BFF;
	s21 =	sshll.u32 s8, $0x1;
	s5 =	sadd.s32 s6, s19  }
0x9e: {  	s9 =	simm.s32 $0x0;
	s20 =	sshll.u32 s7, $0x1;
	s7 =	sadd.s32 s21, s5  }
0x9f: {  	[timem:s9], [sflag:s22] =	dma.local [hbm:s7], s20  }
0xa0: {  	_ =	swait.ge [sflag:s22], s20  }
0xa1: {  	s6 =	ssub.s32 $0x0, s20;
	[sflag:s22] =	ssyncset.done $0x0  }
0xa2: {  	[sflag:s22] =	ssyncadd.s32 s6;
	_ =	sdelay $0x1  }
0xa3: {  	s23 =	simm.s32 $0x1B8B  }
0xa4: {  	_ =	swait.ge [sflag:s23], $0x1  }
0xa5: {  	[sflag:s23] =	ssyncset.done $0x0  }
0xa6: {  	s25 =	simm.s32 $0x1B8E;
	s24 =	sld [smem:$0x3FFE];
	[sflag:s23] =	ssyncadd.s32 $0xFFFFFFFF  }
0xa7: {  	s26 =	simm.s32 $execute0_lowered;
	[smem:$0x3FD2] =	sst s25  }
0xa8: {  	s7 =	sshll.u32 s26, $0x1;
	_ =	strace $0x80000049;
	[dreg:$0x1] =	wrdreg $0xFFFFFFFF  }
0xa9: {  	s28 =	simm.s32 $_size_execute0_lowered;
	s5 =	sadd.s32 s5, s7;
	[dreg:$0x0] =	wrdreg $0x0  }
0xaa: {  	s7 =	sshll.u32 s28, $0x1;
	[dreg:$0x2] =	wrdreg s5  }
0xab: {  	[dreg:$0x3] =	wrdreg s7  }
0xac: {  	[dreg:$0x4] =	wrdreg $0xC0  }
0xad: {  	_ =	task [dreg:s9], $0x5FFFF  }
0xae: {  	[dreg:$0x1] =	wrdreg $0xFFFFFFFF  }
0xaf: {  	[dreg:$0x0] =	wrdreg $0x60  }
0xb0: {  	[dreg:$0x2] =	wrdreg s24  }
0xb1: {  	[dreg:$0x3] =	wrdreg s2  }
0xb2: {  	[dreg:$0x4] =	wrdreg s18  }
0xb3: {  	[dreg:$0x5] =	wrdreg s4  }
0xb4: {  	[dreg:$0x6] =	wrdreg $0xAB000  }
0xb5: {  	[dreg:$0x7] =	wrdreg $0x1E3800  }
0xb6: {  	[dreg:$0x8] =	wrdreg $0x9  }
0xb7: {  	_ =	task.clear_ibuf [dreg:s9], $0x9FFFF;
	_ =	strace $0x90000049  }
0xb8: {  	s29 =	simm.s32 $0x9;
	_ =	strace $0x8000004B  }
0xb9: {  	_ =	swait.ge [sflag:s29], $0x1  }
0xba: {  	[sflag:s29] =	ssyncadd.s32 $0xFFFFFFFF  }
0xbb: {  	_ =	strace $0x9000004B  }
0xbc: {  	_ =	sfence  }
0xbd: {  	s30 =	sld [smem:$0x0];
	_ =	sdelay $0x2  }
0xbe: {  	s31 =	sshll.u32 s1, $0xD;
	s1 =	sshrl.u32 s1, $0x2  }
0xbf: {  	s3 =	sand.u32 $0x4000, s31;
	s1 =	sadd.s32 s1, s30  }
0xc0: {  	s0 =	sor.u32 s3, s0;
	s1 =	sshll.u32 s1, $0x11  }
0xc1: {  	s0 =	sor.u32 s1, s0  }
0xc2: {  	s0 =	sadd.s32 $0x8F2B, s0  }
0xc3: {  	[sflag:s0] =	ssyncadd.remote.s32 $0x1  }
0xc4: {  	_ =	sfence.sel $0xFFFF  }
0xc5: {  	[dreg:$0x0] =	wrdreg $0xFFFFFFFF;
	(pc) =	sbr.abs _section_cstart, $3  }
0xc6: {  	[dreg:$0x1] =	wrdreg $0xFFFFFFFF  }
0xc7: {  	_ =	task.clear_ibuf [dreg:s9], $0x2FFFF;
	_ =	strace $0x9FFFFFFF  }
0xc8: {  	(tm) =	ssettm $0x7FFFFFFF  }
0xc9: {  	_ =	shalt  }
tec
execute0_lowered:
.L_overlay_start_1:
0x0: {  	(tag) =	ssettag $0x1  }
0x1: {  	s0 =	rddreg [dreg:$0x0]  }
0x2: {  	s17 =	rddreg [dreg:$0x1]  }
0x3: {  	s18 =	rddreg [dreg:$0x2]  }
0x4: {  	s1 =	rddreg [dreg:$0x3]  }
0x5: {  	s3 =	rddreg [dreg:$0x4]  }
0x6: {  	s4 =	rddreg [dreg:$0x5]  }
0x7: {  	s21 =	simm.s32 $0x0;
	s2 =	srdreg.scid;
	s5 =	stileid.u32  }
0x8: {  	s29 =	simm.s32 $0x5800;
	s30 =	simm.s32 $0x8000;
	s8 =	smul.u32 $0x270, s5  }
0x9: {  	s31 =	simm.s32 $0x7;
	s28 =	simm.s32 $0x4;
	s11 =	smul.u32 $0x4E000, s5  }
0xa: {  	[smem:$0x7FF] =	sst s21;
	s6 =	sadd.s32 $0x3200, s0;
	s13 =	smul.u32 $0x13800, s5  }
0xb: {  	s7 =	sadd.s32 $0x2B000, s0;
	s2 =	sand.u32 $0x1, s2;
	s22 =	smul.u32 $0x28, s5  }
0xc: {  	s10 =	sshll.u32 s5, $0x1;
	s15 =	sshll.u32 s5, $0x6;
	s16 =	smul.u32 $0x138800, s2  }
0xd: {  	_ =	strace $0x8000004A;
	s23 =	sor.u32 $0x1C0B, s15;
	s15 =	smul.u32 $0x140, s5  }
0xe: {  	s9 =	ssub.s32 $0x2, s2;
	s10 =	sor.u32 s2, s10;
	s20 =	smul.u32 $0xA0, s2  }
0xf: {  	p0 =	seq.s32 s2, $0x0;
	s2 =	smul.u32 $0x14, s2;
	s12 =	sshrl.u32 s9, $0x1  }
0x10: {  	s11 =	sshrl.u32 s11, $0x2;
	s25 =	smul.u32 $0xA0, s10;
	s14 =	sshrl.u32 s13, $0x3  }
0x11: {  	[dreg:$0x9] =	wrdreg s23;
	s9 =	ssub.s32 s9, s12;
	s11 =	sadd.s32 s11, s3  }
0x12: {  	s26 =	sadd.s32 s1, s14;
	s1 =	sadd.s32 $0x27000, s1;
	[dreg:$0x7] =	wrdreg s11  }
0x13: {  	s14 =	sadd.s32 s13, s16;
	s19 =	sshrl.u32 s16, $0x3;
	[dreg:$0x8] =	wrdreg s26  }
0x14: {  	s13 =	sadd.s32 s22, s17;
	[dreg:$0xa] =	wrdreg s1;
	s1 =	sshrl.u32 s25, $0x3  }
0x15: {  	s11 =	sshrl.u32 s14, $0x3;
	s14 =	simm.s32 $0x2A400;
	s25 =	sadd.s32 s22, s18  }
0x16: {  	s22 =	sshrl.u32 s8, $0x3;
	s12 =	sadd.s32 s17, s1;
	s11 =	sadd.s32 s7, s11  }
0x17: {  	s7 =	sadd.s32 s7, s19;
	s14 =	simm.s32 @!p0 $0x2AA00;
	s26 =	sadd.s32 $0x280, s1  }
0x18: {  	p0 =	sne.s32 s5, $0x0;
	s16 =	sadd.s32 s18, s1;
	[dreg:$0xb] =	wrdreg s12  }
0x19: {  	[dreg:$0xc] =	wrdreg s11;
	s0 =	sadd.s32 s14, s0;
	s11 =	sadd.s32 s20, s15  }
0x1a: {  	s15 =	sadd.s32 s2, s13;
	s13 =	sadd.s32 s17, s26;
	[dreg:$0x11] =	wrdreg s16  }
0x1b: {  	s14 =	sadd.s32 s2, s25;
	s2 =	sadd.s32 s18, s26;
	[dreg:$0xf] =	wrdreg s13  }
0x1c: {  	s12 =	sadd.s32 $0xA, s1;
	s20 =	sadd.s32 s8, s4;
	[dreg:$0x10] =	wrdreg s2  }
0x1d: {  	s1 =	sadd.s32 $0x28A, s1;
	s25 =	smax.u32 s9, $0x1;
	[dreg:$0x14] =	wrdreg s20  }
0x1e: {  	s24 =	sadd.s32 s17, s12;
	s12 =	sadd.s32 s18, s12;
	[dreg:$0x16] =	wrdreg s25  }
0x1f: {  	s19 =	sadd.s32 s17, s1;
	s1 =	sadd.s32 s18, s1;
	[dreg:$0xd] =	wrdreg s24  }
0x20: {  	s26 =	sadd.s32 $0x6450, s11;
	s2 =	sor.u32 $0x60, s10;
	[dreg:$0xe] =	wrdreg s12  }
0x21: {  	s5 =	sadd.s32 $0x6400, s11;
	s8 =	sadd.s32 $0x3C50, s11;
	[dreg:$0x12] =	wrdreg s19  }
0x22: {  	s13 =	sadd.s32 $0x5050, s11;
	[dreg:$0x13] =	wrdreg s1;
	s24 =	sadd.s32 $0x27000, s7  }
0x23: {  	s1 =	sadd.s32 s0, s22;
	s0 =	sadd.s32 $0x4E0, s0;
	[dreg:$0x19] =	wrdreg s2  }
0x24: {  	s9 =	sshrl.u32 s8, $0x3;
	s16 =	sshrl.u32 s13, $0x3;
	[dreg:$0x15] =	wrdreg s24  }
0x25: {  	s19 =	sadd.s32 $0x2850, s11;
	s13 =	sadd.s32 $0x2700, s4;
	[dreg:$0x17] =	wrdreg s1  }
0x26: {  	s8 =	simm.s32 $0xB;
	s2 =	simm.s32 $0x6;
	[dreg:$0x18] =	wrdreg s0  }
0x27: {  	s0 =	sshrl.u32 s26, $0x3;
	s1 =	sshrl.u32 s5, $0x3;
	s12 =	sadd.s32 s9, s18  }
0x28: {  	s20 =	sadd.s32 s16, s18;
	s22 =	sshrl.u32 s19, $0x3;
	[smem:$0x7FD] =	sst s13  }
0x29: {  	s24 =	sadd.s32 $0x5000, s11;
	s26 =	sadd.s32 $0x138000, s3;
	[dreg:$0x1e] =	wrdreg s12  }
0x2a: {  	s19 =	simm.s32 $0x2;
	s11 =	simm.s32 $0x9;
	[smem:$0x7F7] =	sst s20  }
0x2b: {  	s5 =	simm.s32 $0xA;
	s7 =	sadd.s32 s0, s18;
	[smem:$0x7F9] =	sst s24  }
0x2c: {  	s0 =	sadd.s32 s0, s17;
	s10 =	sadd.s32 s1, s18;
	[smem:$0x7FC] =	sst s26  }
0x2d: {  	s1 =	sadd.s32 s1, s17;
	s25 =	sadd.s32 s22, s18;
	[dreg:$0x1a] =	wrdreg s7  }
0x2e: {  	s26 =	simm.s32 $0x480;
	s24 =	simm.s32 $0x580;
	[dreg:$0x1b] =	wrdreg s0  }
0x2f: {  	s12 =	simm.s32 $0x1;
	s20 =	simm.s32 $0x50;
	[dreg:$0x1c] =	wrdreg s10  }
0x30: {  	s18 =	simm.s32 $0x3000;
	[dreg:$0x1d] =	wrdreg s1;
	s0 =	sadd.s32 s9, s17  }
.Ltmp0:
0x31: {  	[smem:$0x7FA] =	sst s25;
	s9 =	simm.s32 $0x5;
	(pc) =	sbr.rel .LBB2_1-.Ltmp0, $4  }
0x32: {  	s1 =	simm.s32 $0xA800;
	s10 =	simm.s32 $0x3;
	s25 =	simm.s32 $0x0  }
0x33: {  	[dreg:$0x1f] =	wrdreg s0;
	s0 =	sadd.s32 s16, s17;
	s16 =	simm.s32 $0xA880  }
0x34: {  	[smem:$0x7F8] =	sst s0;
	s0 =	sadd.s32 s22, s17;
	s17 =	simm.s32 $0x500  }
0x35: {  	v0 =	vimm.f32 $1.000000000e+00;
	v1 =	vimm.f32 $0.0e+00;
	s22 =	simm.s32 $0x800;
	[smem:$0x7FB] =	sst s0;
	s0 =	simm.s32 $0x8  }
.LBB2_7:
0x36: {  	_ =	swait.ge [sflag:s11], $0x2800  }
0x37: {  	[sflag:s11] =	ssyncset.done $0x0  }
0x38: {  	[sflag:s11] =	ssyncadd.s32 $0xFFFFD800  }
0x39: {  	_ =	swait.ge [sflag:s11], $0x50  }
0x3a: {  	[sflag:s11] =	ssyncset.done $0x0  }
0x3b: {  	[sflag:s11] =	ssyncadd.s32 $0xFFFFFFB0  }
0x3c: {  	_ =	swait.ge [sflag:s11], $0x2800  }
0x3d: {  	[sflag:s11] =	ssyncset.done $0x0  }
0x3e: {  	[sflag:s11] =	ssyncadd.s32 $0xFFFFD800  }
0x3f: {  	_ =	swait.ge [sflag:s11], $0x50  }
0x40: {  	[sflag:s11] =	ssyncset.done $0x0  }
0x41: {  	[sflag:s11] =	ssyncadd.s32 $0xFFFFFFB0  }
0x42: {  	_ =	swait.ge [sflag:s5], $0x2800  }
0x43: {  	[sflag:s5] =	ssyncset.done $0x0  }
0x44: {  	[sflag:s5] =	ssyncadd.s32 $0xFFFFD800  }
0x45: {  	_ =	swait.ge [sflag:s5], $0x50  }
0x46: {  	[sflag:s5] =	ssyncset.done $0x0  }
0x47: {  	[sflag:s5] =	ssyncadd.s32 $0xFFFFFFB0  }
0x48: {  	_ =	swait.ge [sflag:s5], $0x2800  }
0x49: {  	[sflag:s5] =	ssyncset.done $0x0  }
0x4a: {  	[sflag:s5] =	ssyncadd.s32 $0xFFFFD800  }
0x4b: {  	_ =	swait.ge [sflag:s5], $0x50  }
0x4c: {  	[sflag:s5] =	ssyncset.done $0x0  }
0x4d: {  	[sflag:s5] =	ssyncadd.s32 $0xFFFFFFB0  }
0x4e: {  	[bflag:$0x0] =	sbarrier.arrive $0xFFFF  }
0x4f: {  	s8 =	sld [smem:$0x7F5]  }
0x50: {  	s23 =	rddreg [dreg:$0x9]  }
0x51: {  	s7 =	rddreg [dreg:$0xc]  }
0x52: {  	[hbm:s7], [sflag:s23] =	dma.local [spmem:s8], $0x2700  }
0x53: {  	s8 =	simm.s32 $0xB  }
0x54: {  	_ =	swait.ge [sflag:s8], $0x2700  }
0x55: {  	[sflag:s8] =	ssyncset.done $0x0  }
0x56: {  	s13 =	simm.s32 $0xA880;
	s16 =	rddreg [dreg:$0x14];
	[sflag:s8] =	ssyncadd.s32 $0xFFFFD900  }
0x57: {  	[tilespmem:s13], [sflag:$0xB] =	stream.linear.gather [spmem:s16], $0x270, $0x38;
	[tilespmem:$0x1E5F8] =	vst v63  }
0x58: {  	_ =	swait.ge [sflag:s8], $0x270  }
0x59: {  	[sflag:s8] =	ssyncset.done $0x0  }
0x5a: {  	s25 =	rddreg [dreg:$0x17];
	[sflag:s8] =	ssyncadd.s32 $0xFFFFFD90  }
0x5b: {  	[hbm4b:s25+s21] =	stream.linear.scatter [tilespmem:s13], [sflag:$0xB], $0x270, $0x38;
	[tilespmem:$0x1E5F8] =	vst v63  }
0x5c: {  	_ =	swait.ge [sflag:s8], $0x270  }
0x5d: {  	[sflag:s8] =	ssyncset.done $0x0  }
0x5e: {  	[sflag:s8] =	ssyncadd.s32 $0xFFFFFD90;
	s8 =	sld [smem:$0x7F6];
	_ =	sdelay $0x1  }
0x5f: {  	s7 =	rddreg [dreg:$0x15]  }
0x60: {  	[hbm:s7], [sflag:s23] =	dma.local @!p0 [spmem:s8], $0x100  }
0x61: {  	s7 =	simm.s32 @!p0 $0xB  }
0x62: {  	_ =	swait.ge @!p0 [sflag:s7], $0x100  }
0x63: {  	s16 =	sld [smem:$0x7FD]  }
0x64: {  	[sflag:s7] =	ssyncset.done @!p0 $0x0  }
0x65: {  	s8 =	simm.s32 @!p0 $0xA880;
	[sflag:s7] =	ssyncadd.s32 @!p0 $0xFFFFFF00  }
0x66: {  	[tilespmem:s8], [sflag:$0xB] =	stream.linear.gather @!p0 [spmem:s16], $0x10, $0x38;
	[tilespmem:$0x1E5F8] =	vst v63  }
0x67: {  	_ =	swait.ge @!p0 [sflag:s7], $0x10  }
0x68: {  	[sflag:s7] =	ssyncset.done @!p0 $0x0  }
0x69: {  	s13 =	simm.s32 @!p0 $0x0;
	s25 =	rddreg [dreg:$0x18];
	[sflag:s7] =	ssyncadd.s32 @!p0 $0xFFFFFFF0  }
0x6a: {  	[hbm4b:s25+s13] =	stream.linear.scatter @!p0 [tilespmem:s8], [sflag:$0xB], $0x10, $0x38;
	[tilespmem:$0x1E5F8] =	vst v63  }
0x6b: {  	_ =	swait.ge @!p0 [sflag:s7], $0x10  }
0x6c: {  	s8 =	sld [smem:$0x7F4];
	_ =	sdelay $0x2  }
0x6d: {  	s25 =	sadd.s32 $0x1, s8;
	s8 =	rddreg [dreg:$0x16]  }
0x6e: {  	p1 =	sne.s32 s25, s8  }
.Ltmp1:
0x6f: {  	_ = 	snop;
	(pc) =	sbr.rel @!p1 .LBB2_8-.Ltmp1, $3  }
0x70: {  	_ =	sdelay $0x1  }
0x71: {  	s13 =	smov.u32 s16;
	[sflag:s7] =	ssyncset.done @!p0 $0x0  }
0x72: {  	s16 =	simm.s32 $0xA880;
	[sflag:s7] =	ssyncadd.s32 @!p0 $0xFFFFFFF0;
	s8 =	simm.s32 $0xB  }
.LBB2_1:
0x73: {  	[tilespmem:$0xA800] =	vst v0  }
0x74: {  	[tilespmem:$0xA810] =	vst v0  }
0x75: {  	[tilespmem:$0xA820] =	vst v0  }
0x76: {  	[tilespmem:$0xA830] =	vst v0  }
0x77: {  	[tilespmem:$0xA840] =	vst v0  }
0x78: {  	[tilespmem:$0xA880] =	vst v1  }
0x79: {  	[tilespmem:$0xA890] =	vst v1  }
0x7a: {  	[tilespmem:$0xA8A0] =	vst v1  }
0x7b: {  	[tilespmem:$0xA8B0] =	vst v1  }
0x7c: {  	[tilespmem:$0xA8C0] =	vst v1  }
0x7d: {  	[tilespmem:$0xA8D0] =	vst v1  }
0x7e: {  	[tilespmem:$0xA8E0] =	vst v1  }
0x7f: {  	[tilespmem:$0xA8F0] =	vst v1  }
0x80: {  	[tilespmem:$0xA900] =	vst v1  }
0x81: {  	[tilespmem:$0xA910] =	vst v1  }
0x82: {  	[tilespmem:$0xA920] =	vst v1  }
0x83: {  	[tilespmem:$0xA930] =	vst v1  }
0x84: {  	[tilespmem:$0xA940] =	vst v1  }
0x85: {  	[tilespmem:$0xA950] =	vst v1  }
0x86: {  	[tilespmem:$0xA960] =	vst v1  }
0x87: {  	[tilespmem:$0xA970] =	vst v1  }
0x88: {  	[tilespmem:$0xA980] =	vst v1  }
0x89: {  	[tilespmem:$0xA990] =	vst v1  }
0x8a: {  	[tilespmem:$0xA9A0] =	vst v1  }
0x8b: {  	[tilespmem:$0xA9B0] =	vst v1  }
0x8c: {  	[tilespmem:$0xA9C0] =	vst v1  }
0x8d: {  	[tilespmem:$0xA9D0] =	vst v1  }
0x8e: {  	[tilespmem:$0xA9E0] =	vst v1  }
0x8f: {  	[tilespmem:$0xA9F0] =	vst v1  }
0x90: {  	[tilespmem:$0xAA00] =	vst v1  }
0x91: {  	[tilespmem:$0xAA10] =	vst v1  }
0x92: {  	[tilespmem:$0xAA20] =	vst v1  }
0x93: {  	[tilespmem:$0xAA30] =	vst v1  }
0x94: {  	[tilespmem:$0xAA40] =	vst v1  }
0x95: {  	[tilespmem:$0xAA50] =	vst v1  }
0x96: {  	[tilespmem:$0xAA60] =	vst v1  }
0x97: {  	[tilespmem:$0xAA70] =	vst v1  }
0x98: {  	[tilespmem:$0xAA80] =	vst v1  }
0x99: {  	[tilespmem:$0xAA90] =	vst v1  }
0x9a: {  	[tilespmem:$0xAAA0] =	vst v1  }
0x9b: {  	[smem:$0x7F4] =	sst s25;
	[tilespmem:$0xAAB0] =	vst v1  }
0x9c: {  	[tilespmem:$0xAAC0] =	vst v1;
	s7 =	rddreg [dreg:$0x7]  }
0x9d: {  	[tilespmem:$0xAAD0] =	vst v1;
	s25 =	sshrl.u32 s7, $0x3;
	s7 =	rddreg [dreg:$0x8]  }
0x9e: {  	[tilespmem:$0xAAE0] =	vst v1;
	[smem:$0x7F5] =	sst s25  }
0x9f: {  	[spmem:s25], [sflag:s23] =	dma.local [hbm:s7], $0x2700  }
0xa0: {  	_ =	swait.ge [sflag:s8], $0x2700  }
0xa1: {  	[sflag:s8] =	ssyncset.done $0x0  }
0xa2: {  	s25 =	rddreg [dreg:$0x14];
	[sflag:s8] =	ssyncadd.s32 $0xFFFFD900  }
0xa3: {  	[spmem:s25] =	stream.linear.scatter [tilespmem:s16], [sflag:$0xB], $0x270, $0x38;
	[tilespmem:$0x1E5F8] =	vst v63  }
0xa4: {  	_ =	swait.ge [sflag:s8], $0x270  }
0xa5: {  	s7 =	sld [smem:$0x7FC];
	_ =	sdelay $0x1  }
0xa6: {  	[sflag:s8] =	ssyncset.done $0x0  }
0xa7: {  	[sflag:s8] =	ssyncadd.s32 $0xFFFFFD90;
	s8 =	sshrl.u32 @!p0 s7, $0x3;
	s7 =	rddreg [dreg:$0xa]  }
0xa8: {  	[smem:$0x7F6] =	sst s8  }
0xa9: {  	[spmem:s8], [sflag:s23] =	dma.local @!p0 [hbm:s7], $0x100  }
0xaa: {  	s7 =	simm.s32 @!p0 $0xB  }
0xab: {  	_ =	swait.ge @!p0 [sflag:s7], $0x100  }
0xac: {  	[sflag:s7] =	ssyncset.done @!p0 $0x0  }
0xad: {  	s8 =	simm.s32 @!p0 $0xA880;
	[sflag:s7] =	ssyncadd.s32 @!p0 $0xFFFFFF00  }
0xae: {  	[spmem:s13] =	stream.linear.scatter @!p0 [tilespmem:s8], [sflag:$0xB], $0x10, $0x38;
	[tilespmem:$0x1E5F8] =	vst v63  }
0xaf: {  	_ =	swait.ge @!p0 [sflag:s7], $0x10  }
0xb0: {  	[sflag:s7] =	ssyncset.done @!p0 $0x0  }
0xb1: {  	s25 =	rddreg [dreg:$0xb];
	[sflag:s7] =	ssyncadd.s32 @!p0 $0xFFFFFFF0  }
0xb2: {  	[tilespmem:s21], [sflag:$0x1] =	stream.linear.gather [hbm4b:s25+s21], $0x50, $0x38;
	[tilespmem:$0x1E5F8] =	vst v63  }
0xb3: {  	s13 =	simm.s32 $0x400;
	s8 =	rddreg [dreg:$0x11]  }
0xb4: {  	[tilespmem:s13], [sflag:$0x1] =	stream.linear.gather [hbm4b:s8+s21], $0x50, $0x38;
	[tilespmem:$0x1E5F8] =	vst v63  }
0xb5: {  	s23 =	simm.s32 $0x80;
	s16 =	rddreg [dreg:$0xd]  }
0xb6: {  	[tilespmem:s23], [sflag:$0x1] =	stream.linear.gather [hbm4b:s16+s21], $0x50, $0x38;
	[tilespmem:$0x1E5F8] =	vst v63  }
0xb7: {  	s25 =	rddreg [dreg:$0xe]  }
0xb8: {  	[tilespmem:s26], [sflag:$0x1] =	stream.linear.gather [hbm4b:s25+s21], $0x50, $0x38;
	[tilespmem:$0x1E5F8] =	vst v63  }
0xb9: {  	s8 =	rddreg [dreg:$0xf];
	s13 =	simm.s32 $0x100  }
0xba: {  	[tilespmem:s13], [sflag:$0x2] =	stream.linear.gather [hbm4b:s8+s21], $0x50, $0x38;
	[tilespmem:$0x1E5F8] =	vst v63  }
0xbb: {  	s16 =	rddreg [dreg:$0x10]  }
0xbc: {  	[tilespmem:s17], [sflag:$0x2] =	stream.linear.gather [hbm4b:s16+s21], $0x50, $0x38;
	[tilespmem:$0x1E5F8] =	vst v63  }
0xbd: {  	s23 =	rddreg [dreg:$0x12];
	s25 =	simm.s32 $0x180  }
0xbe: {  	[tilespmem:s25], [sflag:$0x2] =	stream.linear.gather [hbm4b:s23+s21], $0x50, $0x38;
	[tilespmem:$0x1E5F8] =	vst v63  }
.Ltmp2:
0xbf: {  	s26 =	rddreg [dreg:$0x13];
	(pc) =	sbr.rel .LBB2_2-.Ltmp2, $4  }
0xc0: {  	[tilespmem:s24], [sflag:$0x2] =	stream.linear.gather [hbm4b:s26+s21], $0x50, $0x38;
	[tilespmem:$0x1E5F8] =	vst v63  }
0xc1: {  	[bflag:$0x0] =	sbarrier.arrive $0xFFFF  }
0xc2: {  	s23 =	sld [smem:$0x7F9]  }
0xc3: {  	s7 =	simm.s32 $0x0;
	s25 =	rddreg [dreg:$0x19]  }
.LBB2_6:
0xc4: {  	s7 =	sadd.s32 $0xA00, s7  }
0xc5: {  	p1 =	sne.s32 s7, $0xA000  }
.Ltmp3:
0xc6: {  	_ = 	snop;
	(pc) =	sbr.rel @!p1 .LBB2_7-.Ltmp3, $2  }
0xc7: {  	_ =	sdelay $0x2  }
0xc8: {  	s25 =	sadd.s32 $0x80, s25;
	s21 =	simm.s32 $0x0;
	s23 =	sadd.s32 $0x5000, s23  }
.LBB2_2:
0xc9: {  	_ =	swait.ge [sflag:s12], $0x50  }
0xca: {  	[sflag:s12] =	ssyncset.done $0x0  }
0xcb: {  	[sflag:s12] =	ssyncadd.s32 $0xFFFFFFB0  }
0xcc: {  	_ =	swait.ge [sflag:s12], $0x50  }
0xcd: {  	[sflag:s12] =	ssyncset.done $0x0  }
0xce: {  	[sflag:s12] =	ssyncadd.s32 $0xFFFFFFB0  }
0xcf: {  	_ =	swait.ge [sflag:s12], $0x50  }
0xd0: {  	[sflag:s12] =	ssyncset.done $0x0  }
0xd1: {  	[sflag:s12] =	ssyncadd.s32 $0xFFFFFFB0  }
0xd2: {  	_ =	swait.ge [sflag:s12], $0x50  }
0xd3: {  	p1 =	seq.s32 s7, $0x0;
	[sflag:s12] =	ssyncset.done $0x0  }
0xd4: {  	s8 =	simm.s32 @!p1 $0x9;
	[sflag:s12] =	ssyncadd.s32 $0xFFFFFFB0  }
0xd5: {  	_ =	swait.ge @!p1 [sflag:s8], $0x2800  }
0xd6: {  	[sflag:s8] =	ssyncset.done @!p1 $0x0  }
0xd7: {  	[sflag:s8] =	ssyncadd.s32 @!p1 $0xFFFFD800  }
0xd8: {  	_ =	swait.ge @!p1 [sflag:s8], $0x50  }
0xd9: {  	[sflag:s8] =	ssyncset.done @!p1 $0x0  }
0xda: {  	[sflag:s8] =	ssyncadd.s32 @!p1 $0xFFFFFFB0  }
0xdb: {  	_ =	swait.ge @!p1 [sflag:s8], $0x2800  }
0xdc: {  	[sflag:s8] =	ssyncset.done @!p1 $0x0  }
0xdd: {  	[sflag:s8] =	ssyncadd.s32 @!p1 $0xFFFFD800  }
0xde: {  	_ =	swait.ge @!p1 [sflag:s8], $0x50  }
0xdf: {  	[sflag:s8] =	ssyncset.done @!p1 $0x0  }
0xe0: {  	[sflag:s8] =	ssyncadd.s32 @!p1 $0xFFFFFFB0;
	s8 =	sadd.s32 $0xFFFFFFE0, s25  }
0xe1: {  	[tilespmem:s22], [sflag:$0x5] =	stream.indirect.gather [hbm4b:s6+s20], $0x80, s21, s20, $0xb8;
	[tilespmem:$0x1E5F8] =	vst v63  }
0xe2: {  	s13 =	simm.s32 $0x80;
	p2 =	sgt.u32 s8, $0x7CF  }
0xe3: {  	[tilespmem:s18], [sflag:$0x6] =	stream.indirect.gather [hbm4b:s6+s20], $0x80, s13, s20, $0xb8;
	[tilespmem:$0x1E5F8] =	vst v63  }
0xe4: {  	s13 =	sadd.s32 @!p2 s7, s15  }
0xe5: {  	s16 =	simm.s32 @!p2 $0x0;
	s21 =	simm.s32 @!p2 $0x200;
	s13 =	sadd.s32 @!p2 $0x500, s13  }
0xe6: {  	[tilespmem:s21], [sflag:$0x3] =	stream.linear.gather @!p2 [hbm4b:s13+s16], $0x50, $0x38;
	[tilespmem:$0x1E5F8] =	vst v63  }
0xe7: {  	s13 =	sadd.s32 @!p2 s7, s14  }
0xe8: {  	s21 =	simm.s32 @!p2 $0x600;
	s13 =	sadd.s32 @!p2 $0x500, s13  }
0xe9: {  	[tilespmem:s21], [sflag:$0x3] =	stream.linear.gather @!p2 [hbm4b:s13+s16], $0x50, $0x38;
	[tilespmem:$0x1E5F8] =	vst v63  }
0xea: {  	s13 =	sld [smem:$0x7FB];
	_ =	sdelay $0x2  }
0xeb: {  	s21 =	simm.s32 @!p2 $0x280;
	s13 =	sadd.s32 @!p2 s7, s13  }
0xec: {  	[tilespmem:s21], [sflag:$0x3] =	stream.linear.gather @!p2 [hbm4b:s13+s16], $0x50, $0x38;
	[tilespmem:$0x1E5F8] =	vst v63  }
0xed: {  	s13 =	sld [smem:$0x7FA];
	_ =	sdelay $0x2  }
0xee: {  	s21 =	simm.s32 @!p2 $0x680;
	s13 =	sadd.s32 @!p2 s7, s13  }
0xef: {  	[tilespmem:s21], [sflag:$0x3] =	stream.linear.gather @!p2 [hbm4b:s13+s16], $0x50, $0x38;
	[tilespmem:$0x1E5F8] =	vst v63  }
0xf0: {  	_ =	swait.ge [sflag:s9], $0x2800  }
0xf1: {  	[sflag:s9] =	ssyncset.done $0x0  }
0xf2: {  	s16 =	simm.s32 $0x400;
	[sflag:s9] =	ssyncadd.s32 $0xFFFFD800  }
0xf3: {  	[spmem:s3] =	stream.indirect.scatter.add.f32 [tilespmem:s22], [sflag:$0x9], $0x80, s16, s20, $0xb8;
	[tilespmem:$0x1E5F8] =	vst v63  }
0xf4: {  	_ = 	snop  }
0xf5: {  	[spmem:s4] =	stream.indirect.scatter.add.f32 [tilespmem:s1], [sflag:$0x9], $0x1, s16, s20, $0xb8;
	[tilespmem:$0x1E5F8] =	vst v63  }
0xf6: {  	_ =	swait.ge [sflag:s2], $0x2800  }
0xf7: {  	[sflag:s2] =	ssyncset.done $0x0  }
0xf8: {  	s17 =	simm.s32 $0x480;
	[sflag:s2] =	ssyncadd.s32 $0xFFFFD800  }
0xf9: {  	[spmem:s3] =	stream.indirect.scatter.add.f32 [tilespmem:s18], [sflag:$0x9], $0x80, s17, s20, $0xb8;
	[tilespmem:$0x1E5F8] =	vst v63  }
0xfa: {  	_ = 	snop  }
0xfb: {  	[spmem:s4] =	stream.indirect.scatter.add.f32 [tilespmem:s1], [sflag:$0x9], $0x1, s17, s20, $0xb8;
	[tilespmem:$0x1E5F8] =	vst v63  }
0xfc: {  	_ =	swait.ge [sflag:s19], $0x50  }
0xfd: {  	[sflag:s19] =	ssyncset.done $0x0  }
0xfe: {  	[sflag:s19] =	ssyncadd.s32 $0xFFFFFFB0  }
0xff: {  	_ =	swait.ge [sflag:s19], $0x50  }
0x100: {  	[sflag:s19] =	ssyncset.done $0x0  }
0x101: {  	[sflag:s19] =	ssyncadd.s32 $0xFFFFFFB0  }
0x102: {  	_ =	swait.ge [sflag:s19], $0x50  }
0x103: {  	[sflag:s19] =	ssyncset.done $0x0  }
0x104: {  	[sflag:s19] =	ssyncadd.s32 $0xFFFFFFB0  }
0x105: {  	_ =	swait.ge [sflag:s19], $0x50  }
0x106: {  	[sflag:s19] =	ssyncset.done $0x0  }
0x107: {  	s13 =	simm.s32 @!p1 $0xA;
	[sflag:s19] =	ssyncadd.s32 $0xFFFFFFB0  }
0x108: {  	_ =	swait.ge @!p1 [sflag:s13], $0x2800  }
0x109: {  	[sflag:s13] =	ssyncset.done @!p1 $0x0  }
0x10a: {  	[sflag:s13] =	ssyncadd.s32 @!p1 $0xFFFFD800  }
0x10b: {  	_ =	swait.ge @!p1 [sflag:s13], $0x50  }
0x10c: {  	[sflag:s13] =	ssyncset.done @!p1 $0x0  }
0x10d: {  	[sflag:s13] =	ssyncadd.s32 @!p1 $0xFFFFFFB0  }
0x10e: {  	_ =	swait.ge @!p1 [sflag:s13], $0x2800  }
0x10f: {  	[sflag:s13] =	ssyncset.done @!p1 $0x0  }
0x110: {  	[sflag:s13] =	ssyncadd.s32 @!p1 $0xFFFFD800  }
0x111: {  	_ =	swait.ge @!p1 [sflag:s13], $0x50  }
0x112: {  	[sflag:s13] =	ssyncset.done @!p1 $0x0  }
0x113: {  	s21 =	simm.s32 $0x100;
	[sflag:s13] =	ssyncadd.s32 @!p1 $0xFFFFFFB0;
	p1 =	sgt.u32 s25, $0x7CF  }
0x114: {  	[tilespmem:s29], [sflag:$0x7] =	stream.indirect.gather [hbm4b:s6+s20], $0x80, s21, s20, $0xb8;
	[tilespmem:$0x1E5F8] =	vst v63  }
0x115: {  	s24 =	simm.s32 $0x180;
	s13 =	sadd.s32 @!p1 s7, s15  }
0x116: {  	[tilespmem:s30], [sflag:$0x8] =	stream.indirect.gather [hbm4b:s6+s20], $0x80, s24, s20, $0xb8;
	[tilespmem:$0x1E5F8] =	vst v63  }
0x117: {  	s16 =	simm.s32 @!p1 $0x0;
	s21 =	simm.s32 @!p1 $0x300;
	s13 =	sadd.s32 @!p1 $0x780, s13  }
0x118: {  	[tilespmem:s21], [sflag:$0x4] =	stream.linear.gather @!p1 [hbm4b:s13+s16], $0x50, $0x38;
	[tilespmem:$0x1E5F8] =	vst v63  }
0x119: {  	s13 =	sadd.s32 @!p1 s7, s14  }
0x11a: {  	s21 =	simm.s32 @!p1 $0x700;
	s13 =	sadd.s32 @!p1 $0x780, s13  }
0x11b: {  	[tilespmem:s21], [sflag:$0x4] =	stream.linear.gather @!p1 [hbm4b:s13+s16], $0x50, $0x38;
	[tilespmem:$0x1E5F8] =	vst v63  }
0x11c: {  	s13 =	rddreg [dreg:$0x1f]  }
0x11d: {  	s21 =	simm.s32 @!p1 $0x380;
	s13 =	sadd.s32 @!p1 s7, s13  }
0x11e: {  	[tilespmem:s21], [sflag:$0x4] =	stream.linear.gather @!p1 [hbm4b:s13+s16], $0x50, $0x38;
	[tilespmem:$0x1E5F8] =	vst v63  }
0x11f: {  	s13 =	rddreg [dreg:$0x1e]  }
0x120: {  	s21 =	simm.s32 @!p1 $0x780;
	s13 =	sadd.s32 @!p1 s7, s13  }
0x121: {  	[tilespmem:s21], [sflag:$0x4] =	stream.linear.gather @!p1 [hbm4b:s13+s16], $0x50, $0x38;
	[tilespmem:$0x1E5F8] =	vst v63  }
0x122: {  	_ =	swait.ge [sflag:s31], $0x2800  }
0x123: {  	[sflag:s31] =	ssyncset.done $0x0  }
0x124: {  	s16 =	simm.s32 $0x500;
	[sflag:s31] =	ssyncadd.s32 $0xFFFFD800  }
0x125: {  	[spmem:s3] =	stream.indirect.scatter.add.f32 [tilespmem:s29], [sflag:$0xA], $0x80, s16, s20, $0xb8;
	[tilespmem:$0x1E5F8] =	vst v63  }
0x126: {  	_ = 	snop  }
0x127: {  	[spmem:s4] =	stream.indirect.scatter.add.f32 [tilespmem:s1], [sflag:$0xA], $0x1, s16, s20, $0xb8;
	[tilespmem:$0x1E5F8] =	vst v63  }
0x128: {  	_ =	swait.ge [sflag:s0], $0x2800  }
.Ltmp4:
0x129: {  	[sflag:s0] =	ssyncset.done $0x0;
	(pc) =	sbr.rel @p2 .LBB2_4-.Ltmp4, $4  }
0x12a: {  	s21 =	simm.s32 $0x580;
	[sflag:s0] =	ssyncadd.s32 $0xFFFFD800  }
0x12b: {  	[spmem:s3] =	stream.indirect.scatter.add.f32 [tilespmem:s30], [sflag:$0xA], $0x80, s21, s20, $0xb8;
	[tilespmem:$0x1E5F8] =	vst v63  }
0x12c: {  	s26 =	simm.s32 $0x480;
	s17 =	simm.s32 $0x500;
	s24 =	simm.s32 $0x580  }
0x12d: {  	[spmem:s4] =	stream.indirect.scatter.add.f32 [tilespmem:s1], [sflag:$0xA], $0x1, s21, s20, $0xb8;
	[tilespmem:$0x1E5F8] =	vst v63  }
0x12e: {  	_ =	swait.ge [sflag:s10], $0x50  }
0x12f: {  	[sflag:s10] =	ssyncset.done $0x0  }
0x130: {  	[sflag:s10] =	ssyncadd.s32 $0xFFFFFFB0  }
0x131: {  	_ =	swait.ge [sflag:s10], $0x50  }
0x132: {  	[sflag:s10] =	ssyncset.done $0x0  }
0x133: {  	[sflag:s10] =	ssyncadd.s32 $0xFFFFFFB0  }
0x134: {  	_ =	swait.ge [sflag:s10], $0x50  }
0x135: {  	[sflag:s10] =	ssyncset.done $0x0  }
0x136: {  	[sflag:s10] =	ssyncadd.s32 $0xFFFFFFB0  }
0x137: {  	_ =	swait.ge [sflag:s10], $0x50  }
0x138: {  	[sflag:s10] =	ssyncset.done $0x0  }
0x139: {  	[sflag:s10] =	ssyncadd.s32 $0xFFFFFFB0  }
0x13a: {  	_ =	swait.ge [sflag:s11], $0x2800  }
0x13b: {  	[sflag:s11] =	ssyncset.done $0x0  }
0x13c: {  	[sflag:s11] =	ssyncadd.s32 $0xFFFFD800  }
0x13d: {  	_ =	swait.ge [sflag:s11], $0x50  }
0x13e: {  	[sflag:s11] =	ssyncset.done $0x0  }
0x13f: {  	[sflag:s11] =	ssyncadd.s32 $0xFFFFFFB0  }
0x140: {  	_ =	swait.ge [sflag:s11], $0x2800  }
0x141: {  	[sflag:s11] =	ssyncset.done $0x0  }
0x142: {  	[sflag:s11] =	ssyncadd.s32 $0xFFFFD800  }
0x143: {  	_ =	swait.ge [sflag:s11], $0x50  }
0x144: {  	[sflag:s11] =	ssyncset.done $0x0  }
0x145: {  	s13 =	simm.s32 $0x200;
	p2 =	sgt.u32 s8, $0x78F;
	[sflag:s11] =	ssyncadd.s32 $0xFFFFFFB0  }
0x146: {  	[tilespmem:s22], [sflag:$0x5] =	stream.indirect.gather [hbm4b:s6+s20], $0x80, s13, s20, $0xb8;
	[tilespmem:$0x1E5F8] =	vst v63  }
0x147: {  	s21 =	simm.s32 $0x280;
	s8 =	sshrl.u32 @!p2 s23, $0x3;
	s13 =	rddreg [dreg:$0x1]  }
0x148: {  	[tilespmem:s18], [sflag:$0x6] =	stream.indirect.gather [hbm4b:s6+s20], $0x80, s21, s20, $0xb8;
	[tilespmem:$0x1E5F8] =	vst v63  }
0x149: {  	s16 =	simm.s32 @!p2 $0x0;
	s13 =	sadd.s32 @!p2 s13, s8  }
0x14a: {  	[tilespmem:s16], [sflag:$0x1] =	stream.linear.gather @!p2 [hbm4b:s13+s16], $0x50, $0x38;
	[tilespmem:$0x1E5F8] =	vst v63  }
0x14b: {  	s13 =	rddreg [dreg:$0x2]  }
0x14c: {  	s8 =	sadd.s32 @!p2 s13, s8;
	s13 =	simm.s32 @!p2 $0x400  }
0x14d: {  	[tilespmem:s13], [sflag:$0x1] =	stream.linear.gather @!p2 [hbm4b:s8+s16], $0x50, $0x38;
	[tilespmem:$0x1E5F8] =	vst v63  }
0x14e: {  	s8 =	sld [smem:$0x7F8];
	_ =	sdelay $0x2  }
0x14f: {  	s13 =	simm.s32 @!p2 $0x80;
	s8 =	sadd.s32 @!p2 s7, s8  }
0x150: {  	[tilespmem:s13], [sflag:$0x1] =	stream.linear.gather @!p2 [hbm4b:s8+s16], $0x50, $0x38;
	[tilespmem:$0x1E5F8] =	vst v63  }
0x151: {  	s8 =	sld [smem:$0x7F7];
	_ =	sdelay $0x2  }
0x152: {  	s13 =	simm.s32 @!p2 $0x480;
	s8 =	sadd.s32 @!p2 s7, s8  }
0x153: {  	[tilespmem:s13], [sflag:$0x1] =	stream.linear.gather @!p2 [hbm4b:s8+s16], $0x50, $0x38;
	[tilespmem:$0x1E5F8] =	vst v63  }
0x154: {  	_ =	swait.ge [sflag:s9], $0x2800  }
0x155: {  	[sflag:s9] =	ssyncset.done $0x0  }
0x156: {  	s16 =	simm.s32 $0x600;
	[sflag:s9] =	ssyncadd.s32 $0xFFFFD800  }
0x157: {  	[spmem:s3] =	stream.indirect.scatter.add.f32 [tilespmem:s22], [sflag:$0x9], $0x80, s16, s20, $0xb8;
	[tilespmem:$0x1E5F8] =	vst v63  }
0x158: {  	_ = 	snop  }
0x159: {  	[spmem:s4] =	stream.indirect.scatter.add.f32 [tilespmem:s1], [sflag:$0x9], $0x1, s16, s20, $0xb8;
	[tilespmem:$0x1E5F8] =	vst v63  }
0x15a: {  	_ =	swait.ge [sflag:s2], $0x2800  }
0x15b: {  	[sflag:s2] =	ssyncset.done $0x0  }
0x15c: {  	s21 =	simm.s32 $0x680;
	[sflag:s2] =	ssyncadd.s32 $0xFFFFD800  }
0x15d: {  	[spmem:s3] =	stream.indirect.scatter.add.f32 [tilespmem:s18], [sflag:$0x9], $0x80, s21, s20, $0xb8;
	[tilespmem:$0x1E5F8] =	vst v63  }
0x15e: {  	_ = 	snop  }
0x15f: {  	[spmem:s4] =	stream.indirect.scatter.add.f32 [tilespmem:s1], [sflag:$0x9], $0x1, s21, s20, $0xb8;
	[tilespmem:$0x1E5F8] =	vst v63  }
.LBB2_4:
.Ltmp5:
0x160: {  	(pc) =	sbr.rel @p1 .LBB2_6-.Ltmp5, $1  }
0x161: {  	_ =	sdelay $0x3  }
0x162: {  	_ =	swait.ge [sflag:s28], $0x50  }
0x163: {  	[sflag:s28] =	ssyncset.done $0x0  }
0x164: {  	[sflag:s28] =	ssyncadd.s32 $0xFFFFFFB0  }
0x165: {  	_ =	swait.ge [sflag:s28], $0x50  }
0x166: {  	[sflag:s28] =	ssyncset.done $0x0  }
0x167: {  	[sflag:s28] =	ssyncadd.s32 $0xFFFFFFB0  }
0x168: {  	_ =	swait.ge [sflag:s28], $0x50  }
0x169: {  	[sflag:s28] =	ssyncset.done $0x0  }
0x16a: {  	[sflag:s28] =	ssyncadd.s32 $0xFFFFFFB0  }
0x16b: {  	_ =	swait.ge [sflag:s28], $0x50  }
0x16c: {  	[sflag:s28] =	ssyncset.done $0x0  }
0x16d: {  	[sflag:s28] =	ssyncadd.s32 $0xFFFFFFB0  }
0x16e: {  	_ =	swait.ge [sflag:s5], $0x2800  }
0x16f: {  	[sflag:s5] =	ssyncset.done $0x0  }
0x170: {  	[sflag:s5] =	ssyncadd.s32 $0xFFFFD800  }
0x171: {  	_ =	swait.ge [sflag:s5], $0x50  }
0x172: {  	[sflag:s5] =	ssyncset.done $0x0  }
0x173: {  	[sflag:s5] =	ssyncadd.s32 $0xFFFFFFB0  }
0x174: {  	_ =	swait.ge [sflag:s5], $0x2800  }
0x175: {  	[sflag:s5] =	ssyncset.done $0x0  }
0x176: {  	[sflag:s5] =	ssyncadd.s32 $0xFFFFD800  }
0x177: {  	_ =	swait.ge [sflag:s5], $0x50  }
0x178: {  	[sflag:s5] =	ssyncset.done $0x0  }
0x179: {  	s8 =	simm.s32 $0x300;
	[sflag:s5] =	ssyncadd.s32 $0xFFFFFFB0  }
0x17a: {  	[tilespmem:s29], [sflag:$0x7] =	stream.indirect.gather [hbm4b:s6+s20], $0x80, s8, s20, $0xb8;
	[tilespmem:$0x1E5F8] =	vst v63  }
0x17b: {  	s13 =	simm.s32 $0x380;
	p1 =	sgt.u32 s25, $0x78F;
	s8 =	rddreg [dreg:$0x1d]  }
0x17c: {  	[tilespmem:s30], [sflag:$0x8] =	stream.indirect.gather [hbm4b:s6+s20], $0x80, s13, s20, $0xb8;
	[tilespmem:$0x1E5F8] =	vst v63  }
0x17d: {  	s16 =	simm.s32 @!p1 $0x100;
	s8 =	sadd.s32 @!p1 s7, s8;
	s13 =	simm.s32 @!p1 $0x0  }
0x17e: {  	[tilespmem:s16], [sflag:$0x2] =	stream.linear.gather @!p1 [hbm4b:s8+s13], $0x50, $0x38;
	[tilespmem:$0x1E5F8] =	vst v63  }
0x17f: {  	s8 =	rddreg [dreg:$0x1c]  }
0x180: {  	s16 =	simm.s32 @!p1 $0x500;
	s8 =	sadd.s32 @!p1 s7, s8  }
0x181: {  	[tilespmem:s16], [sflag:$0x2] =	stream.linear.gather @!p1 [hbm4b:s8+s13], $0x50, $0x38;
	[tilespmem:$0x1E5F8] =	vst v63  }
0x182: {  	s8 =	rddreg [dreg:$0x1b]  }
0x183: {  	s16 =	simm.s32 @!p1 $0x180;
	s8 =	sadd.s32 @!p1 s7, s8  }
0x184: {  	[tilespmem:s16], [sflag:$0x2] =	stream.linear.gather @!p1 [hbm4b:s8+s13], $0x50, $0x38;
	[tilespmem:$0x1E5F8] =	vst v63  }
0x185: {  	s8 =	rddreg [dreg:$0x1a]  }
0x186: {  	s16 =	simm.s32 @!p1 $0x580;
	s8 =	sadd.s32 @!p1 s7, s8  }
0x187: {  	[tilespmem:s16], [sflag:$0x2] =	stream.linear.gather @!p1 [hbm4b:s8+s13], $0x50, $0x38;
	[tilespmem:$0x1E5F8] =	vst v63  }
0x188: {  	_ =	swait.ge [sflag:s31], $0x2800  }
0x189: {  	[sflag:s31] =	ssyncset.done $0x0  }
0x18a: {  	s16 =	simm.s32 $0x700;
	[sflag:s31] =	ssyncadd.s32 $0xFFFFD800  }
0x18b: {  	[spmem:s3] =	stream.indirect.scatter.add.f32 [tilespmem:s29], [sflag:$0xA], $0x80, s16, s20, $0xb8;
	[tilespmem:$0x1E5F8] =	vst v63  }
0x18c: {  	_ = 	snop  }
0x18d: {  	[spmem:s4] =	stream.indirect.scatter.add.f32 [tilespmem:s1], [sflag:$0xA], $0x1, s16, s20, $0xb8;
	[tilespmem:$0x1E5F8] =	vst v63  }
0x18e: {  	_ =	swait.ge [sflag:s0], $0x2800  }
.Ltmp6:
0x18f: {  	[sflag:s0] =	ssyncset.done $0x0;
	(pc) =	sbr.rel .LBB2_6-.Ltmp6, $4  }
0x190: {  	s21 =	simm.s32 $0x780;
	[sflag:s0] =	ssyncadd.s32 $0xFFFFD800  }
0x191: {  	[spmem:s3] =	stream.indirect.scatter.add.f32 [tilespmem:s30], [sflag:$0xA], $0x80, s21, s20, $0xb8;
	[tilespmem:$0x1E5F8] =	vst v63  }
0x192: {  	_ = 	snop  }
0x193: {  	[spmem:s4] =	stream.indirect.scatter.add.f32 [tilespmem:s1], [sflag:$0xA], $0x1, s21, s20, $0xb8;
	[tilespmem:$0x1E5F8] =	vst v63  }
.LBB2_8:
0x194: {  	_ =	sfence.sel $0x180000  }
0x195: {  	[bflag:$0x0] =	sbarrier.arrive $0xFFFF  }
0x196: {  	_ =	strace $0x9000004A  }
0x197: {  	[bflag:$0x2] =	sbarrier.arrive $0xFFFF  }
0x198: {  	s0 =	rddreg [dreg:$0x6]  }
0x199: {  	s0 =	sadd.s32 @!p0 $0x100000, s0  }
0x19a: {  	[sflag:s0] =	ssyncadd.tile.s32 @!p0 $0x1;
	_ =	shalt  }
.Lfunc_end2:
_tile_overlayer_lowered:
.L_overlay_start_2:
0x19b: {  	(tag) =	ssettag $0x2  }
0x19c: {  	s0 =	rddreg [dreg:$0x0];
	s2 =	stileid.u32  }
0x19d: {  	s1 =	rddreg [dreg:$0x1];
	p0 =	sne.s32 s2, $0x0  }
0x19e: {  	s3 =	rddreg [dreg:$0x2];
	[bflag:$0x3] =	sbarrier.arrive $0xFFFF;
	s2 =	simm.s32 @!p0 $0x1C0B  }
0x19f: {  	[timem:s3], [sflag:s2] =	dma.local @!p0 [hbm:s0], s1  }
0x1a0: {  	s0 =	simm.s32 @!p0 $0xB  }
0x1a1: {  	_ =	swait.ge @!p0 [sflag:s0], s1  }
0x1a2: {  	s1 =	ssub.s32 @!p0 $0x0, s1;
	[sflag:s0] =	ssyncset.done @!p0 $0x0  }
0x1a3: {  	[sflag:s0] =	ssyncadd.s32 @!p0 s1  }
0x1a4: {  	[bflag:$0x3] =	sbarrier.arrive $0xFFFF  }
0x1a5: {  	_ =	shalt  }

</sc_bundles>
